<compile_context>
chip_gen: v7x
topology: tpu7x:2x2x1
jax: 0.10.2.dev20260603
libtpu: 0.0.44.dev20260713+nightly
codegen_flags: <defaults>
</compile_context>

<pallas_src>
import functools

import jax
import jax.numpy as jnp
from jax import lax
from jax.experimental import pallas as pl
from jax.experimental.pallas import tpu as pltpu
from jax.experimental.pallas import tpu_sc as plsc

N = 10000
E = 320000
LANES = 128
NTILES = 16
CPT = 160
NCHUNKS = NTILES * CPT
EPAD = NCHUNKS * LANES
CPW = NCHUNKS // 32
GRP = 8
RPT = 640
ACC_ROWS = RPT * NTILES
BLK = 1000
GRID = N // BLK

_MESH = plsc.VectorSubcoreMesh(core_axis_name="c", subcore_axis_name="s")



@functools.partial(
    pl.kernel, mesh=_MESH,
    out_type=jax.ShapeDtypeStruct((2 * ACC_ROWS, 128), jnp.float32),
    scratch_types=[
        pltpu.VMEM((LANES,), jnp.int32),
        pltpu.VMEM((LANES, 128), jnp.float32),
        pltpu.VMEM_SHARED((ACC_ROWS, 128), jnp.float32),
    ],
)
def _deg(dstf_hbm, ones_hbm, z_hbm, out, didx, ones_v, acc):
    c = lax.axis_index("c")
    s = lax.axis_index("s")
    w = s * 2 + c
    sl = pl.ds(s * RPT, RPT)
    pltpu.sync_copy(z_hbm, acc.at[sl])
    pltpu.sync_copy(ones_hbm, ones_v)
    plsc.subcore_barrier()

    def body(g, carry):
        pltpu.sync_copy(dstf_hbm.at[pl.ds((w * CPW + g) * LANES, LANES)], didx)
        pltpu.sync_copy(ones_v, acc.at[didx], add=True)
        return carry
    lax.fori_loop(0, CPW, body, 0)

    plsc.subcore_barrier()
    pltpu.sync_copy(acc.at[sl], out.at[pl.ds(c * ACC_ROWS + s * RPT, RPT)])


@functools.partial(
    pl.kernel, mesh=_MESH,
    out_type=jax.ShapeDtypeStruct((2 * ACC_ROWS, 128), jnp.float32),
    scratch_types=[
        pltpu.VMEM((GRP, LANES), jnp.int32),
        pltpu.VMEM((LANES,), jnp.int32),
        pltpu.VMEM((LANES,), jnp.int32),
        pltpu.VMEM((LANES, 128), jnp.float32),
        pltpu.VMEM((LANES, 128), jnp.float32),
        pltpu.VMEM_SHARED((ACC_ROWS, 128), jnp.float32),
        pltpu.SemaphoreType.DMA,
        pltpu.SemaphoreType.DMA,
    ],
)
def _agg(src_hbm, dstf_hbm, t_hbm, z_hbm, out, sidx8, didx0, didx1,
         rows0, rows1, acc, sem0, sem1):
    c = lax.axis_index("c")
    s = lax.axis_index("s")
    w = s * 2 + c
    sl = pl.ds(s * RPT, RPT)
    pltpu.sync_copy(z_hbm, acc.at[sl])
    plsc.subcore_barrier()

    bufs = ((didx0, rows0, sem0), (didx1, rows1, sem1))

    def body(g, carry):
        ch = w * CPW + g * GRP
        pltpu.sync_copy(src_hbm.at[pl.ds(ch, GRP)], sidx8)
        cps = [None, None]
        cps[0] = pltpu.async_copy(t_hbm.at[sidx8.at[0]], rows0, sem0)
        for k in range(GRP):
            didx, rows, _ = bufs[k % 2]
            if k + 1 < GRP:
                _, rows_n, sem_n = bufs[(k + 1) % 2]
                cps[(k + 1) % 2] = pltpu.async_copy(
                    t_hbm.at[sidx8.at[k + 1]], rows_n, sem_n)
            pltpu.sync_copy(dstf_hbm.at[pl.ds((ch + k) * LANES, LANES)], didx)
            cps[k % 2].wait()
            pltpu.sync_copy(rows, acc.at[didx], add=True)
        return carry
    lax.fori_loop(0, CPW // GRP, body, 0)

    plsc.subcore_barrier()
    pltpu.sync_copy(acc.at[sl], out.at[pl.ds(c * ACC_ROWS + s * RPT, RPT)])


@functools.partial(
    pl.kernel, mesh=_MESH,
    out_type=jax.ShapeDtypeStruct((2 * ACC_ROWS, 128), jnp.float32),
    scratch_types=[
        pltpu.VMEM((GRP, LANES), jnp.int32),
        pltpu.VMEM((LANES,), jnp.int32),
        pltpu.VMEM((LANES,), jnp.int32),
        pltpu.VMEM((LANES, 128), jnp.float32),
        pltpu.VMEM((LANES, 128), jnp.float32),
        pltpu.VMEM_SHARED((ACC_ROWS, 128), jnp.float32),
        pltpu.SemaphoreType.DMA,
        pltpu.SemaphoreType.DMA,
    ],
)
def _agg2(src2_hbm, dstf_hbm, t2_hbm, z_hbm, out, sidx8, didx0, didx1,
          rows0, rows1, acc, sem0, sem1):
    c = lax.axis_index("c")
    s = lax.axis_index("s")
    sl = pl.ds(s * RPT, RPT)
    pltpu.sync_copy(z_hbm, acc.at[sl])
    plsc.subcore_barrier()

    bufs = ((didx0, rows0, sem0), (didx1, rows1, sem1))

    def body(g, carry):
        ch = s * CPT + g * GRP
        pltpu.sync_copy(src2_hbm.at[pl.ds(c * NCHUNKS + ch, GRP)], sidx8)
        cps = [None, None]
        cps[0] = pltpu.async_copy(t2_hbm.at[sidx8.at[0]], rows0, sem0)
        for k in range(GRP):
            didx, rows, _ = bufs[k % 2]
            if k + 1 < GRP:
                _, rows_n, sem_n = bufs[(k + 1) % 2]
                cps[(k + 1) % 2] = pltpu.async_copy(
                    t2_hbm.at[sidx8.at[k + 1]], rows_n, sem_n)
            pltpu.sync_copy(dstf_hbm.at[pl.ds((ch + k) * LANES, LANES)], didx)
            cps[k % 2].wait()
            pltpu.sync_copy(rows, acc.at[didx], add=True)
        return carry
    lax.fori_loop(0, CPT // GRP, body, 0)

    plsc.subcore_barrier()
    pltpu.sync_copy(acc.at[sl], out.at[pl.ds(c * ACC_ROWS + s * RPT, RPT)])



def _spec(shape, blocked=True):
    if blocked:
        return pl.BlockSpec(shape, lambda i: (i, 0))
    return pl.BlockSpec(shape, lambda i: (0, 0))


def _ht_spec():
    return pl.BlockSpec((2, BLK, 128), lambda i: (0, i, 0))


def _t0(d0, d1, x):
    def body(d0r, d1r, xr, o):
        deg = d0r[:, 0:1] + d1r[:, 0:1]
        dis = lax.rsqrt(deg + 1.0)
        o[0] = jnp.broadcast_to(dis, (BLK, 128))
        o[1] = xr[...] * dis

    return pl.pallas_call(
        body, grid=(GRID,),
        in_specs=[_spec((BLK, 128)), _spec((BLK, 128)), _spec((BLK, 128))],
        out_specs=_ht_spec(),
        out_shape=jax.ShapeDtypeStruct((2, N, 128), jnp.float32),
    )(d0, d1, x)


def _t1(disc, p0, p1, xt, W, b):
    def body(dr, p0r, p1r, xtr, Wr, br, o):
        dis = dr[:, 0:1]
        g = (p0r[...] + p1r[...] + xtr[...]) * dis
        h = jnp.dot(g, Wr[...], precision=lax.Precision.HIGHEST,
                    preferred_element_type=jnp.float32) + br[...]
        hd = jnp.maximum(h, 0.0) * dis
        o[0] = hd[:, :128]
        o[1] = hd[:, 128:]

    return pl.pallas_call(
        body, grid=(GRID,),
        in_specs=[_spec((BLK, 128)), _spec((BLK, 128)), _spec((BLK, 128)),
                  _spec((BLK, 128)),
                  _spec((128, 256), blocked=False), _spec((1, 256), blocked=False)],
        out_specs=_ht_spec(),
        out_shape=jax.ShapeDtypeStruct((2, N, 128), jnp.float32),
    )(disc, p0, p1, xt, W, b)


def _tmid(disc, a0, a1, y0, y1, W, b):
    def body(dr, a0r, a1r, y0r, y1r, Wr, br, oh, og):
        dis = dr[:, 0:1]
        g = jnp.concatenate([a0r[...] + y0r[...], a1r[...] + y1r[...]],
                            axis=1) * dis
        h = jnp.dot(g, Wr[...], precision=lax.Precision.HIGHEST,
                    preferred_element_type=jnp.float32) + br[...]
        hd = jnp.maximum(h, 0.0) * dis
        oh[0] = hd[:, :128]
        oh[1] = hd[:, 128:]
        og[...] = g

    return pl.pallas_call(
        body, grid=(GRID,),
        in_specs=[_spec((BLK, 128)), _spec((BLK, 128)), _spec((BLK, 128)),
                  _spec((BLK, 128)), _spec((BLK, 128)),
                  _spec((256, 256), blocked=False), _spec((1, 256), blocked=False)],
        out_specs=(_ht_spec(), _spec((BLK, 256))),
        out_shape=(jax.ShapeDtypeStruct((2, N, 128), jnp.float32),
                   jax.ShapeDtypeStruct((N, 256), jnp.float32)),
    )(disc, a0, a1, y0, y1, W, b)


def _t4(disc, a0, a1, y0, y1, g1, g2, Wl, bl):
    def body(dr, a0r, a1r, y0r, y1r, g1r, g2r, Wr, br, o):
        dis = dr[:, 0:1]
        g3 = jnp.concatenate([a0r[...] + y0r[...], a1r[...] + y1r[...]],
                             axis=1) * dis
        gall = jnp.concatenate([g1r[...], g2r[...], g3], axis=1)
        o[...] = jnp.dot(gall, Wr[...], precision=lax.Precision.HIGHEST,
                         preferred_element_type=jnp.float32) + br[...]

    return pl.pallas_call(
        body, grid=(GRID,),
        in_specs=[_spec((BLK, 128)), _spec((BLK, 128)), _spec((BLK, 128)),
                  _spec((BLK, 128)), _spec((BLK, 128)),
                  _spec((BLK, 256)), _spec((BLK, 256)),
                  _spec((768, 128), blocked=False), _spec((1, 128), blocked=False)],
        out_specs=_spec((BLK, 128)),
        out_shape=jax.ShapeDtypeStruct((N, 128), jnp.float32),
    )(disc, a0, a1, y0, y1, g1, g2, Wl, bl)



def kernel(x, edge_index, W1, b1, W2, b2, W3, b3, Wl, bl):
    src = edge_index[0].astype(jnp.int32)
    dst = edge_index[1].astype(jnp.int32)
    pad = EPAD - E
    src_p = jnp.concatenate(
        [src, jnp.zeros((pad,), jnp.int32)]).reshape(NCHUNKS, LANES)
    dstf = jnp.concatenate(
        [dst, N + (jnp.arange(pad, dtype=jnp.int32) % 16)])
    src2_p = jnp.concatenate([src_p, src_p + N], axis=0)
    ones128 = jnp.ones((LANES, 128), jnp.float32)
    z128 = jnp.zeros((RPT, 128), jnp.float32)

    dp = _deg(dstf, ones128, z128)
    t0 = _t0(dp[:N], dp[ACC_ROWS:ACC_ROWS + N], x)
    disc, xt = t0[0], t0[1]
    px = _agg(src_p, dstf, xt, z128)
    h1t = _t1(disc, px[:N], px[ACC_ROWS:ACC_ROWS + N], xt,
              W1, b1.reshape(1, -1))
    a1 = _agg2(src2_p, dstf, h1t.reshape(2 * N, 128), z128)
    h2t, g1 = _tmid(disc, a1[:N], a1[ACC_ROWS:ACC_ROWS + N],
                    h1t[0], h1t[1], W2, b2.reshape(1, -1))
    a2 = _agg2(src2_p, dstf, h2t.reshape(2 * N, 128), z128)
    h3t, g2 = _tmid(disc, a2[:N], a2[ACC_ROWS:ACC_ROWS + N],
                    h2t[0], h2t[1], W3, b3.reshape(1, -1))
    a3 = _agg2(src2_p, dstf, h3t.reshape(2 * N, 128), z128)
    return _t4(disc, a3[:N], a3[ACC_ROWS:ACC_ROWS + N], h3t[0], h3t[1],
               g1, g2, Wl, bl.reshape(1, -1))

# --- scband reference (transcript-rebuilt; emitter-appended) ---
"""Pipeline reference for scband-jknet-66812511257315 (READ-ONLY COPY).

The authoritative reference and input builder live on the scoring server;
editing this copy changes nothing except your own understanding.
"""

import jax, jax.numpy as jnp
import numpy as np

N_NODES = 10000
N_EDGES = 320000
IN_DIM = 128
HID_DIM = 256
OUT_DIM = 128
N_LAYERS = 4


def setup_inputs(seed: int = 0) -> dict:
    key = jax.random.key(seed)
    ks = jax.random.split(key, 12)
    x = jax.random.normal(ks[0], (N_NODES, IN_DIM), dtype=jnp.float32)
    edge_index = jax.random.randint(ks[1], (2, N_EDGES), 0, N_NODES, dtype=jnp.int64)
    # GCN layer weights (n_layers-1 = 3 hidden GCN blocks + last conv)
    def glorot(k, fan_in, fan_out):
        s = jnp.sqrt(6.0 / (fan_in + fan_out))
        return jax.random.uniform(k, (fan_in, fan_out), dtype=jnp.float32, minval=-s, maxval=s)
    W1 = glorot(ks[2], IN_DIM, HID_DIM)
    b1 = jnp.zeros((HID_DIM,), dtype=jnp.float32)
    W2 = glorot(ks[3], HID_DIM, HID_DIM)
    b2 = jnp.zeros((HID_DIM,), dtype=jnp.float32)
    W3 = glorot(ks[4], HID_DIM, HID_DIM)
    b3 = jnp.zeros((HID_DIM,), dtype=jnp.float32)
    Wl = glorot(ks[5], (N_LAYERS - 1) * HID_DIM, OUT_DIM)
    bl = jnp.zeros((OUT_DIM,), dtype=jnp.float32)
    return {"x": x, "edge_index": edge_index, "W1": W1, "b1": b1, "W2": W2, "b2": b2, "W3": W3, "b3": b3, "Wl": Wl, "bl": bl}


def _gcn_conv(x, src, dst, norm, W, b):
    # h = x @ W ; out[dst] += norm * h[src] ; + bias
    h = x @ W
    msg = h[src] * norm[:, None]
    out = jax.ops.segment_sum(msg, dst, num_segments=N_NODES)
    return out + b


def reference(x, edge_index, W1, b1, W2, b2, W3, b3, Wl, bl):
    # GCNConv semantics: add self-loops, symmetric normalization
    loop = jnp.arange(N_NODES, dtype=edge_index.dtype)
    src = jnp.concatenate([edge_index[0], loop])
    dst = jnp.concatenate([edge_index[1], loop])
    deg = jax.ops.segment_sum(jnp.ones_like(dst, dtype=jnp.float32), dst, num_segments=N_NODES)
    dis = jnp.where(deg > 0, deg ** -0.5, 0.0)
    norm = dis[src] * dis[dst]
    # GCNBlock 1..3: conv -> relu (dropout=0.0 -> identity)
    h1 = jax.nn.relu(_gcn_conv(x, src, dst, norm, W1, b1))
    h2 = jax.nn.relu(_gcn_conv(h1, src, dst, norm, W2, b2))
    h3 = jax.nn.relu(_gcn_conv(h2, src, dst, norm, W3, b3))
    # jumping knowledge: concat all intermediate outputs
    hc = jnp.concatenate([h1, h2, h3], axis=1)
    out = _gcn_conv(hc, src, dst, norm, Wl, bl)
    return out

if __name__ == "__main__":
    import jax
    _d = setup_inputs()
    print(jax.jit(kernel)(*tuple(_d.values())))

</pallas_src>

<mosaic_0001>
#map = affine_map<(d0, d1) -> (0)>
#map1 = affine_map<(d0, d1) -> (0, 0)>
module attributes {stable_mosaic.version = 14 : i64} {
  func.func @_deg(%arg0: i32, %arg1: i32, %arg2: memref<327680xi32, #tpu.memory_space<hbm>>, %arg3: memref<128x128xf32, #tpu.memory_space<hbm>>, %arg4: memref<640x128xf32, #tpu.memory_space<hbm>>, %arg5: memref<20480x128xf32, #tpu.memory_space<hbm>>, %arg6: memref<128xi32, #tpu.memory_space<vmem>>, %arg7: memref<128x128xf32, #tpu.memory_space<vmem>>, %arg8: memref<10240x128xf32, #tpu.memory_space<vmem_shared>>) attributes {dimension_semantics = [#tpu.dimension_semantics<core_parallel>, #tpu.dimension_semantics<subcore_parallel>], iteration_bounds = array<i64: 2, 16>, scalar_prefetch = 0 : i64, scratch_operands = 3 : i64, tpu.core_type = #tpu.core_type<sc_vector_subcore>, window_params = [{transform_indices = #map}, {transform_indices = #map1}, {transform_indices = #map1}, {transform_indices = #map1}]} {
    %mul3A = arith.constant 2 : i32
    %mul3A_0 = arith.muli %arg1, %mul3A : i32
    %add3A = arith.addi %mul3A_0, %arg0 : i32
    %mul3A_1 = arith.constant 640 : i32
    %mul3A_2 = arith.muli %arg1, %mul3A_1 : i32
    "tpu.region"() ({
      %run_scoped3A = tpu.sem_alloc : memref<!tpu.dma_semaphore, #tpu.memory_space<semaphore_mem>>
      %dma_start3A = arith.constant 0 : i32
      %dma_start3A_14 = tpu.memref_slice %arg8[%mul3A_2, %dma_start3A] : memref<10240x128xf32, #tpu.memory_space<vmem_shared>> -> memref<640x128xf32, #tpu.memory_space<vmem_shared>>
      tpu.enqueue_dma source(%arg4 : memref<640x128xf32, #tpu.memory_space<hbm>>) target(%dma_start3A_14 : memref<640x128xf32, #tpu.memory_space<vmem_shared>>) target_semaphore(%run_scoped3A : memref<!tpu.dma_semaphore, #tpu.memory_space<semaphore_mem>>)
      %dma_wait3A = arith.constant 0 : i32
      %dma_wait3A_15 = tpu.memref_slice %arg8[%mul3A_2, %dma_wait3A] : memref<10240x128xf32, #tpu.memory_space<vmem_shared>> -> memref<640x128xf32, #tpu.memory_space<vmem_shared>>
      tpu.wait_dma2 semaphore(%run_scoped3A : memref<!tpu.dma_semaphore, #tpu.memory_space<semaphore_mem>>) src(%arg4 : memref<640x128xf32, #tpu.memory_space<hbm>>) dst(%dma_wait3A_15 : memref<640x128xf32, #tpu.memory_space<vmem_shared>>)
      tpu.yield
    }) : () -> ()
    "tpu.region"() ({
      %run_scoped3A = tpu.sem_alloc : memref<!tpu.dma_semaphore, #tpu.memory_space<semaphore_mem>>
      tpu.enqueue_dma source(%arg3 : memref<128x128xf32, #tpu.memory_space<hbm>>) target(%arg7 : memref<128x128xf32, #tpu.memory_space<vmem>>) target_semaphore(%run_scoped3A : memref<!tpu.dma_semaphore, #tpu.memory_space<semaphore_mem>>)
      tpu.wait_dma2 semaphore(%run_scoped3A : memref<!tpu.dma_semaphore, #tpu.memory_space<semaphore_mem>>) src(%arg3 : memref<128x128xf32, #tpu.memory_space<hbm>>) dst(%arg7 : memref<128x128xf32, #tpu.memory_space<vmem>>)
      tpu.yield
    }) : () -> ()
    %barrier3A = arith.constant 0 : index
    tpu.barrier barrier_id(%barrier3A)
    %scan3A = arith.constant 0 : i32
    %scan3A_3 = arith.constant 0 : i32
    %scan3A_4 = arith.constant 80 : i32
    %scan3A_5 = arith.addi %scan3A_3, %scan3A_4 : i32
    %scan3A_6 = arith.constant 1 : i32
    scf.for %scan3A_14 = %scan3A_3 to %scan3A_5 step %scan3A_6  : i32 {
      %mul3A_15 = arith.constant 80 : i32
      %mul3A_16 = arith.muli %add3A, %mul3A_15 : i32
      %add3A_17 = arith.addi %mul3A_16, %scan3A_14 : i32
      %mul3A_18 = arith.constant 128 : i32
      %mul3A_19 = arith.muli %add3A_17, %mul3A_18 : i32
      "tpu.region"() ({
        %run_scoped3A = tpu.sem_alloc : memref<!tpu.dma_semaphore, #tpu.memory_space<semaphore_mem>>
        %dma_start3A = tpu.memref_slice %arg2[%mul3A_19] : memref<327680xi32, #tpu.memory_space<hbm>> -> memref<128xi32, #tpu.memory_space<hbm>>
        %dma_start3A_20 = tpu.memref_slice %arg2[%mul3A_19] : memref<327680xi32, #tpu.memory_space<hbm>> -> memref<128xi32, #tpu.memory_space<hbm>>
        tpu.enqueue_dma source(%dma_start3A_20 : memref<128xi32, #tpu.memory_space<hbm>>) target(%arg6 : memref<128xi32, #tpu.memory_space<vmem>>) target_semaphore(%run_scoped3A : memref<!tpu.dma_semaphore, #tpu.memory_space<semaphore_mem>>)
        %dma_wait3A = tpu.memref_slice %arg2[%mul3A_19] : memref<327680xi32, #tpu.memory_space<hbm>> -> memref<128xi32, #tpu.memory_space<hbm>>
        %dma_wait3A_21 = tpu.memref_slice %arg2[%mul3A_19] : memref<327680xi32, #tpu.memory_space<hbm>> -> memref<128xi32, #tpu.memory_space<hbm>>
        tpu.wait_dma2 semaphore(%run_scoped3A : memref<!tpu.dma_semaphore, #tpu.memory_space<semaphore_mem>>) src(%dma_wait3A_21 : memref<128xi32, #tpu.memory_space<hbm>>) dst(%arg6 : memref<128xi32, #tpu.memory_space<vmem>>)
        tpu.yield
      }) : () -> ()
      "tpu.region"() ({
        %run_scoped3A = tpu.sem_alloc : memref<!tpu.dma_semaphore, #tpu.memory_space<semaphore_mem>>
        %dma_start3A = arith.constant 0 : i32
        %dma_start3A_20 = arith.constant 0 : i32
        %dma_start3A_21 = tpu.memref_slice %arg8[%dma_start3A, %dma_start3A_20] : memref<10240x128xf32, #tpu.memory_space<vmem_shared>> -> memref<10240x128xf32, #tpu.memory_space<vmem_shared>>
        tpu.enqueue_indirect_dma source(%arg7 : memref<128x128xf32, #tpu.memory_space<vmem>>) target(%dma_start3A_21 : memref<10240x128xf32, #tpu.memory_space<vmem_shared>>) offsets(%arg6 : memref<128xi32, #tpu.memory_space<vmem>>) semaphore(%run_scoped3A : memref<!tpu.dma_semaphore, #tpu.memory_space<semaphore_mem>>) {add = true}
        %dma_wait3A = arith.constant 0 : i32
        %dma_wait3A_22 = arith.constant 0 : i32
        %dma_wait3A_23 = tpu.memref_slice %arg8[%dma_wait3A, %dma_wait3A_22] : memref<10240x128xf32, #tpu.memory_space<vmem_shared>> -> memref<10240x128xf32, #tpu.memory_space<vmem_shared>>
        tpu.wait_indirect_dma semaphore(%run_scoped3A : memref<!tpu.dma_semaphore, #tpu.memory_space<semaphore_mem>>) src(%arg7 : memref<128x128xf32, #tpu.memory_space<vmem>>) dst(%dma_wait3A_23 : memref<10240x128xf32, #tpu.memory_space<vmem_shared>>)
        tpu.yield
      }) : () -> ()
    }
    %scan3A_7 = arith.constant 80 : i32
    %barrier3A_8 = arith.constant 0 : index
    tpu.barrier barrier_id(%barrier3A_8)
    %mul3A_9 = arith.constant 10240 : i32
    %mul3A_10 = arith.muli %arg0, %mul3A_9 : i32
    %mul3A_11 = arith.constant 640 : i32
    %mul3A_12 = arith.muli %arg1, %mul3A_11 : i32
    %add3A_13 = arith.addi %mul3A_10, %mul3A_12 : i32
    "tpu.region"() ({
      %run_scoped3A = tpu.sem_alloc : memref<!tpu.dma_semaphore, #tpu.memory_space<semaphore_mem>>
      %dma_start3A = arith.constant 0 : i32
      %dma_start3A_14 = tpu.memref_slice %arg5[%add3A_13, %dma_start3A] : memref<20480x128xf32, #tpu.memory_space<hbm>> -> memref<640x128xf32, #tpu.memory_space<hbm>>
      %dma_start3A_15 = arith.constant 0 : i32
      %dma_start3A_16 = tpu.memref_slice %arg8[%mul3A_2, %dma_start3A_15] : memref<10240x128xf32, #tpu.memory_space<vmem_shared>> -> memref<640x128xf32, #tpu.memory_space<vmem_shared>>
      tpu.enqueue_dma source(%dma_start3A_16 : memref<640x128xf32, #tpu.memory_space<vmem_shared>>) target(%dma_start3A_14 : memref<640x128xf32, #tpu.memory_space<hbm>>) target_semaphore(%run_scoped3A : memref<!tpu.dma_semaphore, #tpu.memory_space<semaphore_mem>>)
      %dma_wait3A = arith.constant 0 : i32
      %dma_wait3A_17 = tpu.memref_slice %arg5[%add3A_13, %dma_wait3A] : memref<20480x128xf32, #tpu.memory_space<hbm>> -> memref<640x128xf32, #tpu.memory_space<hbm>>
      %dma_wait3A_18 = arith.constant 0 : i32
      %dma_wait3A_19 = tpu.memref_slice %arg8[%mul3A_2, %dma_wait3A_18] : memref<10240x128xf32, #tpu.memory_space<vmem_shared>> -> memref<640x128xf32, #tpu.memory_space<vmem_shared>>
      tpu.wait_dma2 semaphore(%run_scoped3A : memref<!tpu.dma_semaphore, #tpu.memory_space<semaphore_mem>>) src(%dma_wait3A_19 : memref<640x128xf32, #tpu.memory_space<vmem_shared>>) dst(%dma_wait3A_17 : memref<640x128xf32, #tpu.memory_space<hbm>>)
      tpu.yield
    }) : () -> ()
    return
  }
}

#map = affine_map<(d0, d1) -> (0, 0)>
#map1 = affine_map<(d0, d1) -> (0)>
module attributes {stable_mosaic.version = 14 : i64} {
  func.func @_agg2(%arg0: i32, %arg1: i32, %arg2: memref<5120x128xi32, #tpu.memory_space<hbm>>, %arg3: memref<327680xi32, #tpu.memory_space<hbm>>, %arg4: memref<20000x128xf32, #tpu.memory_space<hbm>>, %arg5: memref<640x128xf32, #tpu.memory_space<hbm>>, %arg6: memref<20480x128xf32, #tpu.memory_space<hbm>>, %arg7: memref<8x128xi32, #tpu.memory_space<vmem>>, %arg8: memref<128xi32, #tpu.memory_space<vmem>>, %arg9: memref<128xi32, #tpu.memory_space<vmem>>, %arg10: memref<128x128xf32, #tpu.memory_space<vmem>>, %arg11: memref<128x128xf32, #tpu.memory_space<vmem>>, %arg12: memref<10240x128xf32, #tpu.memory_space<vmem_shared>>, %arg13: memref<!tpu.dma_semaphore, #tpu.memory_space<semaphore_mem>>, %arg14: memref<!tpu.dma_semaphore, #tpu.memory_space<semaphore_mem>>) attributes {dimension_semantics = [#tpu.dimension_semantics<core_parallel>, #tpu.dimension_semantics<subcore_parallel>], iteration_bounds = array<i64: 2, 16>, scalar_prefetch = 0 : i64, scratch_operands = 8 : i64, tpu.core_type = #tpu.core_type<sc_vector_subcore>, window_params = [{transform_indices = #map}, {transform_indices = #map1}, {transform_indices = #map}, {transform_indices = #map}, {transform_indices = #map}]} {
    %mul3A = arith.constant 640 : i32
    %mul3A_0 = arith.muli %arg1, %mul3A : i32
    "tpu.region"() ({
      %run_scoped3A = tpu.sem_alloc : memref<!tpu.dma_semaphore, #tpu.memory_space<semaphore_mem>>
      %dma_start3A = arith.constant 0 : i32
      %dma_start3A_11 = tpu.memref_slice %arg12[%mul3A_0, %dma_start3A] : memref<10240x128xf32, #tpu.memory_space<vmem_shared>> -> memref<640x128xf32, #tpu.memory_space<vmem_shared>>
      tpu.enqueue_dma source(%arg5 : memref<640x128xf32, #tpu.memory_space<hbm>>) target(%dma_start3A_11 : memref<640x128xf32, #tpu.memory_space<vmem_shared>>) target_semaphore(%run_scoped3A : memref<!tpu.dma_semaphore, #tpu.memory_space<semaphore_mem>>)
      %dma_wait3A = arith.constant 0 : i32
      %dma_wait3A_12 = tpu.memref_slice %arg12[%mul3A_0, %dma_wait3A] : memref<10240x128xf32, #tpu.memory_space<vmem_shared>> -> memref<640x128xf32, #tpu.memory_space<vmem_shared>>
      tpu.wait_dma2 semaphore(%run_scoped3A : memref<!tpu.dma_semaphore, #tpu.memory_space<semaphore_mem>>) src(%arg5 : memref<640x128xf32, #tpu.memory_space<hbm>>) dst(%dma_wait3A_12 : memref<640x128xf32, #tpu.memory_space<vmem_shared>>)
      tpu.yield
    }) : () -> ()
    %barrier3A = arith.constant 0 : index
    tpu.barrier barrier_id(%barrier3A)
    %scan3A = arith.constant 0 : i32
    %scan3A_1 = arith.constant 0 : i32
    %scan3A_2 = arith.constant 20 : i32
    %scan3A_3 = arith.addi %scan3A_1, %scan3A_2 : i32
    %scan3A_4 = arith.constant 1 : i32
    scf.for %scan3A_11 = %scan3A_1 to %scan3A_3 step %scan3A_4  : i32 {
      %mul3A_12 = arith.constant 160 : i32
      %mul3A_13 = arith.muli %arg1, %mul3A_12 : i32
      %mul3A_14 = arith.constant 8 : i32
      %mul3A_15 = arith.muli %scan3A_11, %mul3A_14 : i32
      %add3A_16 = arith.addi %mul3A_13, %mul3A_15 : i32
      %mul3A_17 = arith.constant 2560 : i32
      %mul3A_18 = arith.muli %arg0, %mul3A_17 : i32
      %add3A_19 = arith.addi %mul3A_18, %add3A_16 : i32
      "tpu.region"() ({
        %run_scoped3A = tpu.sem_alloc : memref<!tpu.dma_semaphore, #tpu.memory_space<semaphore_mem>>
        %dma_start3A_162 = arith.constant 0 : i32
        %dma_start3A_163 = tpu.memref_slice %arg2[%add3A_19, %dma_start3A_162] : memref<5120x128xi32, #tpu.memory_space<hbm>> -> memref<8x128xi32, #tpu.memory_space<hbm>>
        %dma_start3A_164 = arith.constant 0 : i32
        %dma_start3A_165 = tpu.memref_slice %arg2[%add3A_19, %dma_start3A_164] : memref<5120x128xi32, #tpu.memory_space<hbm>> -> memref<8x128xi32, #tpu.memory_space<hbm>>
        tpu.enqueue_dma source(%dma_start3A_165 : memref<8x128xi32, #tpu.memory_space<hbm>>) target(%arg7 : memref<8x128xi32, #tpu.memory_space<vmem>>) target_semaphore(%run_scoped3A : memref<!tpu.dma_semaphore, #tpu.memory_space<semaphore_mem>>)
        %dma_wait3A_166 = arith.constant 0 : i32
        %dma_wait3A_167 = tpu.memref_slice %arg2[%add3A_19, %dma_wait3A_166] : memref<5120x128xi32, #tpu.memory_space<hbm>> -> memref<8x128xi32, #tpu.memory_space<hbm>>
        %dma_wait3A_168 = arith.constant 0 : i32
        %dma_wait3A_169 = tpu.memref_slice %arg2[%add3A_19, %dma_wait3A_168] : memref<5120x128xi32, #tpu.memory_space<hbm>> -> memref<8x128xi32, #tpu.memory_space<hbm>>
        tpu.wait_dma2 semaphore(%run_scoped3A : memref<!tpu.dma_semaphore, #tpu.memory_space<semaphore_mem>>) src(%dma_wait3A_169 : memref<8x128xi32, #tpu.memory_space<hbm>>) dst(%arg7 : memref<8x128xi32, #tpu.memory_space<vmem>>)
        tpu.yield
      }) : () -> ()
      %dma_start3A = arith.constant 0 : i32
      %dma_start3A_20 = arith.constant 0 : i32
      %dma_start3A_21 = tpu.memref_slice %arg7[%dma_start3A, %dma_start3A_20] : memref<8x128xi32, #tpu.memory_space<vmem>> -> memref<1x128xi32, #tpu.memory_space<vmem>>
      %dma_start3A_22 = tpu.memref_squeeze %dma_start3A_21 : memref<1x128xi32, #tpu.memory_space<vmem>> -> memref<128xi32, #tpu.memory_space<vmem>>
      %dma_start3A_23 = arith.constant 0 : i32
      %dma_start3A_24 = arith.constant 0 : i32
      %dma_start3A_25 = tpu.memref_slice %arg4[%dma_start3A_23, %dma_start3A_24] : memref<20000x128xf32, #tpu.memory_space<hbm>> -> memref<20000x128xf32, #tpu.memory_space<hbm>>
      tpu.enqueue_indirect_dma source(%dma_start3A_25 : memref<20000x128xf32, #tpu.memory_space<hbm>>) target(%arg10 : memref<128x128xf32, #tpu.memory_space<vmem>>) offsets(%dma_start3A_22 : memref<128xi32, #tpu.memory_space<vmem>>) semaphore(%arg13 : memref<!tpu.dma_semaphore, #tpu.memory_space<semaphore_mem>>)
      %dma_start3A_26 = arith.constant 1 : i32
      %dma_start3A_27 = arith.constant 0 : i32
      %dma_start3A_28 = tpu.memref_slice %arg7[%dma_start3A_26, %dma_start3A_27] : memref<8x128xi32, #tpu.memory_space<vmem>> -> memref<1x128xi32, #tpu.memory_space<vmem>>
      %dma_start3A_29 = tpu.memref_squeeze %dma_start3A_28 : memref<1x128xi32, #tpu.memory_space<vmem>> -> memref<128xi32, #tpu.memory_space<vmem>>
      %dma_start3A_30 = arith.constant 0 : i32
      %dma_start3A_31 = arith.constant 0 : i32
      %dma_start3A_32 = tpu.memref_slice %arg4[%dma_start3A_30, %dma_start3A_31] : memref<20000x128xf32, #tpu.memory_space<hbm>> -> memref<20000x128xf32, #tpu.memory_space<hbm>>
      tpu.enqueue_indirect_dma source(%dma_start3A_32 : memref<20000x128xf32, #tpu.memory_space<hbm>>) target(%arg11 : memref<128x128xf32, #tpu.memory_space<vmem>>) offsets(%dma_start3A_29 : memref<128xi32, #tpu.memory_space<vmem>>) semaphore(%arg14 : memref<!tpu.dma_semaphore, #tpu.memory_space<semaphore_mem>>)
      %add3A_33 = arith.constant 0 : i32
      %add3A_34 = arith.addi %add3A_16, %add3A_33 : i32
      %mul3A_35 = arith.constant 128 : i32
      %mul3A_36 = arith.muli %add3A_34, %mul3A_35 : i32
      "tpu.region"() ({
        %run_scoped3A = tpu.sem_alloc : memref<!tpu.dma_semaphore, #tpu.memory_space<semaphore_mem>>
        %dma_start3A_162 = tpu.memref_slice %arg3[%mul3A_36] : memref<327680xi32, #tpu.memory_space<hbm>> -> memref<128xi32, #tpu.memory_space<hbm>>
        %dma_start3A_163 = tpu.memref_slice %arg3[%mul3A_36] : memref<327680xi32, #tpu.memory_space<hbm>> -> memref<128xi32, #tpu.memory_space<hbm>>
        tpu.enqueue_dma source(%dma_start3A_163 : memref<128xi32, #tpu.memory_space<hbm>>) target(%arg8 : memref<128xi32, #tpu.memory_space<vmem>>) target_semaphore(%run_scoped3A : memref<!tpu.dma_semaphore, #tpu.memory_space<semaphore_mem>>)
        %dma_wait3A_164 = tpu.memref_slice %arg3[%mul3A_36] : memref<327680xi32, #tpu.memory_space<hbm>> -> memref<128xi32, #tpu.memory_space<hbm>>
        %dma_wait3A_165 = tpu.memref_slice %arg3[%mul3A_36] : memref<327680xi32, #tpu.memory_space<hbm>> -> memref<128xi32, #tpu.memory_space<hbm>>
        tpu.wait_dma2 semaphore(%run_scoped3A : memref<!tpu.dma_semaphore, #tpu.memory_space<semaphore_mem>>) src(%dma_wait3A_165 : memref<128xi32, #tpu.memory_space<hbm>>) dst(%arg8 : memref<128xi32, #tpu.memory_space<vmem>>)
        tpu.yield
      }) : () -> ()
      %dma_wait3A = arith.constant 0 : i32
      %dma_wait3A_37 = arith.constant 0 : i32
      %dma_wait3A_38 = tpu.memref_slice %arg7[%dma_wait3A, %dma_wait3A_37] : memref<8x128xi32, #tpu.memory_space<vmem>> -> memref<1x128xi32, #tpu.memory_space<vmem>>
      %dma_wait3A_39 = tpu.memref_squeeze %dma_wait3A_38 : memref<1x128xi32, #tpu.memory_space<vmem>> -> memref<128xi32, #tpu.memory_space<vmem>>
      %dma_wait3A_40 = arith.constant 0 : i32
      %dma_wait3A_41 = arith.constant 0 : i32
      %dma_wait3A_42 = tpu.memref_slice %arg4[%dma_wait3A_40, %dma_wait3A_41] : memref<20000x128xf32, #tpu.memory_space<hbm>> -> memref<20000x128xf32, #tpu.memory_space<hbm>>
      tpu.wait_indirect_dma semaphore(%arg13 : memref<!tpu.dma_semaphore, #tpu.memory_space<semaphore_mem>>) src(%dma_wait3A_42 : memref<20000x128xf32, #tpu.memory_space<hbm>>) dst(%arg10 : memref<128x128xf32, #tpu.memory_space<vmem>>)
      "tpu.region"() ({
        %run_scoped3A = tpu.sem_alloc : memref<!tpu.dma_semaphore, #tpu.memory_space<semaphore_mem>>
        %dma_start3A_162 = arith.constant 0 : i32
        %dma_start3A_163 = arith.constant 0 : i32
        %dma_start3A_164 = tpu.memref_slice %arg12[%dma_start3A_162, %dma_start3A_163] : memref<10240x128xf32, #tpu.memory_space<vmem_shared>> -> memref<10240x128xf32, #tpu.memory_space<vmem_shared>>
        tpu.enqueue_indirect_dma source(%arg10 : memref<128x128xf32, #tpu.memory_space<vmem>>) target(%dma_start3A_164 : memref<10240x128xf32, #tpu.memory_space<vmem_shared>>) offsets(%arg8 : memref<128xi32, #tpu.memory_space<vmem>>) semaphore(%run_scoped3A : memref<!tpu.dma_semaphore, #tpu.memory_space<semaphore_mem>>) {add = true}
        %dma_wait3A_165 = arith.constant 0 : i32
        %dma_wait3A_166 = arith.constant 0 : i32
        %dma_wait3A_167 = tpu.memref_slice %arg12[%dma_wait3A_165, %dma_wait3A_166] : memref<10240x128xf32, #tpu.memory_space<vmem_shared>> -> memref<10240x128xf32, #tpu.memory_space<vmem_shared>>
        tpu.wait_indirect_dma semaphore(%run_scoped3A : memref<!tpu.dma_semaphore, #tpu.memory_space<semaphore_mem>>) src(%arg10 : memref<128x128xf32, #tpu.memory_space<vmem>>) dst(%dma_wait3A_167 : memref<10240x128xf32, #tpu.memory_space<vmem_shared>>)
        tpu.yield
      }) : () -> ()
      %dma_start3A_43 = arith.constant 2 : i32
      %dma_start3A_44 = arith.constant 0 : i32
      %dma_start3A_45 = tpu.memref_slice %arg7[%dma_start3A_43, %dma_start3A_44] : memref<8x128xi32, #tpu.memory_space<vmem>> -> memref<1x128xi32, #tpu.memory_space<vmem>>
      %dma_start3A_46 = tpu.memref_squeeze %dma_start3A_45 : memref<1x128xi32, #tpu.memory_space<vmem>> -> memref<128xi32, #tpu.memory_space<vmem>>
      %dma_start3A_47 = arith.constant 0 : i32
      %dma_start3A_48 = arith.constant 0 : i32
      %dma_start3A_49 = tpu.memref_slice %arg4[%dma_start3A_47, %dma_start3A_48] : memref<20000x128xf32, #tpu.memory_space<hbm>> -> memref<20000x128xf32, #tpu.memory_space<hbm>>
      tpu.enqueue_indirect_dma source(%dma_start3A_49 : memref<20000x128xf32, #tpu.memory_space<hbm>>) target(%arg10 : memref<128x128xf32, #tpu.memory_space<vmem>>) offsets(%dma_start3A_46 : memref<128xi32, #tpu.memory_space<vmem>>) semaphore(%arg13 : memref<!tpu.dma_semaphore, #tpu.memory_space<semaphore_mem>>)
      %add3A_50 = arith.constant 1 : i32
      %add3A_51 = arith.addi %add3A_16, %add3A_50 : i32
      %mul3A_52 = arith.constant 128 : i32
      %mul3A_53 = arith.muli %add3A_51, %mul3A_52 : i32
      "tpu.region"() ({
        %run_scoped3A = tpu.sem_alloc : memref<!tpu.dma_semaphore, #tpu.memory_space<semaphore_mem>>
        %dma_start3A_162 = tpu.memref_slice %arg3[%mul3A_53] : memref<327680xi32, #tpu.memory_space<hbm>> -> memref<128xi32, #tpu.memory_space<hbm>>
        %dma_start3A_163 = tpu.memref_slice %arg3[%mul3A_53] : memref<327680xi32, #tpu.memory_space<hbm>> -> memref<128xi32, #tpu.memory_space<hbm>>
        tpu.enqueue_dma source(%dma_start3A_163 : memref<128xi32, #tpu.memory_space<hbm>>) target(%arg9 : memref<128xi32, #tpu.memory_space<vmem>>) target_semaphore(%run_scoped3A : memref<!tpu.dma_semaphore, #tpu.memory_space<semaphore_mem>>)
        %dma_wait3A_164 = tpu.memref_slice %arg3[%mul3A_53] : memref<327680xi32, #tpu.memory_space<hbm>> -> memref<128xi32, #tpu.memory_space<hbm>>
        %dma_wait3A_165 = tpu.memref_slice %arg3[%mul3A_53] : memref<327680xi32, #tpu.memory_space<hbm>> -> memref<128xi32, #tpu.memory_space<hbm>>
        tpu.wait_dma2 semaphore(%run_scoped3A : memref<!tpu.dma_semaphore, #tpu.memory_space<semaphore_mem>>) src(%dma_wait3A_165 : memref<128xi32, #tpu.memory_space<hbm>>) dst(%arg9 : memref<128xi32, #tpu.memory_space<vmem>>)
        tpu.yield
      }) : () -> ()
      %dma_wait3A_54 = arith.constant 1 : i32
      %dma_wait3A_55 = arith.constant 0 : i32
      %dma_wait3A_56 = tpu.memref_slice %arg7[%dma_wait3A_54, %dma_wait3A_55] : memref<8x128xi32, #tpu.memory_space<vmem>> -> memref<1x128xi32, #tpu.memory_space<vmem>>
      %dma_wait3A_57 = tpu.memref_squeeze %dma_wait3A_56 : memref<1x128xi32, #tpu.memory_space<vmem>> -> memref<128xi32, #tpu.memory_space<vmem>>
      %dma_wait3A_58 = arith.constant 0 : i32
      %dma_wait3A_59 = arith.constant 0 : i32
      %dma_wait3A_60 = tpu.memref_slice %arg4[%dma_wait3A_58, %dma_wait3A_59] : memref<20000x128xf32, #tpu.memory_space<hbm>> -> memref<20000x128xf32, #tpu.memory_space<hbm>>
      tpu.wait_indirect_dma semaphore(%arg14 : memref<!tpu.dma_semaphore, #tpu.memory_space<semaphore_mem>>) src(%dma_wait3A_60 : memref<20000x128xf32, #tpu.memory_space<hbm>>) dst(%arg11 : memref<128x128xf32, #tpu.memory_space<vmem>>)
      "tpu.region"() ({
        %run_scoped3A = tpu.sem_alloc : memref<!tpu.dma_semaphore, #tpu.memory_space<semaphore_mem>>
        %dma_start3A_162 = arith.constant 0 : i32
        %dma_start3A_163 = arith.constant 0 : i32
        %dma_start3A_164 = tpu.memref_slice %arg12[%dma_start3A_162, %dma_start3A_163] : memref<10240x128xf32, #tpu.memory_space<vmem_shared>> -> memref<10240x128xf32, #tpu.memory_space<vmem_shared>>
        tpu.enqueue_indirect_dma source(%arg11 : memref<128x128xf32, #tpu.memory_space<vmem>>) target(%dma_start3A_164 : memref<10240x128xf32, #tpu.memory_space<vmem_shared>>) offsets(%arg9 : memref<128xi32, #tpu.memory_space<vmem>>) semaphore(%run_scoped3A : memref<!tpu.dma_semaphore, #tpu.memory_space<semaphore_mem>>) {add = true}
        %dma_wait3A_165 = arith.constant 0 : i32
        %dma_wait3A_166 = arith.constant 0 : i32
        %dma_wait3A_167 = tpu.memref_slice %arg12[%dma_wait3A_165, %dma_wait3A_166] : memref<10240x128xf32, #tpu.memory_space<vmem_shared>> -> memref<10240x128xf32, #tpu.memory_space<vmem_shared>>
        tpu.wait_indirect_dma semaphore(%run_scoped3A : memref<!tpu.dma_semaphore, #tpu.memory_space<semaphore_mem>>) src(%arg11 : memref<128x128xf32, #tpu.memory_space<vmem>>) dst(%dma_wait3A_167 : memref<10240x128xf32, #tpu.memory_space<vmem_shared>>)
        tpu.yield
      }) : () -> ()
      %dma_start3A_61 = arith.constant 3 : i32
      %dma_start3A_62 = arith.constant 0 : i32
      %dma_start3A_63 = tpu.memref_slice %arg7[%dma_start3A_61, %dma_start3A_62] : memref<8x128xi32, #tpu.memory_space<vmem>> -> memref<1x128xi32, #tpu.memory_space<vmem>>
      %dma_start3A_64 = tpu.memref_squeeze %dma_start3A_63 : memref<1x128xi32, #tpu.memory_space<vmem>> -> memref<128xi32, #tpu.memory_space<vmem>>
      %dma_start3A_65 = arith.constant 0 : i32
      %dma_start3A_66 = arith.constant 0 : i32
      %dma_start3A_67 = tpu.memref_slice %arg4[%dma_start3A_65, %dma_start3A_66] : memref<20000x128xf32, #tpu.memory_space<hbm>> -> memref<20000x128xf32, #tpu.memory_space<hbm>>
      tpu.enqueue_indirect_dma source(%dma_start3A_67 : memref<20000x128xf32, #tpu.memory_space<hbm>>) target(%arg11 : memref<128x128xf32, #tpu.memory_space<vmem>>) offsets(%dma_start3A_64 : memref<128xi32, #tpu.memory_space<vmem>>) semaphore(%arg14 : memref<!tpu.dma_semaphore, #tpu.memory_space<semaphore_mem>>)
      %add3A_68 = arith.constant 2 : i32
      %add3A_69 = arith.addi %add3A_16, %add3A_68 : i32
      %mul3A_70 = arith.constant 128 : i32
      %mul3A_71 = arith.muli %add3A_69, %mul3A_70 : i32
      "tpu.region"() ({
        %run_scoped3A = tpu.sem_alloc : memref<!tpu.dma_semaphore, #tpu.memory_space<semaphore_mem>>
        %dma_start3A_162 = tpu.memref_slice %arg3[%mul3A_71] : memref<327680xi32, #tpu.memory_space<hbm>> -> memref<128xi32, #tpu.memory_space<hbm>>
        %dma_start3A_163 = tpu.memref_slice %arg3[%mul3A_71] : memref<327680xi32, #tpu.memory_space<hbm>> -> memref<128xi32, #tpu.memory_space<hbm>>
        tpu.enqueue_dma source(%dma_start3A_163 : memref<128xi32, #tpu.memory_space<hbm>>) target(%arg8 : memref<128xi32, #tpu.memory_space<vmem>>) target_semaphore(%run_scoped3A : memref<!tpu.dma_semaphore, #tpu.memory_space<semaphore_mem>>)
        %dma_wait3A_164 = tpu.memref_slice %arg3[%mul3A_71] : memref<327680xi32, #tpu.memory_space<hbm>> -> memref<128xi32, #tpu.memory_space<hbm>>
        %dma_wait3A_165 = tpu.memref_slice %arg3[%mul3A_71] : memref<327680xi32, #tpu.memory_space<hbm>> -> memref<128xi32, #tpu.memory_space<hbm>>
        tpu.wait_dma2 semaphore(%run_scoped3A : memref<!tpu.dma_semaphore, #tpu.memory_space<semaphore_mem>>) src(%dma_wait3A_165 : memref<128xi32, #tpu.memory_space<hbm>>) dst(%arg8 : memref<128xi32, #tpu.memory_space<vmem>>)
        tpu.yield
      }) : () -> ()
      %dma_wait3A_72 = arith.constant 2 : i32
      %dma_wait3A_73 = arith.constant 0 : i32
      %dma_wait3A_74 = tpu.memref_slice %arg7[%dma_wait3A_72, %dma_wait3A_73] : memref<8x128xi32, #tpu.memory_space<vmem>> -> memref<1x128xi32, #tpu.memory_space<vmem>>
      %dma_wait3A_75 = tpu.memref_squeeze %dma_wait3A_74 : memref<1x128xi32, #tpu.memory_space<vmem>> -> memref<128xi32, #tpu.memory_space<vmem>>
      %dma_wait3A_76 = arith.constant 0 : i32
      %dma_wait3A_77 = arith.constant 0 : i32
      %dma_wait3A_78 = tpu.memref_slice %arg4[%dma_wait3A_76, %dma_wait3A_77] : memref<20000x128xf32, #tpu.memory_space<hbm>> -> memref<20000x128xf32, #tpu.memory_space<hbm>>
      tpu.wait_indirect_dma semaphore(%arg13 : memref<!tpu.dma_semaphore, #tpu.memory_space<semaphore_mem>>) src(%dma_wait3A_78 : memref<20000x128xf32, #tpu.memory_space<hbm>>) dst(%arg10 : memref<128x128xf32, #tpu.memory_space<vmem>>)
      "tpu.region"() ({
        %run_scoped3A = tpu.sem_alloc : memref<!tpu.dma_semaphore, #tpu.memory_space<semaphore_mem>>
        %dma_start3A_162 = arith.constant 0 : i32
        %dma_start3A_163 = arith.constant 0 : i32
        %dma_start3A_164 = tpu.memref_slice %arg12[%dma_start3A_162, %dma_start3A_163] : memref<10240x128xf32, #tpu.memory_space<vmem_shared>> -> memref<10240x128xf32, #tpu.memory_space<vmem_shared>>
        tpu.enqueue_indirect_dma source(%arg10 : memref<128x128xf32, #tpu.memory_space<vmem>>) target(%dma_start3A_164 : memref<10240x128xf32, #tpu.memory_space<vmem_shared>>) offsets(%arg8 : memref<128xi32, #tpu.memory_space<vmem>>) semaphore(%run_scoped3A : memref<!tpu.dma_semaphore, #tpu.memory_space<semaphore_mem>>) {add = true}
        %dma_wait3A_165 = arith.constant 0 : i32
        %dma_wait3A_166 = arith.constant 0 : i32
        %dma_wait3A_167 = tpu.memref_slice %arg12[%dma_wait3A_165, %dma_wait3A_166] : memref<10240x128xf32, #tpu.memory_space<vmem_shared>> -> memref<10240x128xf32, #tpu.memory_space<vmem_shared>>
        tpu.wait_indirect_dma semaphore(%run_scoped3A : memref<!tpu.dma_semaphore, #tpu.memory_space<semaphore_mem>>) src(%arg10 : memref<128x128xf32, #tpu.memory_space<vmem>>) dst(%dma_wait3A_167 : memref<10240x128xf32, #tpu.memory_space<vmem_shared>>)
        tpu.yield
      }) : () -> ()
      %dma_start3A_79 = arith.constant 4 : i32
      %dma_start3A_80 = arith.constant 0 : i32
      %dma_start3A_81 = tpu.memref_slice %arg7[%dma_start3A_79, %dma_start3A_80] : memref<8x128xi32, #tpu.memory_space<vmem>> -> memref<1x128xi32, #tpu.memory_space<vmem>>
      %dma_start3A_82 = tpu.memref_squeeze %dma_start3A_81 : memref<1x128xi32, #tpu.memory_space<vmem>> -> memref<128xi32, #tpu.memory_space<vmem>>
      %dma_start3A_83 = arith.constant 0 : i32
      %dma_start3A_84 = arith.constant 0 : i32
      %dma_start3A_85 = tpu.memref_slice %arg4[%dma_start3A_83, %dma_start3A_84] : memref<20000x128xf32, #tpu.memory_space<hbm>> -> memref<20000x128xf32, #tpu.memory_space<hbm>>
      tpu.enqueue_indirect_dma source(%dma_start3A_85 : memref<20000x128xf32, #tpu.memory_space<hbm>>) target(%arg10 : memref<128x128xf32, #tpu.memory_space<vmem>>) offsets(%dma_start3A_82 : memref<128xi32, #tpu.memory_space<vmem>>) semaphore(%arg13 : memref<!tpu.dma_semaphore, #tpu.memory_space<semaphore_mem>>)
      %add3A_86 = arith.constant 3 : i32
      %add3A_87 = arith.addi %add3A_16, %add3A_86 : i32
      %mul3A_88 = arith.constant 128 : i32
      %mul3A_89 = arith.muli %add3A_87, %mul3A_88 : i32
      "tpu.region"() ({
        %run_scoped3A = tpu.sem_alloc : memref<!tpu.dma_semaphore, #tpu.memory_space<semaphore_mem>>
        %dma_start3A_162 = tpu.memref_slice %arg3[%mul3A_89] : memref<327680xi32, #tpu.memory_space<hbm>> -> memref<128xi32, #tpu.memory_space<hbm>>
        %dma_start3A_163 = tpu.memref_slice %arg3[%mul3A_89] : memref<327680xi32, #tpu.memory_space<hbm>> -> memref<128xi32, #tpu.memory_space<hbm>>
        tpu.enqueue_dma source(%dma_start3A_163 : memref<128xi32, #tpu.memory_space<hbm>>) target(%arg9 : memref<128xi32, #tpu.memory_space<vmem>>) target_semaphore(%run_scoped3A : memref<!tpu.dma_semaphore, #tpu.memory_space<semaphore_mem>>)
        %dma_wait3A_164 = tpu.memref_slice %arg3[%mul3A_89] : memref<327680xi32, #tpu.memory_space<hbm>> -> memref<128xi32, #tpu.memory_space<hbm>>
        %dma_wait3A_165 = tpu.memref_slice %arg3[%mul3A_89] : memref<327680xi32, #tpu.memory_space<hbm>> -> memref<128xi32, #tpu.memory_space<hbm>>
        tpu.wait_dma2 semaphore(%run_scoped3A : memref<!tpu.dma_semaphore, #tpu.memory_space<semaphore_mem>>) src(%dma_wait3A_165 : memref<128xi32, #tpu.memory_space<hbm>>) dst(%arg9 : memref<128xi32, #tpu.memory_space<vmem>>)
        tpu.yield
      }) : () -> ()
      %dma_wait3A_90 = arith.constant 3 : i32
      %dma_wait3A_91 = arith.constant 0 : i32
      %dma_wait3A_92 = tpu.memref_slice %arg7[%dma_wait3A_90, %dma_wait3A_91] : memref<8x128xi32, #tpu.memory_space<vmem>> -> memref<1x128xi32, #tpu.memory_space<vmem>>
      %dma_wait3A_93 = tpu.memref_squeeze %dma_wait3A_92 : memref<1x128xi32, #tpu.memory_space<vmem>> -> memref<128xi32, #tpu.memory_space<vmem>>
      %dma_wait3A_94 = arith.constant 0 : i32
      %dma_wait3A_95 = arith.constant 0 : i32
      %dma_wait3A_96 = tpu.memref_slice %arg4[%dma_wait3A_94, %dma_wait3A_95] : memref<20000x128xf32, #tpu.memory_space<hbm>> -> memref<20000x128xf32, #tpu.memory_space<hbm>>
      tpu.wait_indirect_dma semaphore(%arg14 : memref<!tpu.dma_semaphore, #tpu.memory_space<semaphore_mem>>) src(%dma_wait3A_96 : memref<20000x128xf32, #tpu.memory_space<hbm>>) dst(%arg11 : memref<128x128xf32, #tpu.memory_space<vmem>>)
      "tpu.region"() ({
        %run_scoped3A = tpu.sem_alloc : memref<!tpu.dma_semaphore, #tpu.memory_space<semaphore_mem>>
        %dma_start3A_162 = arith.constant 0 : i32
        %dma_start3A_163 = arith.constant 0 : i32
        %dma_start3A_164 = tpu.memref_slice %arg12[%dma_start3A_162, %dma_start3A_163] : memref<10240x128xf32, #tpu.memory_space<vmem_shared>> -> memref<10240x128xf32, #tpu.memory_space<vmem_shared>>
        tpu.enqueue_indirect_dma source(%arg11 : memref<128x128xf32, #tpu.memory_space<vmem>>) target(%dma_start3A_164 : memref<10240x128xf32, #tpu.memory_space<vmem_shared>>) offsets(%arg9 : memref<128xi32, #tpu.memory_space<vmem>>) semaphore(%run_scoped3A : memref<!tpu.dma_semaphore, #tpu.memory_space<semaphore_mem>>) {add = true}
        %dma_wait3A_165 = arith.constant 0 : i32
        %dma_wait3A_166 = arith.constant 0 : i32
        %dma_wait3A_167 = tpu.memref_slice %arg12[%dma_wait3A_165, %dma_wait3A_166] : memref<10240x128xf32, #tpu.memory_space<vmem_shared>> -> memref<10240x128xf32, #tpu.memory_space<vmem_shared>>
        tpu.wait_indirect_dma semaphore(%run_scoped3A : memref<!tpu.dma_semaphore, #tpu.memory_space<semaphore_mem>>) src(%arg11 : memref<128x128xf32, #tpu.memory_space<vmem>>) dst(%dma_wait3A_167 : memref<10240x128xf32, #tpu.memory_space<vmem_shared>>)
        tpu.yield
      }) : () -> ()
      %dma_start3A_97 = arith.constant 5 : i32
      %dma_start3A_98 = arith.constant 0 : i32
      %dma_start3A_99 = tpu.memref_slice %arg7[%dma_start3A_97, %dma_start3A_98] : memref<8x128xi32, #tpu.memory_space<vmem>> -> memref<1x128xi32, #tpu.memory_space<vmem>>
      %dma_start3A_100 = tpu.memref_squeeze %dma_start3A_99 : memref<1x128xi32, #tpu.memory_space<vmem>> -> memref<128xi32, #tpu.memory_space<vmem>>
      %dma_start3A_101 = arith.constant 0 : i32
      %dma_start3A_102 = arith.constant 0 : i32
      %dma_start3A_103 = tpu.memref_slice %arg4[%dma_start3A_101, %dma_start3A_102] : memref<20000x128xf32, #tpu.memory_space<hbm>> -> memref<20000x128xf32, #tpu.memory_space<hbm>>
      tpu.enqueue_indirect_dma source(%dma_start3A_103 : memref<20000x128xf32, #tpu.memory_space<hbm>>) target(%arg11 : memref<128x128xf32, #tpu.memory_space<vmem>>) offsets(%dma_start3A_100 : memref<128xi32, #tpu.memory_space<vmem>>) semaphore(%arg14 : memref<!tpu.dma_semaphore, #tpu.memory_space<semaphore_mem>>)
      %add3A_104 = arith.constant 4 : i32
      %add3A_105 = arith.addi %add3A_16, %add3A_104 : i32
      %mul3A_106 = arith.constant 128 : i32
      %mul3A_107 = arith.muli %add3A_105, %mul3A_106 : i32
      "tpu.region"() ({
        %run_scoped3A = tpu.sem_alloc : memref<!tpu.dma_semaphore, #tpu.memory_space<semaphore_mem>>
        %dma_start3A_162 = tpu.memref_slice %arg3[%mul3A_107] : memref<327680xi32, #tpu.memory_space<hbm>> -> memref<128xi32, #tpu.memory_space<hbm>>
        %dma_start3A_163 = tpu.memref_slice %arg3[%mul3A_107] : memref<327680xi32, #tpu.memory_space<hbm>> -> memref<128xi32, #tpu.memory_space<hbm>>
        tpu.enqueue_dma source(%dma_start3A_163 : memref<128xi32, #tpu.memory_space<hbm>>) target(%arg8 : memref<128xi32, #tpu.memory_space<vmem>>) target_semaphore(%run_scoped3A : memref<!tpu.dma_semaphore, #tpu.memory_space<semaphore_mem>>)
        %dma_wait3A_164 = tpu.memref_slice %arg3[%mul3A_107] : memref<327680xi32, #tpu.memory_space<hbm>> -> memref<128xi32, #tpu.memory_space<hbm>>
        %dma_wait3A_165 = tpu.memref_slice %arg3[%mul3A_107] : memref<327680xi32, #tpu.memory_space<hbm>> -> memref<128xi32, #tpu.memory_space<hbm>>
        tpu.wait_dma2 semaphore(%run_scoped3A : memref<!tpu.dma_semaphore, #tpu.memory_space<semaphore_mem>>) src(%dma_wait3A_165 : memref<128xi32, #tpu.memory_space<hbm>>) dst(%arg8 : memref<128xi32, #tpu.memory_space<vmem>>)
        tpu.yield
      }) : () -> ()
      %dma_wait3A_108 = arith.constant 4 : i32
      %dma_wait3A_109 = arith.constant 0 : i32
      %dma_wait3A_110 = tpu.memref_slice %arg7[%dma_wait3A_108, %dma_wait3A_109] : memref<8x128xi32, #tpu.memory_space<vmem>> -> memref<1x128xi32, #tpu.memory_space<vmem>>
      %dma_wait3A_111 = tpu.memref_squeeze %dma_wait3A_110 : memref<1x128xi32, #tpu.memory_space<vmem>> -> memref<128xi32, #tpu.memory_space<vmem>>
      %dma_wait3A_112 = arith.constant 0 : i32
      %dma_wait3A_113 = arith.constant 0 : i32
      %dma_wait3A_114 = tpu.memref_slice %arg4[%dma_wait3A_112, %dma_wait3A_113] : memref<20000x128xf32, #tpu.memory_space<hbm>> -> memref<20000x128xf32, #tpu.memory_space<hbm>>
      tpu.wait_indirect_dma semaphore(%arg13 : memref<!tpu.dma_semaphore, #tpu.memory_space<semaphore_mem>>) src(%dma_wait3A_114 : memref<20000x128xf32, #tpu.memory_space<hbm>>) dst(%arg10 : memref<128x128xf32, #tpu.memory_space<vmem>>)
      "tpu.region"() ({
        %run_scoped3A = tpu.sem_alloc : memref<!tpu.dma_semaphore, #tpu.memory_space<semaphore_mem>>
        %dma_start3A_162 = arith.constant 0 : i32
        %dma_start3A_163 = arith.constant 0 : i32
        %dma_start3A_164 = tpu.memref_slice %arg12[%dma_start3A_162, %dma_start3A_163] : memref<10240x128xf32, #tpu.memory_space<vmem_shared>> -> memref<10240x128xf32, #tpu.memory_space<vmem_shared>>
        tpu.enqueue_indirect_dma source(%arg10 : memref<128x128xf32, #tpu.memory_space<vmem>>) target(%dma_start3A_164 : memref<10240x128xf32, #tpu.memory_space<vmem_shared>>) offsets(%arg8 : memref<128xi32, #tpu.memory_space<vmem>>) semaphore(%run_scoped3A : memref<!tpu.dma_semaphore, #tpu.memory_space<semaphore_mem>>) {add = true}
        %dma_wait3A_165 = arith.constant 0 : i32
        %dma_wait3A_166 = arith.constant 0 : i32
        %dma_wait3A_167 = tpu.memref_slice %arg12[%dma_wait3A_165, %dma_wait3A_166] : memref<10240x128xf32, #tpu.memory_space<vmem_shared>> -> memref<10240x128xf32, #tpu.memory_space<vmem_shared>>
        tpu.wait_indirect_dma semaphore(%run_scoped3A : memref<!tpu.dma_semaphore, #tpu.memory_space<semaphore_mem>>) src(%arg10 : memref<128x128xf32, #tpu.memory_space<vmem>>) dst(%dma_wait3A_167 : memref<10240x128xf32, #tpu.memory_space<vmem_shared>>)
        tpu.yield
      }) : () -> ()
      %dma_start3A_115 = arith.constant 6 : i32
      %dma_start3A_116 = arith.constant 0 : i32
      %dma_start3A_117 = tpu.memref_slice %arg7[%dma_start3A_115, %dma_start3A_116] : memref<8x128xi32, #tpu.memory_space<vmem>> -> memref<1x128xi32, #tpu.memory_space<vmem>>
      %dma_start3A_118 = tpu.memref_squeeze %dma_start3A_117 : memref<1x128xi32, #tpu.memory_space<vmem>> -> memref<128xi32, #tpu.memory_space<vmem>>
      %dma_start3A_119 = arith.constant 0 : i32
      %dma_start3A_120 = arith.constant 0 : i32
      %dma_start3A_121 = tpu.memref_slice %arg4[%dma_start3A_119, %dma_start3A_120] : memref<20000x128xf32, #tpu.memory_space<hbm>> -> memref<20000x128xf32, #tpu.memory_space<hbm>>
      tpu.enqueue_indirect_dma source(%dma_start3A_121 : memref<20000x128xf32, #tpu.memory_space<hbm>>) target(%arg10 : memref<128x128xf32, #tpu.memory_space<vmem>>) offsets(%dma_start3A_118 : memref<128xi32, #tpu.memory_space<vmem>>) semaphore(%arg13 : memref<!tpu.dma_semaphore, #tpu.memory_space<semaphore_mem>>)
      %add3A_122 = arith.constant 5 : i32
      %add3A_123 = arith.addi %add3A_16, %add3A_122 : i32
      %mul3A_124 = arith.constant 128 : i32
      %mul3A_125 = arith.muli %add3A_123, %mul3A_124 : i32
      "tpu.region"() ({
        %run_scoped3A = tpu.sem_alloc : memref<!tpu.dma_semaphore, #tpu.memory_space<semaphore_mem>>
        %dma_start3A_162 = tpu.memref_slice %arg3[%mul3A_125] : memref<327680xi32, #tpu.memory_space<hbm>> -> memref<128xi32, #tpu.memory_space<hbm>>
        %dma_start3A_163 = tpu.memref_slice %arg3[%mul3A_125] : memref<327680xi32, #tpu.memory_space<hbm>> -> memref<128xi32, #tpu.memory_space<hbm>>
        tpu.enqueue_dma source(%dma_start3A_163 : memref<128xi32, #tpu.memory_space<hbm>>) target(%arg9 : memref<128xi32, #tpu.memory_space<vmem>>) target_semaphore(%run_scoped3A : memref<!tpu.dma_semaphore, #tpu.memory_space<semaphore_mem>>)
        %dma_wait3A_164 = tpu.memref_slice %arg3[%mul3A_125] : memref<327680xi32, #tpu.memory_space<hbm>> -> memref<128xi32, #tpu.memory_space<hbm>>
        %dma_wait3A_165 = tpu.memref_slice %arg3[%mul3A_125] : memref<327680xi32, #tpu.memory_space<hbm>> -> memref<128xi32, #tpu.memory_space<hbm>>
        tpu.wait_dma2 semaphore(%run_scoped3A : memref<!tpu.dma_semaphore, #tpu.memory_space<semaphore_mem>>) src(%dma_wait3A_165 : memref<128xi32, #tpu.memory_space<hbm>>) dst(%arg9 : memref<128xi32, #tpu.memory_space<vmem>>)
        tpu.yield
      }) : () -> ()
      %dma_wait3A_126 = arith.constant 5 : i32
      %dma_wait3A_127 = arith.constant 0 : i32
      %dma_wait3A_128 = tpu.memref_slice %arg7[%dma_wait3A_126, %dma_wait3A_127] : memref<8x128xi32, #tpu.memory_space<vmem>> -> memref<1x128xi32, #tpu.memory_space<vmem>>
      %dma_wait3A_129 = tpu.memref_squeeze %dma_wait3A_128 : memref<1x128xi32, #tpu.memory_space<vmem>> -> memref<128xi32, #tpu.memory_space<vmem>>
      %dma_wait3A_130 = arith.constant 0 : i32
      %dma_wait3A_131 = arith.constant 0 : i32
      %dma_wait3A_132 = tpu.memref_slice %arg4[%dma_wait3A_130, %dma_wait3A_131] : memref<20000x128xf32, #tpu.memory_space<hbm>> -> memref<20000x128xf32, #tpu.memory_space<hbm>>
      tpu.wait_indirect_dma semaphore(%arg14 : memref<!tpu.dma_semaphore, #tpu.memory_space<semaphore_mem>>) src(%dma_wait3A_132 : memref<20000x128xf32, #tpu.memory_space<hbm>>) dst(%arg11 : memref<128x128xf32, #tpu.memory_space<vmem>>)
      "tpu.region"() ({
        %run_scoped3A = tpu.sem_alloc : memref<!tpu.dma_semaphore, #tpu.memory_space<semaphore_mem>>
        %dma_start3A_162 = arith.constant 0 : i32
        %dma_start3A_163 = arith.constant 0 : i32
        %dma_start3A_164 = tpu.memref_slice %arg12[%dma_start3A_162, %dma_start3A_163] : memref<10240x128xf32, #tpu.memory_space<vmem_shared>> -> memref<10240x128xf32, #tpu.memory_space<vmem_shared>>
        tpu.enqueue_indirect_dma source(%arg11 : memref<128x128xf32, #tpu.memory_space<vmem>>) target(%dma_start3A_164 : memref<10240x128xf32, #tpu.memory_space<vmem_shared>>) offsets(%arg9 : memref<128xi32, #tpu.memory_space<vmem>>) semaphore(%run_scoped3A : memref<!tpu.dma_semaphore, #tpu.memory_space<semaphore_mem>>) {add = true}
        %dma_wait3A_165 = arith.constant 0 : i32
        %dma_wait3A_166 = arith.constant 0 : i32
        %dma_wait3A_167 = tpu.memref_slice %arg12[%dma_wait3A_165, %dma_wait3A_166] : memref<10240x128xf32, #tpu.memory_space<vmem_shared>> -> memref<10240x128xf32, #tpu.memory_space<vmem_shared>>
        tpu.wait_indirect_dma semaphore(%run_scoped3A : memref<!tpu.dma_semaphore, #tpu.memory_space<semaphore_mem>>) src(%arg11 : memref<128x128xf32, #tpu.memory_space<vmem>>) dst(%dma_wait3A_167 : memref<10240x128xf32, #tpu.memory_space<vmem_shared>>)
        tpu.yield
      }) : () -> ()
      %dma_start3A_133 = arith.constant 7 : i32
      %dma_start3A_134 = arith.constant 0 : i32
      %dma_start3A_135 = tpu.memref_slice %arg7[%dma_start3A_133, %dma_start3A_134] : memref<8x128xi32, #tpu.memory_space<vmem>> -> memref<1x128xi32, #tpu.memory_space<vmem>>
      %dma_start3A_136 = tpu.memref_squeeze %dma_start3A_135 : memref<1x128xi32, #tpu.memory_space<vmem>> -> memref<128xi32, #tpu.memory_space<vmem>>
      %dma_start3A_137 = arith.constant 0 : i32
      %dma_start3A_138 = arith.constant 0 : i32
      %dma_start3A_139 = tpu.memref_slice %arg4[%dma_start3A_137, %dma_start3A_138] : memref<20000x128xf32, #tpu.memory_space<hbm>> -> memref<20000x128xf32, #tpu.memory_space<hbm>>
      tpu.enqueue_indirect_dma source(%dma_start3A_139 : memref<20000x128xf32, #tpu.memory_space<hbm>>) target(%arg11 : memref<128x128xf32, #tpu.memory_space<vmem>>) offsets(%dma_start3A_136 : memref<128xi32, #tpu.memory_space<vmem>>) semaphore(%arg14 : memref<!tpu.dma_semaphore, #tpu.memory_space<semaphore_mem>>)
      %add3A_140 = arith.constant 6 : i32
      %add3A_141 = arith.addi %add3A_16, %add3A_140 : i32
      %mul3A_142 = arith.constant 128 : i32
      %mul3A_143 = arith.muli %add3A_141, %mul3A_142 : i32
      "tpu.region"() ({
        %run_scoped3A = tpu.sem_alloc : memref<!tpu.dma_semaphore, #tpu.memory_space<semaphore_mem>>
        %dma_start3A_162 = tpu.memref_slice %arg3[%mul3A_143] : memref<327680xi32, #tpu.memory_space<hbm>> -> memref<128xi32, #tpu.memory_space<hbm>>
        %dma_start3A_163 = tpu.memref_slice %arg3[%mul3A_143] : memref<327680xi32, #tpu.memory_space<hbm>> -> memref<128xi32, #tpu.memory_space<hbm>>
        tpu.enqueue_dma source(%dma_start3A_163 : memref<128xi32, #tpu.memory_space<hbm>>) target(%arg8 : memref<128xi32, #tpu.memory_space<vmem>>) target_semaphore(%run_scoped3A : memref<!tpu.dma_semaphore, #tpu.memory_space<semaphore_mem>>)
        %dma_wait3A_164 = tpu.memref_slice %arg3[%mul3A_143] : memref<327680xi32, #tpu.memory_space<hbm>> -> memref<128xi32, #tpu.memory_space<hbm>>
        %dma_wait3A_165 = tpu.memref_slice %arg3[%mul3A_143] : memref<327680xi32, #tpu.memory_space<hbm>> -> memref<128xi32, #tpu.memory_space<hbm>>
        tpu.wait_dma2 semaphore(%run_scoped3A : memref<!tpu.dma_semaphore, #tpu.memory_space<semaphore_mem>>) src(%dma_wait3A_165 : memref<128xi32, #tpu.memory_space<hbm>>) dst(%arg8 : memref<128xi32, #tpu.memory_space<vmem>>)
        tpu.yield
      }) : () -> ()
      %dma_wait3A_144 = arith.constant 6 : i32
      %dma_wait3A_145 = arith.constant 0 : i32
      %dma_wait3A_146 = tpu.memref_slice %arg7[%dma_wait3A_144, %dma_wait3A_145] : memref<8x128xi32, #tpu.memory_space<vmem>> -> memref<1x128xi32, #tpu.memory_space<vmem>>
      %dma_wait3A_147 = tpu.memref_squeeze %dma_wait3A_146 : memref<1x128xi32, #tpu.memory_space<vmem>> -> memref<128xi32, #tpu.memory_space<vmem>>
      %dma_wait3A_148 = arith.constant 0 : i32
      %dma_wait3A_149 = arith.constant 0 : i32
      %dma_wait3A_150 = tpu.memref_slice %arg4[%dma_wait3A_148, %dma_wait3A_149] : memref<20000x128xf32, #tpu.memory_space<hbm>> -> memref<20000x128xf32, #tpu.memory_space<hbm>>
      tpu.wait_indirect_dma semaphore(%arg13 : memref<!tpu.dma_semaphore, #tpu.memory_space<semaphore_mem>>) src(%dma_wait3A_150 : memref<20000x128xf32, #tpu.memory_space<hbm>>) dst(%arg10 : memref<128x128xf32, #tpu.memory_space<vmem>>)
      "tpu.region"() ({
        %run_scoped3A = tpu.sem_alloc : memref<!tpu.dma_semaphore, #tpu.memory_space<semaphore_mem>>
        %dma_start3A_162 = arith.constant 0 : i32
        %dma_start3A_163 = arith.constant 0 : i32
        %dma_start3A_164 = tpu.memref_slice %arg12[%dma_start3A_162, %dma_start3A_163] : memref<10240x128xf32, #tpu.memory_space<vmem_shared>> -> memref<10240x128xf32, #tpu.memory_space<vmem_shared>>
        tpu.enqueue_indirect_dma source(%arg10 : memref<128x128xf32, #tpu.memory_space<vmem>>) target(%dma_start3A_164 : memref<10240x128xf32, #tpu.memory_space<vmem_shared>>) offsets(%arg8 : memref<128xi32, #tpu.memory_space<vmem>>) semaphore(%run_scoped3A : memref<!tpu.dma_semaphore, #tpu.memory_space<semaphore_mem>>) {add = true}
        %dma_wait3A_165 = arith.constant 0 : i32
        %dma_wait3A_166 = arith.constant 0 : i32
        %dma_wait3A_167 = tpu.memref_slice %arg12[%dma_wait3A_165, %dma_wait3A_166] : memref<10240x128xf32, #tpu.memory_space<vmem_shared>> -> memref<10240x128xf32, #tpu.memory_space<vmem_shared>>
        tpu.wait_indirect_dma semaphore(%run_scoped3A : memref<!tpu.dma_semaphore, #tpu.memory_space<semaphore_mem>>) src(%arg10 : memref<128x128xf32, #tpu.memory_space<vmem>>) dst(%dma_wait3A_167 : memref<10240x128xf32, #tpu.memory_space<vmem_shared>>)
        tpu.yield
      }) : () -> ()
      %add3A_151 = arith.constant 7 : i32
      %add3A_152 = arith.addi %add3A_16, %add3A_151 : i32
      %mul3A_153 = arith.constant 128 : i32
      %mul3A_154 = arith.muli %add3A_152, %mul3A_153 : i32
      "tpu.region"() ({
        %run_scoped3A = tpu.sem_alloc : memref<!tpu.dma_semaphore, #tpu.memory_space<semaphore_mem>>
        %dma_start3A_162 = tpu.memref_slice %arg3[%mul3A_154] : memref<327680xi32, #tpu.memory_space<hbm>> -> memref<128xi32, #tpu.memory_space<hbm>>
        %dma_start3A_163 = tpu.memref_slice %arg3[%mul3A_154] : memref<327680xi32, #tpu.memory_space<hbm>> -> memref<128xi32, #tpu.memory_space<hbm>>
        tpu.enqueue_dma source(%dma_start3A_163 : memref<128xi32, #tpu.memory_space<hbm>>) target(%arg9 : memref<128xi32, #tpu.memory_space<vmem>>) target_semaphore(%run_scoped3A : memref<!tpu.dma_semaphore, #tpu.memory_space<semaphore_mem>>)
        %dma_wait3A_164 = tpu.memref_slice %arg3[%mul3A_154] : memref<327680xi32, #tpu.memory_space<hbm>> -> memref<128xi32, #tpu.memory_space<hbm>>
        %dma_wait3A_165 = tpu.memref_slice %arg3[%mul3A_154] : memref<327680xi32, #tpu.memory_space<hbm>> -> memref<128xi32, #tpu.memory_space<hbm>>
        tpu.wait_dma2 semaphore(%run_scoped3A : memref<!tpu.dma_semaphore, #tpu.memory_space<semaphore_mem>>) src(%dma_wait3A_165 : memref<128xi32, #tpu.memory_space<hbm>>) dst(%arg9 : memref<128xi32, #tpu.memory_space<vmem>>)
        tpu.yield
      }) : () -> ()
      %dma_wait3A_155 = arith.constant 7 : i32
      %dma_wait3A_156 = arith.constant 0 : i32
      %dma_wait3A_157 = tpu.memref_slice %arg7[%dma_wait3A_155, %dma_wait3A_156] : memref<8x128xi32, #tpu.memory_space<vmem>> -> memref<1x128xi32, #tpu.memory_space<vmem>>
      %dma_wait3A_158 = tpu.memref_squeeze %dma_wait3A_157 : memref<1x128xi32, #tpu.memory_space<vmem>> -> memref<128xi32, #tpu.memory_space<vmem>>
      %dma_wait3A_159 = arith.constant 0 : i32
      %dma_wait3A_160 = arith.constant 0 : i32
      %dma_wait3A_161 = tpu.memref_slice %arg4[%dma_wait3A_159, %dma_wait3A_160] : memref<20000x128xf32, #tpu.memory_space<hbm>> -> memref<20000x128xf32, #tpu.memory_space<hbm>>
      tpu.wait_indirect_dma semaphore(%arg14 : memref<!tpu.dma_semaphore, #tpu.memory_space<semaphore_mem>>) src(%dma_wait3A_161 : memref<20000x128xf32, #tpu.memory_space<hbm>>) dst(%arg11 : memref<128x128xf32, #tpu.memory_space<vmem>>)
      "tpu.region"() ({
        %run_scoped3A = tpu.sem_alloc : memref<!tpu.dma_semaphore, #tpu.memory_space<semaphore_mem>>
        %dma_start3A_162 = arith.constant 0 : i32
        %dma_start3A_163 = arith.constant 0 : i32
        %dma_start3A_164 = tpu.memref_slice %arg12[%dma_start3A_162, %dma_start3A_163] : memref<10240x128xf32, #tpu.memory_space<vmem_shared>> -> memref<10240x128xf32, #tpu.memory_space<vmem_shared>>
        tpu.enqueue_indirect_dma source(%arg11 : memref<128x128xf32, #tpu.memory_space<vmem>>) target(%dma_start3A_164 : memref<10240x128xf32, #tpu.memory_space<vmem_shared>>) offsets(%arg9 : memref<128xi32, #tpu.memory_space<vmem>>) semaphore(%run_scoped3A : memref<!tpu.dma_semaphore, #tpu.memory_space<semaphore_mem>>) {add = true}
        %dma_wait3A_165 = arith.constant 0 : i32
        %dma_wait3A_166 = arith.constant 0 : i32
        %dma_wait3A_167 = tpu.memref_slice %arg12[%dma_wait3A_165, %dma_wait3A_166] : memref<10240x128xf32, #tpu.memory_space<vmem_shared>> -> memref<10240x128xf32, #tpu.memory_space<vmem_shared>>
        tpu.wait_indirect_dma semaphore(%run_scoped3A : memref<!tpu.dma_semaphore, #tpu.memory_space<semaphore_mem>>) src(%arg11 : memref<128x128xf32, #tpu.memory_space<vmem>>) dst(%dma_wait3A_167 : memref<10240x128xf32, #tpu.memory_space<vmem_shared>>)
        tpu.yield
      }) : () -> ()
    }
    %scan3A_5 = arith.constant 20 : i32
    %barrier3A_6 = arith.constant 0 : index
    tpu.barrier barrier_id(%barrier3A_6)
    %mul3A_7 = arith.constant 10240 : i32
    %mul3A_8 = arith.muli %arg0, %mul3A_7 : i32
    %mul3A_9 = arith.constant 640 : i32
    %mul3A_10 = arith.muli %arg1, %mul3A_9 : i32
    %add3A = arith.addi %mul3A_8, %mul3A_10 : i32
    "tpu.region"() ({
      %run_scoped3A = tpu.sem_alloc : memref<!tpu.dma_semaphore, #tpu.memory_space<semaphore_mem>>
      %dma_start3A = arith.constant 0 : i32
      %dma_start3A_11 = tpu.memref_slice %arg6[%add3A, %dma_start3A] : memref<20480x128xf32, #tpu.memory_space<hbm>> -> memref<640x128xf32, #tpu.memory_space<hbm>>
      %dma_start3A_12 = arith.constant 0 : i32
      %dma_start3A_13 = tpu.memref_slice %arg12[%mul3A_0, %dma_start3A_12] : memref<10240x128xf32, #tpu.memory_space<vmem_shared>> -> memref<640x128xf32, #tpu.memory_space<vmem_shared>>
      tpu.enqueue_dma source(%dma_start3A_13 : memref<640x128xf32, #tpu.memory_space<vmem_shared>>) target(%dma_start3A_11 : memref<640x128xf32, #tpu.memory_space<hbm>>) target_semaphore(%run_scoped3A : memref<!tpu.dma_semaphore, #tpu.memory_space<semaphore_mem>>)
      %dma_wait3A = arith.constant 0 : i32
      %dma_wait3A_14 = tpu.memref_slice %arg6[%add3A, %dma_wait3A] : memref<20480x128xf32, #tpu.memory_space<hbm>> -> memref<640x128xf32, #tpu.memory_space<hbm>>
      %dma_wait3A_15 = arith.constant 0 : i32
      %dma_wait3A_16 = tpu.memref_slice %arg12[%mul3A_0, %dma_wait3A_15] : memref<10240x128xf32, #tpu.memory_space<vmem_shared>> -> memref<640x128xf32, #tpu.memory_space<vmem_shared>>
      tpu.wait_dma2 semaphore(%run_scoped3A : memref<!tpu.dma_semaphore, #tpu.memory_space<semaphore_mem>>) src(%dma_wait3A_16 : memref<640x128xf32, #tpu.memory_space<vmem_shared>>) dst(%dma_wait3A_14 : memref<640x128xf32, #tpu.memory_space<hbm>>)
      tpu.yield
    }) : () -> ()
    return
  }
}

#map = affine_map<(d0, d1) -> (0, 0)>
#map1 = affine_map<(d0, d1) -> (0)>
module attributes {stable_mosaic.version = 14 : i64} {
  func.func @_agg2(%arg0: i32, %arg1: i32, %arg2: memref<5120x128xi32, #tpu.memory_space<hbm>>, %arg3: memref<327680xi32, #tpu.memory_space<hbm>>, %arg4: memref<20000x128xf32, #tpu.memory_space<hbm>>, %arg5: memref<640x128xf32, #tpu.memory_space<hbm>>, %arg6: memref<20480x128xf32, #tpu.memory_space<hbm>>, %arg7: memref<8x128xi32, #tpu.memory_space<vmem>>, %arg8: memref<128xi32, #tpu.memory_space<vmem>>, %arg9: memref<128xi32, #tpu.memory_space<vmem>>, %arg10: memref<128x128xf32, #tpu.memory_space<vmem>>, %arg11: memref<128x128xf32, #tpu.memory_space<vmem>>, %arg12: memref<10240x128xf32, #tpu.memory_space<vmem_shared>>, %arg13: memref<!tpu.dma_semaphore, #tpu.memory_space<semaphore_mem>>, %arg14: memref<!tpu.dma_semaphore, #tpu.memory_space<semaphore_mem>>) attributes {dimension_semantics = [#tpu.dimension_semantics<core_parallel>, #tpu.dimension_semantics<subcore_parallel>], iteration_bounds = array<i64: 2, 16>, scalar_prefetch = 0 : i64, scratch_operands = 8 : i64, tpu.core_type = #tpu.core_type<sc_vector_subcore>, window_params = [{transform_indices = #map}, {transform_indices = #map1}, {transform_indices = #map}, {transform_indices = #map}, {transform_indices = #map}]} {
    %mul3A = arith.constant 640 : i32
    %mul3A_0 = arith.muli %arg1, %mul3A : i32
    "tpu.region"() ({
      %run_scoped3A = tpu.sem_alloc : memref<!tpu.dma_semaphore, #tpu.memory_space<semaphore_mem>>
      %dma_start3A = arith.constant 0 : i32
      %dma_start3A_11 = tpu.memref_slice %arg12[%mul3A_0, %dma_start3A] : memref<10240x128xf32, #tpu.memory_space<vmem_shared>> -> memref<640x128xf32, #tpu.memory_space<vmem_shared>>
      tpu.enqueue_dma source(%arg5 : memref<640x128xf32, #tpu.memory_space<hbm>>) target(%dma_start3A_11 : memref<640x128xf32, #tpu.memory_space<vmem_shared>>) target_semaphore(%run_scoped3A : memref<!tpu.dma_semaphore, #tpu.memory_space<semaphore_mem>>)
      %dma_wait3A = arith.constant 0 : i32
      %dma_wait3A_12 = tpu.memref_slice %arg12[%mul3A_0, %dma_wait3A] : memref<10240x128xf32, #tpu.memory_space<vmem_shared>> -> memref<640x128xf32, #tpu.memory_space<vmem_shared>>
      tpu.wait_dma2 semaphore(%run_scoped3A : memref<!tpu.dma_semaphore, #tpu.memory_space<semaphore_mem>>) src(%arg5 : memref<640x128xf32, #tpu.memory_space<hbm>>) dst(%dma_wait3A_12 : memref<640x128xf32, #tpu.memory_space<vmem_shared>>)
      tpu.yield
    }) : () -> ()
    %barrier3A = arith.constant 0 : index
    tpu.barrier barrier_id(%barrier3A)
    %scan3A = arith.constant 0 : i32
    %scan3A_1 = arith.constant 0 : i32
    %scan3A_2 = arith.constant 20 : i32
    %scan3A_3 = arith.addi %scan3A_1, %scan3A_2 : i32
    %scan3A_4 = arith.constant 1 : i32
    scf.for %scan3A_11 = %scan3A_1 to %scan3A_3 step %scan3A_4  : i32 {
      %mul3A_12 = arith.constant 160 : i32
      %mul3A_13 = arith.muli %arg1, %mul3A_12 : i32
      %mul3A_14 = arith.constant 8 : i32
      %mul3A_15 = arith.muli %scan3A_11, %mul3A_14 : i32
      %add3A_16 = arith.addi %mul3A_13, %mul3A_15 : i32
      %mul3A_17 = arith.constant 2560 : i32
      %mul3A_18 = arith.muli %arg0, %mul3A_17 : i32
      %add3A_19 = arith.addi %mul3A_18, %add3A_16 : i32
      "tpu.region"() ({
        %run_scoped3A = tpu.sem_alloc : memref<!tpu.dma_semaphore, #tpu.memory_space<semaphore_mem>>
        %dma_start3A_162 = arith.constant 0 : i32
        %dma_start3A_163 = tpu.memref_slice %arg2[%add3A_19, %dma_start3A_162] : memref<5120x128xi32, #tpu.memory_space<hbm>> -> memref<8x128xi32, #tpu.memory_space<hbm>>
        %dma_start3A_164 = arith.constant 0 : i32
        %dma_start3A_165 = tpu.memref_slice %arg2[%add3A_19, %dma_start3A_164] : memref<5120x128xi32, #tpu.memory_space<hbm>> -> memref<8x128xi32, #tpu.memory_space<hbm>>
        tpu.enqueue_dma source(%dma_start3A_165 : memref<8x128xi32, #tpu.memory_space<hbm>>) target(%arg7 : memref<8x128xi32, #tpu.memory_space<vmem>>) target_semaphore(%run_scoped3A : memref<!tpu.dma_semaphore, #tpu.memory_space<semaphore_mem>>)
        %dma_wait3A_166 = arith.constant 0 : i32
        %dma_wait3A_167 = tpu.memref_slice %arg2[%add3A_19, %dma_wait3A_166] : memref<5120x128xi32, #tpu.memory_space<hbm>> -> memref<8x128xi32, #tpu.memory_space<hbm>>
        %dma_wait3A_168 = arith.constant 0 : i32
        %dma_wait3A_169 = tpu.memref_slice %arg2[%add3A_19, %dma_wait3A_168] : memref<5120x128xi32, #tpu.memory_space<hbm>> -> memref<8x128xi32, #tpu.memory_space<hbm>>
        tpu.wait_dma2 semaphore(%run_scoped3A : memref<!tpu.dma_semaphore, #tpu.memory_space<semaphore_mem>>) src(%dma_wait3A_169 : memref<8x128xi32, #tpu.memory_space<hbm>>) dst(%arg7 : memref<8x128xi32, #tpu.memory_space<vmem>>)
        tpu.yield
      }) : () -> ()
      %dma_start3A = arith.constant 0 : i32
      %dma_start3A_20 = arith.constant 0 : i32
      %dma_start3A_21 = tpu.memref_slice %arg7[%dma_start3A, %dma_start3A_20] : memref<8x128xi32, #tpu.memory_space<vmem>> -> memref<1x128xi32, #tpu.memory_space<vmem>>
      %dma_start3A_22 = tpu.memref_squeeze %dma_start3A_21 : memref<1x128xi32, #tpu.memory_space<vmem>> -> memref<128xi32, #tpu.memory_space<vmem>>
      %dma_start3A_23 = arith.constant 0 : i32
      %dma_start3A_24 = arith.constant 0 : i32
      %dma_start3A_25 = tpu.memref_slice %arg4[%dma_start3A_23, %dma_start3A_24] : memref<20000x128xf32, #tpu.memory_space<hbm>> -> memref<20000x128xf32, #tpu.memory_space<hbm>>
      tpu.enqueue_indirect_dma source(%dma_start3A_25 : memref<20000x128xf32, #tpu.memory_space<hbm>>) target(%arg10 : memref<128x128xf32, #tpu.memory_space<vmem>>) offsets(%dma_start3A_22 : memref<128xi32, #tpu.memory_space<vmem>>) semaphore(%arg13 : memref<!tpu.dma_semaphore, #tpu.memory_space<semaphore_mem>>)
      %dma_start3A_26 = arith.constant 1 : i32
      %dma_start3A_27 = arith.constant 0 : i32
      %dma_start3A_28 = tpu.memref_slice %arg7[%dma_start3A_26, %dma_start3A_27] : memref<8x128xi32, #tpu.memory_space<vmem>> -> memref<1x128xi32, #tpu.memory_space<vmem>>
      %dma_start3A_29 = tpu.memref_squeeze %dma_start3A_28 : memref<1x128xi32, #tpu.memory_space<vmem>> -> memref<128xi32, #tpu.memory_space<vmem>>
      %dma_start3A_30 = arith.constant 0 : i32
      %dma_start3A_31 = arith.constant 0 : i32
      %dma_start3A_32 = tpu.memref_slice %arg4[%dma_start3A_30, %dma_start3A_31] : memref<20000x128xf32, #tpu.memory_space<hbm>> -> memref<20000x128xf32, #tpu.memory_space<hbm>>
      tpu.enqueue_indirect_dma source(%dma_start3A_32 : memref<20000x128xf32, #tpu.memory_space<hbm>>) target(%arg11 : memref<128x128xf32, #tpu.memory_space<vmem>>) offsets(%dma_start3A_29 : memref<128xi32, #tpu.memory_space<vmem>>) semaphore(%arg14 : memref<!tpu.dma_semaphore, #tpu.memory_space<semaphore_mem>>)
      %add3A_33 = arith.constant 0 : i32
      %add3A_34 = arith.addi %add3A_16, %add3A_33 : i32
      %mul3A_35 = arith.constant 128 : i32
      %mul3A_36 = arith.muli %add3A_34, %mul3A_35 : i32
      "tpu.region"() ({
        %run_scoped3A = tpu.sem_alloc : memref<!tpu.dma_semaphore, #tpu.memory_space<semaphore_mem>>
        %dma_start3A_162 = tpu.memref_slice %arg3[%mul3A_36] : memref<327680xi32, #tpu.memory_space<hbm>> -> memref<128xi32, #tpu.memory_space<hbm>>
        %dma_start3A_163 = tpu.memref_slice %arg3[%mul3A_36] : memref<327680xi32, #tpu.memory_space<hbm>> -> memref<128xi32, #tpu.memory_space<hbm>>
        tpu.enqueue_dma source(%dma_start3A_163 : memref<128xi32, #tpu.memory_space<hbm>>) target(%arg8 : memref<128xi32, #tpu.memory_space<vmem>>) target_semaphore(%run_scoped3A : memref<!tpu.dma_semaphore, #tpu.memory_space<semaphore_mem>>)
        %dma_wait3A_164 = tpu.memref_slice %arg3[%mul3A_36] : memref<327680xi32, #tpu.memory_space<hbm>> -> memref<128xi32, #tpu.memory_space<hbm>>
        %dma_wait3A_165 = tpu.memref_slice %arg3[%mul3A_36] : memref<327680xi32, #tpu.memory_space<hbm>> -> memref<128xi32, #tpu.memory_space<hbm>>
        tpu.wait_dma2 semaphore(%run_scoped3A : memref<!tpu.dma_semaphore, #tpu.memory_space<semaphore_mem>>) src(%dma_wait3A_165 : memref<128xi32, #tpu.memory_space<hbm>>) dst(%arg8 : memref<128xi32, #tpu.memory_space<vmem>>)
        tpu.yield
      }) : () -> ()
      %dma_wait3A = arith.constant 0 : i32
      %dma_wait3A_37 = arith.constant 0 : i32
      %dma_wait3A_38 = tpu.memref_slice %arg7[%dma_wait3A, %dma_wait3A_37] : memref<8x128xi32, #tpu.memory_space<vmem>> -> memref<1x128xi32, #tpu.memory_space<vmem>>
      %dma_wait3A_39 = tpu.memref_squeeze %dma_wait3A_38 : memref<1x128xi32, #tpu.memory_space<vmem>> -> memref<128xi32, #tpu.memory_space<vmem>>
      %dma_wait3A_40 = arith.constant 0 : i32
      %dma_wait3A_41 = arith.constant 0 : i32
      %dma_wait3A_42 = tpu.memref_slice %arg4[%dma_wait3A_40, %dma_wait3A_41] : memref<20000x128xf32, #tpu.memory_space<hbm>> -> memref<20000x128xf32, #tpu.memory_space<hbm>>
      tpu.wait_indirect_dma semaphore(%arg13 : memref<!tpu.dma_semaphore, #tpu.memory_space<semaphore_mem>>) src(%dma_wait3A_42 : memref<20000x128xf32, #tpu.memory_space<hbm>>) dst(%arg10 : memref<128x128xf32, #tpu.memory_space<vmem>>)
      "tpu.region"() ({
        %run_scoped3A = tpu.sem_alloc : memref<!tpu.dma_semaphore, #tpu.memory_space<semaphore_mem>>
        %dma_start3A_162 = arith.constant 0 : i32
        %dma_start3A_163 = arith.constant 0 : i32
        %dma_start3A_164 = tpu.memref_slice %arg12[%dma_start3A_162, %dma_start3A_163] : memref<10240x128xf32, #tpu.memory_space<vmem_shared>> -> memref<10240x128xf32, #tpu.memory_space<vmem_shared>>
        tpu.enqueue_indirect_dma source(%arg10 : memref<128x128xf32, #tpu.memory_space<vmem>>) target(%dma_start3A_164 : memref<10240x128xf32, #tpu.memory_space<vmem_shared>>) offsets(%arg8 : memref<128xi32, #tpu.memory_space<vmem>>) semaphore(%run_scoped3A : memref<!tpu.dma_semaphore, #tpu.memory_space<semaphore_mem>>) {add = true}
        %dma_wait3A_165 = arith.constant 0 : i32
        %dma_wait3A_166 = arith.constant 0 : i32
        %dma_wait3A_167 = tpu.memref_slice %arg12[%dma_wait3A_165, %dma_wait3A_166] : memref<10240x128xf32, #tpu.memory_space<vmem_shared>> -> memref<10240x128xf32, #tpu.memory_space<vmem_shared>>
        tpu.wait_indirect_dma semaphore(%run_scoped3A : memref<!tpu.dma_semaphore, #tpu.memory_space<semaphore_mem>>) src(%arg10 : memref<128x128xf32, #tpu.memory_space<vmem>>) dst(%dma_wait3A_167 : memref<10240x128xf32, #tpu.memory_space<vmem_shared>>)
        tpu.yield
      }) : () -> ()
      %dma_start3A_43 = arith.constant 2 : i32
      %dma_start3A_44 = arith.constant 0 : i32
      %dma_start3A_45 = tpu.memref_slice %arg7[%dma_start3A_43, %dma_start3A_44] : memref<8x128xi32, #tpu.memory_space<vmem>> -> memref<1x128xi32, #tpu.memory_space<vmem>>
      %dma_start3A_46 = tpu.memref_squeeze %dma_start3A_45 : memref<1x128xi32, #tpu.memory_space<vmem>> -> memref<128xi32, #tpu.memory_space<vmem>>
      %dma_start3A_47 = arith.constant 0 : i32
      %dma_start3A_48 = arith.constant 0 : i32
      %dma_start3A_49 = tpu.memref_slice %arg4[%dma_start3A_47, %dma_start3A_48] : memref<20000x128xf32, #tpu.memory_space<hbm>> -> memref<20000x128xf32, #tpu.memory_space<hbm>>
      tpu.enqueue_indirect_dma source(%dma_start3A_49 : memref<20000x128xf32, #tpu.memory_space<hbm>>) target(%arg10 : memref<128x128xf32, #tpu.memory_space<vmem>>) offsets(%dma_start3A_46 : memref<128xi32, #tpu.memory_space<vmem>>) semaphore(%arg13 : memref<!tpu.dma_semaphore, #tpu.memory_space<semaphore_mem>>)
      %add3A_50 = arith.constant 1 : i32
      %add3A_51 = arith.addi %add3A_16, %add3A_50 : i32
      %mul3A_52 = arith.constant 128 : i32
      %mul3A_53 = arith.muli %add3A_51, %mul3A_52 : i32
      "tpu.region"() ({
        %run_scoped3A = tpu.sem_alloc : memref<!tpu.dma_semaphore, #tpu.memory_space<semaphore_mem>>
        %dma_start3A_162 = tpu.memref_slice %arg3[%mul3A_53] : memref<327680xi32, #tpu.memory_space<hbm>> -> memref<128xi32, #tpu.memory_space<hbm>>
        %dma_start3A_163 = tpu.memref_slice %arg3[%mul3A_53] : memref<327680xi32, #tpu.memory_space<hbm>> -> memref<128xi32, #tpu.memory_space<hbm>>
        tpu.enqueue_dma source(%dma_start3A_163 : memref<128xi32, #tpu.memory_space<hbm>>) target(%arg9 : memref<128xi32, #tpu.memory_space<vmem>>) target_semaphore(%run_scoped3A : memref<!tpu.dma_semaphore, #tpu.memory_space<semaphore_mem>>)
        %dma_wait3A_164 = tpu.memref_slice %arg3[%mul3A_53] : memref<327680xi32, #tpu.memory_space<hbm>> -> memref<128xi32, #tpu.memory_space<hbm>>
        %dma_wait3A_165 = tpu.memref_slice %arg3[%mul3A_53] : memref<327680xi32, #tpu.memory_space<hbm>> -> memref<128xi32, #tpu.memory_space<hbm>>
        tpu.wait_dma2 semaphore(%run_scoped3A : memref<!tpu.dma_semaphore, #tpu.memory_space<semaphore_mem>>) src(%dma_wait3A_165 : memref<128xi32, #tpu.memory_space<hbm>>) dst(%arg9 : memref<128xi32, #tpu.memory_space<vmem>>)
        tpu.yield
      }) : () -> ()
      %dma_wait3A_54 = arith.constant 1 : i32
      %dma_wait3A_55 = arith.constant 0 : i32
      %dma_wait3A_56 = tpu.memref_slice %arg7[%dma_wait3A_54, %dma_wait3A_55] : memref<8x128xi32, #tpu.memory_space<vmem>> -> memref<1x128xi32, #tpu.memory_space<vmem>>
      %dma_wait3A_57 = tpu.memref_squeeze %dma_wait3A_56 : memref<1x128xi32, #tpu.memory_space<vmem>> -> memref<128xi32, #tpu.memory_space<vmem>>
      %dma_wait3A_58 = arith.constant 0 : i32
      %dma_wait3A_59 = arith.constant 0 : i32
      %dma_wait3A_60 = tpu.memref_slice %arg4[%dma_wait3A_58, %dma_wait3A_59] : memref<20000x128xf32, #tpu.memory_space<hbm>> -> memref<20000x128xf32, #tpu.memory_space<hbm>>
      tpu.wait_indirect_dma semaphore(%arg14 : memref<!tpu.dma_semaphore, #tpu.memory_space<semaphore_mem>>) src(%dma_wait3A_60 : memref<20000x128xf32, #tpu.memory_space<hbm>>) dst(%arg11 : memref<128x128xf32, #tpu.memory_space<vmem>>)
      "tpu.region"() ({
        %run_scoped3A = tpu.sem_alloc : memref<!tpu.dma_semaphore, #tpu.memory_space<semaphore_mem>>
        %dma_start3A_162 = arith.constant 0 : i32
        %dma_start3A_163 = arith.constant 0 : i32
        %dma_start3A_164 = tpu.memref_slice %arg12[%dma_start3A_162, %dma_start3A_163] : memref<10240x128xf32, #tpu.memory_space<vmem_shared>> -> memref<10240x128xf32, #tpu.memory_space<vmem_shared>>
        tpu.enqueue_indirect_dma source(%arg11 : memref<128x128xf32, #tpu.memory_space<vmem>>) target(%dma_start3A_164 : memref<10240x128xf32, #tpu.memory_space<vmem_shared>>) offsets(%arg9 : memref<128xi32, #tpu.memory_space<vmem>>) semaphore(%run_scoped3A : memref<!tpu.dma_semaphore, #tpu.memory_space<semaphore_mem>>) {add = true}
        %dma_wait3A_165 = arith.constant 0 : i32
        %dma_wait3A_166 = arith.constant 0 : i32
        %dma_wait3A_167 = tpu.memref_slice %arg12[%dma_wait3A_165, %dma_wait3A_166] : memref<10240x128xf32, #tpu.memory_space<vmem_shared>> -> memref<10240x128xf32, #tpu.memory_space<vmem_shared>>
        tpu.wait_indirect_dma semaphore(%run_scoped3A : memref<!tpu.dma_semaphore, #tpu.memory_space<semaphore_mem>>) src(%arg11 : memref<128x128xf32, #tpu.memory_space<vmem>>) dst(%dma_wait3A_167 : memref<10240x128xf32, #tpu.memory_space<vmem_shared>>)
        tpu.yield
      }) : () -> ()
      %dma_start3A_61 = arith.constant 3 : i32
      %dma_start3A_62 = arith.constant 0 : i32
      %dma_start3A_63 = tpu.memref_slice %arg7[%dma_start3A_61, %dma_start3A_62] : memref<8x128xi32, #tpu.memory_space<vmem>> -> memref<1x128xi32, #tpu.memory_space<vmem>>
      %dma_start3A_64 = tpu.memref_squeeze %dma_start3A_63 : memref<1x128xi32, #tpu.memory_space<vmem>> -> memref<128xi32, #tpu.memory_space<vmem>>
      %dma_start3A_65 = arith.constant 0 : i32
      %dma_start3A_66 = arith.constant 0 : i32
      %dma_start3A_67 = tpu.memref_slice %arg4[%dma_start3A_65, %dma_start3A_66] : memref<20000x128xf32, #tpu.memory_space<hbm>> -> memref<20000x128xf32, #tpu.memory_space<hbm>>
      tpu.enqueue_indirect_dma source(%dma_start3A_67 : memref<20000x128xf32, #tpu.memory_space<hbm>>) target(%arg11 : memref<128x128xf32, #tpu.memory_space<vmem>>) offsets(%dma_start3A_64 : memref<128xi32, #tpu.memory_space<vmem>>) semaphore(%arg14 : memref<!tpu.dma_semaphore, #tpu.memory_space<semaphore_mem>>)
      %add3A_68 = arith.constant 2 : i32
      %add3A_69 = arith.addi %add3A_16, %add3A_68 : i32
      %mul3A_70 = arith.constant 128 : i32
      %mul3A_71 = arith.muli %add3A_69, %mul3A_70 : i32
      "tpu.region"() ({
        %run_scoped3A = tpu.sem_alloc : memref<!tpu.dma_semaphore, #tpu.memory_space<semaphore_mem>>
        %dma_start3A_162 = tpu.memref_slice %arg3[%mul3A_71] : memref<327680xi32, #tpu.memory_space<hbm>> -> memref<128xi32, #tpu.memory_space<hbm>>
        %dma_start3A_163 = tpu.memref_slice %arg3[%mul3A_71] : memref<327680xi32, #tpu.memory_space<hbm>> -> memref<128xi32, #tpu.memory_space<hbm>>
        tpu.enqueue_dma source(%dma_start3A_163 : memref<128xi32, #tpu.memory_space<hbm>>) target(%arg8 : memref<128xi32, #tpu.memory_space<vmem>>) target_semaphore(%run_scoped3A : memref<!tpu.dma_semaphore, #tpu.memory_space<semaphore_mem>>)
        %dma_wait3A_164 = tpu.memref_slice %arg3[%mul3A_71] : memref<327680xi32, #tpu.memory_space<hbm>> -> memref<128xi32, #tpu.memory_space<hbm>>
        %dma_wait3A_165 = tpu.memref_slice %arg3[%mul3A_71] : memref<327680xi32, #tpu.memory_space<hbm>> -> memref<128xi32, #tpu.memory_space<hbm>>
        tpu.wait_dma2 semaphore(%run_scoped3A : memref<!tpu.dma_semaphore, #tpu.memory_space<semaphore_mem>>) src(%dma_wait3A_165 : memref<128xi32, #tpu.memory_space<hbm>>) dst(%arg8 : memref<128xi32, #tpu.memory_space<vmem>>)
        tpu.yield
      }) : () -> ()
      %dma_wait3A_72 = arith.constant 2 : i32
      %dma_wait3A_73 = arith.constant 0 : i32
      %dma_wait3A_74 = tpu.memref_slice %arg7[%dma_wait3A_72, %dma_wait3A_73] : memref<8x128xi32, #tpu.memory_space<vmem>> -> memref<1x128xi32, #tpu.memory_space<vmem>>
      %dma_wait3A_75 = tpu.memref_squeeze %dma_wait3A_74 : memref<1x128xi32, #tpu.memory_space<vmem>> -> memref<128xi32, #tpu.memory_space<vmem>>
      %dma_wait3A_76 = arith.constant 0 : i32
      %dma_wait3A_77 = arith.constant 0 : i32
      %dma_wait3A_78 = tpu.memref_slice %arg4[%dma_wait3A_76, %dma_wait3A_77] : memref<20000x128xf32, #tpu.memory_space<hbm>> -> memref<20000x128xf32, #tpu.memory_space<hbm>>
      tpu.wait_indirect_dma semaphore(%arg13 : memref<!tpu.dma_semaphore, #tpu.memory_space<semaphore_mem>>) src(%dma_wait3A_78 : memref<20000x128xf32, #tpu.memory_space<hbm>>) dst(%arg10 : memref<128x128xf32, #tpu.memory_space<vmem>>)
      "tpu.region"() ({
        %run_scoped3A = tpu.sem_alloc : memref<!tpu.dma_semaphore, #tpu.memory_space<semaphore_mem>>
        %dma_start3A_162 = arith.constant 0 : i32
        %dma_start3A_163 = arith.constant 0 : i32
        %dma_start3A_164 = tpu.memref_slice %arg12[%dma_start3A_162, %dma_start3A_163] : memref<10240x128xf32, #tpu.memory_space<vmem_shared>> -> memref<10240x128xf32, #tpu.memory_space<vmem_shared>>
        tpu.enqueue_indirect_dma source(%arg10 : memref<128x128xf32, #tpu.memory_space<vmem>>) target(%dma_start3A_164 : memref<10240x128xf32, #tpu.memory_space<vmem_shared>>) offsets(%arg8 : memref<128xi32, #tpu.memory_space<vmem>>) semaphore(%run_scoped3A : memref<!tpu.dma_semaphore, #tpu.memory_space<semaphore_mem>>) {add = true}
        %dma_wait3A_165 = arith.constant 0 : i32
        %dma_wait3A_166 = arith.constant 0 : i32
        %dma_wait3A_167 = tpu.memref_slice %arg12[%dma_wait3A_165, %dma_wait3A_166] : memref<10240x128xf32, #tpu.memory_space<vmem_shared>> -> memref<10240x128xf32, #tpu.memory_space<vmem_shared>>
        tpu.wait_indirect_dma semaphore(%run_scoped3A : memref<!tpu.dma_semaphore, #tpu.memory_space<semaphore_mem>>) src(%arg10 : memref<128x128xf32, #tpu.memory_space<vmem>>) dst(%dma_wait3A_167 : memref<10240x128xf32, #tpu.memory_space<vmem_shared>>)
        tpu.yield
      }) : () -> ()
      %dma_start3A_79 = arith.constant 4 : i32
      %dma_start3A_80 = arith.constant 0 : i32
      %dma_start3A_81 = tpu.memref_slice %arg7[%dma_start3A_79, %dma_start3A_80] : memref<8x128xi32, #tpu.memory_space<vmem>> -> memref<1x128xi32, #tpu.memory_space<vmem>>
      %dma_start3A_82 = tpu.memref_squeeze %dma_start3A_81 : memref<1x128xi32, #tpu.memory_space<vmem>> -> memref<128xi32, #tpu.memory_space<vmem>>
      %dma_start3A_83 = arith.constant 0 : i32
      %dma_start3A_84 = arith.constant 0 : i32
      %dma_start3A_85 = tpu.memref_slice %arg4[%dma_start3A_83, %dma_start3A_84] : memref<20000x128xf32, #tpu.memory_space<hbm>> -> memref<20000x128xf32, #tpu.memory_space<hbm>>
      tpu.enqueue_indirect_dma source(%dma_start3A_85 : memref<20000x128xf32, #tpu.memory_space<hbm>>) target(%arg10 : memref<128x128xf32, #tpu.memory_space<vmem>>) offsets(%dma_start3A_82 : memref<128xi32, #tpu.memory_space<vmem>>) semaphore(%arg13 : memref<!tpu.dma_semaphore, #tpu.memory_space<semaphore_mem>>)
      %add3A_86 = arith.constant 3 : i32
      %add3A_87 = arith.addi %add3A_16, %add3A_86 : i32
      %mul3A_88 = arith.constant 128 : i32
      %mul3A_89 = arith.muli %add3A_87, %mul3A_88 : i32
      "tpu.region"() ({
        %run_scoped3A = tpu.sem_alloc : memref<!tpu.dma_semaphore, #tpu.memory_space<semaphore_mem>>
        %dma_start3A_162 = tpu.memref_slice %arg3[%mul3A_89] : memref<327680xi32, #tpu.memory_space<hbm>> -> memref<128xi32, #tpu.memory_space<hbm>>
        %dma_start3A_163 = tpu.memref_slice %arg3[%mul3A_89] : memref<327680xi32, #tpu.memory_space<hbm>> -> memref<128xi32, #tpu.memory_space<hbm>>
        tpu.enqueue_dma source(%dma_start3A_163 : memref<128xi32, #tpu.memory_space<hbm>>) target(%arg9 : memref<128xi32, #tpu.memory_space<vmem>>) target_semaphore(%run_scoped3A : memref<!tpu.dma_semaphore, #tpu.memory_space<semaphore_mem>>)
        %dma_wait3A_164 = tpu.memref_slice %arg3[%mul3A_89] : memref<327680xi32, #tpu.memory_space<hbm>> -> memref<128xi32, #tpu.memory_space<hbm>>
        %dma_wait3A_165 = tpu.memref_slice %arg3[%mul3A_89] : memref<327680xi32, #tpu.memory_space<hbm>> -> memref<128xi32, #tpu.memory_space<hbm>>
        tpu.wait_dma2 semaphore(%run_scoped3A : memref<!tpu.dma_semaphore, #tpu.memory_space<semaphore_mem>>) src(%dma_wait3A_165 : memref<128xi32, #tpu.memory_space<hbm>>) dst(%arg9 : memref<128xi32, #tpu.memory_space<vmem>>)
        tpu.yield
      }) : () -> ()
      %dma_wait3A_90 = arith.constant 3 : i32
      %dma_wait3A_91 = arith.constant 0 : i32
      %dma_wait3A_92 = tpu.memref_slice %arg7[%dma_wait3A_90, %dma_wait3A_91] : memref<8x128xi32, #tpu.memory_space<vmem>> -> memref<1x128xi32, #tpu.memory_space<vmem>>
      %dma_wait3A_93 = tpu.memref_squeeze %dma_wait3A_92 : memref<1x128xi32, #tpu.memory_space<vmem>> -> memref<128xi32, #tpu.memory_space<vmem>>
      %dma_wait3A_94 = arith.constant 0 : i32
      %dma_wait3A_95 = arith.constant 0 : i32
      %dma_wait3A_96 = tpu.memref_slice %arg4[%dma_wait3A_94, %dma_wait3A_95] : memref<20000x128xf32, #tpu.memory_space<hbm>> -> memref<20000x128xf32, #tpu.memory_space<hbm>>
      tpu.wait_indirect_dma semaphore(%arg14 : memref<!tpu.dma_semaphore, #tpu.memory_space<semaphore_mem>>) src(%dma_wait3A_96 : memref<20000x128xf32, #tpu.memory_space<hbm>>) dst(%arg11 : memref<128x128xf32, #tpu.memory_space<vmem>>)
      "tpu.region"() ({
        %run_scoped3A = tpu.sem_alloc : memref<!tpu.dma_semaphore, #tpu.memory_space<semaphore_mem>>
        %dma_start3A_162 = arith.constant 0 : i32
        %dma_start3A_163 = arith.constant 0 : i32
        %dma_start3A_164 = tpu.memref_slice %arg12[%dma_start3A_162, %dma_start3A_163] : memref<10240x128xf32, #tpu.memory_space<vmem_shared>> -> memref<10240x128xf32, #tpu.memory_space<vmem_shared>>
        tpu.enqueue_indirect_dma source(%arg11 : memref<128x128xf32, #tpu.memory_space<vmem>>) target(%dma_start3A_164 : memref<10240x128xf32, #tpu.memory_space<vmem_shared>>) offsets(%arg9 : memref<128xi32, #tpu.memory_space<vmem>>) semaphore(%run_scoped3A : memref<!tpu.dma_semaphore, #tpu.memory_space<semaphore_mem>>) {add = true}
        %dma_wait3A_165 = arith.constant 0 : i32
        %dma_wait3A_166 = arith.constant 0 : i32
        %dma_wait3A_167 = tpu.memref_slice %arg12[%dma_wait3A_165, %dma_wait3A_166] : memref<10240x128xf32, #tpu.memory_space<vmem_shared>> -> memref<10240x128xf32, #tpu.memory_space<vmem_shared>>
        tpu.wait_indirect_dma semaphore(%run_scoped3A : memref<!tpu.dma_semaphore, #tpu.memory_space<semaphore_mem>>) src(%arg11 : memref<128x128xf32, #tpu.memory_space<vmem>>) dst(%dma_wait3A_167 : memref<10240x128xf32, #tpu.memory_space<vmem_shared>>)
        tpu.yield
      }) : () -> ()
      %dma_start3A_97 = arith.constant 5 : i32
      %dma_start3A_98 = arith.constant 0 : i32
      %dma_start3A_99 = tpu.memref_slice %arg7[%dma_start3A_97, %dma_start3A_98] : memref<8x128xi32, #tpu.memory_space<vmem>> -> memref<1x128xi32, #tpu.memory_space<vmem>>
      %dma_start3A_100 = tpu.memref_squeeze %dma_start3A_99 : memref<1x128xi32, #tpu.memory_space<vmem>> -> memref<128xi32, #tpu.memory_space<vmem>>
      %dma_start3A_101 = arith.constant 0 : i32
      %dma_start3A_102 = arith.constant 0 : i32
      %dma_start3A_103 = tpu.memref_slice %arg4[%dma_start3A_101, %dma_start3A_102] : memref<20000x128xf32, #tpu.memory_space<hbm>> -> memref<20000x128xf32, #tpu.memory_space<hbm>>
      tpu.enqueue_indirect_dma source(%dma_start3A_103 : memref<20000x128xf32, #tpu.memory_space<hbm>>) target(%arg11 : memref<128x128xf32, #tpu.memory_space<vmem>>) offsets(%dma_start3A_100 : memref<128xi32, #tpu.memory_space<vmem>>) semaphore(%arg14 : memref<!tpu.dma_semaphore, #tpu.memory_space<semaphore_mem>>)
      %add3A_104 = arith.constant 4 : i32
      %add3A_105 = arith.addi %add3A_16, %add3A_104 : i32
      %mul3A_106 = arith.constant 128 : i32
      %mul3A_107 = arith.muli %add3A_105, %mul3A_106 : i32
      "tpu.region"() ({
        %run_scoped3A = tpu.sem_alloc : memref<!tpu.dma_semaphore, #tpu.memory_space<semaphore_mem>>
        %dma_start3A_162 = tpu.memref_slice %arg3[%mul3A_107] : memref<327680xi32, #tpu.memory_space<hbm>> -> memref<128xi32, #tpu.memory_space<hbm>>
        %dma_start3A_163 = tpu.memref_slice %arg3[%mul3A_107] : memref<327680xi32, #tpu.memory_space<hbm>> -> memref<128xi32, #tpu.memory_space<hbm>>
        tpu.enqueue_dma source(%dma_start3A_163 : memref<128xi32, #tpu.memory_space<hbm>>) target(%arg8 : memref<128xi32, #tpu.memory_space<vmem>>) target_semaphore(%run_scoped3A : memref<!tpu.dma_semaphore, #tpu.memory_space<semaphore_mem>>)
        %dma_wait3A_164 = tpu.memref_slice %arg3[%mul3A_107] : memref<327680xi32, #tpu.memory_space<hbm>> -> memref<128xi32, #tpu.memory_space<hbm>>
        %dma_wait3A_165 = tpu.memref_slice %arg3[%mul3A_107] : memref<327680xi32, #tpu.memory_space<hbm>> -> memref<128xi32, #tpu.memory_space<hbm>>
        tpu.wait_dma2 semaphore(%run_scoped3A : memref<!tpu.dma_semaphore, #tpu.memory_space<semaphore_mem>>) src(%dma_wait3A_165 : memref<128xi32, #tpu.memory_space<hbm>>) dst(%arg8 : memref<128xi32, #tpu.memory_space<vmem>>)
        tpu.yield
      }) : () -> ()
      %dma_wait3A_108 = arith.constant 4 : i32
      %dma_wait3A_109 = arith.constant 0 : i32
      %dma_wait3A_110 = tpu.memref_slice %arg7[%dma_wait3A_108, %dma_wait3A_109] : memref<8x128xi32, #tpu.memory_space<vmem>> -> memref<1x128xi32, #tpu.memory_space<vmem>>
      %dma_wait3A_111 = tpu.memref_squeeze %dma_wait3A_110 : memref<1x128xi32, #tpu.memory_space<vmem>> -> memref<128xi32, #tpu.memory_space<vmem>>
      %dma_wait3A_112 = arith.constant 0 : i32
      %dma_wait3A_113 = arith.constant 0 : i32
      %dma_wait3A_114 = tpu.memref_slice %arg4[%dma_wait3A_112, %dma_wait3A_113] : memref<20000x128xf32, #tpu.memory_space<hbm>> -> memref<20000x128xf32, #tpu.memory_space<hbm>>
      tpu.wait_indirect_dma semaphore(%arg13 : memref<!tpu.dma_semaphore, #tpu.memory_space<semaphore_mem>>) src(%dma_wait3A_114 : memref<20000x128xf32, #tpu.memory_space<hbm>>) dst(%arg10 : memref<128x128xf32, #tpu.memory_space<vmem>>)
      "tpu.region"() ({
        %run_scoped3A = tpu.sem_alloc : memref<!tpu.dma_semaphore, #tpu.memory_space<semaphore_mem>>
        %dma_start3A_162 = arith.constant 0 : i32
        %dma_start3A_163 = arith.constant 0 : i32
        %dma_start3A_164 = tpu.memref_slice %arg12[%dma_start3A_162, %dma_start3A_163] : memref<10240x128xf32, #tpu.memory_space<vmem_shared>> -> memref<10240x128xf32, #tpu.memory_space<vmem_shared>>
        tpu.enqueue_indirect_dma source(%arg10 : memref<128x128xf32, #tpu.memory_space<vmem>>) target(%dma_start3A_164 : memref<10240x128xf32, #tpu.memory_space<vmem_shared>>) offsets(%arg8 : memref<128xi32, #tpu.memory_space<vmem>>) semaphore(%run_scoped3A : memref<!tpu.dma_semaphore, #tpu.memory_space<semaphore_mem>>) {add = true}
        %dma_wait3A_165 = arith.constant 0 : i32
        %dma_wait3A_166 = arith.constant 0 : i32
        %dma_wait3A_167 = tpu.memref_slice %arg12[%dma_wait3A_165, %dma_wait3A_166] : memref<10240x128xf32, #tpu.memory_space<vmem_shared>> -> memref<10240x128xf32, #tpu.memory_space<vmem_shared>>
        tpu.wait_indirect_dma semaphore(%run_scoped3A : memref<!tpu.dma_semaphore, #tpu.memory_space<semaphore_mem>>) src(%arg10 : memref<128x128xf32, #tpu.memory_space<vmem>>) dst(%dma_wait3A_167 : memref<10240x128xf32, #tpu.memory_space<vmem_shared>>)
        tpu.yield
      }) : () -> ()
      %dma_start3A_115 = arith.constant 6 : i32
      %dma_start3A_116 = arith.constant 0 : i32
      %dma_start3A_117 = tpu.memref_slice %arg7[%dma_start3A_115, %dma_start3A_116] : memref<8x128xi32, #tpu.memory_space<vmem>> -> memref<1x128xi32, #tpu.memory_space<vmem>>
      %dma_start3A_118 = tpu.memref_squeeze %dma_start3A_117 : memref<1x128xi32, #tpu.memory_space<vmem>> -> memref<128xi32, #tpu.memory_space<vmem>>
      %dma_start3A_119 = arith.constant 0 : i32
      %dma_start3A_120 = arith.constant 0 : i32
      %dma_start3A_121 = tpu.memref_slice %arg4[%dma_start3A_119, %dma_start3A_120] : memref<20000x128xf32, #tpu.memory_space<hbm>> -> memref<20000x128xf32, #tpu.memory_space<hbm>>
      tpu.enqueue_indirect_dma source(%dma_start3A_121 : memref<20000x128xf32, #tpu.memory_space<hbm>>) target(%arg10 : memref<128x128xf32, #tpu.memory_space<vmem>>) offsets(%dma_start3A_118 : memref<128xi32, #tpu.memory_space<vmem>>) semaphore(%arg13 : memref<!tpu.dma_semaphore, #tpu.memory_space<semaphore_mem>>)
      %add3A_122 = arith.constant 5 : i32
      %add3A_123 = arith.addi %add3A_16, %add3A_122 : i32
      %mul3A_124 = arith.constant 128 : i32
      %mul3A_125 = arith.muli %add3A_123, %mul3A_124 : i32
      "tpu.region"() ({
        %run_scoped3A = tpu.sem_alloc : memref<!tpu.dma_semaphore, #tpu.memory_space<semaphore_mem>>
        %dma_start3A_162 = tpu.memref_slice %arg3[%mul3A_125] : memref<327680xi32, #tpu.memory_space<hbm>> -> memref<128xi32, #tpu.memory_space<hbm>>
        %dma_start3A_163 = tpu.memref_slice %arg3[%mul3A_125] : memref<327680xi32, #tpu.memory_space<hbm>> -> memref<128xi32, #tpu.memory_space<hbm>>
        tpu.enqueue_dma source(%dma_start3A_163 : memref<128xi32, #tpu.memory_space<hbm>>) target(%arg9 : memref<128xi32, #tpu.memory_space<vmem>>) target_semaphore(%run_scoped3A : memref<!tpu.dma_semaphore, #tpu.memory_space<semaphore_mem>>)
        %dma_wait3A_164 = tpu.memref_slice %arg3[%mul3A_125] : memref<327680xi32, #tpu.memory_space<hbm>> -> memref<128xi32, #tpu.memory_space<hbm>>
        %dma_wait3A_165 = tpu.memref_slice %arg3[%mul3A_125] : memref<327680xi32, #tpu.memory_space<hbm>> -> memref<128xi32, #tpu.memory_space<hbm>>
        tpu.wait_dma2 semaphore(%run_scoped3A : memref<!tpu.dma_semaphore, #tpu.memory_space<semaphore_mem>>) src(%dma_wait3A_165 : memref<128xi32, #tpu.memory_space<hbm>>) dst(%arg9 : memref<128xi32, #tpu.memory_space<vmem>>)
        tpu.yield
      }) : () -> ()
      %dma_wait3A_126 = arith.constant 5 : i32
      %dma_wait3A_127 = arith.constant 0 : i32
      %dma_wait3A_128 = tpu.memref_slice %arg7[%dma_wait3A_126, %dma_wait3A_127] : memref<8x128xi32, #tpu.memory_space<vmem>> -> memref<1x128xi32, #tpu.memory_space<vmem>>
      %dma_wait3A_129 = tpu.memref_squeeze %dma_wait3A_128 : memref<1x128xi32, #tpu.memory_space<vmem>> -> memref<128xi32, #tpu.memory_space<vmem>>
      %dma_wait3A_130 = arith.constant 0 : i32
      %dma_wait3A_131 = arith.constant 0 : i32
      %dma_wait3A_132 = tpu.memref_slice %arg4[%dma_wait3A_130, %dma_wait3A_131] : memref<20000x128xf32, #tpu.memory_space<hbm>> -> memref<20000x128xf32, #tpu.memory_space<hbm>>
      tpu.wait_indirect_dma semaphore(%arg14 : memref<!tpu.dma_semaphore, #tpu.memory_space<semaphore_mem>>) src(%dma_wait3A_132 : memref<20000x128xf32, #tpu.memory_space<hbm>>) dst(%arg11 : memref<128x128xf32, #tpu.memory_space<vmem>>)
      "tpu.region"() ({
        %run_scoped3A = tpu.sem_alloc : memref<!tpu.dma_semaphore, #tpu.memory_space<semaphore_mem>>
        %dma_start3A_162 = arith.constant 0 : i32
        %dma_start3A_163 = arith.constant 0 : i32
        %dma_start3A_164 = tpu.memref_slice %arg12[%dma_start3A_162, %dma_start3A_163] : memref<10240x128xf32, #tpu.memory_space<vmem_shared>> -> memref<10240x128xf32, #tpu.memory_space<vmem_shared>>
        tpu.enqueue_indirect_dma source(%arg11 : memref<128x128xf32, #tpu.memory_space<vmem>>) target(%dma_start3A_164 : memref<10240x128xf32, #tpu.memory_space<vmem_shared>>) offsets(%arg9 : memref<128xi32, #tpu.memory_space<vmem>>) semaphore(%run_scoped3A : memref<!tpu.dma_semaphore, #tpu.memory_space<semaphore_mem>>) {add = true}
        %dma_wait3A_165 = arith.constant 0 : i32
        %dma_wait3A_166 = arith.constant 0 : i32
        %dma_wait3A_167 = tpu.memref_slice %arg12[%dma_wait3A_165, %dma_wait3A_166] : memref<10240x128xf32, #tpu.memory_space<vmem_shared>> -> memref<10240x128xf32, #tpu.memory_space<vmem_shared>>
        tpu.wait_indirect_dma semaphore(%run_scoped3A : memref<!tpu.dma_semaphore, #tpu.memory_space<semaphore_mem>>) src(%arg11 : memref<128x128xf32, #tpu.memory_space<vmem>>) dst(%dma_wait3A_167 : memref<10240x128xf32, #tpu.memory_space<vmem_shared>>)
        tpu.yield
      }) : () -> ()
      %dma_start3A_133 = arith.constant 7 : i32
      %dma_start3A_134 = arith.constant 0 : i32
      %dma_start3A_135 = tpu.memref_slice %arg7[%dma_start3A_133, %dma_start3A_134] : memref<8x128xi32, #tpu.memory_space<vmem>> -> memref<1x128xi32, #tpu.memory_space<vmem>>
      %dma_start3A_136 = tpu.memref_squeeze %dma_start3A_135 : memref<1x128xi32, #tpu.memory_space<vmem>> -> memref<128xi32, #tpu.memory_space<vmem>>
      %dma_start3A_137 = arith.constant 0 : i32
      %dma_start3A_138 = arith.constant 0 : i32
      %dma_start3A_139 = tpu.memref_slice %arg4[%dma_start3A_137, %dma_start3A_138] : memref<20000x128xf32, #tpu.memory_space<hbm>> -> memref<20000x128xf32, #tpu.memory_space<hbm>>
      tpu.enqueue_indirect_dma source(%dma_start3A_139 : memref<20000x128xf32, #tpu.memory_space<hbm>>) target(%arg11 : memref<128x128xf32, #tpu.memory_space<vmem>>) offsets(%dma_start3A_136 : memref<128xi32, #tpu.memory_space<vmem>>) semaphore(%arg14 : memref<!tpu.dma_semaphore, #tpu.memory_space<semaphore_mem>>)
      %add3A_140 = arith.constant 6 : i32
      %add3A_141 = arith.addi %add3A_16, %add3A_140 : i32
      %mul3A_142 = arith.constant 128 : i32
      %mul3A_143 = arith.muli %add3A_141, %mul3A_142 : i32
      "tpu.region"() ({
        %run_scoped3A = tpu.sem_alloc : memref<!tpu.dma_semaphore, #tpu.memory_space<semaphore_mem>>
        %dma_start3A_162 = tpu.memref_slice %arg3[%mul3A_143] : memref<327680xi32, #tpu.memory_space<hbm>> -> memref<128xi32, #tpu.memory_space<hbm>>
        %dma_start3A_163 = tpu.memref_slice %arg3[%mul3A_143] : memref<327680xi32, #tpu.memory_space<hbm>> -> memref<128xi32, #tpu.memory_space<hbm>>
        tpu.enqueue_dma source(%dma_start3A_163 : memref<128xi32, #tpu.memory_space<hbm>>) target(%arg8 : memref<128xi32, #tpu.memory_space<vmem>>) target_semaphore(%run_scoped3A : memref<!tpu.dma_semaphore, #tpu.memory_space<semaphore_mem>>)
        %dma_wait3A_164 = tpu.memref_slice %arg3[%mul3A_143] : memref<327680xi32, #tpu.memory_space<hbm>> -> memref<128xi32, #tpu.memory_space<hbm>>
        %dma_wait3A_165 = tpu.memref_slice %arg3[%mul3A_143] : memref<327680xi32, #tpu.memory_space<hbm>> -> memref<128xi32, #tpu.memory_space<hbm>>
        tpu.wait_dma2 semaphore(%run_scoped3A : memref<!tpu.dma_semaphore, #tpu.memory_space<semaphore_mem>>) src(%dma_wait3A_165 : memref<128xi32, #tpu.memory_space<hbm>>) dst(%arg8 : memref<128xi32, #tpu.memory_space<vmem>>)
        tpu.yield
      }) : () -> ()
      %dma_wait3A_144 = arith.constant 6 : i32
      %dma_wait3A_145 = arith.constant 0 : i32
      %dma_wait3A_146 = tpu.memref_slice %arg7[%dma_wait3A_144, %dma_wait3A_145] : memref<8x128xi32, #tpu.memory_space<vmem>> -> memref<1x128xi32, #tpu.memory_space<vmem>>
      %dma_wait3A_147 = tpu.memref_squeeze %dma_wait3A_146 : memref<1x128xi32, #tpu.memory_space<vmem>> -> memref<128xi32, #tpu.memory_space<vmem>>
      %dma_wait3A_148 = arith.constant 0 : i32
      %dma_wait3A_149 = arith.constant 0 : i32
      %dma_wait3A_150 = tpu.memref_slice %arg4[%dma_wait3A_148, %dma_wait3A_149] : memref<20000x128xf32, #tpu.memory_space<hbm>> -> memref<20000x128xf32, #tpu.memory_space<hbm>>
      tpu.wait_indirect_dma semaphore(%arg13 : memref<!tpu.dma_semaphore, #tpu.memory_space<semaphore_mem>>) src(%dma_wait3A_150 : memref<20000x128xf32, #tpu.memory_space<hbm>>) dst(%arg10 : memref<128x128xf32, #tpu.memory_space<vmem>>)
      "tpu.region"() ({
        %run_scoped3A = tpu.sem_alloc : memref<!tpu.dma_semaphore, #tpu.memory_space<semaphore_mem>>
        %dma_start3A_162 = arith.constant 0 : i32
        %dma_start3A_163 = arith.constant 0 : i32
        %dma_start3A_164 = tpu.memref_slice %arg12[%dma_start3A_162, %dma_start3A_163] : memref<10240x128xf32, #tpu.memory_space<vmem_shared>> -> memref<10240x128xf32, #tpu.memory_space<vmem_shared>>
        tpu.enqueue_indirect_dma source(%arg10 : memref<128x128xf32, #tpu.memory_space<vmem>>) target(%dma_start3A_164 : memref<10240x128xf32, #tpu.memory_space<vmem_shared>>) offsets(%arg8 : memref<128xi32, #tpu.memory_space<vmem>>) semaphore(%run_scoped3A : memref<!tpu.dma_semaphore, #tpu.memory_space<semaphore_mem>>) {add = true}
        %dma_wait3A_165 = arith.constant 0 : i32
        %dma_wait3A_166 = arith.constant 0 : i32
        %dma_wait3A_167 = tpu.memref_slice %arg12[%dma_wait3A_165, %dma_wait3A_166] : memref<10240x128xf32, #tpu.memory_space<vmem_shared>> -> memref<10240x128xf32, #tpu.memory_space<vmem_shared>>
        tpu.wait_indirect_dma semaphore(%run_scoped3A : memref<!tpu.dma_semaphore, #tpu.memory_space<semaphore_mem>>) src(%arg10 : memref<128x128xf32, #tpu.memory_space<vmem>>) dst(%dma_wait3A_167 : memref<10240x128xf32, #tpu.memory_space<vmem_shared>>)
        tpu.yield
      }) : () -> ()
      %add3A_151 = arith.constant 7 : i32
      %add3A_152 = arith.addi %add3A_16, %add3A_151 : i32
      %mul3A_153 = arith.constant 128 : i32
      %mul3A_154 = arith.muli %add3A_152, %mul3A_153 : i32
      "tpu.region"() ({
        %run_scoped3A = tpu.sem_alloc : memref<!tpu.dma_semaphore, #tpu.memory_space<semaphore_mem>>
        %dma_start3A_162 = tpu.memref_slice %arg3[%mul3A_154] : memref<327680xi32, #tpu.memory_space<hbm>> -> memref<128xi32, #tpu.memory_space<hbm>>
        %dma_start3A_163 = tpu.memref_slice %arg3[%mul3A_154] : memref<327680xi32, #tpu.memory_space<hbm>> -> memref<128xi32, #tpu.memory_space<hbm>>
        tpu.enqueue_dma source(%dma_start3A_163 : memref<128xi32, #tpu.memory_space<hbm>>) target(%arg9 : memref<128xi32, #tpu.memory_space<vmem>>) target_semaphore(%run_scoped3A : memref<!tpu.dma_semaphore, #tpu.memory_space<semaphore_mem>>)
        %dma_wait3A_164 = tpu.memref_slice %arg3[%mul3A_154] : memref<327680xi32, #tpu.memory_space<hbm>> -> memref<128xi32, #tpu.memory_space<hbm>>
        %dma_wait3A_165 = tpu.memref_slice %arg3[%mul3A_154] : memref<327680xi32, #tpu.memory_space<hbm>> -> memref<128xi32, #tpu.memory_space<hbm>>
        tpu.wait_dma2 semaphore(%run_scoped3A : memref<!tpu.dma_semaphore, #tpu.memory_space<semaphore_mem>>) src(%dma_wait3A_165 : memref<128xi32, #tpu.memory_space<hbm>>) dst(%arg9 : memref<128xi32, #tpu.memory_space<vmem>>)
        tpu.yield
      }) : () -> ()
      %dma_wait3A_155 = arith.constant 7 : i32
      %dma_wait3A_156 = arith.constant 0 : i32
      %dma_wait3A_157 = tpu.memref_slice %arg7[%dma_wait3A_155, %dma_wait3A_156] : memref<8x128xi32, #tpu.memory_space<vmem>> -> memref<1x128xi32, #tpu.memory_space<vmem>>
      %dma_wait3A_158 = tpu.memref_squeeze %dma_wait3A_157 : memref<1x128xi32, #tpu.memory_space<vmem>> -> memref<128xi32, #tpu.memory_space<vmem>>
      %dma_wait3A_159 = arith.constant 0 : i32
      %dma_wait3A_160 = arith.constant 0 : i32
      %dma_wait3A_161 = tpu.memref_slice %arg4[%dma_wait3A_159, %dma_wait3A_160] : memref<20000x128xf32, #tpu.memory_space<hbm>> -> memref<20000x128xf32, #tpu.memory_space<hbm>>
      tpu.wait_indirect_dma semaphore(%arg14 : memref<!tpu.dma_semaphore, #tpu.memory_space<semaphore_mem>>) src(%dma_wait3A_161 : memref<20000x128xf32, #tpu.memory_space<hbm>>) dst(%arg11 : memref<128x128xf32, #tpu.memory_space<vmem>>)
      "tpu.region"() ({
        %run_scoped3A = tpu.sem_alloc : memref<!tpu.dma_semaphore, #tpu.memory_space<semaphore_mem>>
        %dma_start3A_162 = arith.constant 0 : i32
        %dma_start3A_163 = arith.constant 0 : i32
        %dma_start3A_164 = tpu.memref_slice %arg12[%dma_start3A_162, %dma_start3A_163] : memref<10240x128xf32, #tpu.memory_space<vmem_shared>> -> memref<10240x128xf32, #tpu.memory_space<vmem_shared>>
        tpu.enqueue_indirect_dma source(%arg11 : memref<128x128xf32, #tpu.memory_space<vmem>>) target(%dma_start3A_164 : memref<10240x128xf32, #tpu.memory_space<vmem_shared>>) offsets(%arg9 : memref<128xi32, #tpu.memory_space<vmem>>) semaphore(%run_scoped3A : memref<!tpu.dma_semaphore, #tpu.memory_space<semaphore_mem>>) {add = true}
        %dma_wait3A_165 = arith.constant 0 : i32
        %dma_wait3A_166 = arith.constant 0 : i32
        %dma_wait3A_167 = tpu.memref_slice %arg12[%dma_wait3A_165, %dma_wait3A_166] : memref<10240x128xf32, #tpu.memory_space<vmem_shared>> -> memref<10240x128xf32, #tpu.memory_space<vmem_shared>>
        tpu.wait_indirect_dma semaphore(%run_scoped3A : memref<!tpu.dma_semaphore, #tpu.memory_space<semaphore_mem>>) src(%arg11 : memref<128x128xf32, #tpu.memory_space<vmem>>) dst(%dma_wait3A_167 : memref<10240x128xf32, #tpu.memory_space<vmem_shared>>)
        tpu.yield
      }) : () -> ()
    }
    %scan3A_5 = arith.constant 20 : i32
    %barrier3A_6 = arith.constant 0 : index
    tpu.barrier barrier_id(%barrier3A_6)
    %mul3A_7 = arith.constant 10240 : i32
    %mul3A_8 = arith.muli %arg0, %mul3A_7 : i32
    %mul3A_9 = arith.constant 640 : i32
    %mul3A_10 = arith.muli %arg1, %mul3A_9 : i32
    %add3A = arith.addi %mul3A_8, %mul3A_10 : i32
    "tpu.region"() ({
      %run_scoped3A = tpu.sem_alloc : memref<!tpu.dma_semaphore, #tpu.memory_space<semaphore_mem>>
      %dma_start3A = arith.constant 0 : i32
      %dma_start3A_11 = tpu.memref_slice %arg6[%add3A, %dma_start3A] : memref<20480x128xf32, #tpu.memory_space<hbm>> -> memref<640x128xf32, #tpu.memory_space<hbm>>
      %dma_start3A_12 = arith.constant 0 : i32
      %dma_start3A_13 = tpu.memref_slice %arg12[%mul3A_0, %dma_start3A_12] : memref<10240x128xf32, #tpu.memory_space<vmem_shared>> -> memref<640x128xf32, #tpu.memory_space<vmem_shared>>
      tpu.enqueue_dma source(%dma_start3A_13 : memref<640x128xf32, #tpu.memory_space<vmem_shared>>) target(%dma_start3A_11 : memref<640x128xf32, #tpu.memory_space<hbm>>) target_semaphore(%run_scoped3A : memref<!tpu.dma_semaphore, #tpu.memory_space<semaphore_mem>>)
      %dma_wait3A = arith.constant 0 : i32
      %dma_wait3A_14 = tpu.memref_slice %arg6[%add3A, %dma_wait3A] : memref<20480x128xf32, #tpu.memory_space<hbm>> -> memref<640x128xf32, #tpu.memory_space<hbm>>
      %dma_wait3A_15 = arith.constant 0 : i32
      %dma_wait3A_16 = tpu.memref_slice %arg12[%mul3A_0, %dma_wait3A_15] : memref<10240x128xf32, #tpu.memory_space<vmem_shared>> -> memref<640x128xf32, #tpu.memory_space<vmem_shared>>
      tpu.wait_dma2 semaphore(%run_scoped3A : memref<!tpu.dma_semaphore, #tpu.memory_space<semaphore_mem>>) src(%dma_wait3A_16 : memref<640x128xf32, #tpu.memory_space<vmem_shared>>) dst(%dma_wait3A_14 : memref<640x128xf32, #tpu.memory_space<hbm>>)
      tpu.yield
    }) : () -> ()
    return
  }
}

#map = affine_map<(d0, d1) -> (0, 0)>
#map1 = affine_map<(d0, d1) -> (0)>
module attributes {stable_mosaic.version = 14 : i64} {
  func.func @_agg(%arg0: i32, %arg1: i32, %arg2: memref<2560x128xi32, #tpu.memory_space<hbm>>, %arg3: memref<327680xi32, #tpu.memory_space<hbm>>, %arg4: memref<10000x128xf32, #tpu.memory_space<hbm>>, %arg5: memref<640x128xf32, #tpu.memory_space<hbm>>, %arg6: memref<20480x128xf32, #tpu.memory_space<hbm>>, %arg7: memref<8x128xi32, #tpu.memory_space<vmem>>, %arg8: memref<128xi32, #tpu.memory_space<vmem>>, %arg9: memref<128xi32, #tpu.memory_space<vmem>>, %arg10: memref<128x128xf32, #tpu.memory_space<vmem>>, %arg11: memref<128x128xf32, #tpu.memory_space<vmem>>, %arg12: memref<10240x128xf32, #tpu.memory_space<vmem_shared>>, %arg13: memref<!tpu.dma_semaphore, #tpu.memory_space<semaphore_mem>>, %arg14: memref<!tpu.dma_semaphore, #tpu.memory_space<semaphore_mem>>) attributes {dimension_semantics = [#tpu.dimension_semantics<core_parallel>, #tpu.dimension_semantics<subcore_parallel>], iteration_bounds = array<i64: 2, 16>, scalar_prefetch = 0 : i64, scratch_operands = 8 : i64, tpu.core_type = #tpu.core_type<sc_vector_subcore>, window_params = [{transform_indices = #map}, {transform_indices = #map1}, {transform_indices = #map}, {transform_indices = #map}, {transform_indices = #map}]} {
    %mul3A = arith.constant 2 : i32
    %mul3A_0 = arith.muli %arg1, %mul3A : i32
    %add3A = arith.addi %mul3A_0, %arg0 : i32
    %mul3A_1 = arith.constant 640 : i32
    %mul3A_2 = arith.muli %arg1, %mul3A_1 : i32
    "tpu.region"() ({
      %run_scoped3A = tpu.sem_alloc : memref<!tpu.dma_semaphore, #tpu.memory_space<semaphore_mem>>
      %dma_start3A = arith.constant 0 : i32
      %dma_start3A_14 = tpu.memref_slice %arg12[%mul3A_2, %dma_start3A] : memref<10240x128xf32, #tpu.memory_space<vmem_shared>> -> memref<640x128xf32, #tpu.memory_space<vmem_shared>>
      tpu.enqueue_dma source(%arg5 : memref<640x128xf32, #tpu.memory_space<hbm>>) target(%dma_start3A_14 : memref<640x128xf32, #tpu.memory_space<vmem_shared>>) target_semaphore(%run_scoped3A : memref<!tpu.dma_semaphore, #tpu.memory_space<semaphore_mem>>)
      %dma_wait3A = arith.constant 0 : i32
      %dma_wait3A_15 = tpu.memref_slice %arg12[%mul3A_2, %dma_wait3A] : memref<10240x128xf32, #tpu.memory_space<vmem_shared>> -> memref<640x128xf32, #tpu.memory_space<vmem_shared>>
      tpu.wait_dma2 semaphore(%run_scoped3A : memref<!tpu.dma_semaphore, #tpu.memory_space<semaphore_mem>>) src(%arg5 : memref<640x128xf32, #tpu.memory_space<hbm>>) dst(%dma_wait3A_15 : memref<640x128xf32, #tpu.memory_space<vmem_shared>>)
      tpu.yield
    }) : () -> ()
    %barrier3A = arith.constant 0 : index
    tpu.barrier barrier_id(%barrier3A)
    %scan3A = arith.constant 0 : i32
    %scan3A_3 = arith.constant 0 : i32
    %scan3A_4 = arith.constant 10 : i32
    %scan3A_5 = arith.addi %scan3A_3, %scan3A_4 : i32
    %scan3A_6 = arith.constant 1 : i32
    scf.for %scan3A_14 = %scan3A_3 to %scan3A_5 step %scan3A_6  : i32 {
      %mul3A_15 = arith.constant 80 : i32
      %mul3A_16 = arith.muli %add3A, %mul3A_15 : i32
      %mul3A_17 = arith.constant 8 : i32
      %mul3A_18 = arith.muli %scan3A_14, %mul3A_17 : i32
      %add3A_19 = arith.addi %mul3A_16, %mul3A_18 : i32
      "tpu.region"() ({
        %run_scoped3A = tpu.sem_alloc : memref<!tpu.dma_semaphore, #tpu.memory_space<semaphore_mem>>
        %dma_start3A_162 = arith.constant 0 : i32
        %dma_start3A_163 = tpu.memref_slice %arg2[%add3A_19, %dma_start3A_162] : memref<2560x128xi32, #tpu.memory_space<hbm>> -> memref<8x128xi32, #tpu.memory_space<hbm>>
        %dma_start3A_164 = arith.constant 0 : i32
        %dma_start3A_165 = tpu.memref_slice %arg2[%add3A_19, %dma_start3A_164] : memref<2560x128xi32, #tpu.memory_space<hbm>> -> memref<8x128xi32, #tpu.memory_space<hbm>>
        tpu.enqueue_dma source(%dma_start3A_165 : memref<8x128xi32, #tpu.memory_space<hbm>>) target(%arg7 : memref<8x128xi32, #tpu.memory_space<vmem>>) target_semaphore(%run_scoped3A : memref<!tpu.dma_semaphore, #tpu.memory_space<semaphore_mem>>)
        %dma_wait3A_166 = arith.constant 0 : i32
        %dma_wait3A_167 = tpu.memref_slice %arg2[%add3A_19, %dma_wait3A_166] : memref<2560x128xi32, #tpu.memory_space<hbm>> -> memref<8x128xi32, #tpu.memory_space<hbm>>
        %dma_wait3A_168 = arith.constant 0 : i32
        %dma_wait3A_169 = tpu.memref_slice %arg2[%add3A_19, %dma_wait3A_168] : memref<2560x128xi32, #tpu.memory_space<hbm>> -> memref<8x128xi32, #tpu.memory_space<hbm>>
        tpu.wait_dma2 semaphore(%run_scoped3A : memref<!tpu.dma_semaphore, #tpu.memory_space<semaphore_mem>>) src(%dma_wait3A_169 : memref<8x128xi32, #tpu.memory_space<hbm>>) dst(%arg7 : memref<8x128xi32, #tpu.memory_space<vmem>>)
        tpu.yield
      }) : () -> ()
      %dma_start3A = arith.constant 0 : i32
      %dma_start3A_20 = arith.constant 0 : i32
      %dma_start3A_21 = tpu.memref_slice %arg7[%dma_start3A, %dma_start3A_20] : memref<8x128xi32, #tpu.memory_space<vmem>> -> memref<1x128xi32, #tpu.memory_space<vmem>>
      %dma_start3A_22 = tpu.memref_squeeze %dma_start3A_21 : memref<1x128xi32, #tpu.memory_space<vmem>> -> memref<128xi32, #tpu.memory_space<vmem>>
      %dma_start3A_23 = arith.constant 0 : i32
      %dma_start3A_24 = arith.constant 0 : i32
      %dma_start3A_25 = tpu.memref_slice %arg4[%dma_start3A_23, %dma_start3A_24] : memref<10000x128xf32, #tpu.memory_space<hbm>> -> memref<10000x128xf32, #tpu.memory_space<hbm>>
      tpu.enqueue_indirect_dma source(%dma_start3A_25 : memref<10000x128xf32, #tpu.memory_space<hbm>>) target(%arg10 : memref<128x128xf32, #tpu.memory_space<vmem>>) offsets(%dma_start3A_22 : memref<128xi32, #tpu.memory_space<vmem>>) semaphore(%arg13 : memref<!tpu.dma_semaphore, #tpu.memory_space<semaphore_mem>>)
      %dma_start3A_26 = arith.constant 1 : i32
      %dma_start3A_27 = arith.constant 0 : i32
      %dma_start3A_28 = tpu.memref_slice %arg7[%dma_start3A_26, %dma_start3A_27] : memref<8x128xi32, #tpu.memory_space<vmem>> -> memref<1x128xi32, #tpu.memory_space<vmem>>
      %dma_start3A_29 = tpu.memref_squeeze %dma_start3A_28 : memref<1x128xi32, #tpu.memory_space<vmem>> -> memref<128xi32, #tpu.memory_space<vmem>>
      %dma_start3A_30 = arith.constant 0 : i32
      %dma_start3A_31 = arith.constant 0 : i32
      %dma_start3A_32 = tpu.memref_slice %arg4[%dma_start3A_30, %dma_start3A_31] : memref<10000x128xf32, #tpu.memory_space<hbm>> -> memref<10000x128xf32, #tpu.memory_space<hbm>>
      tpu.enqueue_indirect_dma source(%dma_start3A_32 : memref<10000x128xf32, #tpu.memory_space<hbm>>) target(%arg11 : memref<128x128xf32, #tpu.memory_space<vmem>>) offsets(%dma_start3A_29 : memref<128xi32, #tpu.memory_space<vmem>>) semaphore(%arg14 : memref<!tpu.dma_semaphore, #tpu.memory_space<semaphore_mem>>)
      %add3A_33 = arith.constant 0 : i32
      %add3A_34 = arith.addi %add3A_19, %add3A_33 : i32
      %mul3A_35 = arith.constant 128 : i32
      %mul3A_36 = arith.muli %add3A_34, %mul3A_35 : i32
      "tpu.region"() ({
        %run_scoped3A = tpu.sem_alloc : memref<!tpu.dma_semaphore, #tpu.memory_space<semaphore_mem>>
        %dma_start3A_162 = tpu.memref_slice %arg3[%mul3A_36] : memref<327680xi32, #tpu.memory_space<hbm>> -> memref<128xi32, #tpu.memory_space<hbm>>
        %dma_start3A_163 = tpu.memref_slice %arg3[%mul3A_36] : memref<327680xi32, #tpu.memory_space<hbm>> -> memref<128xi32, #tpu.memory_space<hbm>>
        tpu.enqueue_dma source(%dma_start3A_163 : memref<128xi32, #tpu.memory_space<hbm>>) target(%arg8 : memref<128xi32, #tpu.memory_space<vmem>>) target_semaphore(%run_scoped3A : memref<!tpu.dma_semaphore, #tpu.memory_space<semaphore_mem>>)
        %dma_wait3A_164 = tpu.memref_slice %arg3[%mul3A_36] : memref<327680xi32, #tpu.memory_space<hbm>> -> memref<128xi32, #tpu.memory_space<hbm>>
        %dma_wait3A_165 = tpu.memref_slice %arg3[%mul3A_36] : memref<327680xi32, #tpu.memory_space<hbm>> -> memref<128xi32, #tpu.memory_space<hbm>>
        tpu.wait_dma2 semaphore(%run_scoped3A : memref<!tpu.dma_semaphore, #tpu.memory_space<semaphore_mem>>) src(%dma_wait3A_165 : memref<128xi32, #tpu.memory_space<hbm>>) dst(%arg8 : memref<128xi32, #tpu.memory_space<vmem>>)
        tpu.yield
      }) : () -> ()
      %dma_wait3A = arith.constant 0 : i32
      %dma_wait3A_37 = arith.constant 0 : i32
      %dma_wait3A_38 = tpu.memref_slice %arg7[%dma_wait3A, %dma_wait3A_37] : memref<8x128xi32, #tpu.memory_space<vmem>> -> memref<1x128xi32, #tpu.memory_space<vmem>>
      %dma_wait3A_39 = tpu.memref_squeeze %dma_wait3A_38 : memref<1x128xi32, #tpu.memory_space<vmem>> -> memref<128xi32, #tpu.memory_space<vmem>>
      %dma_wait3A_40 = arith.constant 0 : i32
      %dma_wait3A_41 = arith.constant 0 : i32
      %dma_wait3A_42 = tpu.memref_slice %arg4[%dma_wait3A_40, %dma_wait3A_41] : memref<10000x128xf32, #tpu.memory_space<hbm>> -> memref<10000x128xf32, #tpu.memory_space<hbm>>
      tpu.wait_indirect_dma semaphore(%arg13 : memref<!tpu.dma_semaphore, #tpu.memory_space<semaphore_mem>>) src(%dma_wait3A_42 : memref<10000x128xf32, #tpu.memory_space<hbm>>) dst(%arg10 : memref<128x128xf32, #tpu.memory_space<vmem>>)
      "tpu.region"() ({
        %run_scoped3A = tpu.sem_alloc : memref<!tpu.dma_semaphore, #tpu.memory_space<semaphore_mem>>
        %dma_start3A_162 = arith.constant 0 : i32
        %dma_start3A_163 = arith.constant 0 : i32
        %dma_start3A_164 = tpu.memref_slice %arg12[%dma_start3A_162, %dma_start3A_163] : memref<10240x128xf32, #tpu.memory_space<vmem_shared>> -> memref<10240x128xf32, #tpu.memory_space<vmem_shared>>
        tpu.enqueue_indirect_dma source(%arg10 : memref<128x128xf32, #tpu.memory_space<vmem>>) target(%dma_start3A_164 : memref<10240x128xf32, #tpu.memory_space<vmem_shared>>) offsets(%arg8 : memref<128xi32, #tpu.memory_space<vmem>>) semaphore(%run_scoped3A : memref<!tpu.dma_semaphore, #tpu.memory_space<semaphore_mem>>) {add = true}
        %dma_wait3A_165 = arith.constant 0 : i32
        %dma_wait3A_166 = arith.constant 0 : i32
        %dma_wait3A_167 = tpu.memref_slice %arg12[%dma_wait3A_165, %dma_wait3A_166] : memref<10240x128xf32, #tpu.memory_space<vmem_shared>> -> memref<10240x128xf32, #tpu.memory_space<vmem_shared>>
        tpu.wait_indirect_dma semaphore(%run_scoped3A : memref<!tpu.dma_semaphore, #tpu.memory_space<semaphore_mem>>) src(%arg10 : memref<128x128xf32, #tpu.memory_space<vmem>>) dst(%dma_wait3A_167 : memref<10240x128xf32, #tpu.memory_space<vmem_shared>>)
        tpu.yield
      }) : () -> ()
      %dma_start3A_43 = arith.constant 2 : i32
      %dma_start3A_44 = arith.constant 0 : i32
      %dma_start3A_45 = tpu.memref_slice %arg7[%dma_start3A_43, %dma_start3A_44] : memref<8x128xi32, #tpu.memory_space<vmem>> -> memref<1x128xi32, #tpu.memory_space<vmem>>
      %dma_start3A_46 = tpu.memref_squeeze %dma_start3A_45 : memref<1x128xi32, #tpu.memory_space<vmem>> -> memref<128xi32, #tpu.memory_space<vmem>>
      %dma_start3A_47 = arith.constant 0 : i32
      %dma_start3A_48 = arith.constant 0 : i32
      %dma_start3A_49 = tpu.memref_slice %arg4[%dma_start3A_47, %dma_start3A_48] : memref<10000x128xf32, #tpu.memory_space<hbm>> -> memref<10000x128xf32, #tpu.memory_space<hbm>>
      tpu.enqueue_indirect_dma source(%dma_start3A_49 : memref<10000x128xf32, #tpu.memory_space<hbm>>) target(%arg10 : memref<128x128xf32, #tpu.memory_space<vmem>>) offsets(%dma_start3A_46 : memref<128xi32, #tpu.memory_space<vmem>>) semaphore(%arg13 : memref<!tpu.dma_semaphore, #tpu.memory_space<semaphore_mem>>)
      %add3A_50 = arith.constant 1 : i32
      %add3A_51 = arith.addi %add3A_19, %add3A_50 : i32
      %mul3A_52 = arith.constant 128 : i32
      %mul3A_53 = arith.muli %add3A_51, %mul3A_52 : i32
      "tpu.region"() ({
        %run_scoped3A = tpu.sem_alloc : memref<!tpu.dma_semaphore, #tpu.memory_space<semaphore_mem>>
        %dma_start3A_162 = tpu.memref_slice %arg3[%mul3A_53] : memref<327680xi32, #tpu.memory_space<hbm>> -> memref<128xi32, #tpu.memory_space<hbm>>
        %dma_start3A_163 = tpu.memref_slice %arg3[%mul3A_53] : memref<327680xi32, #tpu.memory_space<hbm>> -> memref<128xi32, #tpu.memory_space<hbm>>
        tpu.enqueue_dma source(%dma_start3A_163 : memref<128xi32, #tpu.memory_space<hbm>>) target(%arg9 : memref<128xi32, #tpu.memory_space<vmem>>) target_semaphore(%run_scoped3A : memref<!tpu.dma_semaphore, #tpu.memory_space<semaphore_mem>>)
        %dma_wait3A_164 = tpu.memref_slice %arg3[%mul3A_53] : memref<327680xi32, #tpu.memory_space<hbm>> -> memref<128xi32, #tpu.memory_space<hbm>>
        %dma_wait3A_165 = tpu.memref_slice %arg3[%mul3A_53] : memref<327680xi32, #tpu.memory_space<hbm>> -> memref<128xi32, #tpu.memory_space<hbm>>
        tpu.wait_dma2 semaphore(%run_scoped3A : memref<!tpu.dma_semaphore, #tpu.memory_space<semaphore_mem>>) src(%dma_wait3A_165 : memref<128xi32, #tpu.memory_space<hbm>>) dst(%arg9 : memref<128xi32, #tpu.memory_space<vmem>>)
        tpu.yield
      }) : () -> ()
      %dma_wait3A_54 = arith.constant 1 : i32
      %dma_wait3A_55 = arith.constant 0 : i32
      %dma_wait3A_56 = tpu.memref_slice %arg7[%dma_wait3A_54, %dma_wait3A_55] : memref<8x128xi32, #tpu.memory_space<vmem>> -> memref<1x128xi32, #tpu.memory_space<vmem>>
      %dma_wait3A_57 = tpu.memref_squeeze %dma_wait3A_56 : memref<1x128xi32, #tpu.memory_space<vmem>> -> memref<128xi32, #tpu.memory_space<vmem>>
      %dma_wait3A_58 = arith.constant 0 : i32
      %dma_wait3A_59 = arith.constant 0 : i32
      %dma_wait3A_60 = tpu.memref_slice %arg4[%dma_wait3A_58, %dma_wait3A_59] : memref<10000x128xf32, #tpu.memory_space<hbm>> -> memref<10000x128xf32, #tpu.memory_space<hbm>>
      tpu.wait_indirect_dma semaphore(%arg14 : memref<!tpu.dma_semaphore, #tpu.memory_space<semaphore_mem>>) src(%dma_wait3A_60 : memref<10000x128xf32, #tpu.memory_space<hbm>>) dst(%arg11 : memref<128x128xf32, #tpu.memory_space<vmem>>)
      "tpu.region"() ({
        %run_scoped3A = tpu.sem_alloc : memref<!tpu.dma_semaphore, #tpu.memory_space<semaphore_mem>>
        %dma_start3A_162 = arith.constant 0 : i32
        %dma_start3A_163 = arith.constant 0 : i32
        %dma_start3A_164 = tpu.memref_slice %arg12[%dma_start3A_162, %dma_start3A_163] : memref<10240x128xf32, #tpu.memory_space<vmem_shared>> -> memref<10240x128xf32, #tpu.memory_space<vmem_shared>>
        tpu.enqueue_indirect_dma source(%arg11 : memref<128x128xf32, #tpu.memory_space<vmem>>) target(%dma_start3A_164 : memref<10240x128xf32, #tpu.memory_space<vmem_shared>>) offsets(%arg9 : memref<128xi32, #tpu.memory_space<vmem>>) semaphore(%run_scoped3A : memref<!tpu.dma_semaphore, #tpu.memory_space<semaphore_mem>>) {add = true}
        %dma_wait3A_165 = arith.constant 0 : i32
        %dma_wait3A_166 = arith.constant 0 : i32
        %dma_wait3A_167 = tpu.memref_slice %arg12[%dma_wait3A_165, %dma_wait3A_166] : memref<10240x128xf32, #tpu.memory_space<vmem_shared>> -> memref<10240x128xf32, #tpu.memory_space<vmem_shared>>
        tpu.wait_indirect_dma semaphore(%run_scoped3A : memref<!tpu.dma_semaphore, #tpu.memory_space<semaphore_mem>>) src(%arg11 : memref<128x128xf32, #tpu.memory_space<vmem>>) dst(%dma_wait3A_167 : memref<10240x128xf32, #tpu.memory_space<vmem_shared>>)
        tpu.yield
      }) : () -> ()
      %dma_start3A_61 = arith.constant 3 : i32
      %dma_start3A_62 = arith.constant 0 : i32
      %dma_start3A_63 = tpu.memref_slice %arg7[%dma_start3A_61, %dma_start3A_62] : memref<8x128xi32, #tpu.memory_space<vmem>> -> memref<1x128xi32, #tpu.memory_space<vmem>>
      %dma_start3A_64 = tpu.memref_squeeze %dma_start3A_63 : memref<1x128xi32, #tpu.memory_space<vmem>> -> memref<128xi32, #tpu.memory_space<vmem>>
      %dma_start3A_65 = arith.constant 0 : i32
      %dma_start3A_66 = arith.constant 0 : i32
      %dma_start3A_67 = tpu.memref_slice %arg4[%dma_start3A_65, %dma_start3A_66] : memref<10000x128xf32, #tpu.memory_space<hbm>> -> memref<10000x128xf32, #tpu.memory_space<hbm>>
      tpu.enqueue_indirect_dma source(%dma_start3A_67 : memref<10000x128xf32, #tpu.memory_space<hbm>>) target(%arg11 : memref<128x128xf32, #tpu.memory_space<vmem>>) offsets(%dma_start3A_64 : memref<128xi32, #tpu.memory_space<vmem>>) semaphore(%arg14 : memref<!tpu.dma_semaphore, #tpu.memory_space<semaphore_mem>>)
      %add3A_68 = arith.constant 2 : i32
      %add3A_69 = arith.addi %add3A_19, %add3A_68 : i32
      %mul3A_70 = arith.constant 128 : i32
      %mul3A_71 = arith.muli %add3A_69, %mul3A_70 : i32
      "tpu.region"() ({
        %run_scoped3A = tpu.sem_alloc : memref<!tpu.dma_semaphore, #tpu.memory_space<semaphore_mem>>
        %dma_start3A_162 = tpu.memref_slice %arg3[%mul3A_71] : memref<327680xi32, #tpu.memory_space<hbm>> -> memref<128xi32, #tpu.memory_space<hbm>>
        %dma_start3A_163 = tpu.memref_slice %arg3[%mul3A_71] : memref<327680xi32, #tpu.memory_space<hbm>> -> memref<128xi32, #tpu.memory_space<hbm>>
        tpu.enqueue_dma source(%dma_start3A_163 : memref<128xi32, #tpu.memory_space<hbm>>) target(%arg8 : memref<128xi32, #tpu.memory_space<vmem>>) target_semaphore(%run_scoped3A : memref<!tpu.dma_semaphore, #tpu.memory_space<semaphore_mem>>)
        %dma_wait3A_164 = tpu.memref_slice %arg3[%mul3A_71] : memref<327680xi32, #tpu.memory_space<hbm>> -> memref<128xi32, #tpu.memory_space<hbm>>
        %dma_wait3A_165 = tpu.memref_slice %arg3[%mul3A_71] : memref<327680xi32, #tpu.memory_space<hbm>> -> memref<128xi32, #tpu.memory_space<hbm>>
        tpu.wait_dma2 semaphore(%run_scoped3A : memref<!tpu.dma_semaphore, #tpu.memory_space<semaphore_mem>>) src(%dma_wait3A_165 : memref<128xi32, #tpu.memory_space<hbm>>) dst(%arg8 : memref<128xi32, #tpu.memory_space<vmem>>)
        tpu.yield
      }) : () -> ()
      %dma_wait3A_72 = arith.constant 2 : i32
      %dma_wait3A_73 = arith.constant 0 : i32
      %dma_wait3A_74 = tpu.memref_slice %arg7[%dma_wait3A_72, %dma_wait3A_73] : memref<8x128xi32, #tpu.memory_space<vmem>> -> memref<1x128xi32, #tpu.memory_space<vmem>>
      %dma_wait3A_75 = tpu.memref_squeeze %dma_wait3A_74 : memref<1x128xi32, #tpu.memory_space<vmem>> -> memref<128xi32, #tpu.memory_space<vmem>>
      %dma_wait3A_76 = arith.constant 0 : i32
      %dma_wait3A_77 = arith.constant 0 : i32
      %dma_wait3A_78 = tpu.memref_slice %arg4[%dma_wait3A_76, %dma_wait3A_77] : memref<10000x128xf32, #tpu.memory_space<hbm>> -> memref<10000x128xf32, #tpu.memory_space<hbm>>
      tpu.wait_indirect_dma semaphore(%arg13 : memref<!tpu.dma_semaphore, #tpu.memory_space<semaphore_mem>>) src(%dma_wait3A_78 : memref<10000x128xf32, #tpu.memory_space<hbm>>) dst(%arg10 : memref<128x128xf32, #tpu.memory_space<vmem>>)
      "tpu.region"() ({
        %run_scoped3A = tpu.sem_alloc : memref<!tpu.dma_semaphore, #tpu.memory_space<semaphore_mem>>
        %dma_start3A_162 = arith.constant 0 : i32
        %dma_start3A_163 = arith.constant 0 : i32
        %dma_start3A_164 = tpu.memref_slice %arg12[%dma_start3A_162, %dma_start3A_163] : memref<10240x128xf32, #tpu.memory_space<vmem_shared>> -> memref<10240x128xf32, #tpu.memory_space<vmem_shared>>
        tpu.enqueue_indirect_dma source(%arg10 : memref<128x128xf32, #tpu.memory_space<vmem>>) target(%dma_start3A_164 : memref<10240x128xf32, #tpu.memory_space<vmem_shared>>) offsets(%arg8 : memref<128xi32, #tpu.memory_space<vmem>>) semaphore(%run_scoped3A : memref<!tpu.dma_semaphore, #tpu.memory_space<semaphore_mem>>) {add = true}
        %dma_wait3A_165 = arith.constant 0 : i32
        %dma_wait3A_166 = arith.constant 0 : i32
        %dma_wait3A_167 = tpu.memref_slice %arg12[%dma_wait3A_165, %dma_wait3A_166] : memref<10240x128xf32, #tpu.memory_space<vmem_shared>> -> memref<10240x128xf32, #tpu.memory_space<vmem_shared>>
        tpu.wait_indirect_dma semaphore(%run_scoped3A : memref<!tpu.dma_semaphore, #tpu.memory_space<semaphore_mem>>) src(%arg10 : memref<128x128xf32, #tpu.memory_space<vmem>>) dst(%dma_wait3A_167 : memref<10240x128xf32, #tpu.memory_space<vmem_shared>>)
        tpu.yield
      }) : () -> ()
      %dma_start3A_79 = arith.constant 4 : i32
      %dma_start3A_80 = arith.constant 0 : i32
      %dma_start3A_81 = tpu.memref_slice %arg7[%dma_start3A_79, %dma_start3A_80] : memref<8x128xi32, #tpu.memory_space<vmem>> -> memref<1x128xi32, #tpu.memory_space<vmem>>
      %dma_start3A_82 = tpu.memref_squeeze %dma_start3A_81 : memref<1x128xi32, #tpu.memory_space<vmem>> -> memref<128xi32, #tpu.memory_space<vmem>>
      %dma_start3A_83 = arith.constant 0 : i32
      %dma_start3A_84 = arith.constant 0 : i32
      %dma_start3A_85 = tpu.memref_slice %arg4[%dma_start3A_83, %dma_start3A_84] : memref<10000x128xf32, #tpu.memory_space<hbm>> -> memref<10000x128xf32, #tpu.memory_space<hbm>>
      tpu.enqueue_indirect_dma source(%dma_start3A_85 : memref<10000x128xf32, #tpu.memory_space<hbm>>) target(%arg10 : memref<128x128xf32, #tpu.memory_space<vmem>>) offsets(%dma_start3A_82 : memref<128xi32, #tpu.memory_space<vmem>>) semaphore(%arg13 : memref<!tpu.dma_semaphore, #tpu.memory_space<semaphore_mem>>)
      %add3A_86 = arith.constant 3 : i32
      %add3A_87 = arith.addi %add3A_19, %add3A_86 : i32
      %mul3A_88 = arith.constant 128 : i32
      %mul3A_89 = arith.muli %add3A_87, %mul3A_88 : i32
      "tpu.region"() ({
        %run_scoped3A = tpu.sem_alloc : memref<!tpu.dma_semaphore, #tpu.memory_space<semaphore_mem>>
        %dma_start3A_162 = tpu.memref_slice %arg3[%mul3A_89] : memref<327680xi32, #tpu.memory_space<hbm>> -> memref<128xi32, #tpu.memory_space<hbm>>
        %dma_start3A_163 = tpu.memref_slice %arg3[%mul3A_89] : memref<327680xi32, #tpu.memory_space<hbm>> -> memref<128xi32, #tpu.memory_space<hbm>>
        tpu.enqueue_dma source(%dma_start3A_163 : memref<128xi32, #tpu.memory_space<hbm>>) target(%arg9 : memref<128xi32, #tpu.memory_space<vmem>>) target_semaphore(%run_scoped3A : memref<!tpu.dma_semaphore, #tpu.memory_space<semaphore_mem>>)
        %dma_wait3A_164 = tpu.memref_slice %arg3[%mul3A_89] : memref<327680xi32, #tpu.memory_space<hbm>> -> memref<128xi32, #tpu.memory_space<hbm>>
        %dma_wait3A_165 = tpu.memref_slice %arg3[%mul3A_89] : memref<327680xi32, #tpu.memory_space<hbm>> -> memref<128xi32, #tpu.memory_space<hbm>>
        tpu.wait_dma2 semaphore(%run_scoped3A : memref<!tpu.dma_semaphore, #tpu.memory_space<semaphore_mem>>) src(%dma_wait3A_165 : memref<128xi32, #tpu.memory_space<hbm>>) dst(%arg9 : memref<128xi32, #tpu.memory_space<vmem>>)
        tpu.yield
      }) : () -> ()
      %dma_wait3A_90 = arith.constant 3 : i32
      %dma_wait3A_91 = arith.constant 0 : i32
      %dma_wait3A_92 = tpu.memref_slice %arg7[%dma_wait3A_90, %dma_wait3A_91] : memref<8x128xi32, #tpu.memory_space<vmem>> -> memref<1x128xi32, #tpu.memory_space<vmem>>
      %dma_wait3A_93 = tpu.memref_squeeze %dma_wait3A_92 : memref<1x128xi32, #tpu.memory_space<vmem>> -> memref<128xi32, #tpu.memory_space<vmem>>
      %dma_wait3A_94 = arith.constant 0 : i32
      %dma_wait3A_95 = arith.constant 0 : i32
      %dma_wait3A_96 = tpu.memref_slice %arg4[%dma_wait3A_94, %dma_wait3A_95] : memref<10000x128xf32, #tpu.memory_space<hbm>> -> memref<10000x128xf32, #tpu.memory_space<hbm>>
      tpu.wait_indirect_dma semaphore(%arg14 : memref<!tpu.dma_semaphore, #tpu.memory_space<semaphore_mem>>) src(%dma_wait3A_96 : memref<10000x128xf32, #tpu.memory_space<hbm>>) dst(%arg11 : memref<128x128xf32, #tpu.memory_space<vmem>>)
      "tpu.region"() ({
        %run_scoped3A = tpu.sem_alloc : memref<!tpu.dma_semaphore, #tpu.memory_space<semaphore_mem>>
        %dma_start3A_162 = arith.constant 0 : i32
        %dma_start3A_163 = arith.constant 0 : i32
        %dma_start3A_164 = tpu.memref_slice %arg12[%dma_start3A_162, %dma_start3A_163] : memref<10240x128xf32, #tpu.memory_space<vmem_shared>> -> memref<10240x128xf32, #tpu.memory_space<vmem_shared>>
        tpu.enqueue_indirect_dma source(%arg11 : memref<128x128xf32, #tpu.memory_space<vmem>>) target(%dma_start3A_164 : memref<10240x128xf32, #tpu.memory_space<vmem_shared>>) offsets(%arg9 : memref<128xi32, #tpu.memory_space<vmem>>) semaphore(%run_scoped3A : memref<!tpu.dma_semaphore, #tpu.memory_space<semaphore_mem>>) {add = true}
        %dma_wait3A_165 = arith.constant 0 : i32
        %dma_wait3A_166 = arith.constant 0 : i32
        %dma_wait3A_167 = tpu.memref_slice %arg12[%dma_wait3A_165, %dma_wait3A_166] : memref<10240x128xf32, #tpu.memory_space<vmem_shared>> -> memref<10240x128xf32, #tpu.memory_space<vmem_shared>>
        tpu.wait_indirect_dma semaphore(%run_scoped3A : memref<!tpu.dma_semaphore, #tpu.memory_space<semaphore_mem>>) src(%arg11 : memref<128x128xf32, #tpu.memory_space<vmem>>) dst(%dma_wait3A_167 : memref<10240x128xf32, #tpu.memory_space<vmem_shared>>)
        tpu.yield
      }) : () -> ()
      %dma_start3A_97 = arith.constant 5 : i32
      %dma_start3A_98 = arith.constant 0 : i32
      %dma_start3A_99 = tpu.memref_slice %arg7[%dma_start3A_97, %dma_start3A_98] : memref<8x128xi32, #tpu.memory_space<vmem>> -> memref<1x128xi32, #tpu.memory_space<vmem>>
      %dma_start3A_100 = tpu.memref_squeeze %dma_start3A_99 : memref<1x128xi32, #tpu.memory_space<vmem>> -> memref<128xi32, #tpu.memory_space<vmem>>
      %dma_start3A_101 = arith.constant 0 : i32
      %dma_start3A_102 = arith.constant 0 : i32
      %dma_start3A_103 = tpu.memref_slice %arg4[%dma_start3A_101, %dma_start3A_102] : memref<10000x128xf32, #tpu.memory_space<hbm>> -> memref<10000x128xf32, #tpu.memory_space<hbm>>
      tpu.enqueue_indirect_dma source(%dma_start3A_103 : memref<10000x128xf32, #tpu.memory_space<hbm>>) target(%arg11 : memref<128x128xf32, #tpu.memory_space<vmem>>) offsets(%dma_start3A_100 : memref<128xi32, #tpu.memory_space<vmem>>) semaphore(%arg14 : memref<!tpu.dma_semaphore, #tpu.memory_space<semaphore_mem>>)
      %add3A_104 = arith.constant 4 : i32
      %add3A_105 = arith.addi %add3A_19, %add3A_104 : i32
      %mul3A_106 = arith.constant 128 : i32
      %mul3A_107 = arith.muli %add3A_105, %mul3A_106 : i32
      "tpu.region"() ({
        %run_scoped3A = tpu.sem_alloc : memref<!tpu.dma_semaphore, #tpu.memory_space<semaphore_mem>>
        %dma_start3A_162 = tpu.memref_slice %arg3[%mul3A_107] : memref<327680xi32, #tpu.memory_space<hbm>> -> memref<128xi32, #tpu.memory_space<hbm>>
        %dma_start3A_163 = tpu.memref_slice %arg3[%mul3A_107] : memref<327680xi32, #tpu.memory_space<hbm>> -> memref<128xi32, #tpu.memory_space<hbm>>
        tpu.enqueue_dma source(%dma_start3A_163 : memref<128xi32, #tpu.memory_space<hbm>>) target(%arg8 : memref<128xi32, #tpu.memory_space<vmem>>) target_semaphore(%run_scoped3A : memref<!tpu.dma_semaphore, #tpu.memory_space<semaphore_mem>>)
        %dma_wait3A_164 = tpu.memref_slice %arg3[%mul3A_107] : memref<327680xi32, #tpu.memory_space<hbm>> -> memref<128xi32, #tpu.memory_space<hbm>>
        %dma_wait3A_165 = tpu.memref_slice %arg3[%mul3A_107] : memref<327680xi32, #tpu.memory_space<hbm>> -> memref<128xi32, #tpu.memory_space<hbm>>
        tpu.wait_dma2 semaphore(%run_scoped3A : memref<!tpu.dma_semaphore, #tpu.memory_space<semaphore_mem>>) src(%dma_wait3A_165 : memref<128xi32, #tpu.memory_space<hbm>>) dst(%arg8 : memref<128xi32, #tpu.memory_space<vmem>>)
        tpu.yield
      }) : () -> ()
      %dma_wait3A_108 = arith.constant 4 : i32
      %dma_wait3A_109 = arith.constant 0 : i32
      %dma_wait3A_110 = tpu.memref_slice %arg7[%dma_wait3A_108, %dma_wait3A_109] : memref<8x128xi32, #tpu.memory_space<vmem>> -> memref<1x128xi32, #tpu.memory_space<vmem>>
      %dma_wait3A_111 = tpu.memref_squeeze %dma_wait3A_110 : memref<1x128xi32, #tpu.memory_space<vmem>> -> memref<128xi32, #tpu.memory_space<vmem>>
      %dma_wait3A_112 = arith.constant 0 : i32
      %dma_wait3A_113 = arith.constant 0 : i32
      %dma_wait3A_114 = tpu.memref_slice %arg4[%dma_wait3A_112, %dma_wait3A_113] : memref<10000x128xf32, #tpu.memory_space<hbm>> -> memref<10000x128xf32, #tpu.memory_space<hbm>>
      tpu.wait_indirect_dma semaphore(%arg13 : memref<!tpu.dma_semaphore, #tpu.memory_space<semaphore_mem>>) src(%dma_wait3A_114 : memref<10000x128xf32, #tpu.memory_space<hbm>>) dst(%arg10 : memref<128x128xf32, #tpu.memory_space<vmem>>)
      "tpu.region"() ({
        %run_scoped3A = tpu.sem_alloc : memref<!tpu.dma_semaphore, #tpu.memory_space<semaphore_mem>>
        %dma_start3A_162 = arith.constant 0 : i32
        %dma_start3A_163 = arith.constant 0 : i32
        %dma_start3A_164 = tpu.memref_slice %arg12[%dma_start3A_162, %dma_start3A_163] : memref<10240x128xf32, #tpu.memory_space<vmem_shared>> -> memref<10240x128xf32, #tpu.memory_space<vmem_shared>>
        tpu.enqueue_indirect_dma source(%arg10 : memref<128x128xf32, #tpu.memory_space<vmem>>) target(%dma_start3A_164 : memref<10240x128xf32, #tpu.memory_space<vmem_shared>>) offsets(%arg8 : memref<128xi32, #tpu.memory_space<vmem>>) semaphore(%run_scoped3A : memref<!tpu.dma_semaphore, #tpu.memory_space<semaphore_mem>>) {add = true}
        %dma_wait3A_165 = arith.constant 0 : i32
        %dma_wait3A_166 = arith.constant 0 : i32
        %dma_wait3A_167 = tpu.memref_slice %arg12[%dma_wait3A_165, %dma_wait3A_166] : memref<10240x128xf32, #tpu.memory_space<vmem_shared>> -> memref<10240x128xf32, #tpu.memory_space<vmem_shared>>
        tpu.wait_indirect_dma semaphore(%run_scoped3A : memref<!tpu.dma_semaphore, #tpu.memory_space<semaphore_mem>>) src(%arg10 : memref<128x128xf32, #tpu.memory_space<vmem>>) dst(%dma_wait3A_167 : memref<10240x128xf32, #tpu.memory_space<vmem_shared>>)
        tpu.yield
      }) : () -> ()
      %dma_start3A_115 = arith.constant 6 : i32
      %dma_start3A_116 = arith.constant 0 : i32
      %dma_start3A_117 = tpu.memref_slice %arg7[%dma_start3A_115, %dma_start3A_116] : memref<8x128xi32, #tpu.memory_space<vmem>> -> memref<1x128xi32, #tpu.memory_space<vmem>>
      %dma_start3A_118 = tpu.memref_squeeze %dma_start3A_117 : memref<1x128xi32, #tpu.memory_space<vmem>> -> memref<128xi32, #tpu.memory_space<vmem>>
      %dma_start3A_119 = arith.constant 0 : i32
      %dma_start3A_120 = arith.constant 0 : i32
      %dma_start3A_121 = tpu.memref_slice %arg4[%dma_start3A_119, %dma_start3A_120] : memref<10000x128xf32, #tpu.memory_space<hbm>> -> memref<10000x128xf32, #tpu.memory_space<hbm>>
      tpu.enqueue_indirect_dma source(%dma_start3A_121 : memref<10000x128xf32, #tpu.memory_space<hbm>>) target(%arg10 : memref<128x128xf32, #tpu.memory_space<vmem>>) offsets(%dma_start3A_118 : memref<128xi32, #tpu.memory_space<vmem>>) semaphore(%arg13 : memref<!tpu.dma_semaphore, #tpu.memory_space<semaphore_mem>>)
      %add3A_122 = arith.constant 5 : i32
      %add3A_123 = arith.addi %add3A_19, %add3A_122 : i32
      %mul3A_124 = arith.constant 128 : i32
      %mul3A_125 = arith.muli %add3A_123, %mul3A_124 : i32
      "tpu.region"() ({
        %run_scoped3A = tpu.sem_alloc : memref<!tpu.dma_semaphore, #tpu.memory_space<semaphore_mem>>
        %dma_start3A_162 = tpu.memref_slice %arg3[%mul3A_125] : memref<327680xi32, #tpu.memory_space<hbm>> -> memref<128xi32, #tpu.memory_space<hbm>>
        %dma_start3A_163 = tpu.memref_slice %arg3[%mul3A_125] : memref<327680xi32, #tpu.memory_space<hbm>> -> memref<128xi32, #tpu.memory_space<hbm>>
        tpu.enqueue_dma source(%dma_start3A_163 : memref<128xi32, #tpu.memory_space<hbm>>) target(%arg9 : memref<128xi32, #tpu.memory_space<vmem>>) target_semaphore(%run_scoped3A : memref<!tpu.dma_semaphore, #tpu.memory_space<semaphore_mem>>)
        %dma_wait3A_164 = tpu.memref_slice %arg3[%mul3A_125] : memref<327680xi32, #tpu.memory_space<hbm>> -> memref<128xi32, #tpu.memory_space<hbm>>
        %dma_wait3A_165 = tpu.memref_slice %arg3[%mul3A_125] : memref<327680xi32, #tpu.memory_space<hbm>> -> memref<128xi32, #tpu.memory_space<hbm>>
        tpu.wait_dma2 semaphore(%run_scoped3A : memref<!tpu.dma_semaphore, #tpu.memory_space<semaphore_mem>>) src(%dma_wait3A_165 : memref<128xi32, #tpu.memory_space<hbm>>) dst(%arg9 : memref<128xi32, #tpu.memory_space<vmem>>)
        tpu.yield
      }) : () -> ()
      %dma_wait3A_126 = arith.constant 5 : i32
      %dma_wait3A_127 = arith.constant 0 : i32
      %dma_wait3A_128 = tpu.memref_slice %arg7[%dma_wait3A_126, %dma_wait3A_127] : memref<8x128xi32, #tpu.memory_space<vmem>> -> memref<1x128xi32, #tpu.memory_space<vmem>>
      %dma_wait3A_129 = tpu.memref_squeeze %dma_wait3A_128 : memref<1x128xi32, #tpu.memory_space<vmem>> -> memref<128xi32, #tpu.memory_space<vmem>>
      %dma_wait3A_130 = arith.constant 0 : i32
      %dma_wait3A_131 = arith.constant 0 : i32
      %dma_wait3A_132 = tpu.memref_slice %arg4[%dma_wait3A_130, %dma_wait3A_131] : memref<10000x128xf32, #tpu.memory_space<hbm>> -> memref<10000x128xf32, #tpu.memory_space<hbm>>
      tpu.wait_indirect_dma semaphore(%arg14 : memref<!tpu.dma_semaphore, #tpu.memory_space<semaphore_mem>>) src(%dma_wait3A_132 : memref<10000x128xf32, #tpu.memory_space<hbm>>) dst(%arg11 : memref<128x128xf32, #tpu.memory_space<vmem>>)
      "tpu.region"() ({
        %run_scoped3A = tpu.sem_alloc : memref<!tpu.dma_semaphore, #tpu.memory_space<semaphore_mem>>
        %dma_start3A_162 = arith.constant 0 : i32
        %dma_start3A_163 = arith.constant 0 : i32
        %dma_start3A_164 = tpu.memref_slice %arg12[%dma_start3A_162, %dma_start3A_163] : memref<10240x128xf32, #tpu.memory_space<vmem_shared>> -> memref<10240x128xf32, #tpu.memory_space<vmem_shared>>
        tpu.enqueue_indirect_dma source(%arg11 : memref<128x128xf32, #tpu.memory_space<vmem>>) target(%dma_start3A_164 : memref<10240x128xf32, #tpu.memory_space<vmem_shared>>) offsets(%arg9 : memref<128xi32, #tpu.memory_space<vmem>>) semaphore(%run_scoped3A : memref<!tpu.dma_semaphore, #tpu.memory_space<semaphore_mem>>) {add = true}
        %dma_wait3A_165 = arith.constant 0 : i32
        %dma_wait3A_166 = arith.constant 0 : i32
        %dma_wait3A_167 = tpu.memref_slice %arg12[%dma_wait3A_165, %dma_wait3A_166] : memref<10240x128xf32, #tpu.memory_space<vmem_shared>> -> memref<10240x128xf32, #tpu.memory_space<vmem_shared>>
        tpu.wait_indirect_dma semaphore(%run_scoped3A : memref<!tpu.dma_semaphore, #tpu.memory_space<semaphore_mem>>) src(%arg11 : memref<128x128xf32, #tpu.memory_space<vmem>>) dst(%dma_wait3A_167 : memref<10240x128xf32, #tpu.memory_space<vmem_shared>>)
        tpu.yield
      }) : () -> ()
      %dma_start3A_133 = arith.constant 7 : i32
      %dma_start3A_134 = arith.constant 0 : i32
      %dma_start3A_135 = tpu.memref_slice %arg7[%dma_start3A_133, %dma_start3A_134] : memref<8x128xi32, #tpu.memory_space<vmem>> -> memref<1x128xi32, #tpu.memory_space<vmem>>
      %dma_start3A_136 = tpu.memref_squeeze %dma_start3A_135 : memref<1x128xi32, #tpu.memory_space<vmem>> -> memref<128xi32, #tpu.memory_space<vmem>>
      %dma_start3A_137 = arith.constant 0 : i32
      %dma_start3A_138 = arith.constant 0 : i32
      %dma_start3A_139 = tpu.memref_slice %arg4[%dma_start3A_137, %dma_start3A_138] : memref<10000x128xf32, #tpu.memory_space<hbm>> -> memref<10000x128xf32, #tpu.memory_space<hbm>>
      tpu.enqueue_indirect_dma source(%dma_start3A_139 : memref<10000x128xf32, #tpu.memory_space<hbm>>) target(%arg11 : memref<128x128xf32, #tpu.memory_space<vmem>>) offsets(%dma_start3A_136 : memref<128xi32, #tpu.memory_space<vmem>>) semaphore(%arg14 : memref<!tpu.dma_semaphore, #tpu.memory_space<semaphore_mem>>)
      %add3A_140 = arith.constant 6 : i32
      %add3A_141 = arith.addi %add3A_19, %add3A_140 : i32
      %mul3A_142 = arith.constant 128 : i32
      %mul3A_143 = arith.muli %add3A_141, %mul3A_142 : i32
      "tpu.region"() ({
        %run_scoped3A = tpu.sem_alloc : memref<!tpu.dma_semaphore, #tpu.memory_space<semaphore_mem>>
        %dma_start3A_162 = tpu.memref_slice %arg3[%mul3A_143] : memref<327680xi32, #tpu.memory_space<hbm>> -> memref<128xi32, #tpu.memory_space<hbm>>
        %dma_start3A_163 = tpu.memref_slice %arg3[%mul3A_143] : memref<327680xi32, #tpu.memory_space<hbm>> -> memref<128xi32, #tpu.memory_space<hbm>>
        tpu.enqueue_dma source(%dma_start3A_163 : memref<128xi32, #tpu.memory_space<hbm>>) target(%arg8 : memref<128xi32, #tpu.memory_space<vmem>>) target_semaphore(%run_scoped3A : memref<!tpu.dma_semaphore, #tpu.memory_space<semaphore_mem>>)
        %dma_wait3A_164 = tpu.memref_slice %arg3[%mul3A_143] : memref<327680xi32, #tpu.memory_space<hbm>> -> memref<128xi32, #tpu.memory_space<hbm>>
        %dma_wait3A_165 = tpu.memref_slice %arg3[%mul3A_143] : memref<327680xi32, #tpu.memory_space<hbm>> -> memref<128xi32, #tpu.memory_space<hbm>>
        tpu.wait_dma2 semaphore(%run_scoped3A : memref<!tpu.dma_semaphore, #tpu.memory_space<semaphore_mem>>) src(%dma_wait3A_165 : memref<128xi32, #tpu.memory_space<hbm>>) dst(%arg8 : memref<128xi32, #tpu.memory_space<vmem>>)
        tpu.yield
      }) : () -> ()
      %dma_wait3A_144 = arith.constant 6 : i32
      %dma_wait3A_145 = arith.constant 0 : i32
      %dma_wait3A_146 = tpu.memref_slice %arg7[%dma_wait3A_144, %dma_wait3A_145] : memref<8x128xi32, #tpu.memory_space<vmem>> -> memref<1x128xi32, #tpu.memory_space<vmem>>
      %dma_wait3A_147 = tpu.memref_squeeze %dma_wait3A_146 : memref<1x128xi32, #tpu.memory_space<vmem>> -> memref<128xi32, #tpu.memory_space<vmem>>
      %dma_wait3A_148 = arith.constant 0 : i32
      %dma_wait3A_149 = arith.constant 0 : i32
      %dma_wait3A_150 = tpu.memref_slice %arg4[%dma_wait3A_148, %dma_wait3A_149] : memref<10000x128xf32, #tpu.memory_space<hbm>> -> memref<10000x128xf32, #tpu.memory_space<hbm>>
      tpu.wait_indirect_dma semaphore(%arg13 : memref<!tpu.dma_semaphore, #tpu.memory_space<semaphore_mem>>) src(%dma_wait3A_150 : memref<10000x128xf32, #tpu.memory_space<hbm>>) dst(%arg10 : memref<128x128xf32, #tpu.memory_space<vmem>>)
      "tpu.region"() ({
        %run_scoped3A = tpu.sem_alloc : memref<!tpu.dma_semaphore, #tpu.memory_space<semaphore_mem>>
        %dma_start3A_162 = arith.constant 0 : i32
        %dma_start3A_163 = arith.constant 0 : i32
        %dma_start3A_164 = tpu.memref_slice %arg12[%dma_start3A_162, %dma_start3A_163] : memref<10240x128xf32, #tpu.memory_space<vmem_shared>> -> memref<10240x128xf32, #tpu.memory_space<vmem_shared>>
        tpu.enqueue_indirect_dma source(%arg10 : memref<128x128xf32, #tpu.memory_space<vmem>>) target(%dma_start3A_164 : memref<10240x128xf32, #tpu.memory_space<vmem_shared>>) offsets(%arg8 : memref<128xi32, #tpu.memory_space<vmem>>) semaphore(%run_scoped3A : memref<!tpu.dma_semaphore, #tpu.memory_space<semaphore_mem>>) {add = true}
        %dma_wait3A_165 = arith.constant 0 : i32
        %dma_wait3A_166 = arith.constant 0 : i32
        %dma_wait3A_167 = tpu.memref_slice %arg12[%dma_wait3A_165, %dma_wait3A_166] : memref<10240x128xf32, #tpu.memory_space<vmem_shared>> -> memref<10240x128xf32, #tpu.memory_space<vmem_shared>>
        tpu.wait_indirect_dma semaphore(%run_scoped3A : memref<!tpu.dma_semaphore, #tpu.memory_space<semaphore_mem>>) src(%arg10 : memref<128x128xf32, #tpu.memory_space<vmem>>) dst(%dma_wait3A_167 : memref<10240x128xf32, #tpu.memory_space<vmem_shared>>)
        tpu.yield
      }) : () -> ()
      %add3A_151 = arith.constant 7 : i32
      %add3A_152 = arith.addi %add3A_19, %add3A_151 : i32
      %mul3A_153 = arith.constant 128 : i32
      %mul3A_154 = arith.muli %add3A_152, %mul3A_153 : i32
      "tpu.region"() ({
        %run_scoped3A = tpu.sem_alloc : memref<!tpu.dma_semaphore, #tpu.memory_space<semaphore_mem>>
        %dma_start3A_162 = tpu.memref_slice %arg3[%mul3A_154] : memref<327680xi32, #tpu.memory_space<hbm>> -> memref<128xi32, #tpu.memory_space<hbm>>
        %dma_start3A_163 = tpu.memref_slice %arg3[%mul3A_154] : memref<327680xi32, #tpu.memory_space<hbm>> -> memref<128xi32, #tpu.memory_space<hbm>>
        tpu.enqueue_dma source(%dma_start3A_163 : memref<128xi32, #tpu.memory_space<hbm>>) target(%arg9 : memref<128xi32, #tpu.memory_space<vmem>>) target_semaphore(%run_scoped3A : memref<!tpu.dma_semaphore, #tpu.memory_space<semaphore_mem>>)
        %dma_wait3A_164 = tpu.memref_slice %arg3[%mul3A_154] : memref<327680xi32, #tpu.memory_space<hbm>> -> memref<128xi32, #tpu.memory_space<hbm>>
        %dma_wait3A_165 = tpu.memref_slice %arg3[%mul3A_154] : memref<327680xi32, #tpu.memory_space<hbm>> -> memref<128xi32, #tpu.memory_space<hbm>>
        tpu.wait_dma2 semaphore(%run_scoped3A : memref<!tpu.dma_semaphore, #tpu.memory_space<semaphore_mem>>) src(%dma_wait3A_165 : memref<128xi32, #tpu.memory_space<hbm>>) dst(%arg9 : memref<128xi32, #tpu.memory_space<vmem>>)
        tpu.yield
      }) : () -> ()
      %dma_wait3A_155 = arith.constant 7 : i32
      %dma_wait3A_156 = arith.constant 0 : i32
      %dma_wait3A_157 = tpu.memref_slice %arg7[%dma_wait3A_155, %dma_wait3A_156] : memref<8x128xi32, #tpu.memory_space<vmem>> -> memref<1x128xi32, #tpu.memory_space<vmem>>
      %dma_wait3A_158 = tpu.memref_squeeze %dma_wait3A_157 : memref<1x128xi32, #tpu.memory_space<vmem>> -> memref<128xi32, #tpu.memory_space<vmem>>
      %dma_wait3A_159 = arith.constant 0 : i32
      %dma_wait3A_160 = arith.constant 0 : i32
      %dma_wait3A_161 = tpu.memref_slice %arg4[%dma_wait3A_159, %dma_wait3A_160] : memref<10000x128xf32, #tpu.memory_space<hbm>> -> memref<10000x128xf32, #tpu.memory_space<hbm>>
      tpu.wait_indirect_dma semaphore(%arg14 : memref<!tpu.dma_semaphore, #tpu.memory_space<semaphore_mem>>) src(%dma_wait3A_161 : memref<10000x128xf32, #tpu.memory_space<hbm>>) dst(%arg11 : memref<128x128xf32, #tpu.memory_space<vmem>>)
      "tpu.region"() ({
        %run_scoped3A = tpu.sem_alloc : memref<!tpu.dma_semaphore, #tpu.memory_space<semaphore_mem>>
        %dma_start3A_162 = arith.constant 0 : i32
        %dma_start3A_163 = arith.constant 0 : i32
        %dma_start3A_164 = tpu.memref_slice %arg12[%dma_start3A_162, %dma_start3A_163] : memref<10240x128xf32, #tpu.memory_space<vmem_shared>> -> memref<10240x128xf32, #tpu.memory_space<vmem_shared>>
        tpu.enqueue_indirect_dma source(%arg11 : memref<128x128xf32, #tpu.memory_space<vmem>>) target(%dma_start3A_164 : memref<10240x128xf32, #tpu.memory_space<vmem_shared>>) offsets(%arg9 : memref<128xi32, #tpu.memory_space<vmem>>) semaphore(%run_scoped3A : memref<!tpu.dma_semaphore, #tpu.memory_space<semaphore_mem>>) {add = true}
        %dma_wait3A_165 = arith.constant 0 : i32
        %dma_wait3A_166 = arith.constant 0 : i32
        %dma_wait3A_167 = tpu.memref_slice %arg12[%dma_wait3A_165, %dma_wait3A_166] : memref<10240x128xf32, #tpu.memory_space<vmem_shared>> -> memref<10240x128xf32, #tpu.memory_space<vmem_shared>>
        tpu.wait_indirect_dma semaphore(%run_scoped3A : memref<!tpu.dma_semaphore, #tpu.memory_space<semaphore_mem>>) src(%arg11 : memref<128x128xf32, #tpu.memory_space<vmem>>) dst(%dma_wait3A_167 : memref<10240x128xf32, #tpu.memory_space<vmem_shared>>)
        tpu.yield
      }) : () -> ()
    }
    %scan3A_7 = arith.constant 10 : i32
    %barrier3A_8 = arith.constant 0 : index
    tpu.barrier barrier_id(%barrier3A_8)
    %mul3A_9 = arith.constant 10240 : i32
    %mul3A_10 = arith.muli %arg0, %mul3A_9 : i32
    %mul3A_11 = arith.constant 640 : i32
    %mul3A_12 = arith.muli %arg1, %mul3A_11 : i32
    %add3A_13 = arith.addi %mul3A_10, %mul3A_12 : i32
    "tpu.region"() ({
      %run_scoped3A = tpu.sem_alloc : memref<!tpu.dma_semaphore, #tpu.memory_space<semaphore_mem>>
      %dma_start3A = arith.constant 0 : i32
      %dma_start3A_14 = tpu.memref_slice %arg6[%add3A_13, %dma_start3A] : memref<20480x128xf32, #tpu.memory_space<hbm>> -> memref<640x128xf32, #tpu.memory_space<hbm>>
      %dma_start3A_15 = arith.constant 0 : i32
      %dma_start3A_16 = tpu.memref_slice %arg12[%mul3A_2, %dma_start3A_15] : memref<10240x128xf32, #tpu.memory_space<vmem_shared>> -> memref<640x128xf32, #tpu.memory_space<vmem_shared>>
      tpu.enqueue_dma source(%dma_start3A_16 : memref<640x128xf32, #tpu.memory_space<vmem_shared>>) target(%dma_start3A_14 : memref<640x128xf32, #tpu.memory_space<hbm>>) target_semaphore(%run_scoped3A : memref<!tpu.dma_semaphore, #tpu.memory_space<semaphore_mem>>)
      %dma_wait3A = arith.constant 0 : i32
      %dma_wait3A_17 = tpu.memref_slice %arg6[%add3A_13, %dma_wait3A] : memref<20480x128xf32, #tpu.memory_space<hbm>> -> memref<640x128xf32, #tpu.memory_space<hbm>>
      %dma_wait3A_18 = arith.constant 0 : i32
      %dma_wait3A_19 = tpu.memref_slice %arg12[%mul3A_2, %dma_wait3A_18] : memref<10240x128xf32, #tpu.memory_space<vmem_shared>> -> memref<640x128xf32, #tpu.memory_space<vmem_shared>>
      tpu.wait_dma2 semaphore(%run_scoped3A : memref<!tpu.dma_semaphore, #tpu.memory_space<semaphore_mem>>) src(%dma_wait3A_19 : memref<640x128xf32, #tpu.memory_space<vmem_shared>>) dst(%dma_wait3A_17 : memref<640x128xf32, #tpu.memory_space<hbm>>)
      tpu.yield
    }) : () -> ()
    return
  }
}

#map = affine_map<(d0, d1) -> (0, 0)>
#map1 = affine_map<(d0, d1) -> (0)>
module attributes {stable_mosaic.version = 14 : i64} {
  func.func @_agg2(%arg0: i32, %arg1: i32, %arg2: memref<5120x128xi32, #tpu.memory_space<hbm>>, %arg3: memref<327680xi32, #tpu.memory_space<hbm>>, %arg4: memref<20000x128xf32, #tpu.memory_space<hbm>>, %arg5: memref<640x128xf32, #tpu.memory_space<hbm>>, %arg6: memref<20480x128xf32, #tpu.memory_space<hbm>>, %arg7: memref<8x128xi32, #tpu.memory_space<vmem>>, %arg8: memref<128xi32, #tpu.memory_space<vmem>>, %arg9: memref<128xi32, #tpu.memory_space<vmem>>, %arg10: memref<128x128xf32, #tpu.memory_space<vmem>>, %arg11: memref<128x128xf32, #tpu.memory_space<vmem>>, %arg12: memref<10240x128xf32, #tpu.memory_space<vmem_shared>>, %arg13: memref<!tpu.dma_semaphore, #tpu.memory_space<semaphore_mem>>, %arg14: memref<!tpu.dma_semaphore, #tpu.memory_space<semaphore_mem>>) attributes {dimension_semantics = [#tpu.dimension_semantics<core_parallel>, #tpu.dimension_semantics<subcore_parallel>], iteration_bounds = array<i64: 2, 16>, scalar_prefetch = 0 : i64, scratch_operands = 8 : i64, tpu.core_type = #tpu.core_type<sc_vector_subcore>, window_params = [{transform_indices = #map}, {transform_indices = #map1}, {transform_indices = #map}, {transform_indices = #map}, {transform_indices = #map}]} {
    %mul3A = arith.constant 640 : i32
    %mul3A_0 = arith.muli %arg1, %mul3A : i32
    "tpu.region"() ({
      %run_scoped3A = tpu.sem_alloc : memref<!tpu.dma_semaphore, #tpu.memory_space<semaphore_mem>>
      %dma_start3A = arith.constant 0 : i32
      %dma_start3A_11 = tpu.memref_slice %arg12[%mul3A_0, %dma_start3A] : memref<10240x128xf32, #tpu.memory_space<vmem_shared>> -> memref<640x128xf32, #tpu.memory_space<vmem_shared>>
      tpu.enqueue_dma source(%arg5 : memref<640x128xf32, #tpu.memory_space<hbm>>) target(%dma_start3A_11 : memref<640x128xf32, #tpu.memory_space<vmem_shared>>) target_semaphore(%run_scoped3A : memref<!tpu.dma_semaphore, #tpu.memory_space<semaphore_mem>>)
      %dma_wait3A = arith.constant 0 : i32
      %dma_wait3A_12 = tpu.memref_slice %arg12[%mul3A_0, %dma_wait3A] : memref<10240x128xf32, #tpu.memory_space<vmem_shared>> -> memref<640x128xf32, #tpu.memory_space<vmem_shared>>
      tpu.wait_dma2 semaphore(%run_scoped3A : memref<!tpu.dma_semaphore, #tpu.memory_space<semaphore_mem>>) src(%arg5 : memref<640x128xf32, #tpu.memory_space<hbm>>) dst(%dma_wait3A_12 : memref<640x128xf32, #tpu.memory_space<vmem_shared>>)
      tpu.yield
    }) : () -> ()
    %barrier3A = arith.constant 0 : index
    tpu.barrier barrier_id(%barrier3A)
    %scan3A = arith.constant 0 : i32
    %scan3A_1 = arith.constant 0 : i32
    %scan3A_2 = arith.constant 20 : i32
    %scan3A_3 = arith.addi %scan3A_1, %scan3A_2 : i32
    %scan3A_4 = arith.constant 1 : i32
    scf.for %scan3A_11 = %scan3A_1 to %scan3A_3 step %scan3A_4  : i32 {
      %mul3A_12 = arith.constant 160 : i32
      %mul3A_13 = arith.muli %arg1, %mul3A_12 : i32
      %mul3A_14 = arith.constant 8 : i32
      %mul3A_15 = arith.muli %scan3A_11, %mul3A_14 : i32
      %add3A_16 = arith.addi %mul3A_13, %mul3A_15 : i32
      %mul3A_17 = arith.constant 2560 : i32
      %mul3A_18 = arith.muli %arg0, %mul3A_17 : i32
      %add3A_19 = arith.addi %mul3A_18, %add3A_16 : i32
      "tpu.region"() ({
        %run_scoped3A = tpu.sem_alloc : memref<!tpu.dma_semaphore, #tpu.memory_space<semaphore_mem>>
        %dma_start3A_162 = arith.constant 0 : i32
        %dma_start3A_163 = tpu.memref_slice %arg2[%add3A_19, %dma_start3A_162] : memref<5120x128xi32, #tpu.memory_space<hbm>> -> memref<8x128xi32, #tpu.memory_space<hbm>>
        %dma_start3A_164 = arith.constant 0 : i32
        %dma_start3A_165 = tpu.memref_slice %arg2[%add3A_19, %dma_start3A_164] : memref<5120x128xi32, #tpu.memory_space<hbm>> -> memref<8x128xi32, #tpu.memory_space<hbm>>
        tpu.enqueue_dma source(%dma_start3A_165 : memref<8x128xi32, #tpu.memory_space<hbm>>) target(%arg7 : memref<8x128xi32, #tpu.memory_space<vmem>>) target_semaphore(%run_scoped3A : memref<!tpu.dma_semaphore, #tpu.memory_space<semaphore_mem>>)
        %dma_wait3A_166 = arith.constant 0 : i32
        %dma_wait3A_167 = tpu.memref_slice %arg2[%add3A_19, %dma_wait3A_166] : memref<5120x128xi32, #tpu.memory_space<hbm>> -> memref<8x128xi32, #tpu.memory_space<hbm>>
        %dma_wait3A_168 = arith.constant 0 : i32
        %dma_wait3A_169 = tpu.memref_slice %arg2[%add3A_19, %dma_wait3A_168] : memref<5120x128xi32, #tpu.memory_space<hbm>> -> memref<8x128xi32, #tpu.memory_space<hbm>>
        tpu.wait_dma2 semaphore(%run_scoped3A : memref<!tpu.dma_semaphore, #tpu.memory_space<semaphore_mem>>) src(%dma_wait3A_169 : memref<8x128xi32, #tpu.memory_space<hbm>>) dst(%arg7 : memref<8x128xi32, #tpu.memory_space<vmem>>)
        tpu.yield
      }) : () -> ()
      %dma_start3A = arith.constant 0 : i32
      %dma_start3A_20 = arith.constant 0 : i32
      %dma_start3A_21 = tpu.memref_slice %arg7[%dma_start3A, %dma_start3A_20] : memref<8x128xi32, #tpu.memory_space<vmem>> -> memref<1x128xi32, #tpu.memory_space<vmem>>
      %dma_start3A_22 = tpu.memref_squeeze %dma_start3A_21 : memref<1x128xi32, #tpu.memory_space<vmem>> -> memref<128xi32, #tpu.memory_space<vmem>>
      %dma_start3A_23 = arith.constant 0 : i32
      %dma_start3A_24 = arith.constant 0 : i32
      %dma_start3A_25 = tpu.memref_slice %arg4[%dma_start3A_23, %dma_start3A_24] : memref<20000x128xf32, #tpu.memory_space<hbm>> -> memref<20000x128xf32, #tpu.memory_space<hbm>>
      tpu.enqueue_indirect_dma source(%dma_start3A_25 : memref<20000x128xf32, #tpu.memory_space<hbm>>) target(%arg10 : memref<128x128xf32, #tpu.memory_space<vmem>>) offsets(%dma_start3A_22 : memref<128xi32, #tpu.memory_space<vmem>>) semaphore(%arg13 : memref<!tpu.dma_semaphore, #tpu.memory_space<semaphore_mem>>)
      %dma_start3A_26 = arith.constant 1 : i32
      %dma_start3A_27 = arith.constant 0 : i32
      %dma_start3A_28 = tpu.memref_slice %arg7[%dma_start3A_26, %dma_start3A_27] : memref<8x128xi32, #tpu.memory_space<vmem>> -> memref<1x128xi32, #tpu.memory_space<vmem>>
      %dma_start3A_29 = tpu.memref_squeeze %dma_start3A_28 : memref<1x128xi32, #tpu.memory_space<vmem>> -> memref<128xi32, #tpu.memory_space<vmem>>
      %dma_start3A_30 = arith.constant 0 : i32
      %dma_start3A_31 = arith.constant 0 : i32
      %dma_start3A_32 = tpu.memref_slice %arg4[%dma_start3A_30, %dma_start3A_31] : memref<20000x128xf32, #tpu.memory_space<hbm>> -> memref<20000x128xf32, #tpu.memory_space<hbm>>
      tpu.enqueue_indirect_dma source(%dma_start3A_32 : memref<20000x128xf32, #tpu.memory_space<hbm>>) target(%arg11 : memref<128x128xf32, #tpu.memory_space<vmem>>) offsets(%dma_start3A_29 : memref<128xi32, #tpu.memory_space<vmem>>) semaphore(%arg14 : memref<!tpu.dma_semaphore, #tpu.memory_space<semaphore_mem>>)
      %add3A_33 = arith.constant 0 : i32
      %add3A_34 = arith.addi %add3A_16, %add3A_33 : i32
      %mul3A_35 = arith.constant 128 : i32
      %mul3A_36 = arith.muli %add3A_34, %mul3A_35 : i32
      "tpu.region"() ({
        %run_scoped3A = tpu.sem_alloc : memref<!tpu.dma_semaphore, #tpu.memory_space<semaphore_mem>>
        %dma_start3A_162 = tpu.memref_slice %arg3[%mul3A_36] : memref<327680xi32, #tpu.memory_space<hbm>> -> memref<128xi32, #tpu.memory_space<hbm>>
        %dma_start3A_163 = tpu.memref_slice %arg3[%mul3A_36] : memref<327680xi32, #tpu.memory_space<hbm>> -> memref<128xi32, #tpu.memory_space<hbm>>
        tpu.enqueue_dma source(%dma_start3A_163 : memref<128xi32, #tpu.memory_space<hbm>>) target(%arg8 : memref<128xi32, #tpu.memory_space<vmem>>) target_semaphore(%run_scoped3A : memref<!tpu.dma_semaphore, #tpu.memory_space<semaphore_mem>>)
        %dma_wait3A_164 = tpu.memref_slice %arg3[%mul3A_36] : memref<327680xi32, #tpu.memory_space<hbm>> -> memref<128xi32, #tpu.memory_space<hbm>>
        %dma_wait3A_165 = tpu.memref_slice %arg3[%mul3A_36] : memref<327680xi32, #tpu.memory_space<hbm>> -> memref<128xi32, #tpu.memory_space<hbm>>
        tpu.wait_dma2 semaphore(%run_scoped3A : memref<!tpu.dma_semaphore, #tpu.memory_space<semaphore_mem>>) src(%dma_wait3A_165 : memref<128xi32, #tpu.memory_space<hbm>>) dst(%arg8 : memref<128xi32, #tpu.memory_space<vmem>>)
        tpu.yield
      }) : () -> ()
      %dma_wait3A = arith.constant 0 : i32
      %dma_wait3A_37 = arith.constant 0 : i32
      %dma_wait3A_38 = tpu.memref_slice %arg7[%dma_wait3A, %dma_wait3A_37] : memref<8x128xi32, #tpu.memory_space<vmem>> -> memref<1x128xi32, #tpu.memory_space<vmem>>
      %dma_wait3A_39 = tpu.memref_squeeze %dma_wait3A_38 : memref<1x128xi32, #tpu.memory_space<vmem>> -> memref<128xi32, #tpu.memory_space<vmem>>
      %dma_wait3A_40 = arith.constant 0 : i32
      %dma_wait3A_41 = arith.constant 0 : i32
      %dma_wait3A_42 = tpu.memref_slice %arg4[%dma_wait3A_40, %dma_wait3A_41] : memref<20000x128xf32, #tpu.memory_space<hbm>> -> memref<20000x128xf32, #tpu.memory_space<hbm>>
      tpu.wait_indirect_dma semaphore(%arg13 : memref<!tpu.dma_semaphore, #tpu.memory_space<semaphore_mem>>) src(%dma_wait3A_42 : memref<20000x128xf32, #tpu.memory_space<hbm>>) dst(%arg10 : memref<128x128xf32, #tpu.memory_space<vmem>>)
      "tpu.region"() ({
        %run_scoped3A = tpu.sem_alloc : memref<!tpu.dma_semaphore, #tpu.memory_space<semaphore_mem>>
        %dma_start3A_162 = arith.constant 0 : i32
        %dma_start3A_163 = arith.constant 0 : i32
        %dma_start3A_164 = tpu.memref_slice %arg12[%dma_start3A_162, %dma_start3A_163] : memref<10240x128xf32, #tpu.memory_space<vmem_shared>> -> memref<10240x128xf32, #tpu.memory_space<vmem_shared>>
        tpu.enqueue_indirect_dma source(%arg10 : memref<128x128xf32, #tpu.memory_space<vmem>>) target(%dma_start3A_164 : memref<10240x128xf32, #tpu.memory_space<vmem_shared>>) offsets(%arg8 : memref<128xi32, #tpu.memory_space<vmem>>) semaphore(%run_scoped3A : memref<!tpu.dma_semaphore, #tpu.memory_space<semaphore_mem>>) {add = true}
        %dma_wait3A_165 = arith.constant 0 : i32
        %dma_wait3A_166 = arith.constant 0 : i32
        %dma_wait3A_167 = tpu.memref_slice %arg12[%dma_wait3A_165, %dma_wait3A_166] : memref<10240x128xf32, #tpu.memory_space<vmem_shared>> -> memref<10240x128xf32, #tpu.memory_space<vmem_shared>>
        tpu.wait_indirect_dma semaphore(%run_scoped3A : memref<!tpu.dma_semaphore, #tpu.memory_space<semaphore_mem>>) src(%arg10 : memref<128x128xf32, #tpu.memory_space<vmem>>) dst(%dma_wait3A_167 : memref<10240x128xf32, #tpu.memory_space<vmem_shared>>)
        tpu.yield
      }) : () -> ()
      %dma_start3A_43 = arith.constant 2 : i32
      %dma_start3A_44 = arith.constant 0 : i32
      %dma_start3A_45 = tpu.memref_slice %arg7[%dma_start3A_43, %dma_start3A_44] : memref<8x128xi32, #tpu.memory_space<vmem>> -> memref<1x128xi32, #tpu.memory_space<vmem>>
      %dma_start3A_46 = tpu.memref_squeeze %dma_start3A_45 : memref<1x128xi32, #tpu.memory_space<vmem>> -> memref<128xi32, #tpu.memory_space<vmem>>
      %dma_start3A_47 = arith.constant 0 : i32
      %dma_start3A_48 = arith.constant 0 : i32
      %dma_start3A_49 = tpu.memref_slice %arg4[%dma_start3A_47, %dma_start3A_48] : memref<20000x128xf32, #tpu.memory_space<hbm>> -> memref<20000x128xf32, #tpu.memory_space<hbm>>
      tpu.enqueue_indirect_dma source(%dma_start3A_49 : memref<20000x128xf32, #tpu.memory_space<hbm>>) target(%arg10 : memref<128x128xf32, #tpu.memory_space<vmem>>) offsets(%dma_start3A_46 : memref<128xi32, #tpu.memory_space<vmem>>) semaphore(%arg13 : memref<!tpu.dma_semaphore, #tpu.memory_space<semaphore_mem>>)
      %add3A_50 = arith.constant 1 : i32
      %add3A_51 = arith.addi %add3A_16, %add3A_50 : i32
      %mul3A_52 = arith.constant 128 : i32
      %mul3A_53 = arith.muli %add3A_51, %mul3A_52 : i32
      "tpu.region"() ({
        %run_scoped3A = tpu.sem_alloc : memref<!tpu.dma_semaphore, #tpu.memory_space<semaphore_mem>>
        %dma_start3A_162 = tpu.memref_slice %arg3[%mul3A_53] : memref<327680xi32, #tpu.memory_space<hbm>> -> memref<128xi32, #tpu.memory_space<hbm>>
        %dma_start3A_163 = tpu.memref_slice %arg3[%mul3A_53] : memref<327680xi32, #tpu.memory_space<hbm>> -> memref<128xi32, #tpu.memory_space<hbm>>
        tpu.enqueue_dma source(%dma_start3A_163 : memref<128xi32, #tpu.memory_space<hbm>>) target(%arg9 : memref<128xi32, #tpu.memory_space<vmem>>) target_semaphore(%run_scoped3A : memref<!tpu.dma_semaphore, #tpu.memory_space<semaphore_mem>>)
        %dma_wait3A_164 = tpu.memref_slice %arg3[%mul3A_53] : memref<327680xi32, #tpu.memory_space<hbm>> -> memref<128xi32, #tpu.memory_space<hbm>>
        %dma_wait3A_165 = tpu.memref_slice %arg3[%mul3A_53] : memref<327680xi32, #tpu.memory_space<hbm>> -> memref<128xi32, #tpu.memory_space<hbm>>
        tpu.wait_dma2 semaphore(%run_scoped3A : memref<!tpu.dma_semaphore, #tpu.memory_space<semaphore_mem>>) src(%dma_wait3A_165 : memref<128xi32, #tpu.memory_space<hbm>>) dst(%arg9 : memref<128xi32, #tpu.memory_space<vmem>>)
        tpu.yield
      }) : () -> ()
      %dma_wait3A_54 = arith.constant 1 : i32
      %dma_wait3A_55 = arith.constant 0 : i32
      %dma_wait3A_56 = tpu.memref_slice %arg7[%dma_wait3A_54, %dma_wait3A_55] : memref<8x128xi32, #tpu.memory_space<vmem>> -> memref<1x128xi32, #tpu.memory_space<vmem>>
      %dma_wait3A_57 = tpu.memref_squeeze %dma_wait3A_56 : memref<1x128xi32, #tpu.memory_space<vmem>> -> memref<128xi32, #tpu.memory_space<vmem>>
      %dma_wait3A_58 = arith.constant 0 : i32
      %dma_wait3A_59 = arith.constant 0 : i32
      %dma_wait3A_60 = tpu.memref_slice %arg4[%dma_wait3A_58, %dma_wait3A_59] : memref<20000x128xf32, #tpu.memory_space<hbm>> -> memref<20000x128xf32, #tpu.memory_space<hbm>>
      tpu.wait_indirect_dma semaphore(%arg14 : memref<!tpu.dma_semaphore, #tpu.memory_space<semaphore_mem>>) src(%dma_wait3A_60 : memref<20000x128xf32, #tpu.memory_space<hbm>>) dst(%arg11 : memref<128x128xf32, #tpu.memory_space<vmem>>)
      "tpu.region"() ({
        %run_scoped3A = tpu.sem_alloc : memref<!tpu.dma_semaphore, #tpu.memory_space<semaphore_mem>>
        %dma_start3A_162 = arith.constant 0 : i32
        %dma_start3A_163 = arith.constant 0 : i32
        %dma_start3A_164 = tpu.memref_slice %arg12[%dma_start3A_162, %dma_start3A_163] : memref<10240x128xf32, #tpu.memory_space<vmem_shared>> -> memref<10240x128xf32, #tpu.memory_space<vmem_shared>>
        tpu.enqueue_indirect_dma source(%arg11 : memref<128x128xf32, #tpu.memory_space<vmem>>) target(%dma_start3A_164 : memref<10240x128xf32, #tpu.memory_space<vmem_shared>>) offsets(%arg9 : memref<128xi32, #tpu.memory_space<vmem>>) semaphore(%run_scoped3A : memref<!tpu.dma_semaphore, #tpu.memory_space<semaphore_mem>>) {add = true}
        %dma_wait3A_165 = arith.constant 0 : i32
        %dma_wait3A_166 = arith.constant 0 : i32
        %dma_wait3A_167 = tpu.memref_slice %arg12[%dma_wait3A_165, %dma_wait3A_166] : memref<10240x128xf32, #tpu.memory_space<vmem_shared>> -> memref<10240x128xf32, #tpu.memory_space<vmem_shared>>
        tpu.wait_indirect_dma semaphore(%run_scoped3A : memref<!tpu.dma_semaphore, #tpu.memory_space<semaphore_mem>>) src(%arg11 : memref<128x128xf32, #tpu.memory_space<vmem>>) dst(%dma_wait3A_167 : memref<10240x128xf32, #tpu.memory_space<vmem_shared>>)
        tpu.yield
      }) : () -> ()
      %dma_start3A_61 = arith.constant 3 : i32
      %dma_start3A_62 = arith.constant 0 : i32
      %dma_start3A_63 = tpu.memref_slice %arg7[%dma_start3A_61, %dma_start3A_62] : memref<8x128xi32, #tpu.memory_space<vmem>> -> memref<1x128xi32, #tpu.memory_space<vmem>>
      %dma_start3A_64 = tpu.memref_squeeze %dma_start3A_63 : memref<1x128xi32, #tpu.memory_space<vmem>> -> memref<128xi32, #tpu.memory_space<vmem>>
      %dma_start3A_65 = arith.constant 0 : i32
      %dma_start3A_66 = arith.constant 0 : i32
      %dma_start3A_67 = tpu.memref_slice %arg4[%dma_start3A_65, %dma_start3A_66] : memref<20000x128xf32, #tpu.memory_space<hbm>> -> memref<20000x128xf32, #tpu.memory_space<hbm>>
      tpu.enqueue_indirect_dma source(%dma_start3A_67 : memref<20000x128xf32, #tpu.memory_space<hbm>>) target(%arg11 : memref<128x128xf32, #tpu.memory_space<vmem>>) offsets(%dma_start3A_64 : memref<128xi32, #tpu.memory_space<vmem>>) semaphore(%arg14 : memref<!tpu.dma_semaphore, #tpu.memory_space<semaphore_mem>>)
      %add3A_68 = arith.constant 2 : i32
      %add3A_69 = arith.addi %add3A_16, %add3A_68 : i32
      %mul3A_70 = arith.constant 128 : i32
      %mul3A_71 = arith.muli %add3A_69, %mul3A_70 : i32
      "tpu.region"() ({
        %run_scoped3A = tpu.sem_alloc : memref<!tpu.dma_semaphore, #tpu.memory_space<semaphore_mem>>
        %dma_start3A_162 = tpu.memref_slice %arg3[%mul3A_71] : memref<327680xi32, #tpu.memory_space<hbm>> -> memref<128xi32, #tpu.memory_space<hbm>>
        %dma_start3A_163 = tpu.memref_slice %arg3[%mul3A_71] : memref<327680xi32, #tpu.memory_space<hbm>> -> memref<128xi32, #tpu.memory_space<hbm>>
        tpu.enqueue_dma source(%dma_start3A_163 : memref<128xi32, #tpu.memory_space<hbm>>) target(%arg8 : memref<128xi32, #tpu.memory_space<vmem>>) target_semaphore(%run_scoped3A : memref<!tpu.dma_semaphore, #tpu.memory_space<semaphore_mem>>)
        %dma_wait3A_164 = tpu.memref_slice %arg3[%mul3A_71] : memref<327680xi32, #tpu.memory_space<hbm>> -> memref<128xi32, #tpu.memory_space<hbm>>
        %dma_wait3A_165 = tpu.memref_slice %arg3[%mul3A_71] : memref<327680xi32, #tpu.memory_space<hbm>> -> memref<128xi32, #tpu.memory_space<hbm>>
        tpu.wait_dma2 semaphore(%run_scoped3A : memref<!tpu.dma_semaphore, #tpu.memory_space<semaphore_mem>>) src(%dma_wait3A_165 : memref<128xi32, #tpu.memory_space<hbm>>) dst(%arg8 : memref<128xi32, #tpu.memory_space<vmem>>)
        tpu.yield
      }) : () -> ()
      %dma_wait3A_72 = arith.constant 2 : i32
      %dma_wait3A_73 = arith.constant 0 : i32
      %dma_wait3A_74 = tpu.memref_slice %arg7[%dma_wait3A_72, %dma_wait3A_73] : memref<8x128xi32, #tpu.memory_space<vmem>> -> memref<1x128xi32, #tpu.memory_space<vmem>>
      %dma_wait3A_75 = tpu.memref_squeeze %dma_wait3A_74 : memref<1x128xi32, #tpu.memory_space<vmem>> -> memref<128xi32, #tpu.memory_space<vmem>>
      %dma_wait3A_76 = arith.constant 0 : i32
      %dma_wait3A_77 = arith.constant 0 : i32
      %dma_wait3A_78 = tpu.memref_slice %arg4[%dma_wait3A_76, %dma_wait3A_77] : memref<20000x128xf32, #tpu.memory_space<hbm>> -> memref<20000x128xf32, #tpu.memory_space<hbm>>
      tpu.wait_indirect_dma semaphore(%arg13 : memref<!tpu.dma_semaphore, #tpu.memory_space<semaphore_mem>>) src(%dma_wait3A_78 : memref<20000x128xf32, #tpu.memory_space<hbm>>) dst(%arg10 : memref<128x128xf32, #tpu.memory_space<vmem>>)
      "tpu.region"() ({
        %run_scoped3A = tpu.sem_alloc : memref<!tpu.dma_semaphore, #tpu.memory_space<semaphore_mem>>
        %dma_start3A_162 = arith.constant 0 : i32
        %dma_start3A_163 = arith.constant 0 : i32
        %dma_start3A_164 = tpu.memref_slice %arg12[%dma_start3A_162, %dma_start3A_163] : memref<10240x128xf32, #tpu.memory_space<vmem_shared>> -> memref<10240x128xf32, #tpu.memory_space<vmem_shared>>
        tpu.enqueue_indirect_dma source(%arg10 : memref<128x128xf32, #tpu.memory_space<vmem>>) target(%dma_start3A_164 : memref<10240x128xf32, #tpu.memory_space<vmem_shared>>) offsets(%arg8 : memref<128xi32, #tpu.memory_space<vmem>>) semaphore(%run_scoped3A : memref<!tpu.dma_semaphore, #tpu.memory_space<semaphore_mem>>) {add = true}
        %dma_wait3A_165 = arith.constant 0 : i32
        %dma_wait3A_166 = arith.constant 0 : i32
        %dma_wait3A_167 = tpu.memref_slice %arg12[%dma_wait3A_165, %dma_wait3A_166] : memref<10240x128xf32, #tpu.memory_space<vmem_shared>> -> memref<10240x128xf32, #tpu.memory_space<vmem_shared>>
        tpu.wait_indirect_dma semaphore(%run_scoped3A : memref<!tpu.dma_semaphore, #tpu.memory_space<semaphore_mem>>) src(%arg10 : memref<128x128xf32, #tpu.memory_space<vmem>>) dst(%dma_wait3A_167 : memref<10240x128xf32, #tpu.memory_space<vmem_shared>>)
        tpu.yield
      }) : () -> ()
      %dma_start3A_79 = arith.constant 4 : i32
      %dma_start3A_80 = arith.constant 0 : i32
      %dma_start3A_81 = tpu.memref_slice %arg7[%dma_start3A_79, %dma_start3A_80] : memref<8x128xi32, #tpu.memory_space<vmem>> -> memref<1x128xi32, #tpu.memory_space<vmem>>
      %dma_start3A_82 = tpu.memref_squeeze %dma_start3A_81 : memref<1x128xi32, #tpu.memory_space<vmem>> -> memref<128xi32, #tpu.memory_space<vmem>>
      %dma_start3A_83 = arith.constant 0 : i32
      %dma_start3A_84 = arith.constant 0 : i32
      %dma_start3A_85 = tpu.memref_slice %arg4[%dma_start3A_83, %dma_start3A_84] : memref<20000x128xf32, #tpu.memory_space<hbm>> -> memref<20000x128xf32, #tpu.memory_space<hbm>>
      tpu.enqueue_indirect_dma source(%dma_start3A_85 : memref<20000x128xf32, #tpu.memory_space<hbm>>) target(%arg10 : memref<128x128xf32, #tpu.memory_space<vmem>>) offsets(%dma_start3A_82 : memref<128xi32, #tpu.memory_space<vmem>>) semaphore(%arg13 : memref<!tpu.dma_semaphore, #tpu.memory_space<semaphore_mem>>)
      %add3A_86 = arith.constant 3 : i32
      %add3A_87 = arith.addi %add3A_16, %add3A_86 : i32
      %mul3A_88 = arith.constant 128 : i32
      %mul3A_89 = arith.muli %add3A_87, %mul3A_88 : i32
      "tpu.region"() ({
        %run_scoped3A = tpu.sem_alloc : memref<!tpu.dma_semaphore, #tpu.memory_space<semaphore_mem>>
        %dma_start3A_162 = tpu.memref_slice %arg3[%mul3A_89] : memref<327680xi32, #tpu.memory_space<hbm>> -> memref<128xi32, #tpu.memory_space<hbm>>
        %dma_start3A_163 = tpu.memref_slice %arg3[%mul3A_89] : memref<327680xi32, #tpu.memory_space<hbm>> -> memref<128xi32, #tpu.memory_space<hbm>>
        tpu.enqueue_dma source(%dma_start3A_163 : memref<128xi32, #tpu.memory_space<hbm>>) target(%arg9 : memref<128xi32, #tpu.memory_space<vmem>>) target_semaphore(%run_scoped3A : memref<!tpu.dma_semaphore, #tpu.memory_space<semaphore_mem>>)
        %dma_wait3A_164 = tpu.memref_slice %arg3[%mul3A_89] : memref<327680xi32, #tpu.memory_space<hbm>> -> memref<128xi32, #tpu.memory_space<hbm>>
        %dma_wait3A_165 = tpu.memref_slice %arg3[%mul3A_89] : memref<327680xi32, #tpu.memory_space<hbm>> -> memref<128xi32, #tpu.memory_space<hbm>>
        tpu.wait_dma2 semaphore(%run_scoped3A : memref<!tpu.dma_semaphore, #tpu.memory_space<semaphore_mem>>) src(%dma_wait3A_165 : memref<128xi32, #tpu.memory_space<hbm>>) dst(%arg9 : memref<128xi32, #tpu.memory_space<vmem>>)
        tpu.yield
      }) : () -> ()
      %dma_wait3A_90 = arith.constant 3 : i32
      %dma_wait3A_91 = arith.constant 0 : i32
      %dma_wait3A_92 = tpu.memref_slice %arg7[%dma_wait3A_90, %dma_wait3A_91] : memref<8x128xi32, #tpu.memory_space<vmem>> -> memref<1x128xi32, #tpu.memory_space<vmem>>
      %dma_wait3A_93 = tpu.memref_squeeze %dma_wait3A_92 : memref<1x128xi32, #tpu.memory_space<vmem>> -> memref<128xi32, #tpu.memory_space<vmem>>
      %dma_wait3A_94 = arith.constant 0 : i32
      %dma_wait3A_95 = arith.constant 0 : i32
      %dma_wait3A_96 = tpu.memref_slice %arg4[%dma_wait3A_94, %dma_wait3A_95] : memref<20000x128xf32, #tpu.memory_space<hbm>> -> memref<20000x128xf32, #tpu.memory_space<hbm>>
      tpu.wait_indirect_dma semaphore(%arg14 : memref<!tpu.dma_semaphore, #tpu.memory_space<semaphore_mem>>) src(%dma_wait3A_96 : memref<20000x128xf32, #tpu.memory_space<hbm>>) dst(%arg11 : memref<128x128xf32, #tpu.memory_space<vmem>>)
      "tpu.region"() ({
        %run_scoped3A = tpu.sem_alloc : memref<!tpu.dma_semaphore, #tpu.memory_space<semaphore_mem>>
        %dma_start3A_162 = arith.constant 0 : i32
        %dma_start3A_163 = arith.constant 0 : i32
        %dma_start3A_164 = tpu.memref_slice %arg12[%dma_start3A_162, %dma_start3A_163] : memref<10240x128xf32, #tpu.memory_space<vmem_shared>> -> memref<10240x128xf32, #tpu.memory_space<vmem_shared>>
        tpu.enqueue_indirect_dma source(%arg11 : memref<128x128xf32, #tpu.memory_space<vmem>>) target(%dma_start3A_164 : memref<10240x128xf32, #tpu.memory_space<vmem_shared>>) offsets(%arg9 : memref<128xi32, #tpu.memory_space<vmem>>) semaphore(%run_scoped3A : memref<!tpu.dma_semaphore, #tpu.memory_space<semaphore_mem>>) {add = true}
        %dma_wait3A_165 = arith.constant 0 : i32
        %dma_wait3A_166 = arith.constant 0 : i32
        %dma_wait3A_167 = tpu.memref_slice %arg12[%dma_wait3A_165, %dma_wait3A_166] : memref<10240x128xf32, #tpu.memory_space<vmem_shared>> -> memref<10240x128xf32, #tpu.memory_space<vmem_shared>>
        tpu.wait_indirect_dma semaphore(%run_scoped3A : memref<!tpu.dma_semaphore, #tpu.memory_space<semaphore_mem>>) src(%arg11 : memref<128x128xf32, #tpu.memory_space<vmem>>) dst(%dma_wait3A_167 : memref<10240x128xf32, #tpu.memory_space<vmem_shared>>)
        tpu.yield
      }) : () -> ()
      %dma_start3A_97 = arith.constant 5 : i32
      %dma_start3A_98 = arith.constant 0 : i32
      %dma_start3A_99 = tpu.memref_slice %arg7[%dma_start3A_97, %dma_start3A_98] : memref<8x128xi32, #tpu.memory_space<vmem>> -> memref<1x128xi32, #tpu.memory_space<vmem>>
      %dma_start3A_100 = tpu.memref_squeeze %dma_start3A_99 : memref<1x128xi32, #tpu.memory_space<vmem>> -> memref<128xi32, #tpu.memory_space<vmem>>
      %dma_start3A_101 = arith.constant 0 : i32
      %dma_start3A_102 = arith.constant 0 : i32
      %dma_start3A_103 = tpu.memref_slice %arg4[%dma_start3A_101, %dma_start3A_102] : memref<20000x128xf32, #tpu.memory_space<hbm>> -> memref<20000x128xf32, #tpu.memory_space<hbm>>
      tpu.enqueue_indirect_dma source(%dma_start3A_103 : memref<20000x128xf32, #tpu.memory_space<hbm>>) target(%arg11 : memref<128x128xf32, #tpu.memory_space<vmem>>) offsets(%dma_start3A_100 : memref<128xi32, #tpu.memory_space<vmem>>) semaphore(%arg14 : memref<!tpu.dma_semaphore, #tpu.memory_space<semaphore_mem>>)
      %add3A_104 = arith.constant 4 : i32
      %add3A_105 = arith.addi %add3A_16, %add3A_104 : i32
      %mul3A_106 = arith.constant 128 : i32
      %mul3A_107 = arith.muli %add3A_105, %mul3A_106 : i32
      "tpu.region"() ({
        %run_scoped3A = tpu.sem_alloc : memref<!tpu.dma_semaphore, #tpu.memory_space<semaphore_mem>>
        %dma_start3A_162 = tpu.memref_slice %arg3[%mul3A_107] : memref<327680xi32, #tpu.memory_space<hbm>> -> memref<128xi32, #tpu.memory_space<hbm>>
        %dma_start3A_163 = tpu.memref_slice %arg3[%mul3A_107] : memref<327680xi32, #tpu.memory_space<hbm>> -> memref<128xi32, #tpu.memory_space<hbm>>
        tpu.enqueue_dma source(%dma_start3A_163 : memref<128xi32, #tpu.memory_space<hbm>>) target(%arg8 : memref<128xi32, #tpu.memory_space<vmem>>) target_semaphore(%run_scoped3A : memref<!tpu.dma_semaphore, #tpu.memory_space<semaphore_mem>>)
        %dma_wait3A_164 = tpu.memref_slice %arg3[%mul3A_107] : memref<327680xi32, #tpu.memory_space<hbm>> -> memref<128xi32, #tpu.memory_space<hbm>>
        %dma_wait3A_165 = tpu.memref_slice %arg3[%mul3A_107] : memref<327680xi32, #tpu.memory_space<hbm>> -> memref<128xi32, #tpu.memory_space<hbm>>
        tpu.wait_dma2 semaphore(%run_scoped3A : memref<!tpu.dma_semaphore, #tpu.memory_space<semaphore_mem>>) src(%dma_wait3A_165 : memref<128xi32, #tpu.memory_space<hbm>>) dst(%arg8 : memref<128xi32, #tpu.memory_space<vmem>>)
        tpu.yield
      }) : () -> ()
      %dma_wait3A_108 = arith.constant 4 : i32
      %dma_wait3A_109 = arith.constant 0 : i32
      %dma_wait3A_110 = tpu.memref_slice %arg7[%dma_wait3A_108, %dma_wait3A_109] : memref<8x128xi32, #tpu.memory_space<vmem>> -> memref<1x128xi32, #tpu.memory_space<vmem>>
      %dma_wait3A_111 = tpu.memref_squeeze %dma_wait3A_110 : memref<1x128xi32, #tpu.memory_space<vmem>> -> memref<128xi32, #tpu.memory_space<vmem>>
      %dma_wait3A_112 = arith.constant 0 : i32
      %dma_wait3A_113 = arith.constant 0 : i32
      %dma_wait3A_114 = tpu.memref_slice %arg4[%dma_wait3A_112, %dma_wait3A_113] : memref<20000x128xf32, #tpu.memory_space<hbm>> -> memref<20000x128xf32, #tpu.memory_space<hbm>>
      tpu.wait_indirect_dma semaphore(%arg13 : memref<!tpu.dma_semaphore, #tpu.memory_space<semaphore_mem>>) src(%dma_wait3A_114 : memref<20000x128xf32, #tpu.memory_space<hbm>>) dst(%arg10 : memref<128x128xf32, #tpu.memory_space<vmem>>)
      "tpu.region"() ({
        %run_scoped3A = tpu.sem_alloc : memref<!tpu.dma_semaphore, #tpu.memory_space<semaphore_mem>>
        %dma_start3A_162 = arith.constant 0 : i32
        %dma_start3A_163 = arith.constant 0 : i32
        %dma_start3A_164 = tpu.memref_slice %arg12[%dma_start3A_162, %dma_start3A_163] : memref<10240x128xf32, #tpu.memory_space<vmem_shared>> -> memref<10240x128xf32, #tpu.memory_space<vmem_shared>>
        tpu.enqueue_indirect_dma source(%arg10 : memref<128x128xf32, #tpu.memory_space<vmem>>) target(%dma_start3A_164 : memref<10240x128xf32, #tpu.memory_space<vmem_shared>>) offsets(%arg8 : memref<128xi32, #tpu.memory_space<vmem>>) semaphore(%run_scoped3A : memref<!tpu.dma_semaphore, #tpu.memory_space<semaphore_mem>>) {add = true}
        %dma_wait3A_165 = arith.constant 0 : i32
        %dma_wait3A_166 = arith.constant 0 : i32
        %dma_wait3A_167 = tpu.memref_slice %arg12[%dma_wait3A_165, %dma_wait3A_166] : memref<10240x128xf32, #tpu.memory_space<vmem_shared>> -> memref<10240x128xf32, #tpu.memory_space<vmem_shared>>
        tpu.wait_indirect_dma semaphore(%run_scoped3A : memref<!tpu.dma_semaphore, #tpu.memory_space<semaphore_mem>>) src(%arg10 : memref<128x128xf32, #tpu.memory_space<vmem>>) dst(%dma_wait3A_167 : memref<10240x128xf32, #tpu.memory_space<vmem_shared>>)
        tpu.yield
      }) : () -> ()
      %dma_start3A_115 = arith.constant 6 : i32
      %dma_start3A_116 = arith.constant 0 : i32
      %dma_start3A_117 = tpu.memref_slice %arg7[%dma_start3A_115, %dma_start3A_116] : memref<8x128xi32, #tpu.memory_space<vmem>> -> memref<1x128xi32, #tpu.memory_space<vmem>>
      %dma_start3A_118 = tpu.memref_squeeze %dma_start3A_117 : memref<1x128xi32, #tpu.memory_space<vmem>> -> memref<128xi32, #tpu.memory_space<vmem>>
      %dma_start3A_119 = arith.constant 0 : i32
      %dma_start3A_120 = arith.constant 0 : i32
      %dma_start3A_121 = tpu.memref_slice %arg4[%dma_start3A_119, %dma_start3A_120] : memref<20000x128xf32, #tpu.memory_space<hbm>> -> memref<20000x128xf32, #tpu.memory_space<hbm>>
      tpu.enqueue_indirect_dma source(%dma_start3A_121 : memref<20000x128xf32, #tpu.memory_space<hbm>>) target(%arg10 : memref<128x128xf32, #tpu.memory_space<vmem>>) offsets(%dma_start3A_118 : memref<128xi32, #tpu.memory_space<vmem>>) semaphore(%arg13 : memref<!tpu.dma_semaphore, #tpu.memory_space<semaphore_mem>>)
      %add3A_122 = arith.constant 5 : i32
      %add3A_123 = arith.addi %add3A_16, %add3A_122 : i32
      %mul3A_124 = arith.constant 128 : i32
      %mul3A_125 = arith.muli %add3A_123, %mul3A_124 : i32
      "tpu.region"() ({
        %run_scoped3A = tpu.sem_alloc : memref<!tpu.dma_semaphore, #tpu.memory_space<semaphore_mem>>
        %dma_start3A_162 = tpu.memref_slice %arg3[%mul3A_125] : memref<327680xi32, #tpu.memory_space<hbm>> -> memref<128xi32, #tpu.memory_space<hbm>>
        %dma_start3A_163 = tpu.memref_slice %arg3[%mul3A_125] : memref<327680xi32, #tpu.memory_space<hbm>> -> memref<128xi32, #tpu.memory_space<hbm>>
        tpu.enqueue_dma source(%dma_start3A_163 : memref<128xi32, #tpu.memory_space<hbm>>) target(%arg9 : memref<128xi32, #tpu.memory_space<vmem>>) target_semaphore(%run_scoped3A : memref<!tpu.dma_semaphore, #tpu.memory_space<semaphore_mem>>)
        %dma_wait3A_164 = tpu.memref_slice %arg3[%mul3A_125] : memref<327680xi32, #tpu.memory_space<hbm>> -> memref<128xi32, #tpu.memory_space<hbm>>
        %dma_wait3A_165 = tpu.memref_slice %arg3[%mul3A_125] : memref<327680xi32, #tpu.memory_space<hbm>> -> memref<128xi32, #tpu.memory_space<hbm>>
        tpu.wait_dma2 semaphore(%run_scoped3A : memref<!tpu.dma_semaphore, #tpu.memory_space<semaphore_mem>>) src(%dma_wait3A_165 : memref<128xi32, #tpu.memory_space<hbm>>) dst(%arg9 : memref<128xi32, #tpu.memory_space<vmem>>)
        tpu.yield
      }) : () -> ()
      %dma_wait3A_126 = arith.constant 5 : i32
      %dma_wait3A_127 = arith.constant 0 : i32
      %dma_wait3A_128 = tpu.memref_slice %arg7[%dma_wait3A_126, %dma_wait3A_127] : memref<8x128xi32, #tpu.memory_space<vmem>> -> memref<1x128xi32, #tpu.memory_space<vmem>>
      %dma_wait3A_129 = tpu.memref_squeeze %dma_wait3A_128 : memref<1x128xi32, #tpu.memory_space<vmem>> -> memref<128xi32, #tpu.memory_space<vmem>>
      %dma_wait3A_130 = arith.constant 0 : i32
      %dma_wait3A_131 = arith.constant 0 : i32
      %dma_wait3A_132 = tpu.memref_slice %arg4[%dma_wait3A_130, %dma_wait3A_131] : memref<20000x128xf32, #tpu.memory_space<hbm>> -> memref<20000x128xf32, #tpu.memory_space<hbm>>
      tpu.wait_indirect_dma semaphore(%arg14 : memref<!tpu.dma_semaphore, #tpu.memory_space<semaphore_mem>>) src(%dma_wait3A_132 : memref<20000x128xf32, #tpu.memory_space<hbm>>) dst(%arg11 : memref<128x128xf32, #tpu.memory_space<vmem>>)
      "tpu.region"() ({
        %run_scoped3A = tpu.sem_alloc : memref<!tpu.dma_semaphore, #tpu.memory_space<semaphore_mem>>
        %dma_start3A_162 = arith.constant 0 : i32
        %dma_start3A_163 = arith.constant 0 : i32
        %dma_start3A_164 = tpu.memref_slice %arg12[%dma_start3A_162, %dma_start3A_163] : memref<10240x128xf32, #tpu.memory_space<vmem_shared>> -> memref<10240x128xf32, #tpu.memory_space<vmem_shared>>
        tpu.enqueue_indirect_dma source(%arg11 : memref<128x128xf32, #tpu.memory_space<vmem>>) target(%dma_start3A_164 : memref<10240x128xf32, #tpu.memory_space<vmem_shared>>) offsets(%arg9 : memref<128xi32, #tpu.memory_space<vmem>>) semaphore(%run_scoped3A : memref<!tpu.dma_semaphore, #tpu.memory_space<semaphore_mem>>) {add = true}
        %dma_wait3A_165 = arith.constant 0 : i32
        %dma_wait3A_166 = arith.constant 0 : i32
        %dma_wait3A_167 = tpu.memref_slice %arg12[%dma_wait3A_165, %dma_wait3A_166] : memref<10240x128xf32, #tpu.memory_space<vmem_shared>> -> memref<10240x128xf32, #tpu.memory_space<vmem_shared>>
        tpu.wait_indirect_dma semaphore(%run_scoped3A : memref<!tpu.dma_semaphore, #tpu.memory_space<semaphore_mem>>) src(%arg11 : memref<128x128xf32, #tpu.memory_space<vmem>>) dst(%dma_wait3A_167 : memref<10240x128xf32, #tpu.memory_space<vmem_shared>>)
        tpu.yield
      }) : () -> ()
      %dma_start3A_133 = arith.constant 7 : i32
      %dma_start3A_134 = arith.constant 0 : i32
      %dma_start3A_135 = tpu.memref_slice %arg7[%dma_start3A_133, %dma_start3A_134] : memref<8x128xi32, #tpu.memory_space<vmem>> -> memref<1x128xi32, #tpu.memory_space<vmem>>
      %dma_start3A_136 = tpu.memref_squeeze %dma_start3A_135 : memref<1x128xi32, #tpu.memory_space<vmem>> -> memref<128xi32, #tpu.memory_space<vmem>>
      %dma_start3A_137 = arith.constant 0 : i32
      %dma_start3A_138 = arith.constant 0 : i32
      %dma_start3A_139 = tpu.memref_slice %arg4[%dma_start3A_137, %dma_start3A_138] : memref<20000x128xf32, #tpu.memory_space<hbm>> -> memref<20000x128xf32, #tpu.memory_space<hbm>>
      tpu.enqueue_indirect_dma source(%dma_start3A_139 : memref<20000x128xf32, #tpu.memory_space<hbm>>) target(%arg11 : memref<128x128xf32, #tpu.memory_space<vmem>>) offsets(%dma_start3A_136 : memref<128xi32, #tpu.memory_space<vmem>>) semaphore(%arg14 : memref<!tpu.dma_semaphore, #tpu.memory_space<semaphore_mem>>)
      %add3A_140 = arith.constant 6 : i32
      %add3A_141 = arith.addi %add3A_16, %add3A_140 : i32
      %mul3A_142 = arith.constant 128 : i32
      %mul3A_143 = arith.muli %add3A_141, %mul3A_142 : i32
      "tpu.region"() ({
        %run_scoped3A = tpu.sem_alloc : memref<!tpu.dma_semaphore, #tpu.memory_space<semaphore_mem>>
        %dma_start3A_162 = tpu.memref_slice %arg3[%mul3A_143] : memref<327680xi32, #tpu.memory_space<hbm>> -> memref<128xi32, #tpu.memory_space<hbm>>
        %dma_start3A_163 = tpu.memref_slice %arg3[%mul3A_143] : memref<327680xi32, #tpu.memory_space<hbm>> -> memref<128xi32, #tpu.memory_space<hbm>>
        tpu.enqueue_dma source(%dma_start3A_163 : memref<128xi32, #tpu.memory_space<hbm>>) target(%arg8 : memref<128xi32, #tpu.memory_space<vmem>>) target_semaphore(%run_scoped3A : memref<!tpu.dma_semaphore, #tpu.memory_space<semaphore_mem>>)
        %dma_wait3A_164 = tpu.memref_slice %arg3[%mul3A_143] : memref<327680xi32, #tpu.memory_space<hbm>> -> memref<128xi32, #tpu.memory_space<hbm>>
        %dma_wait3A_165 = tpu.memref_slice %arg3[%mul3A_143] : memref<327680xi32, #tpu.memory_space<hbm>> -> memref<128xi32, #tpu.memory_space<hbm>>
        tpu.wait_dma2 semaphore(%run_scoped3A : memref<!tpu.dma_semaphore, #tpu.memory_space<semaphore_mem>>) src(%dma_wait3A_165 : memref<128xi32, #tpu.memory_space<hbm>>) dst(%arg8 : memref<128xi32, #tpu.memory_space<vmem>>)
        tpu.yield
      }) : () -> ()
      %dma_wait3A_144 = arith.constant 6 : i32
      %dma_wait3A_145 = arith.constant 0 : i32
      %dma_wait3A_146 = tpu.memref_slice %arg7[%dma_wait3A_144, %dma_wait3A_145] : memref<8x128xi32, #tpu.memory_space<vmem>> -> memref<1x128xi32, #tpu.memory_space<vmem>>
      %dma_wait3A_147 = tpu.memref_squeeze %dma_wait3A_146 : memref<1x128xi32, #tpu.memory_space<vmem>> -> memref<128xi32, #tpu.memory_space<vmem>>
      %dma_wait3A_148 = arith.constant 0 : i32
      %dma_wait3A_149 = arith.constant 0 : i32
      %dma_wait3A_150 = tpu.memref_slice %arg4[%dma_wait3A_148, %dma_wait3A_149] : memref<20000x128xf32, #tpu.memory_space<hbm>> -> memref<20000x128xf32, #tpu.memory_space<hbm>>
      tpu.wait_indirect_dma semaphore(%arg13 : memref<!tpu.dma_semaphore, #tpu.memory_space<semaphore_mem>>) src(%dma_wait3A_150 : memref<20000x128xf32, #tpu.memory_space<hbm>>) dst(%arg10 : memref<128x128xf32, #tpu.memory_space<vmem>>)
      "tpu.region"() ({
        %run_scoped3A = tpu.sem_alloc : memref<!tpu.dma_semaphore, #tpu.memory_space<semaphore_mem>>
        %dma_start3A_162 = arith.constant 0 : i32
        %dma_start3A_163 = arith.constant 0 : i32
        %dma_start3A_164 = tpu.memref_slice %arg12[%dma_start3A_162, %dma_start3A_163] : memref<10240x128xf32, #tpu.memory_space<vmem_shared>> -> memref<10240x128xf32, #tpu.memory_space<vmem_shared>>
        tpu.enqueue_indirect_dma source(%arg10 : memref<128x128xf32, #tpu.memory_space<vmem>>) target(%dma_start3A_164 : memref<10240x128xf32, #tpu.memory_space<vmem_shared>>) offsets(%arg8 : memref<128xi32, #tpu.memory_space<vmem>>) semaphore(%run_scoped3A : memref<!tpu.dma_semaphore, #tpu.memory_space<semaphore_mem>>) {add = true}
        %dma_wait3A_165 = arith.constant 0 : i32
        %dma_wait3A_166 = arith.constant 0 : i32
        %dma_wait3A_167 = tpu.memref_slice %arg12[%dma_wait3A_165, %dma_wait3A_166] : memref<10240x128xf32, #tpu.memory_space<vmem_shared>> -> memref<10240x128xf32, #tpu.memory_space<vmem_shared>>
        tpu.wait_indirect_dma semaphore(%run_scoped3A : memref<!tpu.dma_semaphore, #tpu.memory_space<semaphore_mem>>) src(%arg10 : memref<128x128xf32, #tpu.memory_space<vmem>>) dst(%dma_wait3A_167 : memref<10240x128xf32, #tpu.memory_space<vmem_shared>>)
        tpu.yield
      }) : () -> ()
      %add3A_151 = arith.constant 7 : i32
      %add3A_152 = arith.addi %add3A_16, %add3A_151 : i32
      %mul3A_153 = arith.constant 128 : i32
      %mul3A_154 = arith.muli %add3A_152, %mul3A_153 : i32
      "tpu.region"() ({
        %run_scoped3A = tpu.sem_alloc : memref<!tpu.dma_semaphore, #tpu.memory_space<semaphore_mem>>
        %dma_start3A_162 = tpu.memref_slice %arg3[%mul3A_154] : memref<327680xi32, #tpu.memory_space<hbm>> -> memref<128xi32, #tpu.memory_space<hbm>>
        %dma_start3A_163 = tpu.memref_slice %arg3[%mul3A_154] : memref<327680xi32, #tpu.memory_space<hbm>> -> memref<128xi32, #tpu.memory_space<hbm>>
        tpu.enqueue_dma source(%dma_start3A_163 : memref<128xi32, #tpu.memory_space<hbm>>) target(%arg9 : memref<128xi32, #tpu.memory_space<vmem>>) target_semaphore(%run_scoped3A : memref<!tpu.dma_semaphore, #tpu.memory_space<semaphore_mem>>)
        %dma_wait3A_164 = tpu.memref_slice %arg3[%mul3A_154] : memref<327680xi32, #tpu.memory_space<hbm>> -> memref<128xi32, #tpu.memory_space<hbm>>
        %dma_wait3A_165 = tpu.memref_slice %arg3[%mul3A_154] : memref<327680xi32, #tpu.memory_space<hbm>> -> memref<128xi32, #tpu.memory_space<hbm>>
        tpu.wait_dma2 semaphore(%run_scoped3A : memref<!tpu.dma_semaphore, #tpu.memory_space<semaphore_mem>>) src(%dma_wait3A_165 : memref<128xi32, #tpu.memory_space<hbm>>) dst(%arg9 : memref<128xi32, #tpu.memory_space<vmem>>)
        tpu.yield
      }) : () -> ()
      %dma_wait3A_155 = arith.constant 7 : i32
      %dma_wait3A_156 = arith.constant 0 : i32
      %dma_wait3A_157 = tpu.memref_slice %arg7[%dma_wait3A_155, %dma_wait3A_156] : memref<8x128xi32, #tpu.memory_space<vmem>> -> memref<1x128xi32, #tpu.memory_space<vmem>>
      %dma_wait3A_158 = tpu.memref_squeeze %dma_wait3A_157 : memref<1x128xi32, #tpu.memory_space<vmem>> -> memref<128xi32, #tpu.memory_space<vmem>>
      %dma_wait3A_159 = arith.constant 0 : i32
      %dma_wait3A_160 = arith.constant 0 : i32
      %dma_wait3A_161 = tpu.memref_slice %arg4[%dma_wait3A_159, %dma_wait3A_160] : memref<20000x128xf32, #tpu.memory_space<hbm>> -> memref<20000x128xf32, #tpu.memory_space<hbm>>
      tpu.wait_indirect_dma semaphore(%arg14 : memref<!tpu.dma_semaphore, #tpu.memory_space<semaphore_mem>>) src(%dma_wait3A_161 : memref<20000x128xf32, #tpu.memory_space<hbm>>) dst(%arg11 : memref<128x128xf32, #tpu.memory_space<vmem>>)
      "tpu.region"() ({
        %run_scoped3A = tpu.sem_alloc : memref<!tpu.dma_semaphore, #tpu.memory_space<semaphore_mem>>
        %dma_start3A_162 = arith.constant 0 : i32
        %dma_start3A_163 = arith.constant 0 : i32
        %dma_start3A_164 = tpu.memref_slice %arg12[%dma_start3A_162, %dma_start3A_163] : memref<10240x128xf32, #tpu.memory_space<vmem_shared>> -> memref<10240x128xf32, #tpu.memory_space<vmem_shared>>
        tpu.enqueue_indirect_dma source(%arg11 : memref<128x128xf32, #tpu.memory_space<vmem>>) target(%dma_start3A_164 : memref<10240x128xf32, #tpu.memory_space<vmem_shared>>) offsets(%arg9 : memref<128xi32, #tpu.memory_space<vmem>>) semaphore(%run_scoped3A : memref<!tpu.dma_semaphore, #tpu.memory_space<semaphore_mem>>) {add = true}
        %dma_wait3A_165 = arith.constant 0 : i32
        %dma_wait3A_166 = arith.constant 0 : i32
        %dma_wait3A_167 = tpu.memref_slice %arg12[%dma_wait3A_165, %dma_wait3A_166] : memref<10240x128xf32, #tpu.memory_space<vmem_shared>> -> memref<10240x128xf32, #tpu.memory_space<vmem_shared>>
        tpu.wait_indirect_dma semaphore(%run_scoped3A : memref<!tpu.dma_semaphore, #tpu.memory_space<semaphore_mem>>) src(%arg11 : memref<128x128xf32, #tpu.memory_space<vmem>>) dst(%dma_wait3A_167 : memref<10240x128xf32, #tpu.memory_space<vmem_shared>>)
        tpu.yield
      }) : () -> ()
    }
    %scan3A_5 = arith.constant 20 : i32
    %barrier3A_6 = arith.constant 0 : index
    tpu.barrier barrier_id(%barrier3A_6)
    %mul3A_7 = arith.constant 10240 : i32
    %mul3A_8 = arith.muli %arg0, %mul3A_7 : i32
    %mul3A_9 = arith.constant 640 : i32
    %mul3A_10 = arith.muli %arg1, %mul3A_9 : i32
    %add3A = arith.addi %mul3A_8, %mul3A_10 : i32
    "tpu.region"() ({
      %run_scoped3A = tpu.sem_alloc : memref<!tpu.dma_semaphore, #tpu.memory_space<semaphore_mem>>
      %dma_start3A = arith.constant 0 : i32
      %dma_start3A_11 = tpu.memref_slice %arg6[%add3A, %dma_start3A] : memref<20480x128xf32, #tpu.memory_space<hbm>> -> memref<640x128xf32, #tpu.memory_space<hbm>>
      %dma_start3A_12 = arith.constant 0 : i32
      %dma_start3A_13 = tpu.memref_slice %arg12[%mul3A_0, %dma_start3A_12] : memref<10240x128xf32, #tpu.memory_space<vmem_shared>> -> memref<640x128xf32, #tpu.memory_space<vmem_shared>>
      tpu.enqueue_dma source(%dma_start3A_13 : memref<640x128xf32, #tpu.memory_space<vmem_shared>>) target(%dma_start3A_11 : memref<640x128xf32, #tpu.memory_space<hbm>>) target_semaphore(%run_scoped3A : memref<!tpu.dma_semaphore, #tpu.memory_space<semaphore_mem>>)
      %dma_wait3A = arith.constant 0 : i32
      %dma_wait3A_14 = tpu.memref_slice %arg6[%add3A, %dma_wait3A] : memref<20480x128xf32, #tpu.memory_space<hbm>> -> memref<640x128xf32, #tpu.memory_space<hbm>>
      %dma_wait3A_15 = arith.constant 0 : i32
      %dma_wait3A_16 = tpu.memref_slice %arg12[%mul3A_0, %dma_wait3A_15] : memref<10240x128xf32, #tpu.memory_space<vmem_shared>> -> memref<640x128xf32, #tpu.memory_space<vmem_shared>>
      tpu.wait_dma2 semaphore(%run_scoped3A : memref<!tpu.dma_semaphore, #tpu.memory_space<semaphore_mem>>) src(%dma_wait3A_16 : memref<640x128xf32, #tpu.memory_space<vmem_shared>>) dst(%dma_wait3A_14 : memref<640x128xf32, #tpu.memory_space<hbm>>)
      tpu.yield
    }) : () -> ()
    return
  }
}

module attributes {stable_mosaic.version = 14 : i64} {
  func.func @body(%arg0: i32, %arg1: memref<1000x128xf32, #tpu.memory_space<vmem>>, %arg2: memref<1000x128xf32, #tpu.memory_space<vmem>>, %arg3: memref<1000x128xf32, #tpu.memory_space<vmem>>, %arg4: memref<2x1000x128xf32, #tpu.memory_space<vmem>>) attributes {dimension_semantics = [#tpu.dimension_semantics<arbitrary>], iteration_bounds = array<i64: 10>, scalar_prefetch = 0 : i64, scratch_operands = 0 : i64, tpu.core_type = #tpu.core_type<tc>, window_params = [{transform_indices = @transform_0, window_bounds = array<i64: 1000, 128>}, {transform_indices = @transform_1, window_bounds = array<i64: 1000, 128>}, {transform_indices = @transform_2, window_bounds = array<i64: 1000, 128>}, {transform_indices = @transform_3, window_bounds = array<i64: 2, 1000, 128>}]} {
    %get3A = arith.constant 0 : index
    %get3A_0 = arith.constant 0 : index
    %get3A_1 = vector.load %arg1[%get3A, %get3A_0] : memref<1000x128xf32, #tpu.memory_space<vmem>>, vector<1000x1xf32>
    %get3A_2 = arith.constant 0 : index
    %get3A_3 = arith.constant 0 : index
    %get3A_4 = vector.load %arg2[%get3A_2, %get3A_3] : memref<1000x128xf32, #tpu.memory_space<vmem>>, vector<1000x1xf32>
    %add3A = arith.addf %get3A_1, %get3A_4 : vector<1000x1xf32>
    %add3A_5 = arith.constant 1.000000e+00 : f32
    %add3A_6 = vector.broadcast %add3A_5 : f32 to vector<1000x1xf32>
    %add3A_7 = arith.addf %add3A, %add3A_6 : vector<1000x1xf32>
    %rsqrt3A = math.rsqrt %add3A_7 : vector<1000x1xf32>
    %broadcast_in_dim3A = vector.shape_cast %rsqrt3A : vector<1000x1xf32> to vector<1000x1xf32>
    %broadcast_in_dim3A_8 = vector.broadcast %broadcast_in_dim3A : vector<1000x1xf32> to vector<1000x128xf32>
    %swap3A = arith.constant 0 : index
    %swap3A_9 = arith.constant 0 : index
    %swap3A_10 = arith.constant 0 : index
    %swap3A_11 = vector.load %arg4[%swap3A, %swap3A_9, %swap3A_10] : memref<2x1000x128xf32, #tpu.memory_space<vmem>>, vector<1x1000x128xf32>
    %swap3A_12 = vector.shape_cast %swap3A_11 : vector<1x1000x128xf32> to vector<1000x128xf32>
    %swap3A_13 = vector.shape_cast %broadcast_in_dim3A_8 : vector<1000x128xf32> to vector<1x1000x128xf32>
    tpu.vector_store %arg4[%swap3A, %swap3A_9, %swap3A_10], %swap3A_13 {strides = array<i32>} : memref<2x1000x128xf32, #tpu.memory_space<vmem>>, vector<1x1000x128xf32>,
    %get3A_14 = arith.constant 0 : index
    %get3A_15 = arith.constant 0 : index
    %get3A_16 = vector.load %arg3[%get3A_14, %get3A_15] : memref<1000x128xf32, #tpu.memory_space<vmem>>, vector<1000x128xf32>
    %mul3A = vector.broadcast %rsqrt3A : vector<1000x1xf32> to vector<1000x128xf32>
    %mul3A_17 = arith.mulf %get3A_16, %mul3A : vector<1000x128xf32>
    %swap3A_18 = arith.constant 1 : index
    %swap3A_19 = arith.constant 0 : index
    %swap3A_20 = arith.constant 0 : index
    %swap3A_21 = vector.load %arg4[%swap3A_18, %swap3A_19, %swap3A_20] : memref<2x1000x128xf32, #tpu.memory_space<vmem>>, vector<1x1000x128xf32>
    %swap3A_22 = vector.shape_cast %swap3A_21 : vector<1x1000x128xf32> to vector<1000x128xf32>
    %swap3A_23 = vector.shape_cast %mul3A_17 : vector<1000x128xf32> to vector<1x1000x128xf32>
    tpu.vector_store %arg4[%swap3A_18, %swap3A_19, %swap3A_20], %swap3A_23 {strides = array<i32>} : memref<2x1000x128xf32, #tpu.memory_space<vmem>>, vector<1x1000x128xf32>,
    return
  }
  func.func @transform_0(%arg0: i32) -> (i32, i32) {
    %c0_i32 = arith.constant 0 : i32
    %c0_i32_0 = arith.constant 0 : i32
    return %arg0, %c0_i32 : i32, i32
  }
  func.func @transform_1(%arg0: i32) -> (i32, i32) {
    %c0_i32 = arith.constant 0 : i32
    %c0_i32_0 = arith.constant 0 : i32
    return %arg0, %c0_i32 : i32, i32
  }
  func.func @transform_2(%arg0: i32) -> (i32, i32) {
    %c0_i32 = arith.constant 0 : i32
    %c0_i32_0 = arith.constant 0 : i32
    return %arg0, %c0_i32 : i32, i32
  }
  func.func @transform_3(%arg0: i32) -> (i32, i32, i32) {
    %c0_i32 = arith.constant 0 : i32
    %c0_i32_0 = arith.constant 0 : i32
    %c0_i32_1 = arith.constant 0 : i32
    return %c0_i32, %arg0, %c0_i32_0 : i32, i32, i32
  }
}

module attributes {stable_mosaic.version = 14 : i64} {
  func.func @body(%arg0: i32, %arg1: memref<1000x128xf32, #tpu.memory_space<vmem>>, %arg2: memref<1000x128xf32, #tpu.memory_space<vmem>>, %arg3: memref<1000x128xf32, #tpu.memory_space<vmem>>, %arg4: memref<1000x128xf32, #tpu.memory_space<vmem>>, %arg5: memref<128x256xf32, #tpu.memory_space<vmem>>, %arg6: memref<1x256xf32, #tpu.memory_space<vmem>>, %arg7: memref<2x1000x128xf32, #tpu.memory_space<vmem>>) attributes {dimension_semantics = [#tpu.dimension_semantics<arbitrary>], iteration_bounds = array<i64: 10>, scalar_prefetch = 0 : i64, scratch_operands = 0 : i64, tpu.core_type = #tpu.core_type<tc>, window_params = [{transform_indices = @transform_0, window_bounds = array<i64: 1000, 128>}, {transform_indices = @transform_1, window_bounds = array<i64: 1000, 128>}, {transform_indices = @transform_2, window_bounds = array<i64: 1000, 128>}, {transform_indices = @transform_3, window_bounds = array<i64: 1000, 128>}, {pipeline_mode = #tpu.pipeline_mode<synchronous>, transform_indices = @transform_4, window_bounds = array<i64: 128, 256>}, {pipeline_mode = #tpu.pipeline_mode<synchronous>, transform_indices = @transform_5, window_bounds = array<i64: 1, 256>}, {transform_indices = @transform_6, window_bounds = array<i64: 2, 1000, 128>}]} {
    %get3A = arith.constant 0 : index
    %get3A_0 = arith.constant 0 : index
    %get3A_1 = vector.load %arg1[%get3A, %get3A_0] : memref<1000x128xf32, #tpu.memory_space<vmem>>, vector<1000x1xf32>
    %get3A_2 = arith.constant 0 : index
    %get3A_3 = arith.constant 0 : index
    %get3A_4 = vector.load %arg2[%get3A_2, %get3A_3] : memref<1000x128xf32, #tpu.memory_space<vmem>>, vector<1000x128xf32>
    %get3A_5 = arith.constant 0 : index
    %get3A_6 = arith.constant 0 : index
    %get3A_7 = vector.load %arg3[%get3A_5, %get3A_6] : memref<1000x128xf32, #tpu.memory_space<vmem>>, vector<1000x128xf32>
    %add3A = arith.addf %get3A_4, %get3A_7 : vector<1000x128xf32>
    %get3A_8 = arith.constant 0 : index
    %get3A_9 = arith.constant 0 : index
    %get3A_10 = vector.load %arg4[%get3A_8, %get3A_9] : memref<1000x128xf32, #tpu.memory_space<vmem>>, vector<1000x128xf32>
    %add3A_11 = arith.addf %add3A, %get3A_10 : vector<1000x128xf32>
    %mul3A = vector.broadcast %get3A_1 : vector<1000x1xf32> to vector<1000x128xf32>
    %mul3A_12 = arith.mulf %add3A_11, %mul3A : vector<1000x128xf32>
    %get3A_13 = arith.constant 0 : index
    %get3A_14 = arith.constant 0 : index
    %get3A_15 = vector.load %arg5[%get3A_13, %get3A_14] : memref<128x256xf32, #tpu.memory_space<vmem>>, vector<128x256xf32>
    %dot_general3A = arith.constant dense<0.000000e+00> : vector<1000x256xf32>
    %dot_general3A_16 = tpu.matmul %mul3A_12, %get3A_15, %dot_general3A {dimension_numbers = #tpu.dot_dimension_numbers<[1], [0], [0], [1], [0, 0, 1, 1], [], []>, precision = #tpu.contract_precision<fp32>, transpose_lhs_hint = false} : vector<1000x128xf32>, vector<128x256xf32>, vector<1000x256xf32> -> vector<1000x256xf32>
    %get3A_17 = arith.constant 0 : index
    %get3A_18 = arith.constant 0 : index
    %get3A_19 = vector.load %arg6[%get3A_17, %get3A_18] : memref<1x256xf32, #tpu.memory_space<vmem>>, vector<1x256xf32>
    %add3A_20 = vector.broadcast %get3A_19 : vector<1x256xf32> to vector<1000x256xf32>
    %add3A_21 = arith.addf %dot_general3A_16, %add3A_20 : vector<1000x256xf32>
    %max3A = arith.constant 0.000000e+00 : f32
    %max3A_22 = vector.broadcast %max3A : f32 to vector<1000x256xf32>
    %max3A_23 = arith.maximumf %add3A_21, %max3A_22 : vector<1000x256xf32>
    %mul3A_24 = vector.broadcast %get3A_1 : vector<1000x1xf32> to vector<1000x256xf32>
    %mul3A_25 = arith.mulf %max3A_23, %mul3A_24 : vector<1000x256xf32>
    %slice3A = vector.extract_strided_slice %mul3A_25 {offsets = [0, 0], sizes = [1000, 128], strides = [1, 1]} : vector<1000x256xf32> to vector<1000x128xf32>
    %swap3A = arith.constant 0 : index
    %swap3A_26 = arith.constant 0 : index
    %swap3A_27 = arith.constant 0 : index
    %swap3A_28 = vector.load %arg7[%swap3A, %swap3A_26, %swap3A_27] : memref<2x1000x128xf32, #tpu.memory_space<vmem>>, vector<1x1000x128xf32>
    %swap3A_29 = vector.shape_cast %swap3A_28 : vector<1x1000x128xf32> to vector<1000x128xf32>
    %swap3A_30 = vector.shape_cast %slice3A : vector<1000x128xf32> to vector<1x1000x128xf32>
    tpu.vector_store %arg7[%swap3A, %swap3A_26, %swap3A_27], %swap3A_30 {strides = array<i32>} : memref<2x1000x128xf32, #tpu.memory_space<vmem>>, vector<1x1000x128xf32>,
    %slice3A_31 = vector.extract_strided_slice %mul3A_25 {offsets = [0, 128], sizes = [1000, 128], strides = [1, 1]} : vector<1000x256xf32> to vector<1000x128xf32>
    %swap3A_32 = arith.constant 1 : index
    %swap3A_33 = arith.constant 0 : index
    %swap3A_34 = arith.constant 0 : index
    %swap3A_35 = vector.load %arg7[%swap3A_32, %swap3A_33, %swap3A_34] : memref<2x1000x128xf32, #tpu.memory_space<vmem>>, vector<1x1000x128xf32>
    %swap3A_36 = vector.shape_cast %swap3A_35 : vector<1x1000x128xf32> to vector<1000x128xf32>
    %swap3A_37 = vector.shape_cast %slice3A_31 : vector<1000x128xf32> to vector<1x1000x128xf32>
    tpu.vector_store %arg7[%swap3A_32, %swap3A_33, %swap3A_34], %swap3A_37 {strides = array<i32>} : memref<2x1000x128xf32, #tpu.memory_space<vmem>>, vector<1x1000x128xf32>,
    return
  }
  func.func @transform_0(%arg0: i32) -> (i32, i32) {
    %c0_i32 = arith.constant 0 : i32
    %c0_i32_0 = arith.constant 0 : i32
    return %arg0, %c0_i32 : i32, i32
  }
  func.func @transform_1(%arg0: i32) -> (i32, i32) {
    %c0_i32 = arith.constant 0 : i32
    %c0_i32_0 = arith.constant 0 : i32
    return %arg0, %c0_i32 : i32, i32
  }
  func.func @transform_2(%arg0: i32) -> (i32, i32) {
    %c0_i32 = arith.constant 0 : i32
    %c0_i32_0 = arith.constant 0 : i32
    return %arg0, %c0_i32 : i32, i32
  }
  func.func @transform_3(%arg0: i32) -> (i32, i32) {
    %c0_i32 = arith.constant 0 : i32
    %c0_i32_0 = arith.constant 0 : i32
    return %arg0, %c0_i32 : i32, i32
  }
  func.func @transform_4(%arg0: i32) -> (i32, i32) {
    %c0_i32 = arith.constant 0 : i32
    %c0_i32_0 = arith.constant 0 : i32
    %c0_i32_1 = arith.constant 0 : i32
    return %c0_i32, %c0_i32_0 : i32, i32
  }
  func.func @transform_5(%arg0: i32) -> (i32, i32) {
    %c0_i32 = arith.constant 0 : i32
    %c0_i32_0 = arith.constant 0 : i32
    %c0_i32_1 = arith.constant 0 : i32
    return %c0_i32, %c0_i32_0 : i32, i32
  }
  func.func @transform_6(%arg0: i32) -> (i32, i32, i32) {
    %c0_i32 = arith.constant 0 : i32
    %c0_i32_0 = arith.constant 0 : i32
    %c0_i32_1 = arith.constant 0 : i32
    return %c0_i32, %arg0, %c0_i32_0 : i32, i32, i32
  }
}

module attributes {stable_mosaic.version = 14 : i64} {
  func.func @body(%arg0: i32, %arg1: memref<1000x128xf32, #tpu.memory_space<vmem>>, %arg2: memref<1000x128xf32, #tpu.memory_space<vmem>>, %arg3: memref<1000x128xf32, #tpu.memory_space<vmem>>, %arg4: memref<1000x128xf32, #tpu.memory_space<vmem>>, %arg5: memref<1000x128xf32, #tpu.memory_space<vmem>>, %arg6: memref<256x256xf32, #tpu.memory_space<vmem>>, %arg7: memref<1x256xf32, #tpu.memory_space<vmem>>, %arg8: memref<2x1000x128xf32, #tpu.memory_space<vmem>>, %arg9: memref<1000x256xf32, #tpu.memory_space<vmem>>) attributes {dimension_semantics = [#tpu.dimension_semantics<arbitrary>], iteration_bounds = array<i64: 10>, scalar_prefetch = 0 : i64, scratch_operands = 0 : i64, tpu.core_type = #tpu.core_type<tc>, window_params = [{transform_indices = @transform_0, window_bounds = array<i64: 1000, 128>}, {transform_indices = @transform_1, window_bounds = array<i64: 1000, 128>}, {transform_indices = @transform_2, window_bounds = array<i64: 1000, 128>}, {transform_indices = @transform_3, window_bounds = array<i64: 1000, 128>}, {transform_indices = @transform_4, window_bounds = array<i64: 1000, 128>}, {pipeline_mode = #tpu.pipeline_mode<synchronous>, transform_indices = @transform_5, window_bounds = array<i64: 256, 256>}, {pipeline_mode = #tpu.pipeline_mode<synchronous>, transform_indices = @transform_6, window_bounds = array<i64: 1, 256>}, {transform_indices = @transform_7, window_bounds = array<i64: 2, 1000, 128>}, {transform_indices = @transform_8, window_bounds = array<i64: 1000, 256>}]} {
    %get3A = arith.constant 0 : index
    %get3A_0 = arith.constant 0 : index
    %get3A_1 = vector.load %arg1[%get3A, %get3A_0] : memref<1000x128xf32, #tpu.memory_space<vmem>>, vector<1000x1xf32>
    %get3A_2 = arith.constant 0 : index
    %get3A_3 = arith.constant 0 : index
    %get3A_4 = vector.load %arg2[%get3A_2, %get3A_3] : memref<1000x128xf32, #tpu.memory_space<vmem>>, vector<1000x128xf32>
    %get3A_5 = arith.constant 0 : index
    %get3A_6 = arith.constant 0 : index
    %get3A_7 = vector.load %arg4[%get3A_5, %get3A_6] : memref<1000x128xf32, #tpu.memory_space<vmem>>, vector<1000x128xf32>
    %add3A = arith.addf %get3A_4, %get3A_7 : vector<1000x128xf32>
    %get3A_8 = arith.constant 0 : index
    %get3A_9 = arith.constant 0 : index
    %get3A_10 = vector.load %arg3[%get3A_8, %get3A_9] : memref<1000x128xf32, #tpu.memory_space<vmem>>, vector<1000x128xf32>
    %get3A_11 = arith.constant 0 : index
    %get3A_12 = arith.constant 0 : index
    %get3A_13 = vector.load %arg5[%get3A_11, %get3A_12] : memref<1000x128xf32, #tpu.memory_space<vmem>>, vector<1000x128xf32>
    %add3A_14 = arith.addf %get3A_10, %get3A_13 : vector<1000x128xf32>
    %concatenate3A = tpu.concatenate %add3A, %add3A_14 in 1 : vector<1000x128xf32>, vector<1000x128xf32> -> vector<1000x256xf32>
    %mul3A = vector.broadcast %get3A_1 : vector<1000x1xf32> to vector<1000x256xf32>
    %mul3A_15 = arith.mulf %concatenate3A, %mul3A : vector<1000x256xf32>
    %get3A_16 = arith.constant 0 : index
    %get3A_17 = arith.constant 0 : index
    %get3A_18 = vector.load %arg6[%get3A_16, %get3A_17] : memref<256x256xf32, #tpu.memory_space<vmem>>, vector<256x256xf32>
    %dot_general3A = arith.constant dense<0.000000e+00> : vector<1000x256xf32>
    %dot_general3A_19 = tpu.matmul %mul3A_15, %get3A_18, %dot_general3A {dimension_numbers = #tpu.dot_dimension_numbers<[1], [0], [0], [1], [0, 0, 1, 1], [], []>, precision = #tpu.contract_precision<fp32>, transpose_lhs_hint = false} : vector<1000x256xf32>, vector<256x256xf32>, vector<1000x256xf32> -> vector<1000x256xf32>
    %get3A_20 = arith.constant 0 : index
    %get3A_21 = arith.constant 0 : index
    %get3A_22 = vector.load %arg7[%get3A_20, %get3A_21] : memref<1x256xf32, #tpu.memory_space<vmem>>, vector<1x256xf32>
    %add3A_23 = vector.broadcast %get3A_22 : vector<1x256xf32> to vector<1000x256xf32>
    %add3A_24 = arith.addf %dot_general3A_19, %add3A_23 : vector<1000x256xf32>
    %max3A = arith.constant 0.000000e+00 : f32
    %max3A_25 = vector.broadcast %max3A : f32 to vector<1000x256xf32>
    %max3A_26 = arith.maximumf %add3A_24, %max3A_25 : vector<1000x256xf32>
    %mul3A_27 = vector.broadcast %get3A_1 : vector<1000x1xf32> to vector<1000x256xf32>
    %mul3A_28 = arith.mulf %max3A_26, %mul3A_27 : vector<1000x256xf32>
    %slice3A = vector.extract_strided_slice %mul3A_28 {offsets = [0, 0], sizes = [1000, 128], strides = [1, 1]} : vector<1000x256xf32> to vector<1000x128xf32>
    %swap3A = arith.constant 0 : index
    %swap3A_29 = arith.constant 0 : index
    %swap3A_30 = arith.constant 0 : index
    %swap3A_31 = vector.load %arg8[%swap3A, %swap3A_29, %swap3A_30] : memref<2x1000x128xf32, #tpu.memory_space<vmem>>, vector<1x1000x128xf32>
    %swap3A_32 = vector.shape_cast %swap3A_31 : vector<1x1000x128xf32> to vector<1000x128xf32>
    %swap3A_33 = vector.shape_cast %slice3A : vector<1000x128xf32> to vector<1x1000x128xf32>
    tpu.vector_store %arg8[%swap3A, %swap3A_29, %swap3A_30], %swap3A_33 {strides = array<i32>} : memref<2x1000x128xf32, #tpu.memory_space<vmem>>, vector<1x1000x128xf32>,
    %slice3A_34 = vector.extract_strided_slice %mul3A_28 {offsets = [0, 128], sizes = [1000, 128], strides = [1, 1]} : vector<1000x256xf32> to vector<1000x128xf32>
    %swap3A_35 = arith.constant 1 : index
    %swap3A_36 = arith.constant 0 : index
    %swap3A_37 = arith.constant 0 : index
    %swap3A_38 = vector.load %arg8[%swap3A_35, %swap3A_36, %swap3A_37] : memref<2x1000x128xf32, #tpu.memory_space<vmem>>, vector<1x1000x128xf32>
    %swap3A_39 = vector.shape_cast %swap3A_38 : vector<1x1000x128xf32> to vector<1000x128xf32>
    %swap3A_40 = vector.shape_cast %slice3A_34 : vector<1000x128xf32> to vector<1x1000x128xf32>
    tpu.vector_store %arg8[%swap3A_35, %swap3A_36, %swap3A_37], %swap3A_40 {strides = array<i32>} : memref<2x1000x128xf32, #tpu.memory_space<vmem>>, vector<1x1000x128xf32>,
    %swap3A_41 = arith.constant 0 : index
    %swap3A_42 = arith.constant 0 : index
    %swap3A_43 = vector.load %arg9[%swap3A_41, %swap3A_42] : memref<1000x256xf32, #tpu.memory_space<vmem>>, vector<1000x256xf32>
    tpu.vector_store %arg9[%swap3A_41, %swap3A_42], %mul3A_15 {strides = array<i32>} : memref<1000x256xf32, #tpu.memory_space<vmem>>, vector<1000x256xf32>,
    return
  }
  func.func @transform_0(%arg0: i32) -> (i32, i32) {
    %c0_i32 = arith.constant 0 : i32
    %c0_i32_0 = arith.constant 0 : i32
    return %arg0, %c0_i32 : i32, i32
  }
  func.func @transform_1(%arg0: i32) -> (i32, i32) {
    %c0_i32 = arith.constant 0 : i32
    %c0_i32_0 = arith.constant 0 : i32
    return %arg0, %c0_i32 : i32, i32
  }
  func.func @transform_2(%arg0: i32) -> (i32, i32) {
    %c0_i32 = arith.constant 0 : i32
    %c0_i32_0 = arith.constant 0 : i32
    return %arg0, %c0_i32 : i32, i32
  }
  func.func @transform_3(%arg0: i32) -> (i32, i32) {
    %c0_i32 = arith.constant 0 : i32
    %c0_i32_0 = arith.constant 0 : i32
    return %arg0, %c0_i32 : i32, i32
  }
  func.func @transform_4(%arg0: i32) -> (i32, i32) {
    %c0_i32 = arith.constant 0 : i32
    %c0_i32_0 = arith.constant 0 : i32
    return %arg0, %c0_i32 : i32, i32
  }
  func.func @transform_5(%arg0: i32) -> (i32, i32) {
    %c0_i32 = arith.constant 0 : i32
    %c0_i32_0 = arith.constant 0 : i32
    %c0_i32_1 = arith.constant 0 : i32
    return %c0_i32, %c0_i32_0 : i32, i32
  }
  func.func @transform_6(%arg0: i32) -> (i32, i32) {
    %c0_i32 = arith.constant 0 : i32
    %c0_i32_0 = arith.constant 0 : i32
    %c0_i32_1 = arith.constant 0 : i32
    return %c0_i32, %c0_i32_0 : i32, i32
  }
  func.func @transform_7(%arg0: i32) -> (i32, i32, i32) {
    %c0_i32 = arith.constant 0 : i32
    %c0_i32_0 = arith.constant 0 : i32
    %c0_i32_1 = arith.constant 0 : i32
    return %c0_i32, %arg0, %c0_i32_0 : i32, i32, i32
  }
  func.func @transform_8(%arg0: i32) -> (i32, i32) {
    %c0_i32 = arith.constant 0 : i32
    %c0_i32_0 = arith.constant 0 : i32
    return %arg0, %c0_i32 : i32, i32
  }
}

module attributes {stable_mosaic.version = 14 : i64} {
  func.func @body(%arg0: i32, %arg1: memref<1000x128xf32, #tpu.memory_space<vmem>>, %arg2: memref<1000x128xf32, #tpu.memory_space<vmem>>, %arg3: memref<1000x128xf32, #tpu.memory_space<vmem>>, %arg4: memref<1000x128xf32, #tpu.memory_space<vmem>>, %arg5: memref<1000x128xf32, #tpu.memory_space<vmem>>, %arg6: memref<1000x256xf32, #tpu.memory_space<vmem>>, %arg7: memref<1000x256xf32, #tpu.memory_space<vmem>>, %arg8: memref<768x128xf32, #tpu.memory_space<vmem>>, %arg9: memref<1x128xf32, #tpu.memory_space<vmem>>, %arg10: memref<1000x128xf32, #tpu.memory_space<vmem>>) attributes {dimension_semantics = [#tpu.dimension_semantics<arbitrary>], iteration_bounds = array<i64: 10>, scalar_prefetch = 0 : i64, scratch_operands = 0 : i64, tpu.core_type = #tpu.core_type<tc>, window_params = [{transform_indices = @transform_0, window_bounds = array<i64: 1000, 128>}, {transform_indices = @transform_1, window_bounds = array<i64: 1000, 128>}, {transform_indices = @transform_2, window_bounds = array<i64: 1000, 128>}, {transform_indices = @transform_3, window_bounds = array<i64: 1000, 128>}, {transform_indices = @transform_4, window_bounds = array<i64: 1000, 128>}, {transform_indices = @transform_5, window_bounds = array<i64: 1000, 256>}, {transform_indices = @transform_6, window_bounds = array<i64: 1000, 256>}, {pipeline_mode = #tpu.pipeline_mode<synchronous>, transform_indices = @transform_7, window_bounds = array<i64: 768, 128>}, {pipeline_mode = #tpu.pipeline_mode<synchronous>, transform_indices = @transform_8, window_bounds = array<i64: 1, 128>}, {transform_indices = @transform_9, window_bounds = array<i64: 1000, 128>}]} {
    %get3A = arith.constant 0 : index
    %get3A_0 = arith.constant 0 : index
    %get3A_1 = vector.load %arg1[%get3A, %get3A_0] : memref<1000x128xf32, #tpu.memory_space<vmem>>, vector<1000x1xf32>
    %get3A_2 = arith.constant 0 : index
    %get3A_3 = arith.constant 0 : index
    %get3A_4 = vector.load %arg2[%get3A_2, %get3A_3] : memref<1000x128xf32, #tpu.memory_space<vmem>>, vector<1000x128xf32>
    %get3A_5 = arith.constant 0 : index
    %get3A_6 = arith.constant 0 : index
    %get3A_7 = vector.load %arg4[%get3A_5, %get3A_6] : memref<1000x128xf32, #tpu.memory_space<vmem>>, vector<1000x128xf32>
    %add3A = arith.addf %get3A_4, %get3A_7 : vector<1000x128xf32>
    %get3A_8 = arith.constant 0 : index
    %get3A_9 = arith.constant 0 : index
    %get3A_10 = vector.load %arg3[%get3A_8, %get3A_9] : memref<1000x128xf32, #tpu.memory_space<vmem>>, vector<1000x128xf32>
    %get3A_11 = arith.constant 0 : index
    %get3A_12 = arith.constant 0 : index
    %get3A_13 = vector.load %arg5[%get3A_11, %get3A_12] : memref<1000x128xf32, #tpu.memory_space<vmem>>, vector<1000x128xf32>
    %add3A_14 = arith.addf %get3A_10, %get3A_13 : vector<1000x128xf32>
    %concatenate3A = tpu.concatenate %add3A, %add3A_14 in 1 : vector<1000x128xf32>, vector<1000x128xf32> -> vector<1000x256xf32>
    %mul3A = vector.broadcast %get3A_1 : vector<1000x1xf32> to vector<1000x256xf32>
    %mul3A_15 = arith.mulf %concatenate3A, %mul3A : vector<1000x256xf32>
    %get3A_16 = arith.constant 0 : index
    %get3A_17 = arith.constant 0 : index
    %get3A_18 = vector.load %arg6[%get3A_16, %get3A_17] : memref<1000x256xf32, #tpu.memory_space<vmem>>, vector<1000x256xf32>
    %get3A_19 = arith.constant 0 : index
    %get3A_20 = arith.constant 0 : index
    %get3A_21 = vector.load %arg7[%get3A_19, %get3A_20] : memref<1000x256xf32, #tpu.memory_space<vmem>>, vector<1000x256xf32>
    %concatenate3A_22 = tpu.concatenate %get3A_18, %get3A_21, %mul3A_15 in 1 : vector<1000x256xf32>, vector<1000x256xf32>, vector<1000x256xf32> -> vector<1000x768xf32>
    %get3A_23 = arith.constant 0 : index
    %get3A_24 = arith.constant 0 : index
    %get3A_25 = vector.load %arg8[%get3A_23, %get3A_24] : memref<768x128xf32, #tpu.memory_space<vmem>>, vector<768x128xf32>
    %dot_general3A = arith.constant dense<0.000000e+00> : vector<1000x128xf32>
    %dot_general3A_26 = tpu.matmul %concatenate3A_22, %get3A_25, %dot_general3A {dimension_numbers = #tpu.dot_dimension_numbers<[1], [0], [0], [1], [0, 0, 1, 1], [], []>, precision = #tpu.contract_precision<fp32>, transpose_lhs_hint = false} : vector<1000x768xf32>, vector<768x128xf32>, vector<1000x128xf32> -> vector<1000x128xf32>
    %get3A_27 = arith.constant 0 : index
    %get3A_28 = arith.constant 0 : index
    %get3A_29 = vector.load %arg9[%get3A_27, %get3A_28] : memref<1x128xf32, #tpu.memory_space<vmem>>, vector<1x128xf32>
    %add3A_30 = vector.broadcast %get3A_29 : vector<1x128xf32> to vector<1000x128xf32>
    %add3A_31 = arith.addf %dot_general3A_26, %add3A_30 : vector<1000x128xf32>
    %swap3A = arith.constant 0 : index
    %swap3A_32 = arith.constant 0 : index
    %swap3A_33 = vector.load %arg10[%swap3A, %swap3A_32] : memref<1000x128xf32, #tpu.memory_space<vmem>>, vector<1000x128xf32>
    tpu.vector_store %arg10[%swap3A, %swap3A_32], %add3A_31 {strides = array<i32>} : memref<1000x128xf32, #tpu.memory_space<vmem>>, vector<1000x128xf32>,
    return
  }
  func.func @transform_0(%arg0: i32) -> (i32, i32) {
    %c0_i32 = arith.constant 0 : i32
    %c0_i32_0 = arith.constant 0 : i32
    return %arg0, %c0_i32 : i32, i32
  }
  func.func @transform_1(%arg0: i32) -> (i32, i32) {
    %c0_i32 = arith.constant 0 : i32
    %c0_i32_0 = arith.constant 0 : i32
    return %arg0, %c0_i32 : i32, i32
  }
  func.func @transform_2(%arg0: i32) -> (i32, i32) {
    %c0_i32 = arith.constant 0 : i32
    %c0_i32_0 = arith.constant 0 : i32
    return %arg0, %c0_i32 : i32, i32
  }
  func.func @transform_3(%arg0: i32) -> (i32, i32) {
    %c0_i32 = arith.constant 0 : i32
    %c0_i32_0 = arith.constant 0 : i32
    return %arg0, %c0_i32 : i32, i32
  }
  func.func @transform_4(%arg0: i32) -> (i32, i32) {
    %c0_i32 = arith.constant 0 : i32
    %c0_i32_0 = arith.constant 0 : i32
    return %arg0, %c0_i32 : i32, i32
  }
  func.func @transform_5(%arg0: i32) -> (i32, i32) {
    %c0_i32 = arith.constant 0 : i32
    %c0_i32_0 = arith.constant 0 : i32
    return %arg0, %c0_i32 : i32, i32
  }
  func.func @transform_6(%arg0: i32) -> (i32, i32) {
    %c0_i32 = arith.constant 0 : i32
    %c0_i32_0 = arith.constant 0 : i32
    return %arg0, %c0_i32 : i32, i32
  }
  func.func @transform_7(%arg0: i32) -> (i32, i32) {
    %c0_i32 = arith.constant 0 : i32
    %c0_i32_0 = arith.constant 0 : i32
    %c0_i32_1 = arith.constant 0 : i32
    return %c0_i32, %c0_i32_0 : i32, i32
  }
  func.func @transform_8(%arg0: i32) -> (i32, i32) {
    %c0_i32 = arith.constant 0 : i32
    %c0_i32_0 = arith.constant 0 : i32
    %c0_i32_1 = arith.constant 0 : i32
    return %c0_i32, %c0_i32_0 : i32, i32
  }
  func.func @transform_9(%arg0: i32) -> (i32, i32) {
    %c0_i32 = arith.constant 0 : i32
    %c0_i32_0 = arith.constant 0 : i32
    return %arg0, %c0_i32 : i32, i32
  }
}

</mosaic_0001>

<sc_bundles>
// kernel: kernel.12.cloned.1.call-start
scs
__scs_entry_jumppad:
0x0: {  	(pc) =	sbr.rel $0x88, $3  }
0x1: {  	(tag) =	ssettag $0x0;
	lr =	simm.s32 $0x1  }
0x2: {  	[smem:$0x3F97] =	sst lr;
	_ =	strace $0xD0000000  }
0x3: {  	_ = 	snop  }
0x4: {  	_ = 	snop  }
0x5: {  	_ = 	snop  }
0x6: {  	_ = 	snop  }
0x7: {  	_ = 	snop  }
__scs_overlays_trampoline_lowered:
0x8: {  	[smem:$0x3FA6] =	sst s0  }
0x9: {  	[smem:$0x3FA7] =	sst s1  }
0xa: {  	[smem:$0x3FA8] =	sst s2  }
0xb: {  	[smem:$0x3FA9] =	sst s3  }
0xc: {  	[smem:$0x3FAA] =	sst s4  }
0xd: {  	[smem:$0x3FAB] =	sst s5  }
0xe: {  	[smem:$0x3FAC] =	sst s6  }
0xf: {  	[smem:$0x3FAD] =	sst s7  }
0x10: {  	[smem:$0x3FAE] =	sst s8  }
0x11: {  	[smem:$0x3FAF] =	sst s9;
	s0 =	simm.s32 @!p0 $0x0  }
0x12: {  	s1 =	sld [smem:$0x3F95];
	s0 =	simm.s32 @p0 $0x1  }
0x13: {  	[smem:$0x3FB0] =	sst s0;
	s0 =	simm.s32 @!p1 $0x0  }
0x14: {  	s2 =	sld [smem:$0x3F94];
	s0 =	simm.s32 @p1 $0x1  }
0x15: {  	[smem:$0x3FB1] =	sst s0;
	s0 =	simm.s32 @!p2 $0x0  }
0x16: {  	s3 =	sld [smem:$0x3FDB];
	s0 =	simm.s32 @p2 $0x1  }
0x17: {  	s4 =	simm.s32 $0x1BF5;
	[smem:$0x3FB3] =	sst s0  }
0x18: {  	s0 =	sld [smem:$0x3F96];
	_ =	swait.ge [sflag:s4], $0x0  }
0x19: {  	s7 =	sld [smem:$0x3F97]  }
0x1a: {  	s8 =	sadd.s32 $0xFFFFE003, lr  }
0x1b: {  	s9 =	sadd.s32 $0xFFFFFEF7, lr;
	s5 =	simm.s32 $0xFFFFFFFF;
	p2 =	slt.u32 s8, $0xFFFFF086  }
0x1c: {  	p1 =	slt.u32 s9, $0xF7A;
	s5 =	simm.s32 @!p2 $0x0  }
0x1d: {  	s5 =	simm.s32 @p1 $0x1;
	p0 =	seq.s32 s7, s2  }
0x1e: {  	s7 =	smul.u32 @!p0 $0xF7A, s2;
	p2 =	seq.s32 @!p0 s5, $0x0  }
0x1f: {  	s9 =	smul.u32 $0xF7A, s1;
	s8 =	simm.s32 @!p0 $0x1BF5;
	p2 =	por !p2, p0  }
0x20: {  	[sflag:s8] =	ssyncset.s32 @!p0 $0xFFFFF086;
	s6 =	sadd.s32 @!p0 s3, s7;
	s7 =	simm.s32 @!p0 $0x108  }
0x21: {  	s3 =	sadd.s32 s3, s9;
	s6 =	sadd.s32 @!p0 $0x88, s6;
	s7 =	simm.s32 @p2 $0x1082  }
0x22: {  	[simem:s7], [sflag:s8] =	dma.local @!p0 [hbm:s6], $0xF7A  }
0x23: {  	s9 =	sor.u32 $0xD0000000, s2;
	s6 =	simm.s32 $0x108;
	_ =	swait.ge @!p0 [sflag:s8], $0x0  }
0x24: {  	s3 =	sadd.s32 $0x88, s3;
	s6 =	simm.s32 @!p1 $0x1082;
	[sflag:s4] =	ssyncset.s32 $0xFFFFF086  }
0x25: {  	[simem:s6], [sflag:s4] =	dma.local [hbm:s3], $0xF7A  }
0x26: {  	[smem:$0x3F97] =	sst s1;
	(tag) =	ssettag s2;
	_ =	strace s9  }
0x27: {  	s1 =	sld [smem:$0x3FA7]  }
0x28: {  	s2 =	sld [smem:$0x3FA8]  }
0x29: {  	s4 =	sld [smem:$0x3FAA]  }
0x2a: {  	p0 =	seq.s32 s5, $0x0;
	s5 =	sld [smem:$0x3FAB]  }
0x2b: {  	s6 =	sld [smem:$0x3FAC]  }
0x2c: {  	s7 =	sld [smem:$0x3FAD]  }
0x2d: {  	s3 =	simm.s32 $0x108;
	s8 =	sld [smem:$0x3FAE]  }
0x2e: {  	s3 =	simm.s32 @!p0 $0x1082;
	s9 =	sld [smem:$0x3FAF]  }
0x2f: {  	lr =	sadd.s32 s0, s3;
	s0 =	sld [smem:$0x3FA6]  }
0x30: {  	s3 =	sld [smem:$0x3FA9]  }
0x31: {  	[smem:$0x3FB2] =	sst s10  }
0x32: {  	s10 =	sld [smem:$0x3FB0];
	_ =	sdelay $0x3  }
0x33: {  	p0 =	seq.s32 s10, $0x1;
	s10 =	sld [smem:$0x3FB2];
	_ =	sdelay $0x3  }
0x34: {  	[smem:$0x3FB2] =	sst s10  }
0x35: {  	s10 =	sld [smem:$0x3FB1];
	_ =	sdelay $0x3  }
0x36: {  	p1 =	seq.s32 s10, $0x1;
	s10 =	sld [smem:$0x3FB2];
	_ =	sdelay $0x3  }
0x37: {  	[smem:$0x3FB2] =	sst s10  }
0x38: {  	s10 =	sld [smem:$0x3FB3]  }
0x39: {  	_ = 	snop;
	(pc) =	sbr.ind lr, $3  }
0x3a: {  	_ = 	snop  }
0x3b: {  	_ = 	snop  }
0x3c: {  	p2 =	seq.s32 s10, $0x1;
	s10 =	sld [smem:$0x3FB2]  }
0x3d: {  	_ =	shalt  }
0x3e: {  	_ =	shalt  }
0x3f: {  	_ =	shalt  }
0x40: {  	_ =	shalt  }
0x41: {  	_ =	shalt  }
0x42: {  	_ =	shalt  }
0x43: {  	_ =	shalt  }
0x44: {  	_ =	shalt  }
0x45: {  	_ =	shalt  }
0x46: {  	_ =	shalt  }
0x47: {  	_ =	shalt  }
0x48: {  	_ =	shalt  }
0x49: {  	_ =	shalt  }
0x4a: {  	_ =	shalt  }
0x4b: {  	_ =	shalt  }
0x4c: {  	_ =	shalt  }
0x4d: {  	_ =	shalt  }
0x4e: {  	_ =	shalt  }
0x4f: {  	_ =	shalt  }
0x50: {  	_ =	shalt  }
0x51: {  	_ =	shalt  }
0x52: {  	_ =	shalt  }
0x53: {  	_ =	shalt  }
0x54: {  	_ =	shalt  }
0x55: {  	_ =	shalt  }
0x56: {  	_ =	shalt  }
0x57: {  	_ =	shalt  }
0x58: {  	_ =	shalt  }
0x59: {  	_ =	shalt  }
0x5a: {  	_ =	shalt  }
0x5b: {  	_ =	shalt  }
0x5c: {  	_ =	shalt  }
0x5d: {  	_ =	shalt  }
0x5e: {  	_ =	shalt  }
0x5f: {  	_ =	shalt  }
0x60: {  	_ =	shalt  }
0x61: {  	_ =	shalt  }
0x62: {  	_ =	shalt  }
0x63: {  	_ =	shalt  }
0x64: {  	_ =	shalt  }
0x65: {  	_ =	shalt  }
0x66: {  	_ =	shalt  }
0x67: {  	_ =	shalt  }
0x68: {  	_ =	shalt  }
0x69: {  	_ =	shalt  }
0x6a: {  	_ =	shalt  }
0x6b: {  	_ =	shalt  }
0x6c: {  	_ =	shalt  }
0x6d: {  	_ =	shalt  }
0x6e: {  	_ =	shalt  }
0x6f: {  	_ =	shalt  }
0x70: {  	_ =	shalt  }
0x71: {  	_ =	shalt  }
0x72: {  	_ =	shalt  }
0x73: {  	_ =	shalt  }
0x74: {  	_ =	shalt  }
0x75: {  	_ =	shalt  }
0x76: {  	_ =	shalt  }
0x77: {  	_ =	shalt  }
0x78: {  	_ =	shalt  }
0x79: {  	_ =	shalt  }
0x7a: {  	_ =	shalt  }
0x7b: {  	_ =	shalt  }
0x7c: {  	_ =	shalt  }
0x7d: {  	_ =	shalt  }
0x7e: {  	_ =	shalt  }
0x7f: {  	_ =	shalt  }
0x80: {  	_ =	shalt  }
0x81: {  	_ =	shalt  }
0x82: {  	_ =	shalt  }
0x83: {  	_ =	shalt  }
0x84: {  	_ =	shalt  }
0x85: {  	_ =	shalt  }
0x86: {  	_ =	shalt  }
0x87: {  	_ =	shalt  }
.Lfunc_end0:
.L_simem_size_0:
called_computation_lowered:
.L_overlay_start_0:
0x88: {  	s2 =	sld [smem:$0x3FD9]  }
0x89: {  	s3 =	sld [smem:$0x3FFE];
	_ =	sdelay $0x1  }
0x8a: {  	s1 =	srdreg.scid  }
0x8b: {  	s0 =	sand.u32 $0x1, s1  }
0x8c: {  	s17 =	sshll.u32 s0, $0xA;
	s2 =	sadd.s32 s3, s2  }
0x8d: {  	s2 =	sadd.s32 s2, s17  }
0x8e: {  	[smem:$0x3FBE] =	sst s2  }
0x8f: {  	_ = 	snop  }
0x90: {  	s2 =	sld [smem:$0x3FD0];
	(tm) =	ssettm $0x1  }
0x91: {  	s18 =	sld [smem:$0x3FFB];
	_ =	sdelay $0x3  }
0x92: {  	_ =	strace s18  }
0x93: {  	s3 =	sld [smem:$0x3FFC];
	_ =	sdelay $0x3  }
0x94: {  	_ =	strace s3  }
0x95: {  	s3 =	sld [smem:$0x3FFD];
	_ =	sdelay $0x3  }
0x96: {  	_ =	strace s3  }
0x97: {  	_ =	strace $0x8FFFFFFF  }
0x98: {  	s19 =	sld [smem:$0x3FDB];
	_ =	sdelay $0x1  }
0x99: {  	s4 =	simm.s32 $_scs_section_size  }
0x9a: {  	s5 =	simm.s32 $_size__tile_overlayer_lowered;
	s6 =	simm.s32 $_tile_overlayer_lowered  }
0x9b: {  	s22 =	simm.s32 $0x1BFF;
	s21 =	sshll.u32 s6, $0x1;
	s3 =	sadd.s32 s4, s19  }
0x9c: {  	s7 =	simm.s32 $0x0;
	s20 =	sshll.u32 s5, $0x1;
	s5 =	sadd.s32 s21, s3  }
0x9d: {  	[timem:s7], [sflag:s22] =	dma.local [hbm:s5], s20  }
0x9e: {  	_ =	swait.ge [sflag:s22], s20  }
0x9f: {  	s4 =	ssub.s32 $0x0, s20;
	[sflag:s22] =	ssyncset.done $0x0  }
0xa0: {  	[sflag:s22] =	ssyncadd.s32 s4;
	_ =	sdelay $0x1  }
0xa1: {  	s23 =	simm.s32 $0x1B8B  }
0xa2: {  	_ =	swait.ge [sflag:s23], $0x1  }
0xa3: {  	[sflag:s23] =	ssyncset.done $0x0  }
0xa4: {  	s25 =	simm.s32 $0x1B8E;
	s24 =	sld [smem:$0x3FFE];
	[sflag:s23] =	ssyncadd.s32 $0xFFFFFFFF  }
0xa5: {  	s26 =	simm.s32 $execute0_lowered;
	[smem:$0x3FD2] =	sst s25  }
0xa6: {  	s5 =	sshll.u32 s26, $0x1;
	_ =	strace $0x80000046;
	[dreg:$0x1] =	wrdreg $0xFFFFFFFF  }
0xa7: {  	s28 =	simm.s32 $_size_execute0_lowered;
	s3 =	sadd.s32 s3, s5;
	[dreg:$0x0] =	wrdreg $0x0  }
0xa8: {  	s5 =	sshll.u32 s28, $0x1;
	[dreg:$0x2] =	wrdreg s3  }
0xa9: {  	[dreg:$0x3] =	wrdreg s5  }
0xaa: {  	[dreg:$0x4] =	wrdreg $0xC0  }
0xab: {  	_ =	task [dreg:s7], $0x5FFFF  }
0xac: {  	[dreg:$0x1] =	wrdreg $0xFFFFFFFF  }
0xad: {  	[dreg:$0x0] =	wrdreg $0x60  }
0xae: {  	[dreg:$0x2] =	wrdreg s24  }
0xaf: {  	[dreg:$0x3] =	wrdreg s2  }
0xb0: {  	[dreg:$0x4] =	wrdreg $0x40800  }
0xb1: {  	[dreg:$0x5] =	wrdreg $0x9  }
0xb2: {  	_ =	task.clear_ibuf [dreg:s7], $0x6FFFF;
	_ =	strace $0x90000046  }
0xb3: {  	s29 =	simm.s32 $0x9;
	_ =	strace $0x80000048  }
0xb4: {  	_ =	swait.ge [sflag:s29], $0x1  }
0xb5: {  	[sflag:s29] =	ssyncadd.s32 $0xFFFFFFFF  }
0xb6: {  	_ =	strace $0x90000048  }
0xb7: {  	_ =	sfence  }
0xb8: {  	s30 =	sld [smem:$0x0];
	_ =	sdelay $0x2  }
0xb9: {  	s31 =	sshll.u32 s1, $0xD;
	s1 =	sshrl.u32 s1, $0x2  }
0xba: {  	s3 =	sand.u32 $0x4000, s31;
	s1 =	sadd.s32 s1, s30  }
0xbb: {  	s0 =	sor.u32 s3, s0;
	s1 =	sshll.u32 s1, $0x11  }
0xbc: {  	s0 =	sor.u32 s1, s0  }
0xbd: {  	s0 =	sadd.s32 $0x8F2B, s0  }
0xbe: {  	[sflag:s0] =	ssyncadd.remote.s32 $0x1  }
0xbf: {  	_ =	sfence.sel $0xFFFF  }
0xc0: {  	[dreg:$0x0] =	wrdreg $0xFFFFFFFF;
	(pc) =	sbr.abs _section_cstart, $3  }
0xc1: {  	[dreg:$0x1] =	wrdreg $0xFFFFFFFF  }
0xc2: {  	_ =	task.clear_ibuf [dreg:s7], $0x2FFFF;
	_ =	strace $0x9FFFFFFF  }
0xc3: {  	(tm) =	ssettm $0x7FFFFFFF  }
tec
execute0_lowered:
.L_overlay_start_1:
0x0: {  	(tag) =	ssettag $0x1  }
0x1: {  	s6 =	rddreg [dreg:$0x0]  }
0x2: {  	s2 =	rddreg [dreg:$0x1]  }
0x3: {  	s3 =	rddreg [dreg:$0x2]  }
0x4: {  	s0 =	rddreg [dreg:$0x3];
	s1 =	stileid.u32  }
0x5: {  	s7 =	srdreg.scid;
	s5 =	smul.u32 $0xA00, s1  }
0x6: {  	s4 =	simm.s32 $0x0;
	s7 =	sand.u32 $0x1, s7;
	s8 =	smul.u32 $0x2800, s1  }
0x7: {  	[smem:$0x7FF] =	sst s4;
	s28 =	smul.u32 $0x50000, s1;
	s30 =	sshll.u32 s1, $0x6  }
0x8: {  	s9 =	smul.u32 $0x28000, s7;
	_ =	strace $0x80000047;
	s29 =	ssub.s32 $0x2, s7  }
0x9: {  	s12 =	smul.u32 $0x500, s7;
	s10 =	sadd.s32 s5, s6;
	s5 =	sadd.s32 $0xEA00, s6  }
0xa: {  	s11 =	sshrl.u32 s29, $0x1;
	s8 =	sadd.s32 s8, s9;
	s9 =	sshrl.u32 s28, $0x2  }
0xb: {  	s11 =	ssub.s32 s29, s11;
	s31 =	sadd.s32 s12, s10;
	s12 =	simm.s32 $0x80  }
0xc: {  	s8 =	sadd.s32 s8, s6;
	s13 =	sadd.s32 s9, s3;
	s6 =	sor.u32 $0x1C01, s30  }
0xd: {  	s9 =	sadd.s32 $0x4A00, s31;
	s7 =	sadd.s32 $0x11200, s8;
	s8 =	smax.u32 s11, $0x1  }
0xe: {  	s10 =	sshrl.u32 s13, $0x3;
	s11 =	simm.s32 $0x1;
	s13 =	simm.s32 $0x0  }
.LBB2_1:
0xf: {  	[spmem:s10], [sflag:s6] =	dma.local [hbm:s5], $0x2800  }
0x10: {  	_ =	swait.ge [sflag:s11], $0x2800  }
0x11: {  	[sflag:s11] =	ssyncset.done $0x0  }
0x12: {  	[sflag:s11] =	ssyncadd.s32 $0xFFFFD800  }
0x13: {  	[tilespmem:s12], [sflag:$0x1] =	stream.linear.gather [hbm4b:s2+s4], $0x4000, $0x38;
	[tilespmem:$0x18080] =	vst v63  }
0x14: {  	_ =	swait.ge [sflag:s11], $0x4000  }
0x15: {  	[sflag:s11] =	ssyncset.done $0x0  }
0x16: {  	[sflag:s11] =	ssyncadd.s32 $0xFFFFC000  }
0x17: {  	s14 =	sadd.s32 $0x0, s9;
	[bflag:$0x0] =	sbarrier.arrive $0xFFFF  }
0x18: {  	[tilespmem:s4], [sflag:$0x1] =	stream.linear.gather [hbm4b:s14+s4], $0x80, $0x38;
	[tilespmem:$0x18080] =	vst v63  }
0x19: {  	_ =	swait.ge [sflag:s11], $0x80  }
0x1a: {  	[sflag:s11] =	ssyncset.done $0x0  }
0x1b: {  	[sflag:s11] =	ssyncadd.s32 $0xFFFFFF80  }
0x1c: {  	[spmem:s3] =	stream.indirect.scatter.add.f32 [tilespmem:s12], [sflag:$0x1], $0x80, s4, s12, $0xb8;
	[tilespmem:$0x18080] =	vst v63  }
0x1d: {  	_ =	swait.ge [sflag:s11], $0x4000  }
0x1e: {  	s15 =	simm.s32 $0x20;
	s14 =	simm.s32 $0x10;
	[sflag:s11] =	ssyncset.done $0x0  }
.LBB2_2:
0x1f: {  	s16 =	sadd.s32 s14, s9  }
0x20: {  	[sflag:s11] =	ssyncadd.s32 $0xFFFFC000;
	s14 =	smov.u32 s15;
	s17 =	sadd.s32 $0x10, s15  }
0x21: {  	[tilespmem:s4], [sflag:$0x1] =	stream.linear.gather [hbm4b:s16+s4], $0x80, $0x38;
	[tilespmem:$0x18080] =	vst v63  }
0x22: {  	p0 =	sne.s32 s15, $0x4F0;
	_ =	swait.ge [sflag:s11], $0x80  }
.Ltmp0:
0x23: {  	[sflag:s11] =	ssyncset.done $0x0;
	(pc) =	sbr.rel @p0 .LBB2_2-.Ltmp0, $4  }
0x24: {  	[sflag:s11] =	ssyncadd.s32 $0xFFFFFF80  }
0x25: {  	[spmem:s3] =	stream.indirect.scatter.add.f32 [tilespmem:s12], [sflag:$0x1], $0x80, s4, s12, $0xb8;
	[tilespmem:$0x18080] =	vst v63  }
0x26: {  	_ =	swait.ge [sflag:s11], $0x4000  }
0x27: {  	s15 =	smov.u32 s17;
	[sflag:s11] =	ssyncset.done $0x0  }
0x28: {  	s14 =	sadd.s32 s14, s9;
	[sflag:s11] =	ssyncadd.s32 $0xFFFFC000  }
0x29: {  	[tilespmem:s4], [sflag:$0x1] =	stream.linear.gather [hbm4b:s14+s4], $0x80, $0x38;
	[tilespmem:$0x18080] =	vst v63  }
0x2a: {  	_ =	swait.ge [sflag:s11], $0x80  }
0x2b: {  	[sflag:s11] =	ssyncset.done $0x0  }
0x2c: {  	[sflag:s11] =	ssyncadd.s32 $0xFFFFFF80  }
0x2d: {  	[spmem:s3] =	stream.indirect.scatter.add.f32 [tilespmem:s12], [sflag:$0x1], $0x80, s4, s12, $0xb8;
	[tilespmem:$0x18080] =	vst v63  }
0x2e: {  	_ =	swait.ge [sflag:s11], $0x4000  }
0x2f: {  	s13 =	sadd.s32 $0x1, s13;
	[sflag:s11] =	ssyncset.done $0x0  }
0x30: {  	p0 =	sne.s32 s13, s8;
	[sflag:s11] =	ssyncadd.s32 $0xFFFFC000  }
.Ltmp1:
0x31: {  	[bflag:$0x0] =	sbarrier.arrive $0xFFFF;
	(pc) =	sbr.rel @p0 .LBB2_1-.Ltmp1, $4  }
0x32: {  	[hbm:s7], [sflag:s6] =	dma.local [spmem:s10], $0x2800  }
0x33: {  	_ =	swait.ge [sflag:s11], $0x2800  }
0x34: {  	[sflag:s11] =	ssyncset.done $0x0  }
0x35: {  	[sflag:s11] =	ssyncadd.s32 $0xFFFFD800  }
0x36: {  	_ =	sfence.sel $0x180000  }
0x37: {  	[bflag:$0x0] =	sbarrier.arrive $0xFFFF  }
0x38: {  	p0 =	sne.s32 s1, $0x0;
	_ =	strace $0x90000047  }
0x39: {  	s0 =	sadd.s32 @!p0 $0x100000, s0;
	[bflag:$0x2] =	sbarrier.arrive $0xFFFF  }
0x3a: {  	[sflag:s0] =	ssyncadd.tile.s32 @!p0 $0x1;
	_ =	shalt  }
.Lfunc_end2:
_tile_overlayer_lowered:
.L_overlay_start_2:
0x3b: {  	(tag) =	ssettag $0x2  }
0x3c: {  	s0 =	rddreg [dreg:$0x0];
	s2 =	stileid.u32  }
0x3d: {  	s1 =	rddreg [dreg:$0x1];
	p0 =	sne.s32 s2, $0x0  }
0x3e: {  	s3 =	rddreg [dreg:$0x2];
	[bflag:$0x3] =	sbarrier.arrive $0xFFFF;
	s2 =	simm.s32 @!p0 $0x1C01  }
0x3f: {  	[timem:s3], [sflag:s2] =	dma.local @!p0 [hbm:s0], s1  }
0x40: {  	s0 =	simm.s32 @!p0 $0x1  }
0x41: {  	_ =	swait.ge @!p0 [sflag:s0], s1  }
0x42: {  	s1 =	ssub.s32 @!p0 $0x0, s1;
	[sflag:s0] =	ssyncset.done @!p0 $0x0  }
0x43: {  	[sflag:s0] =	ssyncadd.s32 @!p0 s1  }
0x44: {  	[bflag:$0x3] =	sbarrier.arrive $0xFFFF  }
0x45: {  	_ =	shalt  }

// kernel: kernel.15.cloned.1.call-start
scs
__scs_entry_jumppad:
0x0: {  	(pc) =	sbr.rel $0x88, $3  }
0x1: {  	(tag) =	ssettag $0x0;
	lr =	simm.s32 $0x1  }
0x2: {  	[smem:$0x3F97] =	sst lr;
	_ =	strace $0xD0000000  }
0x3: {  	_ = 	snop  }
0x4: {  	_ = 	snop  }
0x5: {  	_ = 	snop  }
0x6: {  	_ = 	snop  }
0x7: {  	_ = 	snop  }
__scs_overlays_trampoline_lowered:
0x8: {  	[smem:$0x3FA6] =	sst s0  }
0x9: {  	[smem:$0x3FA7] =	sst s1  }
0xa: {  	[smem:$0x3FA8] =	sst s2  }
0xb: {  	[smem:$0x3FA9] =	sst s3  }
0xc: {  	[smem:$0x3FAA] =	sst s4  }
0xd: {  	[smem:$0x3FAB] =	sst s5  }
0xe: {  	[smem:$0x3FAC] =	sst s6  }
0xf: {  	[smem:$0x3FAD] =	sst s7  }
0x10: {  	[smem:$0x3FAE] =	sst s8  }
0x11: {  	[smem:$0x3FAF] =	sst s9;
	s0 =	simm.s32 @!p0 $0x0  }
0x12: {  	s1 =	sld [smem:$0x3F95];
	s0 =	simm.s32 @p0 $0x1  }
0x13: {  	[smem:$0x3FB0] =	sst s0;
	s0 =	simm.s32 @!p1 $0x0  }
0x14: {  	s2 =	sld [smem:$0x3F94];
	s0 =	simm.s32 @p1 $0x1  }
0x15: {  	[smem:$0x3FB1] =	sst s0;
	s0 =	simm.s32 @!p2 $0x0  }
0x16: {  	s3 =	sld [smem:$0x3FDB];
	s0 =	simm.s32 @p2 $0x1  }
0x17: {  	s4 =	simm.s32 $0x1BF5;
	[smem:$0x3FB3] =	sst s0  }
0x18: {  	s0 =	sld [smem:$0x3F96];
	_ =	swait.ge [sflag:s4], $0x0  }
0x19: {  	s7 =	sld [smem:$0x3F97]  }
0x1a: {  	s8 =	sadd.s32 $0xFFFFE003, lr  }
0x1b: {  	s9 =	sadd.s32 $0xFFFFFEF7, lr;
	s5 =	simm.s32 $0xFFFFFFFF;
	p2 =	slt.u32 s8, $0xFFFFF086  }
0x1c: {  	p1 =	slt.u32 s9, $0xF7A;
	s5 =	simm.s32 @!p2 $0x0  }
0x1d: {  	s5 =	simm.s32 @p1 $0x1;
	p0 =	seq.s32 s7, s2  }
0x1e: {  	s7 =	smul.u32 @!p0 $0xF7A, s2;
	p2 =	seq.s32 @!p0 s5, $0x0  }
0x1f: {  	s9 =	smul.u32 $0xF7A, s1;
	s8 =	simm.s32 @!p0 $0x1BF5;
	p2 =	por !p2, p0  }
0x20: {  	[sflag:s8] =	ssyncset.s32 @!p0 $0xFFFFF086;
	s6 =	sadd.s32 @!p0 s3, s7;
	s7 =	simm.s32 @!p0 $0x108  }
0x21: {  	s3 =	sadd.s32 s3, s9;
	s6 =	sadd.s32 @!p0 $0x88, s6;
	s7 =	simm.s32 @p2 $0x1082  }
0x22: {  	[simem:s7], [sflag:s8] =	dma.local @!p0 [hbm:s6], $0xF7A  }
0x23: {  	s9 =	sor.u32 $0xD0000000, s2;
	s6 =	simm.s32 $0x108;
	_ =	swait.ge @!p0 [sflag:s8], $0x0  }
0x24: {  	s3 =	sadd.s32 $0x88, s3;
	s6 =	simm.s32 @!p1 $0x1082;
	[sflag:s4] =	ssyncset.s32 $0xFFFFF086  }
0x25: {  	[simem:s6], [sflag:s4] =	dma.local [hbm:s3], $0xF7A  }
0x26: {  	[smem:$0x3F97] =	sst s1;
	(tag) =	ssettag s2;
	_ =	strace s9  }
0x27: {  	s1 =	sld [smem:$0x3FA7]  }
0x28: {  	s2 =	sld [smem:$0x3FA8]  }
0x29: {  	s4 =	sld [smem:$0x3FAA]  }
0x2a: {  	p0 =	seq.s32 s5, $0x0;
	s5 =	sld [smem:$0x3FAB]  }
0x2b: {  	s6 =	sld [smem:$0x3FAC]  }
0x2c: {  	s7 =	sld [smem:$0x3FAD]  }
0x2d: {  	s3 =	simm.s32 $0x108;
	s8 =	sld [smem:$0x3FAE]  }
0x2e: {  	s3 =	simm.s32 @!p0 $0x1082;
	s9 =	sld [smem:$0x3FAF]  }
0x2f: {  	lr =	sadd.s32 s0, s3;
	s0 =	sld [smem:$0x3FA6]  }
0x30: {  	s3 =	sld [smem:$0x3FA9]  }
0x31: {  	[smem:$0x3FB2] =	sst s10  }
0x32: {  	s10 =	sld [smem:$0x3FB0];
	_ =	sdelay $0x3  }
0x33: {  	p0 =	seq.s32 s10, $0x1;
	s10 =	sld [smem:$0x3FB2];
	_ =	sdelay $0x3  }
0x34: {  	[smem:$0x3FB2] =	sst s10  }
0x35: {  	s10 =	sld [smem:$0x3FB1];
	_ =	sdelay $0x3  }
0x36: {  	p1 =	seq.s32 s10, $0x1;
	s10 =	sld [smem:$0x3FB2];
	_ =	sdelay $0x3  }
0x37: {  	[smem:$0x3FB2] =	sst s10  }
0x38: {  	s10 =	sld [smem:$0x3FB3]  }
0x39: {  	_ = 	snop;
	(pc) =	sbr.ind lr, $3  }
0x3a: {  	_ = 	snop  }
0x3b: {  	_ = 	snop  }
0x3c: {  	p2 =	seq.s32 s10, $0x1;
	s10 =	sld [smem:$0x3FB2]  }
0x3d: {  	_ =	shalt  }
0x3e: {  	_ =	shalt  }
0x3f: {  	_ =	shalt  }
0x40: {  	_ =	shalt  }
0x41: {  	_ =	shalt  }
0x42: {  	_ =	shalt  }
0x43: {  	_ =	shalt  }
0x44: {  	_ =	shalt  }
0x45: {  	_ =	shalt  }
0x46: {  	_ =	shalt  }
0x47: {  	_ =	shalt  }
0x48: {  	_ =	shalt  }
0x49: {  	_ =	shalt  }
0x4a: {  	_ =	shalt  }
0x4b: {  	_ =	shalt  }
0x4c: {  	_ =	shalt  }
0x4d: {  	_ =	shalt  }
0x4e: {  	_ =	shalt  }
0x4f: {  	_ =	shalt  }
0x50: {  	_ =	shalt  }
0x51: {  	_ =	shalt  }
0x52: {  	_ =	shalt  }
0x53: {  	_ =	shalt  }
0x54: {  	_ =	shalt  }
0x55: {  	_ =	shalt  }
0x56: {  	_ =	shalt  }
0x57: {  	_ =	shalt  }
0x58: {  	_ =	shalt  }
0x59: {  	_ =	shalt  }
0x5a: {  	_ =	shalt  }
0x5b: {  	_ =	shalt  }
0x5c: {  	_ =	shalt  }
0x5d: {  	_ =	shalt  }
0x5e: {  	_ =	shalt  }
0x5f: {  	_ =	shalt  }
0x60: {  	_ =	shalt  }
0x61: {  	_ =	shalt  }
0x62: {  	_ =	shalt  }
0x63: {  	_ =	shalt  }
0x64: {  	_ =	shalt  }
0x65: {  	_ =	shalt  }
0x66: {  	_ =	shalt  }
0x67: {  	_ =	shalt  }
0x68: {  	_ =	shalt  }
0x69: {  	_ =	shalt  }
0x6a: {  	_ =	shalt  }
0x6b: {  	_ =	shalt  }
0x6c: {  	_ =	shalt  }
0x6d: {  	_ =	shalt  }
0x6e: {  	_ =	shalt  }
0x6f: {  	_ =	shalt  }
0x70: {  	_ =	shalt  }
0x71: {  	_ =	shalt  }
0x72: {  	_ =	shalt  }
0x73: {  	_ =	shalt  }
0x74: {  	_ =	shalt  }
0x75: {  	_ =	shalt  }
0x76: {  	_ =	shalt  }
0x77: {  	_ =	shalt  }
0x78: {  	_ =	shalt  }
0x79: {  	_ =	shalt  }
0x7a: {  	_ =	shalt  }
0x7b: {  	_ =	shalt  }
0x7c: {  	_ =	shalt  }
0x7d: {  	_ =	shalt  }
0x7e: {  	_ =	shalt  }
0x7f: {  	_ =	shalt  }
0x80: {  	_ =	shalt  }
0x81: {  	_ =	shalt  }
0x82: {  	_ =	shalt  }
0x83: {  	_ =	shalt  }
0x84: {  	_ =	shalt  }
0x85: {  	_ =	shalt  }
0x86: {  	_ =	shalt  }
0x87: {  	_ =	shalt  }
.Lfunc_end0:
.L_simem_size_0:
called_computation.1_lowered:
.L_overlay_start_0:
0x88: {  	s2 =	sld [smem:$0x3FD9]  }
0x89: {  	s3 =	sld [smem:$0x3FFE];
	_ =	sdelay $0x1  }
0x8a: {  	s1 =	srdreg.scid  }
0x8b: {  	s0 =	sand.u32 $0x1, s1  }
0x8c: {  	s17 =	sshll.u32 s0, $0xA;
	s2 =	sadd.s32 s3, s2  }
0x8d: {  	s2 =	sadd.s32 s2, s17  }
0x8e: {  	[smem:$0x3FBE] =	sst s2  }
0x8f: {  	_ = 	snop  }
0x90: {  	s2 =	sld [smem:$0x3FD0];
	(tm) =	ssettm $0x1  }
0x91: {  	s18 =	sld [smem:$0x3FFB];
	_ =	sdelay $0x3  }
0x92: {  	_ =	strace s18  }
0x93: {  	s3 =	sld [smem:$0x3FFC];
	_ =	sdelay $0x3  }
0x94: {  	_ =	strace s3  }
0x95: {  	s3 =	sld [smem:$0x3FFD];
	_ =	sdelay $0x3  }
0x96: {  	_ =	strace s3  }
0x97: {  	_ =	strace $0x8FFFFFFF  }
0x98: {  	s19 =	sld [smem:$0x3FDB];
	_ =	sdelay $0x1  }
0x99: {  	s4 =	simm.s32 $_scs_section_size  }
0x9a: {  	s5 =	simm.s32 $_size__tile_overlayer_lowered;
	s6 =	simm.s32 $_tile_overlayer_lowered  }
0x9b: {  	s22 =	simm.s32 $0x1BFF;
	s21 =	sshll.u32 s6, $0x1;
	s3 =	sadd.s32 s4, s19  }
0x9c: {  	s7 =	simm.s32 $0x0;
	s20 =	sshll.u32 s5, $0x1;
	s5 =	sadd.s32 s21, s3  }
0x9d: {  	[timem:s7], [sflag:s22] =	dma.local [hbm:s5], s20  }
0x9e: {  	_ =	swait.ge [sflag:s22], s20  }
0x9f: {  	s4 =	ssub.s32 $0x0, s20;
	[sflag:s22] =	ssyncset.done $0x0  }
0xa0: {  	[sflag:s22] =	ssyncadd.s32 s4;
	_ =	sdelay $0x1  }
0xa1: {  	s23 =	simm.s32 $0x1B8B  }
0xa2: {  	_ =	swait.ge [sflag:s23], $0x1  }
0xa3: {  	[sflag:s23] =	ssyncset.done $0x0  }
0xa4: {  	s25 =	simm.s32 $0x1B8E;
	s24 =	sld [smem:$0x3FFE];
	[sflag:s23] =	ssyncadd.s32 $0xFFFFFFFF  }
0xa5: {  	s26 =	simm.s32 $execute0_lowered;
	[smem:$0x3FD2] =	sst s25  }
0xa6: {  	s5 =	sshll.u32 s26, $0x1;
	_ =	strace $0x80000049;
	[dreg:$0x1] =	wrdreg $0xFFFFFFFF  }
0xa7: {  	s28 =	simm.s32 $_size_execute0_lowered;
	s3 =	sadd.s32 s3, s5;
	[dreg:$0x0] =	wrdreg $0x0  }
0xa8: {  	s5 =	sshll.u32 s28, $0x1;
	[dreg:$0x2] =	wrdreg s3  }
0xa9: {  	[dreg:$0x3] =	wrdreg s5  }
0xaa: {  	[dreg:$0x4] =	wrdreg $0xC0  }
0xab: {  	_ =	task [dreg:s7], $0x5FFFF  }
0xac: {  	[dreg:$0x1] =	wrdreg $0xFFFFFFFF  }
0xad: {  	[dreg:$0x0] =	wrdreg $0x60  }
0xae: {  	[dreg:$0x2] =	wrdreg s24  }
0xaf: {  	[dreg:$0x3] =	wrdreg s2  }
0xb0: {  	[dreg:$0x4] =	wrdreg $0x85000  }
0xb1: {  	[dreg:$0x5] =	wrdreg $0x9  }
0xb2: {  	_ =	task.clear_ibuf [dreg:s7], $0x6FFFF;
	_ =	strace $0x90000049  }
0xb3: {  	s29 =	simm.s32 $0x9;
	_ =	strace $0x8000004B  }
0xb4: {  	_ =	swait.ge [sflag:s29], $0x1  }
0xb5: {  	[sflag:s29] =	ssyncadd.s32 $0xFFFFFFFF  }
0xb6: {  	_ =	strace $0x9000004B  }
0xb7: {  	_ =	sfence  }
0xb8: {  	s30 =	sld [smem:$0x0];
	_ =	sdelay $0x2  }
0xb9: {  	s31 =	sshll.u32 s1, $0xD;
	s1 =	sshrl.u32 s1, $0x2  }
0xba: {  	s3 =	sand.u32 $0x4000, s31;
	s1 =	sadd.s32 s1, s30  }
0xbb: {  	s0 =	sor.u32 s3, s0;
	s1 =	sshll.u32 s1, $0x11  }
0xbc: {  	s0 =	sor.u32 s1, s0  }
0xbd: {  	s0 =	sadd.s32 $0x8F2B, s0  }
0xbe: {  	[sflag:s0] =	ssyncadd.remote.s32 $0x1  }
0xbf: {  	_ =	sfence.sel $0xFFFF  }
0xc0: {  	[dreg:$0x0] =	wrdreg $0xFFFFFFFF;
	(pc) =	sbr.abs _section_cstart, $3  }
0xc1: {  	[dreg:$0x1] =	wrdreg $0xFFFFFFFF  }
0xc2: {  	_ =	task.clear_ibuf [dreg:s7], $0x2FFFF;
	_ =	strace $0x9FFFFFFF  }
0xc3: {  	(tm) =	ssettm $0x7FFFFFFF  }
tec
execute0_lowered:
.L_overlay_start_1:
0x0: {  	(tag) =	ssettag $0x1  }
0x1: {  	s6 =	rddreg [dreg:$0x0]  }
0x2: {  	s2 =	rddreg [dreg:$0x1]  }
0x3: {  	s3 =	rddreg [dreg:$0x2];
	s1 =	stileid.u32  }
0x4: {  	s7 =	srdreg.scid;
	s4 =	simm.s32 $0x0;
	s14 =	simm.s32 $0x500  }
0x5: {  	s15 =	simm.s32 $0x4500;
	s16 =	simm.s32 $0x400;
	s17 =	simm.s32 $0x1  }
0x6: {  	s18 =	simm.s32 $0x100;
	s19 =	simm.s32 $0x480;
	s20 =	simm.s32 $0x2  }
0x7: {  	s21 =	simm.s32 $0x180;
	s22 =	simm.s32 $0x200;
	s23 =	simm.s32 $0x280  }
0x8: {  	s24 =	simm.s32 $0x300;
	s25 =	simm.s32 $0x380;
	s5 =	smul.u32 $0xA00, s1  }
0x9: {  	s26 =	simm.s32 $0x0;
	s7 =	sand.u32 $0x1, s7;
	s8 =	smul.u32 $0x2800, s1  }
0xa: {  	[smem:$0x7FF] =	sst s4;
	s11 =	smul.u32 $0x50000, s1;
	s12 =	sshll.u32 s1, $0x6  }
0xb: {  	s9 =	smul.u32 $0x28000, s7;
	_ =	strace $0x8000004A;
	s30 =	ssub.s32 $0x2, s7  }
0xc: {  	s13 =	smul.u32 $0x500, s7;
	s10 =	sadd.s32 s5, s6;
	s5 =	sadd.s32 $0xEA00, s6  }
0xd: {  	s31 =	sshrl.u32 s30, $0x1;
	s11 =	sshrl.u32 s11, $0x2;
	s8 =	sadd.s32 s8, s9  }
0xe: {  	s9 =	ssub.s32 s30, s31;
	s11 =	sadd.s32 s11, s3;
	s10 =	sadd.s32 s13, s10  }
0xf: {  	s13 =	simm.s32 $0x80;
	s8 =	sadd.s32 s8, s6;
	s6 =	sor.u32 $0x1C03, s12  }
0x10: {  	s11 =	sshrl.u32 s11, $0x3;
	s12 =	simm.s32 $0x3;
	s7 =	sadd.s32 $0x11200, s8  }
0x11: {  	s8 =	smax.u32 s9, $0x1;
	s9 =	sadd.s32 $0x4A00, s10;
	s10 =	sadd.s32 $0x61200, s10  }
.LBB2_1:
0x12: {  	[spmem:s11], [sflag:s6] =	dma.local [hbm:s5], $0x2800  }
0x13: {  	_ =	swait.ge [sflag:s12], $0x2800  }
0x14: {  	[sflag:s12] =	ssyncset.done $0x0  }
0x15: {  	[sflag:s12] =	ssyncadd.s32 $0xFFFFD800  }
0x16: {  	s28 =	sadd.s32 $0x0, s10;
	[bflag:$0x0] =	sbarrier.arrive $0xFFFF  }
0x17: {  	[tilespmem:s4], [sflag:$0x3] =	stream.linear.gather [hbm4b:s28+s4], $0x400, $0x38;
	[tilespmem:$0x1C500] =	vst v63  }
0x18: {  	_ =	swait.ge [sflag:s12], $0x400  }
0x19: {  	[sflag:s12] =	ssyncset.done $0x0  }
0x1a: {  	[sflag:s12] =	ssyncadd.s32 $0xFFFFFC00  }
0x1b: {  	[tilespmem:s14], [sflag:$0x1] =	stream.indirect.gather [hbm4b:s2+s13], $0x80, s4, s13, $0xb8;
	[tilespmem:$0x1C500] =	vst v63  }
0x1c: {  	_ = 	snop  }
0x1d: {  	[tilespmem:s15], [sflag:$0x2] =	stream.indirect.gather [hbm4b:s2+s13], $0x80, s13, s13, $0xb8;
	[tilespmem:$0x1C500] =	vst v63  }
0x1e: {  	s28 =	sadd.s32 $0x0, s9  }
0x1f: {  	[tilespmem:s16], [sflag:$0x3] =	stream.linear.gather [hbm4b:s28+s4], $0x80, $0x38;
	[tilespmem:$0x1C500] =	vst v63  }
0x20: {  	_ =	swait.ge [sflag:s12], $0x80  }
0x21: {  	[sflag:s12] =	ssyncset.done $0x0  }
0x22: {  	[sflag:s12] =	ssyncadd.s32 $0xFFFFFF80  }
0x23: {  	_ =	swait.ge [sflag:s17], $0x4000  }
0x24: {  	[sflag:s17] =	ssyncset.done $0x0  }
0x25: {  	[sflag:s17] =	ssyncadd.s32 $0xFFFFC000  }
0x26: {  	[spmem:s3] =	stream.indirect.scatter.add.f32 [tilespmem:s14], [sflag:$0x3], $0x80, s16, s13, $0xb8;
	[tilespmem:$0x1C500] =	vst v63  }
0x27: {  	_ =	swait.ge [sflag:s12], $0x4000  }
0x28: {  	[sflag:s12] =	ssyncset.done $0x0  }
0x29: {  	[sflag:s12] =	ssyncadd.s32 $0xFFFFC000  }
0x2a: {  	[tilespmem:s14], [sflag:$0x1] =	stream.indirect.gather [hbm4b:s2+s13], $0x80, s18, s13, $0xb8;
	[tilespmem:$0x1C500] =	vst v63  }
0x2b: {  	s29 =	sadd.s32 $0x10, s28  }
0x2c: {  	[tilespmem:s19], [sflag:$0x3] =	stream.linear.gather [hbm4b:s29+s4], $0x80, $0x38;
	[tilespmem:$0x1C500] =	vst v63  }
0x2d: {  	_ =	swait.ge [sflag:s12], $0x80  }
0x2e: {  	[sflag:s12] =	ssyncset.done $0x0  }
0x2f: {  	[sflag:s12] =	ssyncadd.s32 $0xFFFFFF80  }
0x30: {  	_ =	swait.ge [sflag:s20], $0x4000  }
0x31: {  	[sflag:s20] =	ssyncset.done $0x0  }
0x32: {  	[sflag:s20] =	ssyncadd.s32 $0xFFFFC000  }
0x33: {  	[spmem:s3] =	stream.indirect.scatter.add.f32 [tilespmem:s15], [sflag:$0x3], $0x80, s19, s13, $0xb8;
	[tilespmem:$0x1C500] =	vst v63  }
0x34: {  	_ =	swait.ge [sflag:s12], $0x4000  }
0x35: {  	[sflag:s12] =	ssyncset.done $0x0  }
0x36: {  	[sflag:s12] =	ssyncadd.s32 $0xFFFFC000  }
0x37: {  	[tilespmem:s15], [sflag:$0x2] =	stream.indirect.gather [hbm4b:s2+s13], $0x80, s21, s13, $0xb8;
	[tilespmem:$0x1C500] =	vst v63  }
0x38: {  	s31 =	sadd.s32 $0x20, s28  }
0x39: {  	[tilespmem:s16], [sflag:$0x3] =	stream.linear.gather [hbm4b:s31+s4], $0x80, $0x38;
	[tilespmem:$0x1C500] =	vst v63  }
0x3a: {  	_ =	swait.ge [sflag:s12], $0x80  }
0x3b: {  	[sflag:s12] =	ssyncset.done $0x0  }
0x3c: {  	[sflag:s12] =	ssyncadd.s32 $0xFFFFFF80  }
0x3d: {  	_ =	swait.ge [sflag:s17], $0x4000  }
0x3e: {  	[sflag:s17] =	ssyncset.done $0x0  }
0x3f: {  	[sflag:s17] =	ssyncadd.s32 $0xFFFFC000  }
0x40: {  	[spmem:s3] =	stream.indirect.scatter.add.f32 [tilespmem:s14], [sflag:$0x3], $0x80, s16, s13, $0xb8;
	[tilespmem:$0x1C500] =	vst v63  }
0x41: {  	_ =	swait.ge [sflag:s12], $0x4000  }
0x42: {  	[sflag:s12] =	ssyncset.done $0x0  }
0x43: {  	[sflag:s12] =	ssyncadd.s32 $0xFFFFC000  }
0x44: {  	[tilespmem:s14], [sflag:$0x1] =	stream.indirect.gather [hbm4b:s2+s13], $0x80, s22, s13, $0xb8;
	[tilespmem:$0x1C500] =	vst v63  }
0x45: {  	s0 =	sadd.s32 $0x30, s28  }
0x46: {  	[tilespmem:s19], [sflag:$0x3] =	stream.linear.gather [hbm4b:s0+s4], $0x80, $0x38;
	[tilespmem:$0x1C500] =	vst v63  }
0x47: {  	_ =	swait.ge [sflag:s12], $0x80  }
0x48: {  	[sflag:s12] =	ssyncset.done $0x0  }
0x49: {  	[sflag:s12] =	ssyncadd.s32 $0xFFFFFF80  }
0x4a: {  	_ =	swait.ge [sflag:s20], $0x4000  }
0x4b: {  	[sflag:s20] =	ssyncset.done $0x0  }
0x4c: {  	[sflag:s20] =	ssyncadd.s32 $0xFFFFC000  }
0x4d: {  	[spmem:s3] =	stream.indirect.scatter.add.f32 [tilespmem:s15], [sflag:$0x3], $0x80, s19, s13, $0xb8;
	[tilespmem:$0x1C500] =	vst v63  }
0x4e: {  	_ =	swait.ge [sflag:s12], $0x4000  }
0x4f: {  	[sflag:s12] =	ssyncset.done $0x0  }
0x50: {  	[sflag:s12] =	ssyncadd.s32 $0xFFFFC000  }
0x51: {  	[tilespmem:s15], [sflag:$0x2] =	stream.indirect.gather [hbm4b:s2+s13], $0x80, s23, s13, $0xb8;
	[tilespmem:$0x1C500] =	vst v63  }
0x52: {  	s31 =	sadd.s32 $0x40, s28  }
0x53: {  	[tilespmem:s16], [sflag:$0x3] =	stream.linear.gather [hbm4b:s31+s4], $0x80, $0x38;
	[tilespmem:$0x1C500] =	vst v63  }
0x54: {  	_ =	swait.ge [sflag:s12], $0x80  }
0x55: {  	[sflag:s12] =	ssyncset.done $0x0  }
0x56: {  	[sflag:s12] =	ssyncadd.s32 $0xFFFFFF80  }
0x57: {  	_ =	swait.ge [sflag:s17], $0x4000  }
0x58: {  	[sflag:s17] =	ssyncset.done $0x0  }
0x59: {  	[sflag:s17] =	ssyncadd.s32 $0xFFFFC000  }
0x5a: {  	[spmem:s3] =	stream.indirect.scatter.add.f32 [tilespmem:s14], [sflag:$0x3], $0x80, s16, s13, $0xb8;
	[tilespmem:$0x1C500] =	vst v63  }
0x5b: {  	_ =	swait.ge [sflag:s12], $0x4000  }
0x5c: {  	[sflag:s12] =	ssyncset.done $0x0  }
0x5d: {  	[sflag:s12] =	ssyncadd.s32 $0xFFFFC000  }
0x5e: {  	[tilespmem:s14], [sflag:$0x1] =	stream.indirect.gather [hbm4b:s2+s13], $0x80, s24, s13, $0xb8;
	[tilespmem:$0x1C500] =	vst v63  }
0x5f: {  	s0 =	sadd.s32 $0x50, s28  }
0x60: {  	[tilespmem:s19], [sflag:$0x3] =	stream.linear.gather [hbm4b:s0+s4], $0x80, $0x38;
	[tilespmem:$0x1C500] =	vst v63  }
0x61: {  	_ =	swait.ge [sflag:s12], $0x80  }
0x62: {  	[sflag:s12] =	ssyncset.done $0x0  }
0x63: {  	[sflag:s12] =	ssyncadd.s32 $0xFFFFFF80  }
0x64: {  	_ =	swait.ge [sflag:s20], $0x4000  }
0x65: {  	[sflag:s20] =	ssyncset.done $0x0  }
0x66: {  	[sflag:s20] =	ssyncadd.s32 $0xFFFFC000  }
0x67: {  	[spmem:s3] =	stream.indirect.scatter.add.f32 [tilespmem:s15], [sflag:$0x3], $0x80, s19, s13, $0xb8;
	[tilespmem:$0x1C500] =	vst v63  }
0x68: {  	_ =	swait.ge [sflag:s12], $0x4000  }
0x69: {  	[sflag:s12] =	ssyncset.done $0x0  }
0x6a: {  	[sflag:s12] =	ssyncadd.s32 $0xFFFFC000  }
0x6b: {  	[tilespmem:s15], [sflag:$0x2] =	stream.indirect.gather [hbm4b:s2+s13], $0x80, s25, s13, $0xb8;
	[tilespmem:$0x1C500] =	vst v63  }
0x6c: {  	s31 =	sadd.s32 $0x60, s28  }
0x6d: {  	[tilespmem:s16], [sflag:$0x3] =	stream.linear.gather [hbm4b:s31+s4], $0x80, $0x38;
	[tilespmem:$0x1C500] =	vst v63  }
0x6e: {  	_ =	swait.ge [sflag:s12], $0x80  }
0x6f: {  	[sflag:s12] =	ssyncset.done $0x0  }
0x70: {  	[sflag:s12] =	ssyncadd.s32 $0xFFFFFF80  }
0x71: {  	_ =	swait.ge [sflag:s17], $0x4000  }
0x72: {  	[sflag:s17] =	ssyncset.done $0x0  }
0x73: {  	[sflag:s17] =	ssyncadd.s32 $0xFFFFC000  }
0x74: {  	[spmem:s3] =	stream.indirect.scatter.add.f32 [tilespmem:s14], [sflag:$0x3], $0x80, s16, s13, $0xb8;
	[tilespmem:$0x1C500] =	vst v63  }
0x75: {  	_ =	swait.ge [sflag:s12], $0x4000  }
0x76: {  	[sflag:s12] =	ssyncset.done $0x0  }
0x77: {  	s28 =	sadd.s32 $0x70, s28;
	[sflag:s12] =	ssyncadd.s32 $0xFFFFC000  }
0x78: {  	[tilespmem:s19], [sflag:$0x3] =	stream.linear.gather [hbm4b:s28+s4], $0x80, $0x38;
	[tilespmem:$0x1C500] =	vst v63  }
0x79: {  	_ =	swait.ge [sflag:s12], $0x80  }
0x7a: {  	[sflag:s12] =	ssyncset.done $0x0  }
0x7b: {  	[sflag:s12] =	ssyncadd.s32 $0xFFFFFF80  }
0x7c: {  	_ =	swait.ge [sflag:s20], $0x4000  }
0x7d: {  	[sflag:s20] =	ssyncset.done $0x0  }
0x7e: {  	[sflag:s20] =	ssyncadd.s32 $0xFFFFC000  }
0x7f: {  	[spmem:s3] =	stream.indirect.scatter.add.f32 [tilespmem:s15], [sflag:$0x3], $0x80, s19, s13, $0xb8;
	[tilespmem:$0x1C500] =	vst v63  }
0x80: {  	_ =	swait.ge [sflag:s12], $0x4000  }
0x81: {  	s30 =	simm.s32 $0x100;
	s28 =	simm.s32 $0x80;
	[sflag:s12] =	ssyncset.done $0x0  }
.LBB2_2:
0x82: {  	s31 =	sadd.s32 s28, s10  }
0x83: {  	[sflag:s12] =	ssyncadd.s32 $0xFFFFC000;
	s0 =	smov.u32 s30;
	s29 =	sadd.s32 $0x80, s30  }
0x84: {  	[tilespmem:s4], [sflag:$0x3] =	stream.linear.gather [hbm4b:s31+s4], $0x400, $0x38;
	[tilespmem:$0x1C500] =	vst v63  }
0x85: {  	p0 =	sne.s32 s30, $0x480;
	_ =	swait.ge [sflag:s12], $0x400  }
0x86: {  	[sflag:s12] =	ssyncset.done $0x0  }
0x87: {  	[sflag:s12] =	ssyncadd.s32 $0xFFFFFC00  }
0x88: {  	[tilespmem:s14], [sflag:$0x1] =	stream.indirect.gather [hbm4b:s2+s13], $0x80, s4, s13, $0xb8;
	[tilespmem:$0x1C500] =	vst v63  }
0x89: {  	_ = 	snop  }
0x8a: {  	[tilespmem:s15], [sflag:$0x2] =	stream.indirect.gather [hbm4b:s2+s13], $0x80, s13, s13, $0xb8;
	[tilespmem:$0x1C500] =	vst v63  }
0x8b: {  	s30 =	sadd.s32 s28, s9;
	s28 =	smov.u32 s0  }
0x8c: {  	[tilespmem:s16], [sflag:$0x3] =	stream.linear.gather [hbm4b:s30+s4], $0x80, $0x38;
	[tilespmem:$0x1C500] =	vst v63  }
0x8d: {  	_ =	swait.ge [sflag:s12], $0x80  }
0x8e: {  	[sflag:s12] =	ssyncset.done $0x0  }
0x8f: {  	[sflag:s12] =	ssyncadd.s32 $0xFFFFFF80  }
0x90: {  	_ =	swait.ge [sflag:s17], $0x4000  }
0x91: {  	[sflag:s17] =	ssyncset.done $0x0  }
0x92: {  	[sflag:s17] =	ssyncadd.s32 $0xFFFFC000  }
0x93: {  	[spmem:s3] =	stream.indirect.scatter.add.f32 [tilespmem:s14], [sflag:$0x3], $0x80, s16, s13, $0xb8;
	[tilespmem:$0x1C500] =	vst v63  }
0x94: {  	_ =	swait.ge [sflag:s12], $0x4000  }
0x95: {  	[sflag:s12] =	ssyncset.done $0x0  }
0x96: {  	[sflag:s12] =	ssyncadd.s32 $0xFFFFC000  }
0x97: {  	[tilespmem:s14], [sflag:$0x1] =	stream.indirect.gather [hbm4b:s2+s13], $0x80, s18, s13, $0xb8;
	[tilespmem:$0x1C500] =	vst v63  }
0x98: {  	s0 =	sadd.s32 $0x10, s30  }
0x99: {  	[tilespmem:s19], [sflag:$0x3] =	stream.linear.gather [hbm4b:s0+s4], $0x80, $0x38;
	[tilespmem:$0x1C500] =	vst v63  }
0x9a: {  	_ =	swait.ge [sflag:s12], $0x80  }
0x9b: {  	[sflag:s12] =	ssyncset.done $0x0  }
0x9c: {  	[sflag:s12] =	ssyncadd.s32 $0xFFFFFF80  }
0x9d: {  	_ =	swait.ge [sflag:s20], $0x4000  }
0x9e: {  	[sflag:s20] =	ssyncset.done $0x0  }
0x9f: {  	[sflag:s20] =	ssyncadd.s32 $0xFFFFC000  }
0xa0: {  	[spmem:s3] =	stream.indirect.scatter.add.f32 [tilespmem:s15], [sflag:$0x3], $0x80, s19, s13, $0xb8;
	[tilespmem:$0x1C500] =	vst v63  }
0xa1: {  	_ =	swait.ge [sflag:s12], $0x4000  }
0xa2: {  	[sflag:s12] =	ssyncset.done $0x0  }
0xa3: {  	[sflag:s12] =	ssyncadd.s32 $0xFFFFC000  }
0xa4: {  	[tilespmem:s15], [sflag:$0x2] =	stream.indirect.gather [hbm4b:s2+s13], $0x80, s21, s13, $0xb8;
	[tilespmem:$0x1C500] =	vst v63  }
0xa5: {  	s0 =	sadd.s32 $0x20, s30  }
0xa6: {  	[tilespmem:s16], [sflag:$0x3] =	stream.linear.gather [hbm4b:s0+s4], $0x80, $0x38;
	[tilespmem:$0x1C500] =	vst v63  }
0xa7: {  	_ =	swait.ge [sflag:s12], $0x80  }
0xa8: {  	[sflag:s12] =	ssyncset.done $0x0  }
0xa9: {  	[sflag:s12] =	ssyncadd.s32 $0xFFFFFF80  }
0xaa: {  	_ =	swait.ge [sflag:s17], $0x4000  }
0xab: {  	[sflag:s17] =	ssyncset.done $0x0  }
0xac: {  	[sflag:s17] =	ssyncadd.s32 $0xFFFFC000  }
0xad: {  	[spmem:s3] =	stream.indirect.scatter.add.f32 [tilespmem:s14], [sflag:$0x3], $0x80, s16, s13, $0xb8;
	[tilespmem:$0x1C500] =	vst v63  }
0xae: {  	_ =	swait.ge [sflag:s12], $0x4000  }
0xaf: {  	[sflag:s12] =	ssyncset.done $0x0  }
0xb0: {  	[sflag:s12] =	ssyncadd.s32 $0xFFFFC000  }
0xb1: {  	[tilespmem:s14], [sflag:$0x1] =	stream.indirect.gather [hbm4b:s2+s13], $0x80, s22, s13, $0xb8;
	[tilespmem:$0x1C500] =	vst v63  }
0xb2: {  	s0 =	sadd.s32 $0x30, s30  }
0xb3: {  	[tilespmem:s19], [sflag:$0x3] =	stream.linear.gather [hbm4b:s0+s4], $0x80, $0x38;
	[tilespmem:$0x1C500] =	vst v63  }
0xb4: {  	_ =	swait.ge [sflag:s12], $0x80  }
0xb5: {  	[sflag:s12] =	ssyncset.done $0x0  }
0xb6: {  	[sflag:s12] =	ssyncadd.s32 $0xFFFFFF80  }
0xb7: {  	_ =	swait.ge [sflag:s20], $0x4000  }
0xb8: {  	[sflag:s20] =	ssyncset.done $0x0  }
0xb9: {  	[sflag:s20] =	ssyncadd.s32 $0xFFFFC000  }
0xba: {  	[spmem:s3] =	stream.indirect.scatter.add.f32 [tilespmem:s15], [sflag:$0x3], $0x80, s19, s13, $0xb8;
	[tilespmem:$0x1C500] =	vst v63  }
0xbb: {  	_ =	swait.ge [sflag:s12], $0x4000  }
0xbc: {  	[sflag:s12] =	ssyncset.done $0x0  }
0xbd: {  	[sflag:s12] =	ssyncadd.s32 $0xFFFFC000  }
0xbe: {  	[tilespmem:s15], [sflag:$0x2] =	stream.indirect.gather [hbm4b:s2+s13], $0x80, s23, s13, $0xb8;
	[tilespmem:$0x1C500] =	vst v63  }
0xbf: {  	s0 =	sadd.s32 $0x40, s30  }
0xc0: {  	[tilespmem:s16], [sflag:$0x3] =	stream.linear.gather [hbm4b:s0+s4], $0x80, $0x38;
	[tilespmem:$0x1C500] =	vst v63  }
0xc1: {  	_ =	swait.ge [sflag:s12], $0x80  }
0xc2: {  	[sflag:s12] =	ssyncset.done $0x0  }
0xc3: {  	[sflag:s12] =	ssyncadd.s32 $0xFFFFFF80  }
0xc4: {  	_ =	swait.ge [sflag:s17], $0x4000  }
0xc5: {  	[sflag:s17] =	ssyncset.done $0x0  }
0xc6: {  	[sflag:s17] =	ssyncadd.s32 $0xFFFFC000  }
0xc7: {  	[spmem:s3] =	stream.indirect.scatter.add.f32 [tilespmem:s14], [sflag:$0x3], $0x80, s16, s13, $0xb8;
	[tilespmem:$0x1C500] =	vst v63  }
0xc8: {  	_ =	swait.ge [sflag:s12], $0x4000  }
0xc9: {  	[sflag:s12] =	ssyncset.done $0x0  }
0xca: {  	[sflag:s12] =	ssyncadd.s32 $0xFFFFC000  }
0xcb: {  	[tilespmem:s14], [sflag:$0x1] =	stream.indirect.gather [hbm4b:s2+s13], $0x80, s24, s13, $0xb8;
	[tilespmem:$0x1C500] =	vst v63  }
0xcc: {  	s0 =	sadd.s32 $0x50, s30  }
0xcd: {  	[tilespmem:s19], [sflag:$0x3] =	stream.linear.gather [hbm4b:s0+s4], $0x80, $0x38;
	[tilespmem:$0x1C500] =	vst v63  }
0xce: {  	_ =	swait.ge [sflag:s12], $0x80  }
0xcf: {  	[sflag:s12] =	ssyncset.done $0x0  }
0xd0: {  	[sflag:s12] =	ssyncadd.s32 $0xFFFFFF80  }
0xd1: {  	_ =	swait.ge [sflag:s20], $0x4000  }
0xd2: {  	[sflag:s20] =	ssyncset.done $0x0  }
0xd3: {  	[sflag:s20] =	ssyncadd.s32 $0xFFFFC000  }
0xd4: {  	[spmem:s3] =	stream.indirect.scatter.add.f32 [tilespmem:s15], [sflag:$0x3], $0x80, s19, s13, $0xb8;
	[tilespmem:$0x1C500] =	vst v63  }
0xd5: {  	_ =	swait.ge [sflag:s12], $0x4000  }
0xd6: {  	[sflag:s12] =	ssyncset.done $0x0  }
0xd7: {  	[sflag:s12] =	ssyncadd.s32 $0xFFFFC000  }
0xd8: {  	[tilespmem:s15], [sflag:$0x2] =	stream.indirect.gather [hbm4b:s2+s13], $0x80, s25, s13, $0xb8;
	[tilespmem:$0x1C500] =	vst v63  }
0xd9: {  	s0 =	sadd.s32 $0x60, s30  }
0xda: {  	[tilespmem:s16], [sflag:$0x3] =	stream.linear.gather [hbm4b:s0+s4], $0x80, $0x38;
	[tilespmem:$0x1C500] =	vst v63  }
0xdb: {  	_ =	swait.ge [sflag:s12], $0x80  }
0xdc: {  	[sflag:s12] =	ssyncset.done $0x0  }
0xdd: {  	[sflag:s12] =	ssyncadd.s32 $0xFFFFFF80  }
0xde: {  	_ =	swait.ge [sflag:s17], $0x4000  }
0xdf: {  	[sflag:s17] =	ssyncset.done $0x0  }
0xe0: {  	[sflag:s17] =	ssyncadd.s32 $0xFFFFC000  }
0xe1: {  	[spmem:s3] =	stream.indirect.scatter.add.f32 [tilespmem:s14], [sflag:$0x3], $0x80, s16, s13, $0xb8;
	[tilespmem:$0x1C500] =	vst v63  }
0xe2: {  	_ =	swait.ge [sflag:s12], $0x4000  }
0xe3: {  	[sflag:s12] =	ssyncset.done $0x0  }
0xe4: {  	s0 =	sadd.s32 $0x70, s30;
	[sflag:s12] =	ssyncadd.s32 $0xFFFFC000  }
0xe5: {  	[tilespmem:s19], [sflag:$0x3] =	stream.linear.gather [hbm4b:s0+s4], $0x80, $0x38;
	[tilespmem:$0x1C500] =	vst v63  }
0xe6: {  	_ =	swait.ge [sflag:s12], $0x80  }
0xe7: {  	[sflag:s12] =	ssyncset.done $0x0  }
0xe8: {  	[sflag:s12] =	ssyncadd.s32 $0xFFFFFF80  }
0xe9: {  	_ =	swait.ge [sflag:s20], $0x4000  }
.Ltmp0:
0xea: {  	[sflag:s20] =	ssyncset.done $0x0;
	(pc) =	sbr.rel @p0 .LBB2_2-.Ltmp0, $4  }
0xeb: {  	[sflag:s20] =	ssyncadd.s32 $0xFFFFC000  }
0xec: {  	[spmem:s3] =	stream.indirect.scatter.add.f32 [tilespmem:s15], [sflag:$0x3], $0x80, s19, s13, $0xb8;
	[tilespmem:$0x1C500] =	vst v63  }
0xed: {  	_ =	swait.ge [sflag:s12], $0x4000  }
0xee: {  	s30 =	smov.u32 s29;
	[sflag:s12] =	ssyncset.done $0x0  }
0xef: {  	s0 =	sadd.s32 s28, s10;
	[sflag:s12] =	ssyncadd.s32 $0xFFFFC000  }
0xf0: {  	[tilespmem:s4], [sflag:$0x3] =	stream.linear.gather [hbm4b:s0+s4], $0x400, $0x38;
	[tilespmem:$0x1C500] =	vst v63  }
0xf1: {  	_ =	swait.ge [sflag:s12], $0x400  }
0xf2: {  	[sflag:s12] =	ssyncset.done $0x0  }
0xf3: {  	[sflag:s12] =	ssyncadd.s32 $0xFFFFFC00  }
0xf4: {  	[tilespmem:s14], [sflag:$0x1] =	stream.indirect.gather [hbm4b:s2+s13], $0x80, s4, s13, $0xb8;
	[tilespmem:$0x1C500] =	vst v63  }
0xf5: {  	_ = 	snop  }
0xf6: {  	[tilespmem:s15], [sflag:$0x2] =	stream.indirect.gather [hbm4b:s2+s13], $0x80, s13, s13, $0xb8;
	[tilespmem:$0x1C500] =	vst v63  }
0xf7: {  	s28 =	sadd.s32 s28, s9  }
0xf8: {  	[tilespmem:s16], [sflag:$0x3] =	stream.linear.gather [hbm4b:s28+s4], $0x80, $0x38;
	[tilespmem:$0x1C500] =	vst v63  }
0xf9: {  	_ =	swait.ge [sflag:s12], $0x80  }
0xfa: {  	[sflag:s12] =	ssyncset.done $0x0  }
0xfb: {  	[sflag:s12] =	ssyncadd.s32 $0xFFFFFF80  }
0xfc: {  	_ =	swait.ge [sflag:s17], $0x4000  }
0xfd: {  	[sflag:s17] =	ssyncset.done $0x0  }
0xfe: {  	[sflag:s17] =	ssyncadd.s32 $0xFFFFC000  }
0xff: {  	[spmem:s3] =	stream.indirect.scatter.add.f32 [tilespmem:s14], [sflag:$0x3], $0x80, s16, s13, $0xb8;
	[tilespmem:$0x1C500] =	vst v63  }
0x100: {  	_ =	swait.ge [sflag:s12], $0x4000  }
0x101: {  	[sflag:s12] =	ssyncset.done $0x0  }
0x102: {  	[sflag:s12] =	ssyncadd.s32 $0xFFFFC000  }
0x103: {  	[tilespmem:s14], [sflag:$0x1] =	stream.indirect.gather [hbm4b:s2+s13], $0x80, s18, s13, $0xb8;
	[tilespmem:$0x1C500] =	vst v63  }
0x104: {  	s31 =	sadd.s32 $0x10, s28  }
0x105: {  	[tilespmem:s19], [sflag:$0x3] =	stream.linear.gather [hbm4b:s31+s4], $0x80, $0x38;
	[tilespmem:$0x1C500] =	vst v63  }
0x106: {  	_ =	swait.ge [sflag:s12], $0x80  }
0x107: {  	[sflag:s12] =	ssyncset.done $0x0  }
0x108: {  	[sflag:s12] =	ssyncadd.s32 $0xFFFFFF80  }
0x109: {  	_ =	swait.ge [sflag:s20], $0x4000  }
0x10a: {  	[sflag:s20] =	ssyncset.done $0x0  }
0x10b: {  	[sflag:s20] =	ssyncadd.s32 $0xFFFFC000  }
0x10c: {  	[spmem:s3] =	stream.indirect.scatter.add.f32 [tilespmem:s15], [sflag:$0x3], $0x80, s19, s13, $0xb8;
	[tilespmem:$0x1C500] =	vst v63  }
0x10d: {  	_ =	swait.ge [sflag:s12], $0x4000  }
0x10e: {  	[sflag:s12] =	ssyncset.done $0x0  }
0x10f: {  	[sflag:s12] =	ssyncadd.s32 $0xFFFFC000  }
0x110: {  	[tilespmem:s15], [sflag:$0x2] =	stream.indirect.gather [hbm4b:s2+s13], $0x80, s21, s13, $0xb8;
	[tilespmem:$0x1C500] =	vst v63  }
0x111: {  	s29 =	sadd.s32 $0x20, s28  }
0x112: {  	[tilespmem:s16], [sflag:$0x3] =	stream.linear.gather [hbm4b:s29+s4], $0x80, $0x38;
	[tilespmem:$0x1C500] =	vst v63  }
0x113: {  	_ =	swait.ge [sflag:s12], $0x80  }
0x114: {  	[sflag:s12] =	ssyncset.done $0x0  }
0x115: {  	[sflag:s12] =	ssyncadd.s32 $0xFFFFFF80  }
0x116: {  	_ =	swait.ge [sflag:s17], $0x4000  }
0x117: {  	[sflag:s17] =	ssyncset.done $0x0  }
0x118: {  	[sflag:s17] =	ssyncadd.s32 $0xFFFFC000  }
0x119: {  	[spmem:s3] =	stream.indirect.scatter.add.f32 [tilespmem:s14], [sflag:$0x3], $0x80, s16, s13, $0xb8;
	[tilespmem:$0x1C500] =	vst v63  }
0x11a: {  	_ =	swait.ge [sflag:s12], $0x4000  }
0x11b: {  	[sflag:s12] =	ssyncset.done $0x0  }
0x11c: {  	[sflag:s12] =	ssyncadd.s32 $0xFFFFC000  }
0x11d: {  	[tilespmem:s14], [sflag:$0x1] =	stream.indirect.gather [hbm4b:s2+s13], $0x80, s22, s13, $0xb8;
	[tilespmem:$0x1C500] =	vst v63  }
0x11e: {  	s30 =	sadd.s32 $0x30, s28  }
0x11f: {  	[tilespmem:s19], [sflag:$0x3] =	stream.linear.gather [hbm4b:s30+s4], $0x80, $0x38;
	[tilespmem:$0x1C500] =	vst v63  }
0x120: {  	_ =	swait.ge [sflag:s12], $0x80  }
0x121: {  	[sflag:s12] =	ssyncset.done $0x0  }
0x122: {  	[sflag:s12] =	ssyncadd.s32 $0xFFFFFF80  }
0x123: {  	_ =	swait.ge [sflag:s20], $0x4000  }
0x124: {  	[sflag:s20] =	ssyncset.done $0x0  }
0x125: {  	[sflag:s20] =	ssyncadd.s32 $0xFFFFC000  }
0x126: {  	[spmem:s3] =	stream.indirect.scatter.add.f32 [tilespmem:s15], [sflag:$0x3], $0x80, s19, s13, $0xb8;
	[tilespmem:$0x1C500] =	vst v63  }
0x127: {  	_ =	swait.ge [sflag:s12], $0x4000  }
0x128: {  	[sflag:s12] =	ssyncset.done $0x0  }
0x129: {  	[sflag:s12] =	ssyncadd.s32 $0xFFFFC000  }
0x12a: {  	[tilespmem:s15], [sflag:$0x2] =	stream.indirect.gather [hbm4b:s2+s13], $0x80, s23, s13, $0xb8;
	[tilespmem:$0x1C500] =	vst v63  }
0x12b: {  	s31 =	sadd.s32 $0x40, s28  }
0x12c: {  	[tilespmem:s16], [sflag:$0x3] =	stream.linear.gather [hbm4b:s31+s4], $0x80, $0x38;
	[tilespmem:$0x1C500] =	vst v63  }
0x12d: {  	_ =	swait.ge [sflag:s12], $0x80  }
0x12e: {  	[sflag:s12] =	ssyncset.done $0x0  }
0x12f: {  	[sflag:s12] =	ssyncadd.s32 $0xFFFFFF80  }
0x130: {  	_ =	swait.ge [sflag:s17], $0x4000  }
0x131: {  	[sflag:s17] =	ssyncset.done $0x0  }
0x132: {  	[sflag:s17] =	ssyncadd.s32 $0xFFFFC000  }
0x133: {  	[spmem:s3] =	stream.indirect.scatter.add.f32 [tilespmem:s14], [sflag:$0x3], $0x80, s16, s13, $0xb8;
	[tilespmem:$0x1C500] =	vst v63  }
0x134: {  	_ =	swait.ge [sflag:s12], $0x4000  }
0x135: {  	[sflag:s12] =	ssyncset.done $0x0  }
0x136: {  	[sflag:s12] =	ssyncadd.s32 $0xFFFFC000  }
0x137: {  	[tilespmem:s14], [sflag:$0x1] =	stream.indirect.gather [hbm4b:s2+s13], $0x80, s24, s13, $0xb8;
	[tilespmem:$0x1C500] =	vst v63  }
0x138: {  	s29 =	sadd.s32 $0x50, s28  }
0x139: {  	[tilespmem:s19], [sflag:$0x3] =	stream.linear.gather [hbm4b:s29+s4], $0x80, $0x38;
	[tilespmem:$0x1C500] =	vst v63  }
0x13a: {  	_ =	swait.ge [sflag:s12], $0x80  }
0x13b: {  	[sflag:s12] =	ssyncset.done $0x0  }
0x13c: {  	[sflag:s12] =	ssyncadd.s32 $0xFFFFFF80  }
0x13d: {  	_ =	swait.ge [sflag:s20], $0x4000  }
0x13e: {  	[sflag:s20] =	ssyncset.done $0x0  }
0x13f: {  	[sflag:s20] =	ssyncadd.s32 $0xFFFFC000  }
0x140: {  	[spmem:s3] =	stream.indirect.scatter.add.f32 [tilespmem:s15], [sflag:$0x3], $0x80, s19, s13, $0xb8;
	[tilespmem:$0x1C500] =	vst v63  }
0x141: {  	_ =	swait.ge [sflag:s12], $0x4000  }
0x142: {  	[sflag:s12] =	ssyncset.done $0x0  }
0x143: {  	[sflag:s12] =	ssyncadd.s32 $0xFFFFC000  }
0x144: {  	[tilespmem:s15], [sflag:$0x2] =	stream.indirect.gather [hbm4b:s2+s13], $0x80, s25, s13, $0xb8;
	[tilespmem:$0x1C500] =	vst v63  }
0x145: {  	s30 =	sadd.s32 $0x60, s28  }
0x146: {  	[tilespmem:s16], [sflag:$0x3] =	stream.linear.gather [hbm4b:s30+s4], $0x80, $0x38;
	[tilespmem:$0x1C500] =	vst v63  }
0x147: {  	_ =	swait.ge [sflag:s12], $0x80  }
0x148: {  	[sflag:s12] =	ssyncset.done $0x0  }
0x149: {  	[sflag:s12] =	ssyncadd.s32 $0xFFFFFF80  }
0x14a: {  	_ =	swait.ge [sflag:s17], $0x4000  }
0x14b: {  	[sflag:s17] =	ssyncset.done $0x0  }
0x14c: {  	[sflag:s17] =	ssyncadd.s32 $0xFFFFC000  }
0x14d: {  	[spmem:s3] =	stream.indirect.scatter.add.f32 [tilespmem:s14], [sflag:$0x3], $0x80, s16, s13, $0xb8;
	[tilespmem:$0x1C500] =	vst v63  }
0x14e: {  	_ =	swait.ge [sflag:s12], $0x4000  }
0x14f: {  	[sflag:s12] =	ssyncset.done $0x0  }
0x150: {  	s31 =	sadd.s32 $0x70, s28;
	[sflag:s12] =	ssyncadd.s32 $0xFFFFC000  }
0x151: {  	[tilespmem:s19], [sflag:$0x3] =	stream.linear.gather [hbm4b:s31+s4], $0x80, $0x38;
	[tilespmem:$0x1C500] =	vst v63  }
0x152: {  	_ =	swait.ge [sflag:s12], $0x80  }
0x153: {  	[sflag:s12] =	ssyncset.done $0x0  }
0x154: {  	[sflag:s12] =	ssyncadd.s32 $0xFFFFFF80  }
0x155: {  	_ =	swait.ge [sflag:s20], $0x4000  }
0x156: {  	[sflag:s20] =	ssyncset.done $0x0  }
0x157: {  	[sflag:s20] =	ssyncadd.s32 $0xFFFFC000  }
0x158: {  	[spmem:s3] =	stream.indirect.scatter.add.f32 [tilespmem:s15], [sflag:$0x3], $0x80, s19, s13, $0xb8;
	[tilespmem:$0x1C500] =	vst v63  }
0x159: {  	_ =	swait.ge [sflag:s12], $0x4000  }
0x15a: {  	s26 =	sadd.s32 $0x1, s26;
	[sflag:s12] =	ssyncset.done $0x0  }
0x15b: {  	p0 =	sne.s32 s26, s8;
	[sflag:s12] =	ssyncadd.s32 $0xFFFFC000  }
.Ltmp1:
0x15c: {  	[bflag:$0x0] =	sbarrier.arrive $0xFFFF;
	(pc) =	sbr.rel @p0 .LBB2_1-.Ltmp1, $4  }
0x15d: {  	[hbm:s7], [sflag:s6] =	dma.local [spmem:s11], $0x2800  }
0x15e: {  	_ =	swait.ge [sflag:s12], $0x2800  }
0x15f: {  	[sflag:s12] =	ssyncset.done $0x0  }
0x160: {  	[sflag:s12] =	ssyncadd.s32 $0xFFFFD800  }
0x161: {  	_ =	sfence.sel $0x180000  }
0x162: {  	[bflag:$0x0] =	sbarrier.arrive $0xFFFF  }
0x163: {  	_ =	strace $0x9000004A  }
0x164: {  	[bflag:$0x2] =	sbarrier.arrive $0xFFFF  }
0x165: {  	p0 =	sne.s32 s1, $0x0;
	s0 =	rddreg [dreg:$0x3]  }
0x166: {  	s0 =	sadd.s32 @!p0 $0x100000, s0  }
0x167: {  	[sflag:s0] =	ssyncadd.tile.s32 @!p0 $0x1;
	_ =	shalt  }
.Lfunc_end2:
_tile_overlayer_lowered:
.L_overlay_start_2:
0x168: {  	(tag) =	ssettag $0x2  }
0x169: {  	s0 =	rddreg [dreg:$0x0];
	s2 =	stileid.u32  }
0x16a: {  	s1 =	rddreg [dreg:$0x1];
	p0 =	sne.s32 s2, $0x0  }
0x16b: {  	s3 =	rddreg [dreg:$0x2];
	[bflag:$0x3] =	sbarrier.arrive $0xFFFF;
	s2 =	simm.s32 @!p0 $0x1C03  }
0x16c: {  	[timem:s3], [sflag:s2] =	dma.local @!p0 [hbm:s0], s1  }
0x16d: {  	s0 =	simm.s32 @!p0 $0x3  }
0x16e: {  	_ =	swait.ge @!p0 [sflag:s0], s1  }
0x16f: {  	s1 =	ssub.s32 @!p0 $0x0, s1;
	[sflag:s0] =	ssyncset.done @!p0 $0x0  }
0x170: {  	[sflag:s0] =	ssyncadd.s32 @!p0 s1  }
0x171: {  	[bflag:$0x3] =	sbarrier.arrive $0xFFFF  }
0x172: {  	_ =	shalt  }

// kernel: kernel.18.cloned.1.call-start
scs
__scs_entry_jumppad:
0x0: {  	(pc) =	sbr.rel $0x88, $3  }
0x1: {  	(tag) =	ssettag $0x0;
	lr =	simm.s32 $0x1  }
0x2: {  	[smem:$0x3F97] =	sst lr;
	_ =	strace $0xD0000000  }
0x3: {  	_ = 	snop  }
0x4: {  	_ = 	snop  }
0x5: {  	_ = 	snop  }
0x6: {  	_ = 	snop  }
0x7: {  	_ = 	snop  }
__scs_overlays_trampoline_lowered:
0x8: {  	[smem:$0x3FA6] =	sst s0  }
0x9: {  	[smem:$0x3FA7] =	sst s1  }
0xa: {  	[smem:$0x3FA8] =	sst s2  }
0xb: {  	[smem:$0x3FA9] =	sst s3  }
0xc: {  	[smem:$0x3FAA] =	sst s4  }
0xd: {  	[smem:$0x3FAB] =	sst s5  }
0xe: {  	[smem:$0x3FAC] =	sst s6  }
0xf: {  	[smem:$0x3FAD] =	sst s7  }
0x10: {  	[smem:$0x3FAE] =	sst s8  }
0x11: {  	[smem:$0x3FAF] =	sst s9;
	s0 =	simm.s32 @!p0 $0x0  }
0x12: {  	s1 =	sld [smem:$0x3F95];
	s0 =	simm.s32 @p0 $0x1  }
0x13: {  	[smem:$0x3FB0] =	sst s0;
	s0 =	simm.s32 @!p1 $0x0  }
0x14: {  	s2 =	sld [smem:$0x3F94];
	s0 =	simm.s32 @p1 $0x1  }
0x15: {  	[smem:$0x3FB1] =	sst s0;
	s0 =	simm.s32 @!p2 $0x0  }
0x16: {  	s3 =	sld [smem:$0x3FDB];
	s0 =	simm.s32 @p2 $0x1  }
0x17: {  	s4 =	simm.s32 $0x1BF5;
	[smem:$0x3FB3] =	sst s0  }
0x18: {  	s0 =	sld [smem:$0x3F96];
	_ =	swait.ge [sflag:s4], $0x0  }
0x19: {  	s7 =	sld [smem:$0x3F97]  }
0x1a: {  	s8 =	sadd.s32 $0xFFFFE003, lr  }
0x1b: {  	s9 =	sadd.s32 $0xFFFFFEF7, lr;
	s5 =	simm.s32 $0xFFFFFFFF;
	p2 =	slt.u32 s8, $0xFFFFF086  }
0x1c: {  	p1 =	slt.u32 s9, $0xF7A;
	s5 =	simm.s32 @!p2 $0x0  }
0x1d: {  	s5 =	simm.s32 @p1 $0x1;
	p0 =	seq.s32 s7, s2  }
0x1e: {  	s7 =	smul.u32 @!p0 $0xF7A, s2;
	p2 =	seq.s32 @!p0 s5, $0x0  }
0x1f: {  	s9 =	smul.u32 $0xF7A, s1;
	s8 =	simm.s32 @!p0 $0x1BF5;
	p2 =	por !p2, p0  }
0x20: {  	[sflag:s8] =	ssyncset.s32 @!p0 $0xFFFFF086;
	s6 =	sadd.s32 @!p0 s3, s7;
	s7 =	simm.s32 @!p0 $0x108  }
0x21: {  	s3 =	sadd.s32 s3, s9;
	s6 =	sadd.s32 @!p0 $0x88, s6;
	s7 =	simm.s32 @p2 $0x1082  }
0x22: {  	[simem:s7], [sflag:s8] =	dma.local @!p0 [hbm:s6], $0xF7A  }
0x23: {  	s9 =	sor.u32 $0xD0000000, s2;
	s6 =	simm.s32 $0x108;
	_ =	swait.ge @!p0 [sflag:s8], $0x0  }
0x24: {  	s3 =	sadd.s32 $0x88, s3;
	s6 =	simm.s32 @!p1 $0x1082;
	[sflag:s4] =	ssyncset.s32 $0xFFFFF086  }
0x25: {  	[simem:s6], [sflag:s4] =	dma.local [hbm:s3], $0xF7A  }
0x26: {  	[smem:$0x3F97] =	sst s1;
	(tag) =	ssettag s2;
	_ =	strace s9  }
0x27: {  	s1 =	sld [smem:$0x3FA7]  }
0x28: {  	s2 =	sld [smem:$0x3FA8]  }
0x29: {  	s4 =	sld [smem:$0x3FAA]  }
0x2a: {  	p0 =	seq.s32 s5, $0x0;
	s5 =	sld [smem:$0x3FAB]  }
0x2b: {  	s6 =	sld [smem:$0x3FAC]  }
0x2c: {  	s7 =	sld [smem:$0x3FAD]  }
0x2d: {  	s3 =	simm.s32 $0x108;
	s8 =	sld [smem:$0x3FAE]  }
0x2e: {  	s3 =	simm.s32 @!p0 $0x1082;
	s9 =	sld [smem:$0x3FAF]  }
0x2f: {  	lr =	sadd.s32 s0, s3;
	s0 =	sld [smem:$0x3FA6]  }
0x30: {  	s3 =	sld [smem:$0x3FA9]  }
0x31: {  	[smem:$0x3FB2] =	sst s10  }
0x32: {  	s10 =	sld [smem:$0x3FB0];
	_ =	sdelay $0x3  }
0x33: {  	p0 =	seq.s32 s10, $0x1;
	s10 =	sld [smem:$0x3FB2];
	_ =	sdelay $0x3  }
0x34: {  	[smem:$0x3FB2] =	sst s10  }
0x35: {  	s10 =	sld [smem:$0x3FB1];
	_ =	sdelay $0x3  }
0x36: {  	p1 =	seq.s32 s10, $0x1;
	s10 =	sld [smem:$0x3FB2];
	_ =	sdelay $0x3  }
0x37: {  	[smem:$0x3FB2] =	sst s10  }
0x38: {  	s10 =	sld [smem:$0x3FB3]  }
0x39: {  	_ = 	snop;
	(pc) =	sbr.ind lr, $3  }
0x3a: {  	_ = 	snop  }
0x3b: {  	_ = 	snop  }
0x3c: {  	p2 =	seq.s32 s10, $0x1;
	s10 =	sld [smem:$0x3FB2]  }
0x3d: {  	_ =	shalt  }
0x3e: {  	_ =	shalt  }
0x3f: {  	_ =	shalt  }
0x40: {  	_ =	shalt  }
0x41: {  	_ =	shalt  }
0x42: {  	_ =	shalt  }
0x43: {  	_ =	shalt  }
0x44: {  	_ =	shalt  }
0x45: {  	_ =	shalt  }
0x46: {  	_ =	shalt  }
0x47: {  	_ =	shalt  }
0x48: {  	_ =	shalt  }
0x49: {  	_ =	shalt  }
0x4a: {  	_ =	shalt  }
0x4b: {  	_ =	shalt  }
0x4c: {  	_ =	shalt  }
0x4d: {  	_ =	shalt  }
0x4e: {  	_ =	shalt  }
0x4f: {  	_ =	shalt  }
0x50: {  	_ =	shalt  }
0x51: {  	_ =	shalt  }
0x52: {  	_ =	shalt  }
0x53: {  	_ =	shalt  }
0x54: {  	_ =	shalt  }
0x55: {  	_ =	shalt  }
0x56: {  	_ =	shalt  }
0x57: {  	_ =	shalt  }
0x58: {  	_ =	shalt  }
0x59: {  	_ =	shalt  }
0x5a: {  	_ =	shalt  }
0x5b: {  	_ =	shalt  }
0x5c: {  	_ =	shalt  }
0x5d: {  	_ =	shalt  }
0x5e: {  	_ =	shalt  }
0x5f: {  	_ =	shalt  }
0x60: {  	_ =	shalt  }
0x61: {  	_ =	shalt  }
0x62: {  	_ =	shalt  }
0x63: {  	_ =	shalt  }
0x64: {  	_ =	shalt  }
0x65: {  	_ =	shalt  }
0x66: {  	_ =	shalt  }
0x67: {  	_ =	shalt  }
0x68: {  	_ =	shalt  }
0x69: {  	_ =	shalt  }
0x6a: {  	_ =	shalt  }
0x6b: {  	_ =	shalt  }
0x6c: {  	_ =	shalt  }
0x6d: {  	_ =	shalt  }
0x6e: {  	_ =	shalt  }
0x6f: {  	_ =	shalt  }
0x70: {  	_ =	shalt  }
0x71: {  	_ =	shalt  }
0x72: {  	_ =	shalt  }
0x73: {  	_ =	shalt  }
0x74: {  	_ =	shalt  }
0x75: {  	_ =	shalt  }
0x76: {  	_ =	shalt  }
0x77: {  	_ =	shalt  }
0x78: {  	_ =	shalt  }
0x79: {  	_ =	shalt  }
0x7a: {  	_ =	shalt  }
0x7b: {  	_ =	shalt  }
0x7c: {  	_ =	shalt  }
0x7d: {  	_ =	shalt  }
0x7e: {  	_ =	shalt  }
0x7f: {  	_ =	shalt  }
0x80: {  	_ =	shalt  }
0x81: {  	_ =	shalt  }
0x82: {  	_ =	shalt  }
0x83: {  	_ =	shalt  }
0x84: {  	_ =	shalt  }
0x85: {  	_ =	shalt  }
0x86: {  	_ =	shalt  }
0x87: {  	_ =	shalt  }
.Lfunc_end0:
.L_simem_size_0:
called_computation.2_lowered:
.L_overlay_start_0:
0x88: {  	s2 =	sld [smem:$0x3FD9]  }
0x89: {  	s3 =	sld [smem:$0x3FFE];
	_ =	sdelay $0x1  }
0x8a: {  	s1 =	srdreg.scid  }
0x8b: {  	s0 =	sand.u32 $0x1, s1  }
0x8c: {  	s16 =	sshll.u32 s0, $0xA;
	s2 =	sadd.s32 s3, s2  }
0x8d: {  	s2 =	sadd.s32 s2, s16  }
0x8e: {  	[smem:$0x3FBE] =	sst s2  }
0x8f: {  	_ = 	snop  }
0x90: {  	(tm) =	ssettm $0x1  }
0x91: {  	s17 =	sld [smem:$0x3FFB];
	_ =	sdelay $0x3  }
0x92: {  	_ =	strace s17  }
0x93: {  	s2 =	sld [smem:$0x3FFC];
	_ =	sdelay $0x3  }
0x94: {  	_ =	strace s2  }
0x95: {  	s2 =	sld [smem:$0x3FFD];
	_ =	sdelay $0x3  }
0x96: {  	_ =	strace s2  }
0x97: {  	_ =	strace $0x8FFFFFFF  }
0x98: {  	s18 =	sld [smem:$0x3FDB];
	_ =	sdelay $0x1  }
0x99: {  	s19 =	simm.s32 $_scs_section_size  }
0x9a: {  	s4 =	simm.s32 $_size__tile_overlayer_lowered;
	s5 =	simm.s32 $_tile_overlayer_lowered  }
0x9b: {  	s22 =	simm.s32 $0x1BFF;
	s21 =	sshll.u32 s5, $0x1;
	s2 =	sadd.s32 s19, s18  }
0x9c: {  	s6 =	simm.s32 $0x0;
	s20 =	sshll.u32 s4, $0x1;
	s4 =	sadd.s32 s21, s2  }
0x9d: {  	[timem:s6], [sflag:s22] =	dma.local [hbm:s4], s20  }
0x9e: {  	_ =	swait.ge [sflag:s22], s20  }
0x9f: {  	s3 =	ssub.s32 $0x0, s20;
	[sflag:s22] =	ssyncset.done $0x0  }
0xa0: {  	[sflag:s22] =	ssyncadd.s32 s3;
	_ =	sdelay $0x1  }
0xa1: {  	s23 =	simm.s32 $0x1B8B  }
0xa2: {  	_ =	swait.ge [sflag:s23], $0x1  }
0xa3: {  	[sflag:s23] =	ssyncset.done $0x0  }
0xa4: {  	s25 =	simm.s32 $0x1B8E;
	s24 =	sld [smem:$0x3FFE];
	[sflag:s23] =	ssyncadd.s32 $0xFFFFFFFF  }
0xa5: {  	s26 =	simm.s32 $execute0_lowered;
	[smem:$0x3FD2] =	sst s25  }
0xa6: {  	s4 =	sshll.u32 s26, $0x1;
	_ =	strace $0x8000004C;
	[dreg:$0x1] =	wrdreg $0xFFFFFFFF  }
0xa7: {  	s28 =	simm.s32 $_size_execute0_lowered;
	s2 =	sadd.s32 s2, s4;
	[dreg:$0x0] =	wrdreg $0x0  }
0xa8: {  	s4 =	sshll.u32 s28, $0x1;
	[dreg:$0x2] =	wrdreg s2  }
0xa9: {  	[dreg:$0x3] =	wrdreg s4  }
0xaa: {  	[dreg:$0x4] =	wrdreg $0xC0  }
0xab: {  	_ =	task [dreg:s6], $0x5FFFF  }
0xac: {  	[dreg:$0x1] =	wrdreg $0xFFFFFFFF  }
0xad: {  	[dreg:$0x0] =	wrdreg $0x60  }
0xae: {  	[dreg:$0x2] =	wrdreg s24  }
0xaf: {  	[dreg:$0x3] =	wrdreg $0x85000  }
0xb0: {  	[dreg:$0x4] =	wrdreg $0x9  }
0xb1: {  	_ =	task.clear_ibuf [dreg:s6], $0x5FFFF;
	_ =	strace $0x9000004C  }
0xb2: {  	s29 =	simm.s32 $0x9;
	_ =	strace $0x8000004E  }
0xb3: {  	_ =	swait.ge [sflag:s29], $0x1  }
0xb4: {  	[sflag:s29] =	ssyncadd.s32 $0xFFFFFFFF  }
0xb5: {  	_ =	strace $0x9000004E  }
0xb6: {  	_ =	sfence  }
0xb7: {  	s30 =	sld [smem:$0x0];
	_ =	sdelay $0x2  }
0xb8: {  	s31 =	sshll.u32 s1, $0xD;
	s1 =	sshrl.u32 s1, $0x2  }
0xb9: {  	s3 =	sand.u32 $0x4000, s31;
	s1 =	sadd.s32 s1, s30  }
0xba: {  	s0 =	sor.u32 s3, s0;
	s1 =	sshll.u32 s1, $0x11  }
0xbb: {  	s0 =	sor.u32 s1, s0  }
0xbc: {  	s0 =	sadd.s32 $0x8F2B, s0  }
0xbd: {  	[sflag:s0] =	ssyncadd.remote.s32 $0x1  }
0xbe: {  	_ =	sfence.sel $0xFFFF  }
0xbf: {  	[dreg:$0x0] =	wrdreg $0xFFFFFFFF;
	(pc) =	sbr.abs _section_cstart, $3  }
0xc0: {  	[dreg:$0x1] =	wrdreg $0xFFFFFFFF  }
0xc1: {  	_ =	task.clear_ibuf [dreg:s6], $0x2FFFF;
	_ =	strace $0x9FFFFFFF  }
0xc2: {  	(tm) =	ssettm $0x7FFFFFFF  }
0xc3: {  	_ =	shalt  }
tec
execute0_lowered:
.L_overlay_start_1:
0x0: {  	(tag) =	ssettag $0x1  }
0x1: {  	s6 =	rddreg [dreg:$0x0]  }
0x2: {  	s2 =	rddreg [dreg:$0x1]  }
0x3: {  	s1 =	stileid.u32;
	s5 =	srdreg.scid  }
0x4: {  	s3 =	simm.s32 $0x0;
	s14 =	simm.s32 $0x500;
	s15 =	simm.s32 $0x4500  }
0x5: {  	s16 =	simm.s32 $0x400;
	s17 =	simm.s32 $0x1;
	s18 =	simm.s32 $0x100  }
0x6: {  	s19 =	simm.s32 $0x480;
	s20 =	simm.s32 $0x2;
	s21 =	simm.s32 $0x180  }
0x7: {  	s22 =	simm.s32 $0x200;
	s23 =	simm.s32 $0x280;
	s24 =	simm.s32 $0x300  }
0x8: {  	s25 =	simm.s32 $0x380;
	s26 =	simm.s32 $0x0;
	s4 =	smul.u32 $0xA00, s1  }
0x9: {  	s7 =	sand.u32 $0x1, s5;
	s29 =	smul.u32 $0x2800, s1;
	[smem:$0x7FF] =	sst s3  }
0xa: {  	s11 =	smul.u32 $0x50000, s1;
	s5 =	sadd.s32 $0xEA00, s6;
	s12 =	sshll.u32 s1, $0x6  }
0xb: {  	s8 =	smul.u32 $0x28000, s7;
	_ =	strace $0x8000004D;
	s10 =	ssub.s32 $0x2, s7  }
0xc: {  	s13 =	smul.u32 $0xA000, s7;
	s9 =	sadd.s32 s4, s6;
	s4 =	sadd.s32 $0x11200, s6  }
0xd: {  	s30 =	sshrl.u32 s10, $0x1;
	s11 =	sshrl.u32 s11, $0x2;
	s8 =	sadd.s32 s29, s8  }
0xe: {  	s10 =	ssub.s32 s10, s30;
	s11 =	sadd.s32 s11, s2;
	s31 =	sadd.s32 s13, s9  }
0xf: {  	s9 =	sadd.s32 $0x4A00, s9;
	s13 =	simm.s32 $0x80;
	s8 =	sadd.s32 s8, s6  }
0x10: {  	s6 =	sor.u32 $0x1C03, s12;
	s11 =	sshrl.u32 s11, $0x3;
	s12 =	simm.s32 $0x3  }
0x11: {  	s7 =	sadd.s32 $0x7F200, s8;
	s8 =	smax.u32 s10, $0x1;
	s10 =	sadd.s32 $0x6B200, s31  }
.LBB2_1:
0x12: {  	[spmem:s11], [sflag:s6] =	dma.local [hbm:s5], $0x2800  }
0x13: {  	_ =	swait.ge [sflag:s12], $0x2800  }
0x14: {  	[sflag:s12] =	ssyncset.done $0x0  }
0x15: {  	[sflag:s12] =	ssyncadd.s32 $0xFFFFD800  }
0x16: {  	s28 =	sadd.s32 $0x0, s10;
	[bflag:$0x0] =	sbarrier.arrive $0xFFFF  }
0x17: {  	[tilespmem:s3], [sflag:$0x3] =	stream.linear.gather [hbm4b:s28+s3], $0x400, $0x38;
	[tilespmem:$0x1C500] =	vst v63  }
0x18: {  	_ =	swait.ge [sflag:s12], $0x400  }
0x19: {  	[sflag:s12] =	ssyncset.done $0x0  }
0x1a: {  	[sflag:s12] =	ssyncadd.s32 $0xFFFFFC00  }
0x1b: {  	[tilespmem:s14], [sflag:$0x1] =	stream.indirect.gather [hbm4b:s4+s13], $0x80, s3, s13, $0xb8;
	[tilespmem:$0x1C500] =	vst v63  }
0x1c: {  	_ = 	snop  }
0x1d: {  	[tilespmem:s15], [sflag:$0x2] =	stream.indirect.gather [hbm4b:s4+s13], $0x80, s13, s13, $0xb8;
	[tilespmem:$0x1C500] =	vst v63  }
0x1e: {  	s28 =	sadd.s32 $0x0, s9  }
0x1f: {  	[tilespmem:s16], [sflag:$0x3] =	stream.linear.gather [hbm4b:s28+s3], $0x80, $0x38;
	[tilespmem:$0x1C500] =	vst v63  }
0x20: {  	_ =	swait.ge [sflag:s12], $0x80  }
0x21: {  	[sflag:s12] =	ssyncset.done $0x0  }
0x22: {  	[sflag:s12] =	ssyncadd.s32 $0xFFFFFF80  }
0x23: {  	_ =	swait.ge [sflag:s17], $0x4000  }
0x24: {  	[sflag:s17] =	ssyncset.done $0x0  }
0x25: {  	[sflag:s17] =	ssyncadd.s32 $0xFFFFC000  }
0x26: {  	[spmem:s2] =	stream.indirect.scatter.add.f32 [tilespmem:s14], [sflag:$0x3], $0x80, s16, s13, $0xb8;
	[tilespmem:$0x1C500] =	vst v63  }
0x27: {  	_ =	swait.ge [sflag:s12], $0x4000  }
0x28: {  	[sflag:s12] =	ssyncset.done $0x0  }
0x29: {  	[sflag:s12] =	ssyncadd.s32 $0xFFFFC000  }
0x2a: {  	[tilespmem:s14], [sflag:$0x1] =	stream.indirect.gather [hbm4b:s4+s13], $0x80, s18, s13, $0xb8;
	[tilespmem:$0x1C500] =	vst v63  }
0x2b: {  	s29 =	sadd.s32 $0x10, s28  }
0x2c: {  	[tilespmem:s19], [sflag:$0x3] =	stream.linear.gather [hbm4b:s29+s3], $0x80, $0x38;
	[tilespmem:$0x1C500] =	vst v63  }
0x2d: {  	_ =	swait.ge [sflag:s12], $0x80  }
0x2e: {  	[sflag:s12] =	ssyncset.done $0x0  }
0x2f: {  	[sflag:s12] =	ssyncadd.s32 $0xFFFFFF80  }
0x30: {  	_ =	swait.ge [sflag:s20], $0x4000  }
0x31: {  	[sflag:s20] =	ssyncset.done $0x0  }
0x32: {  	[sflag:s20] =	ssyncadd.s32 $0xFFFFC000  }
0x33: {  	[spmem:s2] =	stream.indirect.scatter.add.f32 [tilespmem:s15], [sflag:$0x3], $0x80, s19, s13, $0xb8;
	[tilespmem:$0x1C500] =	vst v63  }
0x34: {  	_ =	swait.ge [sflag:s12], $0x4000  }
0x35: {  	[sflag:s12] =	ssyncset.done $0x0  }
0x36: {  	[sflag:s12] =	ssyncadd.s32 $0xFFFFC000  }
0x37: {  	[tilespmem:s15], [sflag:$0x2] =	stream.indirect.gather [hbm4b:s4+s13], $0x80, s21, s13, $0xb8;
	[tilespmem:$0x1C500] =	vst v63  }
0x38: {  	s31 =	sadd.s32 $0x20, s28  }
0x39: {  	[tilespmem:s16], [sflag:$0x3] =	stream.linear.gather [hbm4b:s31+s3], $0x80, $0x38;
	[tilespmem:$0x1C500] =	vst v63  }
0x3a: {  	_ =	swait.ge [sflag:s12], $0x80  }
0x3b: {  	[sflag:s12] =	ssyncset.done $0x0  }
0x3c: {  	[sflag:s12] =	ssyncadd.s32 $0xFFFFFF80  }
0x3d: {  	_ =	swait.ge [sflag:s17], $0x4000  }
0x3e: {  	[sflag:s17] =	ssyncset.done $0x0  }
0x3f: {  	[sflag:s17] =	ssyncadd.s32 $0xFFFFC000  }
0x40: {  	[spmem:s2] =	stream.indirect.scatter.add.f32 [tilespmem:s14], [sflag:$0x3], $0x80, s16, s13, $0xb8;
	[tilespmem:$0x1C500] =	vst v63  }
0x41: {  	_ =	swait.ge [sflag:s12], $0x4000  }
0x42: {  	[sflag:s12] =	ssyncset.done $0x0  }
0x43: {  	[sflag:s12] =	ssyncadd.s32 $0xFFFFC000  }
0x44: {  	[tilespmem:s14], [sflag:$0x1] =	stream.indirect.gather [hbm4b:s4+s13], $0x80, s22, s13, $0xb8;
	[tilespmem:$0x1C500] =	vst v63  }
0x45: {  	s0 =	sadd.s32 $0x30, s28  }
0x46: {  	[tilespmem:s19], [sflag:$0x3] =	stream.linear.gather [hbm4b:s0+s3], $0x80, $0x38;
	[tilespmem:$0x1C500] =	vst v63  }
0x47: {  	_ =	swait.ge [sflag:s12], $0x80  }
0x48: {  	[sflag:s12] =	ssyncset.done $0x0  }
0x49: {  	[sflag:s12] =	ssyncadd.s32 $0xFFFFFF80  }
0x4a: {  	_ =	swait.ge [sflag:s20], $0x4000  }
0x4b: {  	[sflag:s20] =	ssyncset.done $0x0  }
0x4c: {  	[sflag:s20] =	ssyncadd.s32 $0xFFFFC000  }
0x4d: {  	[spmem:s2] =	stream.indirect.scatter.add.f32 [tilespmem:s15], [sflag:$0x3], $0x80, s19, s13, $0xb8;
	[tilespmem:$0x1C500] =	vst v63  }
0x4e: {  	_ =	swait.ge [sflag:s12], $0x4000  }
0x4f: {  	[sflag:s12] =	ssyncset.done $0x0  }
0x50: {  	[sflag:s12] =	ssyncadd.s32 $0xFFFFC000  }
0x51: {  	[tilespmem:s15], [sflag:$0x2] =	stream.indirect.gather [hbm4b:s4+s13], $0x80, s23, s13, $0xb8;
	[tilespmem:$0x1C500] =	vst v63  }
0x52: {  	s31 =	sadd.s32 $0x40, s28  }
0x53: {  	[tilespmem:s16], [sflag:$0x3] =	stream.linear.gather [hbm4b:s31+s3], $0x80, $0x38;
	[tilespmem:$0x1C500] =	vst v63  }
0x54: {  	_ =	swait.ge [sflag:s12], $0x80  }
0x55: {  	[sflag:s12] =	ssyncset.done $0x0  }
0x56: {  	[sflag:s12] =	ssyncadd.s32 $0xFFFFFF80  }
0x57: {  	_ =	swait.ge [sflag:s17], $0x4000  }
0x58: {  	[sflag:s17] =	ssyncset.done $0x0  }
0x59: {  	[sflag:s17] =	ssyncadd.s32 $0xFFFFC000  }
0x5a: {  	[spmem:s2] =	stream.indirect.scatter.add.f32 [tilespmem:s14], [sflag:$0x3], $0x80, s16, s13, $0xb8;
	[tilespmem:$0x1C500] =	vst v63  }
0x5b: {  	_ =	swait.ge [sflag:s12], $0x4000  }
0x5c: {  	[sflag:s12] =	ssyncset.done $0x0  }
0x5d: {  	[sflag:s12] =	ssyncadd.s32 $0xFFFFC000  }
0x5e: {  	[tilespmem:s14], [sflag:$0x1] =	stream.indirect.gather [hbm4b:s4+s13], $0x80, s24, s13, $0xb8;
	[tilespmem:$0x1C500] =	vst v63  }
0x5f: {  	s0 =	sadd.s32 $0x50, s28  }
0x60: {  	[tilespmem:s19], [sflag:$0x3] =	stream.linear.gather [hbm4b:s0+s3], $0x80, $0x38;
	[tilespmem:$0x1C500] =	vst v63  }
0x61: {  	_ =	swait.ge [sflag:s12], $0x80  }
0x62: {  	[sflag:s12] =	ssyncset.done $0x0  }
0x63: {  	[sflag:s12] =	ssyncadd.s32 $0xFFFFFF80  }
0x64: {  	_ =	swait.ge [sflag:s20], $0x4000  }
0x65: {  	[sflag:s20] =	ssyncset.done $0x0  }
0x66: {  	[sflag:s20] =	ssyncadd.s32 $0xFFFFC000  }
0x67: {  	[spmem:s2] =	stream.indirect.scatter.add.f32 [tilespmem:s15], [sflag:$0x3], $0x80, s19, s13, $0xb8;
	[tilespmem:$0x1C500] =	vst v63  }
0x68: {  	_ =	swait.ge [sflag:s12], $0x4000  }
0x69: {  	[sflag:s12] =	ssyncset.done $0x0  }
0x6a: {  	[sflag:s12] =	ssyncadd.s32 $0xFFFFC000  }
0x6b: {  	[tilespmem:s15], [sflag:$0x2] =	stream.indirect.gather [hbm4b:s4+s13], $0x80, s25, s13, $0xb8;
	[tilespmem:$0x1C500] =	vst v63  }
0x6c: {  	s31 =	sadd.s32 $0x60, s28  }
0x6d: {  	[tilespmem:s16], [sflag:$0x3] =	stream.linear.gather [hbm4b:s31+s3], $0x80, $0x38;
	[tilespmem:$0x1C500] =	vst v63  }
0x6e: {  	_ =	swait.ge [sflag:s12], $0x80  }
0x6f: {  	[sflag:s12] =	ssyncset.done $0x0  }
0x70: {  	[sflag:s12] =	ssyncadd.s32 $0xFFFFFF80  }
0x71: {  	_ =	swait.ge [sflag:s17], $0x4000  }
0x72: {  	[sflag:s17] =	ssyncset.done $0x0  }
0x73: {  	[sflag:s17] =	ssyncadd.s32 $0xFFFFC000  }
0x74: {  	[spmem:s2] =	stream.indirect.scatter.add.f32 [tilespmem:s14], [sflag:$0x3], $0x80, s16, s13, $0xb8;
	[tilespmem:$0x1C500] =	vst v63  }
0x75: {  	_ =	swait.ge [sflag:s12], $0x4000  }
0x76: {  	[sflag:s12] =	ssyncset.done $0x0  }
0x77: {  	s28 =	sadd.s32 $0x70, s28;
	[sflag:s12] =	ssyncadd.s32 $0xFFFFC000  }
0x78: {  	[tilespmem:s19], [sflag:$0x3] =	stream.linear.gather [hbm4b:s28+s3], $0x80, $0x38;
	[tilespmem:$0x1C500] =	vst v63  }
0x79: {  	_ =	swait.ge [sflag:s12], $0x80  }
0x7a: {  	[sflag:s12] =	ssyncset.done $0x0  }
0x7b: {  	[sflag:s12] =	ssyncadd.s32 $0xFFFFFF80  }
0x7c: {  	_ =	swait.ge [sflag:s20], $0x4000  }
0x7d: {  	[sflag:s20] =	ssyncset.done $0x0  }
0x7e: {  	[sflag:s20] =	ssyncadd.s32 $0xFFFFC000  }
0x7f: {  	[spmem:s2] =	stream.indirect.scatter.add.f32 [tilespmem:s15], [sflag:$0x3], $0x80, s19, s13, $0xb8;
	[tilespmem:$0x1C500] =	vst v63  }
0x80: {  	_ =	swait.ge [sflag:s12], $0x4000  }
0x81: {  	s30 =	simm.s32 $0x100;
	s28 =	simm.s32 $0x80;
	[sflag:s12] =	ssyncset.done $0x0  }
.LBB2_2:
0x82: {  	s31 =	sadd.s32 s28, s10  }
0x83: {  	[sflag:s12] =	ssyncadd.s32 $0xFFFFC000;
	s0 =	smov.u32 s30;
	s29 =	sadd.s32 $0x80, s30  }
0x84: {  	[tilespmem:s3], [sflag:$0x3] =	stream.linear.gather [hbm4b:s31+s3], $0x400, $0x38;
	[tilespmem:$0x1C500] =	vst v63  }
0x85: {  	p0 =	sne.s32 s30, $0x980;
	_ =	swait.ge [sflag:s12], $0x400  }
0x86: {  	[sflag:s12] =	ssyncset.done $0x0  }
0x87: {  	[sflag:s12] =	ssyncadd.s32 $0xFFFFFC00  }
0x88: {  	[tilespmem:s14], [sflag:$0x1] =	stream.indirect.gather [hbm4b:s4+s13], $0x80, s3, s13, $0xb8;
	[tilespmem:$0x1C500] =	vst v63  }
0x89: {  	_ = 	snop  }
0x8a: {  	[tilespmem:s15], [sflag:$0x2] =	stream.indirect.gather [hbm4b:s4+s13], $0x80, s13, s13, $0xb8;
	[tilespmem:$0x1C500] =	vst v63  }
0x8b: {  	s30 =	sadd.s32 s28, s9;
	s28 =	smov.u32 s0  }
0x8c: {  	[tilespmem:s16], [sflag:$0x3] =	stream.linear.gather [hbm4b:s30+s3], $0x80, $0x38;
	[tilespmem:$0x1C500] =	vst v63  }
0x8d: {  	_ =	swait.ge [sflag:s12], $0x80  }
0x8e: {  	[sflag:s12] =	ssyncset.done $0x0  }
0x8f: {  	[sflag:s12] =	ssyncadd.s32 $0xFFFFFF80  }
0x90: {  	_ =	swait.ge [sflag:s17], $0x4000  }
0x91: {  	[sflag:s17] =	ssyncset.done $0x0  }
0x92: {  	[sflag:s17] =	ssyncadd.s32 $0xFFFFC000  }
0x93: {  	[spmem:s2] =	stream.indirect.scatter.add.f32 [tilespmem:s14], [sflag:$0x3], $0x80, s16, s13, $0xb8;
	[tilespmem:$0x1C500] =	vst v63  }
0x94: {  	_ =	swait.ge [sflag:s12], $0x4000  }
0x95: {  	[sflag:s12] =	ssyncset.done $0x0  }
0x96: {  	[sflag:s12] =	ssyncadd.s32 $0xFFFFC000  }
0x97: {  	[tilespmem:s14], [sflag:$0x1] =	stream.indirect.gather [hbm4b:s4+s13], $0x80, s18, s13, $0xb8;
	[tilespmem:$0x1C500] =	vst v63  }
0x98: {  	s0 =	sadd.s32 $0x10, s30  }
0x99: {  	[tilespmem:s19], [sflag:$0x3] =	stream.linear.gather [hbm4b:s0+s3], $0x80, $0x38;
	[tilespmem:$0x1C500] =	vst v63  }
0x9a: {  	_ =	swait.ge [sflag:s12], $0x80  }
0x9b: {  	[sflag:s12] =	ssyncset.done $0x0  }
0x9c: {  	[sflag:s12] =	ssyncadd.s32 $0xFFFFFF80  }
0x9d: {  	_ =	swait.ge [sflag:s20], $0x4000  }
0x9e: {  	[sflag:s20] =	ssyncset.done $0x0  }
0x9f: {  	[sflag:s20] =	ssyncadd.s32 $0xFFFFC000  }
0xa0: {  	[spmem:s2] =	stream.indirect.scatter.add.f32 [tilespmem:s15], [sflag:$0x3], $0x80, s19, s13, $0xb8;
	[tilespmem:$0x1C500] =	vst v63  }
0xa1: {  	_ =	swait.ge [sflag:s12], $0x4000  }
0xa2: {  	[sflag:s12] =	ssyncset.done $0x0  }
0xa3: {  	[sflag:s12] =	ssyncadd.s32 $0xFFFFC000  }
0xa4: {  	[tilespmem:s15], [sflag:$0x2] =	stream.indirect.gather [hbm4b:s4+s13], $0x80, s21, s13, $0xb8;
	[tilespmem:$0x1C500] =	vst v63  }
0xa5: {  	s0 =	sadd.s32 $0x20, s30  }
0xa6: {  	[tilespmem:s16], [sflag:$0x3] =	stream.linear.gather [hbm4b:s0+s3], $0x80, $0x38;
	[tilespmem:$0x1C500] =	vst v63  }
0xa7: {  	_ =	swait.ge [sflag:s12], $0x80  }
0xa8: {  	[sflag:s12] =	ssyncset.done $0x0  }
0xa9: {  	[sflag:s12] =	ssyncadd.s32 $0xFFFFFF80  }
0xaa: {  	_ =	swait.ge [sflag:s17], $0x4000  }
0xab: {  	[sflag:s17] =	ssyncset.done $0x0  }
0xac: {  	[sflag:s17] =	ssyncadd.s32 $0xFFFFC000  }
0xad: {  	[spmem:s2] =	stream.indirect.scatter.add.f32 [tilespmem:s14], [sflag:$0x3], $0x80, s16, s13, $0xb8;
	[tilespmem:$0x1C500] =	vst v63  }
0xae: {  	_ =	swait.ge [sflag:s12], $0x4000  }
0xaf: {  	[sflag:s12] =	ssyncset.done $0x0  }
0xb0: {  	[sflag:s12] =	ssyncadd.s32 $0xFFFFC000  }
0xb1: {  	[tilespmem:s14], [sflag:$0x1] =	stream.indirect.gather [hbm4b:s4+s13], $0x80, s22, s13, $0xb8;
	[tilespmem:$0x1C500] =	vst v63  }
0xb2: {  	s0 =	sadd.s32 $0x30, s30  }
0xb3: {  	[tilespmem:s19], [sflag:$0x3] =	stream.linear.gather [hbm4b:s0+s3], $0x80, $0x38;
	[tilespmem:$0x1C500] =	vst v63  }
0xb4: {  	_ =	swait.ge [sflag:s12], $0x80  }
0xb5: {  	[sflag:s12] =	ssyncset.done $0x0  }
0xb6: {  	[sflag:s12] =	ssyncadd.s32 $0xFFFFFF80  }
0xb7: {  	_ =	swait.ge [sflag:s20], $0x4000  }
0xb8: {  	[sflag:s20] =	ssyncset.done $0x0  }
0xb9: {  	[sflag:s20] =	ssyncadd.s32 $0xFFFFC000  }
0xba: {  	[spmem:s2] =	stream.indirect.scatter.add.f32 [tilespmem:s15], [sflag:$0x3], $0x80, s19, s13, $0xb8;
	[tilespmem:$0x1C500] =	vst v63  }
0xbb: {  	_ =	swait.ge [sflag:s12], $0x4000  }
0xbc: {  	[sflag:s12] =	ssyncset.done $0x0  }
0xbd: {  	[sflag:s12] =	ssyncadd.s32 $0xFFFFC000  }
0xbe: {  	[tilespmem:s15], [sflag:$0x2] =	stream.indirect.gather [hbm4b:s4+s13], $0x80, s23, s13, $0xb8;
	[tilespmem:$0x1C500] =	vst v63  }
0xbf: {  	s0 =	sadd.s32 $0x40, s30  }
0xc0: {  	[tilespmem:s16], [sflag:$0x3] =	stream.linear.gather [hbm4b:s0+s3], $0x80, $0x38;
	[tilespmem:$0x1C500] =	vst v63  }
0xc1: {  	_ =	swait.ge [sflag:s12], $0x80  }
0xc2: {  	[sflag:s12] =	ssyncset.done $0x0  }
0xc3: {  	[sflag:s12] =	ssyncadd.s32 $0xFFFFFF80  }
0xc4: {  	_ =	swait.ge [sflag:s17], $0x4000  }
0xc5: {  	[sflag:s17] =	ssyncset.done $0x0  }
0xc6: {  	[sflag:s17] =	ssyncadd.s32 $0xFFFFC000  }
0xc7: {  	[spmem:s2] =	stream.indirect.scatter.add.f32 [tilespmem:s14], [sflag:$0x3], $0x80, s16, s13, $0xb8;
	[tilespmem:$0x1C500] =	vst v63  }
0xc8: {  	_ =	swait.ge [sflag:s12], $0x4000  }
0xc9: {  	[sflag:s12] =	ssyncset.done $0x0  }
0xca: {  	[sflag:s12] =	ssyncadd.s32 $0xFFFFC000  }
0xcb: {  	[tilespmem:s14], [sflag:$0x1] =	stream.indirect.gather [hbm4b:s4+s13], $0x80, s24, s13, $0xb8;
	[tilespmem:$0x1C500] =	vst v63  }
0xcc: {  	s0 =	sadd.s32 $0x50, s30  }
0xcd: {  	[tilespmem:s19], [sflag:$0x3] =	stream.linear.gather [hbm4b:s0+s3], $0x80, $0x38;
	[tilespmem:$0x1C500] =	vst v63  }
0xce: {  	_ =	swait.ge [sflag:s12], $0x80  }
0xcf: {  	[sflag:s12] =	ssyncset.done $0x0  }
0xd0: {  	[sflag:s12] =	ssyncadd.s32 $0xFFFFFF80  }
0xd1: {  	_ =	swait.ge [sflag:s20], $0x4000  }
0xd2: {  	[sflag:s20] =	ssyncset.done $0x0  }
0xd3: {  	[sflag:s20] =	ssyncadd.s32 $0xFFFFC000  }
0xd4: {  	[spmem:s2] =	stream.indirect.scatter.add.f32 [tilespmem:s15], [sflag:$0x3], $0x80, s19, s13, $0xb8;
	[tilespmem:$0x1C500] =	vst v63  }
0xd5: {  	_ =	swait.ge [sflag:s12], $0x4000  }
0xd6: {  	[sflag:s12] =	ssyncset.done $0x0  }
0xd7: {  	[sflag:s12] =	ssyncadd.s32 $0xFFFFC000  }
0xd8: {  	[tilespmem:s15], [sflag:$0x2] =	stream.indirect.gather [hbm4b:s4+s13], $0x80, s25, s13, $0xb8;
	[tilespmem:$0x1C500] =	vst v63  }
0xd9: {  	s0 =	sadd.s32 $0x60, s30  }
0xda: {  	[tilespmem:s16], [sflag:$0x3] =	stream.linear.gather [hbm4b:s0+s3], $0x80, $0x38;
	[tilespmem:$0x1C500] =	vst v63  }
0xdb: {  	_ =	swait.ge [sflag:s12], $0x80  }
0xdc: {  	[sflag:s12] =	ssyncset.done $0x0  }
0xdd: {  	[sflag:s12] =	ssyncadd.s32 $0xFFFFFF80  }
0xde: {  	_ =	swait.ge [sflag:s17], $0x4000  }
0xdf: {  	[sflag:s17] =	ssyncset.done $0x0  }
0xe0: {  	[sflag:s17] =	ssyncadd.s32 $0xFFFFC000  }
0xe1: {  	[spmem:s2] =	stream.indirect.scatter.add.f32 [tilespmem:s14], [sflag:$0x3], $0x80, s16, s13, $0xb8;
	[tilespmem:$0x1C500] =	vst v63  }
0xe2: {  	_ =	swait.ge [sflag:s12], $0x4000  }
0xe3: {  	[sflag:s12] =	ssyncset.done $0x0  }
0xe4: {  	s0 =	sadd.s32 $0x70, s30;
	[sflag:s12] =	ssyncadd.s32 $0xFFFFC000  }
0xe5: {  	[tilespmem:s19], [sflag:$0x3] =	stream.linear.gather [hbm4b:s0+s3], $0x80, $0x38;
	[tilespmem:$0x1C500] =	vst v63  }
0xe6: {  	_ =	swait.ge [sflag:s12], $0x80  }
0xe7: {  	[sflag:s12] =	ssyncset.done $0x0  }
0xe8: {  	[sflag:s12] =	ssyncadd.s32 $0xFFFFFF80  }
0xe9: {  	_ =	swait.ge [sflag:s20], $0x4000  }
.Ltmp0:
0xea: {  	[sflag:s20] =	ssyncset.done $0x0;
	(pc) =	sbr.rel @p0 .LBB2_2-.Ltmp0, $4  }
0xeb: {  	[sflag:s20] =	ssyncadd.s32 $0xFFFFC000  }
0xec: {  	[spmem:s2] =	stream.indirect.scatter.add.f32 [tilespmem:s15], [sflag:$0x3], $0x80, s19, s13, $0xb8;
	[tilespmem:$0x1C500] =	vst v63  }
0xed: {  	_ =	swait.ge [sflag:s12], $0x4000  }
0xee: {  	s30 =	smov.u32 s29;
	[sflag:s12] =	ssyncset.done $0x0  }
0xef: {  	s0 =	sadd.s32 s28, s10;
	[sflag:s12] =	ssyncadd.s32 $0xFFFFC000  }
0xf0: {  	[tilespmem:s3], [sflag:$0x3] =	stream.linear.gather [hbm4b:s0+s3], $0x400, $0x38;
	[tilespmem:$0x1C500] =	vst v63  }
0xf1: {  	_ =	swait.ge [sflag:s12], $0x400  }
0xf2: {  	[sflag:s12] =	ssyncset.done $0x0  }
0xf3: {  	[sflag:s12] =	ssyncadd.s32 $0xFFFFFC00  }
0xf4: {  	[tilespmem:s14], [sflag:$0x1] =	stream.indirect.gather [hbm4b:s4+s13], $0x80, s3, s13, $0xb8;
	[tilespmem:$0x1C500] =	vst v63  }
0xf5: {  	_ = 	snop  }
0xf6: {  	[tilespmem:s15], [sflag:$0x2] =	stream.indirect.gather [hbm4b:s4+s13], $0x80, s13, s13, $0xb8;
	[tilespmem:$0x1C500] =	vst v63  }
0xf7: {  	s28 =	sadd.s32 s28, s9  }
0xf8: {  	[tilespmem:s16], [sflag:$0x3] =	stream.linear.gather [hbm4b:s28+s3], $0x80, $0x38;
	[tilespmem:$0x1C500] =	vst v63  }
0xf9: {  	_ =	swait.ge [sflag:s12], $0x80  }
0xfa: {  	[sflag:s12] =	ssyncset.done $0x0  }
0xfb: {  	[sflag:s12] =	ssyncadd.s32 $0xFFFFFF80  }
0xfc: {  	_ =	swait.ge [sflag:s17], $0x4000  }
0xfd: {  	[sflag:s17] =	ssyncset.done $0x0  }
0xfe: {  	[sflag:s17] =	ssyncadd.s32 $0xFFFFC000  }
0xff: {  	[spmem:s2] =	stream.indirect.scatter.add.f32 [tilespmem:s14], [sflag:$0x3], $0x80, s16, s13, $0xb8;
	[tilespmem:$0x1C500] =	vst v63  }
0x100: {  	_ =	swait.ge [sflag:s12], $0x4000  }
0x101: {  	[sflag:s12] =	ssyncset.done $0x0  }
0x102: {  	[sflag:s12] =	ssyncadd.s32 $0xFFFFC000  }
0x103: {  	[tilespmem:s14], [sflag:$0x1] =	stream.indirect.gather [hbm4b:s4+s13], $0x80, s18, s13, $0xb8;
	[tilespmem:$0x1C500] =	vst v63  }
0x104: {  	s31 =	sadd.s32 $0x10, s28  }
0x105: {  	[tilespmem:s19], [sflag:$0x3] =	stream.linear.gather [hbm4b:s31+s3], $0x80, $0x38;
	[tilespmem:$0x1C500] =	vst v63  }
0x106: {  	_ =	swait.ge [sflag:s12], $0x80  }
0x107: {  	[sflag:s12] =	ssyncset.done $0x0  }
0x108: {  	[sflag:s12] =	ssyncadd.s32 $0xFFFFFF80  }
0x109: {  	_ =	swait.ge [sflag:s20], $0x4000  }
0x10a: {  	[sflag:s20] =	ssyncset.done $0x0  }
0x10b: {  	[sflag:s20] =	ssyncadd.s32 $0xFFFFC000  }
0x10c: {  	[spmem:s2] =	stream.indirect.scatter.add.f32 [tilespmem:s15], [sflag:$0x3], $0x80, s19, s13, $0xb8;
	[tilespmem:$0x1C500] =	vst v63  }
0x10d: {  	_ =	swait.ge [sflag:s12], $0x4000  }
0x10e: {  	[sflag:s12] =	ssyncset.done $0x0  }
0x10f: {  	[sflag:s12] =	ssyncadd.s32 $0xFFFFC000  }
0x110: {  	[tilespmem:s15], [sflag:$0x2] =	stream.indirect.gather [hbm4b:s4+s13], $0x80, s21, s13, $0xb8;
	[tilespmem:$0x1C500] =	vst v63  }
0x111: {  	s29 =	sadd.s32 $0x20, s28  }
0x112: {  	[tilespmem:s16], [sflag:$0x3] =	stream.linear.gather [hbm4b:s29+s3], $0x80, $0x38;
	[tilespmem:$0x1C500] =	vst v63  }
0x113: {  	_ =	swait.ge [sflag:s12], $0x80  }
0x114: {  	[sflag:s12] =	ssyncset.done $0x0  }
0x115: {  	[sflag:s12] =	ssyncadd.s32 $0xFFFFFF80  }
0x116: {  	_ =	swait.ge [sflag:s17], $0x4000  }
0x117: {  	[sflag:s17] =	ssyncset.done $0x0  }
0x118: {  	[sflag:s17] =	ssyncadd.s32 $0xFFFFC000  }
0x119: {  	[spmem:s2] =	stream.indirect.scatter.add.f32 [tilespmem:s14], [sflag:$0x3], $0x80, s16, s13, $0xb8;
	[tilespmem:$0x1C500] =	vst v63  }
0x11a: {  	_ =	swait.ge [sflag:s12], $0x4000  }
0x11b: {  	[sflag:s12] =	ssyncset.done $0x0  }
0x11c: {  	[sflag:s12] =	ssyncadd.s32 $0xFFFFC000  }
0x11d: {  	[tilespmem:s14], [sflag:$0x1] =	stream.indirect.gather [hbm4b:s4+s13], $0x80, s22, s13, $0xb8;
	[tilespmem:$0x1C500] =	vst v63  }
0x11e: {  	s30 =	sadd.s32 $0x30, s28  }
0x11f: {  	[tilespmem:s19], [sflag:$0x3] =	stream.linear.gather [hbm4b:s30+s3], $0x80, $0x38;
	[tilespmem:$0x1C500] =	vst v63  }
0x120: {  	_ =	swait.ge [sflag:s12], $0x80  }
0x121: {  	[sflag:s12] =	ssyncset.done $0x0  }
0x122: {  	[sflag:s12] =	ssyncadd.s32 $0xFFFFFF80  }
0x123: {  	_ =	swait.ge [sflag:s20], $0x4000  }
0x124: {  	[sflag:s20] =	ssyncset.done $0x0  }
0x125: {  	[sflag:s20] =	ssyncadd.s32 $0xFFFFC000  }
0x126: {  	[spmem:s2] =	stream.indirect.scatter.add.f32 [tilespmem:s15], [sflag:$0x3], $0x80, s19, s13, $0xb8;
	[tilespmem:$0x1C500] =	vst v63  }
0x127: {  	_ =	swait.ge [sflag:s12], $0x4000  }
0x128: {  	[sflag:s12] =	ssyncset.done $0x0  }
0x129: {  	[sflag:s12] =	ssyncadd.s32 $0xFFFFC000  }
0x12a: {  	[tilespmem:s15], [sflag:$0x2] =	stream.indirect.gather [hbm4b:s4+s13], $0x80, s23, s13, $0xb8;
	[tilespmem:$0x1C500] =	vst v63  }
0x12b: {  	s31 =	sadd.s32 $0x40, s28  }
0x12c: {  	[tilespmem:s16], [sflag:$0x3] =	stream.linear.gather [hbm4b:s31+s3], $0x80, $0x38;
	[tilespmem:$0x1C500] =	vst v63  }
0x12d: {  	_ =	swait.ge [sflag:s12], $0x80  }
0x12e: {  	[sflag:s12] =	ssyncset.done $0x0  }
0x12f: {  	[sflag:s12] =	ssyncadd.s32 $0xFFFFFF80  }
0x130: {  	_ =	swait.ge [sflag:s17], $0x4000  }
0x131: {  	[sflag:s17] =	ssyncset.done $0x0  }
0x132: {  	[sflag:s17] =	ssyncadd.s32 $0xFFFFC000  }
0x133: {  	[spmem:s2] =	stream.indirect.scatter.add.f32 [tilespmem:s14], [sflag:$0x3], $0x80, s16, s13, $0xb8;
	[tilespmem:$0x1C500] =	vst v63  }
0x134: {  	_ =	swait.ge [sflag:s12], $0x4000  }
0x135: {  	[sflag:s12] =	ssyncset.done $0x0  }
0x136: {  	[sflag:s12] =	ssyncadd.s32 $0xFFFFC000  }
0x137: {  	[tilespmem:s14], [sflag:$0x1] =	stream.indirect.gather [hbm4b:s4+s13], $0x80, s24, s13, $0xb8;
	[tilespmem:$0x1C500] =	vst v63  }
0x138: {  	s29 =	sadd.s32 $0x50, s28  }
0x139: {  	[tilespmem:s19], [sflag:$0x3] =	stream.linear.gather [hbm4b:s29+s3], $0x80, $0x38;
	[tilespmem:$0x1C500] =	vst v63  }
0x13a: {  	_ =	swait.ge [sflag:s12], $0x80  }
0x13b: {  	[sflag:s12] =	ssyncset.done $0x0  }
0x13c: {  	[sflag:s12] =	ssyncadd.s32 $0xFFFFFF80  }
0x13d: {  	_ =	swait.ge [sflag:s20], $0x4000  }
0x13e: {  	[sflag:s20] =	ssyncset.done $0x0  }
0x13f: {  	[sflag:s20] =	ssyncadd.s32 $0xFFFFC000  }
0x140: {  	[spmem:s2] =	stream.indirect.scatter.add.f32 [tilespmem:s15], [sflag:$0x3], $0x80, s19, s13, $0xb8;
	[tilespmem:$0x1C500] =	vst v63  }
0x141: {  	_ =	swait.ge [sflag:s12], $0x4000  }
0x142: {  	[sflag:s12] =	ssyncset.done $0x0  }
0x143: {  	[sflag:s12] =	ssyncadd.s32 $0xFFFFC000  }
0x144: {  	[tilespmem:s15], [sflag:$0x2] =	stream.indirect.gather [hbm4b:s4+s13], $0x80, s25, s13, $0xb8;
	[tilespmem:$0x1C500] =	vst v63  }
0x145: {  	s30 =	sadd.s32 $0x60, s28  }
0x146: {  	[tilespmem:s16], [sflag:$0x3] =	stream.linear.gather [hbm4b:s30+s3], $0x80, $0x38;
	[tilespmem:$0x1C500] =	vst v63  }
0x147: {  	_ =	swait.ge [sflag:s12], $0x80  }
0x148: {  	[sflag:s12] =	ssyncset.done $0x0  }
0x149: {  	[sflag:s12] =	ssyncadd.s32 $0xFFFFFF80  }
0x14a: {  	_ =	swait.ge [sflag:s17], $0x4000  }
0x14b: {  	[sflag:s17] =	ssyncset.done $0x0  }
0x14c: {  	[sflag:s17] =	ssyncadd.s32 $0xFFFFC000  }
0x14d: {  	[spmem:s2] =	stream.indirect.scatter.add.f32 [tilespmem:s14], [sflag:$0x3], $0x80, s16, s13, $0xb8;
	[tilespmem:$0x1C500] =	vst v63  }
0x14e: {  	_ =	swait.ge [sflag:s12], $0x4000  }
0x14f: {  	[sflag:s12] =	ssyncset.done $0x0  }
0x150: {  	s31 =	sadd.s32 $0x70, s28;
	[sflag:s12] =	ssyncadd.s32 $0xFFFFC000  }
0x151: {  	[tilespmem:s19], [sflag:$0x3] =	stream.linear.gather [hbm4b:s31+s3], $0x80, $0x38;
	[tilespmem:$0x1C500] =	vst v63  }
0x152: {  	_ =	swait.ge [sflag:s12], $0x80  }
0x153: {  	[sflag:s12] =	ssyncset.done $0x0  }
0x154: {  	[sflag:s12] =	ssyncadd.s32 $0xFFFFFF80  }
0x155: {  	_ =	swait.ge [sflag:s20], $0x4000  }
0x156: {  	[sflag:s20] =	ssyncset.done $0x0  }
0x157: {  	[sflag:s20] =	ssyncadd.s32 $0xFFFFC000  }
0x158: {  	[spmem:s2] =	stream.indirect.scatter.add.f32 [tilespmem:s15], [sflag:$0x3], $0x80, s19, s13, $0xb8;
	[tilespmem:$0x1C500] =	vst v63  }
0x159: {  	_ =	swait.ge [sflag:s12], $0x4000  }
0x15a: {  	s26 =	sadd.s32 $0x1, s26;
	[sflag:s12] =	ssyncset.done $0x0  }
0x15b: {  	p0 =	sne.s32 s26, s8;
	[sflag:s12] =	ssyncadd.s32 $0xFFFFC000  }
.Ltmp1:
0x15c: {  	[bflag:$0x0] =	sbarrier.arrive $0xFFFF;
	(pc) =	sbr.rel @p0 .LBB2_1-.Ltmp1, $4  }
0x15d: {  	[hbm:s7], [sflag:s6] =	dma.local [spmem:s11], $0x2800  }
0x15e: {  	_ =	swait.ge [sflag:s12], $0x2800  }
0x15f: {  	[sflag:s12] =	ssyncset.done $0x0  }
0x160: {  	[sflag:s12] =	ssyncadd.s32 $0xFFFFD800  }
0x161: {  	_ =	sfence.sel $0x180000  }
0x162: {  	[bflag:$0x0] =	sbarrier.arrive $0xFFFF  }
0x163: {  	_ =	strace $0x9000004D  }
0x164: {  	[bflag:$0x2] =	sbarrier.arrive $0xFFFF  }
0x165: {  	p0 =	sne.s32 s1, $0x0;
	s0 =	rddreg [dreg:$0x2]  }
0x166: {  	s0 =	sadd.s32 @!p0 $0x100000, s0  }
0x167: {  	[sflag:s0] =	ssyncadd.tile.s32 @!p0 $0x1;
	_ =	shalt  }
.Lfunc_end2:
_tile_overlayer_lowered:
.L_overlay_start_2:
0x168: {  	(tag) =	ssettag $0x2  }
0x169: {  	s0 =	rddreg [dreg:$0x0];
	s2 =	stileid.u32  }
0x16a: {  	s1 =	rddreg [dreg:$0x1];
	p0 =	sne.s32 s2, $0x0  }
0x16b: {  	s3 =	rddreg [dreg:$0x2];
	[bflag:$0x3] =	sbarrier.arrive $0xFFFF;
	s2 =	simm.s32 @!p0 $0x1C03  }
0x16c: {  	[timem:s3], [sflag:s2] =	dma.local @!p0 [hbm:s0], s1  }
0x16d: {  	s0 =	simm.s32 @!p0 $0x3  }
0x16e: {  	_ =	swait.ge @!p0 [sflag:s0], s1  }
0x16f: {  	s1 =	ssub.s32 @!p0 $0x0, s1;
	[sflag:s0] =	ssyncset.done @!p0 $0x0  }
0x170: {  	[sflag:s0] =	ssyncadd.s32 @!p0 s1  }
0x171: {  	[bflag:$0x3] =	sbarrier.arrive $0xFFFF  }
0x172: {  	_ =	shalt  }

// kernel: kernel.21.cloned.1.call-start
scs
__scs_entry_jumppad:
0x0: {  	(pc) =	sbr.rel $0x88, $3  }
0x1: {  	(tag) =	ssettag $0x0;
	lr =	simm.s32 $0x1  }
0x2: {  	[smem:$0x3F97] =	sst lr;
	_ =	strace $0xD0000000  }
0x3: {  	_ = 	snop  }
0x4: {  	_ = 	snop  }
0x5: {  	_ = 	snop  }
0x6: {  	_ = 	snop  }
0x7: {  	_ = 	snop  }
__scs_overlays_trampoline_lowered:
0x8: {  	[smem:$0x3FA6] =	sst s0  }
0x9: {  	[smem:$0x3FA7] =	sst s1  }
0xa: {  	[smem:$0x3FA8] =	sst s2  }
0xb: {  	[smem:$0x3FA9] =	sst s3  }
0xc: {  	[smem:$0x3FAA] =	sst s4  }
0xd: {  	[smem:$0x3FAB] =	sst s5  }
0xe: {  	[smem:$0x3FAC] =	sst s6  }
0xf: {  	[smem:$0x3FAD] =	sst s7  }
0x10: {  	[smem:$0x3FAE] =	sst s8  }
0x11: {  	[smem:$0x3FAF] =	sst s9;
	s0 =	simm.s32 @!p0 $0x0  }
0x12: {  	s1 =	sld [smem:$0x3F95];
	s0 =	simm.s32 @p0 $0x1  }
0x13: {  	[smem:$0x3FB0] =	sst s0;
	s0 =	simm.s32 @!p1 $0x0  }
0x14: {  	s2 =	sld [smem:$0x3F94];
	s0 =	simm.s32 @p1 $0x1  }
0x15: {  	[smem:$0x3FB1] =	sst s0;
	s0 =	simm.s32 @!p2 $0x0  }
0x16: {  	s3 =	sld [smem:$0x3FDB];
	s0 =	simm.s32 @p2 $0x1  }
0x17: {  	s4 =	simm.s32 $0x1BF5;
	[smem:$0x3FB3] =	sst s0  }
0x18: {  	s0 =	sld [smem:$0x3F96];
	_ =	swait.ge [sflag:s4], $0x0  }
0x19: {  	s7 =	sld [smem:$0x3F97]  }
0x1a: {  	s8 =	sadd.s32 $0xFFFFE003, lr  }
0x1b: {  	s9 =	sadd.s32 $0xFFFFFEF7, lr;
	s5 =	simm.s32 $0xFFFFFFFF;
	p2 =	slt.u32 s8, $0xFFFFF086  }
0x1c: {  	p1 =	slt.u32 s9, $0xF7A;
	s5 =	simm.s32 @!p2 $0x0  }
0x1d: {  	s5 =	simm.s32 @p1 $0x1;
	p0 =	seq.s32 s7, s2  }
0x1e: {  	s7 =	smul.u32 @!p0 $0xF7A, s2;
	p2 =	seq.s32 @!p0 s5, $0x0  }
0x1f: {  	s9 =	smul.u32 $0xF7A, s1;
	s8 =	simm.s32 @!p0 $0x1BF5;
	p2 =	por !p2, p0  }
0x20: {  	[sflag:s8] =	ssyncset.s32 @!p0 $0xFFFFF086;
	s6 =	sadd.s32 @!p0 s3, s7;
	s7 =	simm.s32 @!p0 $0x108  }
0x21: {  	s3 =	sadd.s32 s3, s9;
	s6 =	sadd.s32 @!p0 $0x88, s6;
	s7 =	simm.s32 @p2 $0x1082  }
0x22: {  	[simem:s7], [sflag:s8] =	dma.local @!p0 [hbm:s6], $0xF7A  }
0x23: {  	s9 =	sor.u32 $0xD0000000, s2;
	s6 =	simm.s32 $0x108;
	_ =	swait.ge @!p0 [sflag:s8], $0x0  }
0x24: {  	s3 =	sadd.s32 $0x88, s3;
	s6 =	simm.s32 @!p1 $0x1082;
	[sflag:s4] =	ssyncset.s32 $0xFFFFF086  }
0x25: {  	[simem:s6], [sflag:s4] =	dma.local [hbm:s3], $0xF7A  }
0x26: {  	[smem:$0x3F97] =	sst s1;
	(tag) =	ssettag s2;
	_ =	strace s9  }
0x27: {  	s1 =	sld [smem:$0x3FA7]  }
0x28: {  	s2 =	sld [smem:$0x3FA8]  }
0x29: {  	s4 =	sld [smem:$0x3FAA]  }
0x2a: {  	p0 =	seq.s32 s5, $0x0;
	s5 =	sld [smem:$0x3FAB]  }
0x2b: {  	s6 =	sld [smem:$0x3FAC]  }
0x2c: {  	s7 =	sld [smem:$0x3FAD]  }
0x2d: {  	s3 =	simm.s32 $0x108;
	s8 =	sld [smem:$0x3FAE]  }
0x2e: {  	s3 =	simm.s32 @!p0 $0x1082;
	s9 =	sld [smem:$0x3FAF]  }
0x2f: {  	lr =	sadd.s32 s0, s3;
	s0 =	sld [smem:$0x3FA6]  }
0x30: {  	s3 =	sld [smem:$0x3FA9]  }
0x31: {  	[smem:$0x3FB2] =	sst s10  }
0x32: {  	s10 =	sld [smem:$0x3FB0];
	_ =	sdelay $0x3  }
0x33: {  	p0 =	seq.s32 s10, $0x1;
	s10 =	sld [smem:$0x3FB2];
	_ =	sdelay $0x3  }
0x34: {  	[smem:$0x3FB2] =	sst s10  }
0x35: {  	s10 =	sld [smem:$0x3FB1];
	_ =	sdelay $0x3  }
0x36: {  	p1 =	seq.s32 s10, $0x1;
	s10 =	sld [smem:$0x3FB2];
	_ =	sdelay $0x3  }
0x37: {  	[smem:$0x3FB2] =	sst s10  }
0x38: {  	s10 =	sld [smem:$0x3FB3]  }
0x39: {  	_ = 	snop;
	(pc) =	sbr.ind lr, $3  }
0x3a: {  	_ = 	snop  }
0x3b: {  	_ = 	snop  }
0x3c: {  	p2 =	seq.s32 s10, $0x1;
	s10 =	sld [smem:$0x3FB2]  }
0x3d: {  	_ =	shalt  }
0x3e: {  	_ =	shalt  }
0x3f: {  	_ =	shalt  }
0x40: {  	_ =	shalt  }
0x41: {  	_ =	shalt  }
0x42: {  	_ =	shalt  }
0x43: {  	_ =	shalt  }
0x44: {  	_ =	shalt  }
0x45: {  	_ =	shalt  }
0x46: {  	_ =	shalt  }
0x47: {  	_ =	shalt  }
0x48: {  	_ =	shalt  }
0x49: {  	_ =	shalt  }
0x4a: {  	_ =	shalt  }
0x4b: {  	_ =	shalt  }
0x4c: {  	_ =	shalt  }
0x4d: {  	_ =	shalt  }
0x4e: {  	_ =	shalt  }
0x4f: {  	_ =	shalt  }
0x50: {  	_ =	shalt  }
0x51: {  	_ =	shalt  }
0x52: {  	_ =	shalt  }
0x53: {  	_ =	shalt  }
0x54: {  	_ =	shalt  }
0x55: {  	_ =	shalt  }
0x56: {  	_ =	shalt  }
0x57: {  	_ =	shalt  }
0x58: {  	_ =	shalt  }
0x59: {  	_ =	shalt  }
0x5a: {  	_ =	shalt  }
0x5b: {  	_ =	shalt  }
0x5c: {  	_ =	shalt  }
0x5d: {  	_ =	shalt  }
0x5e: {  	_ =	shalt  }
0x5f: {  	_ =	shalt  }
0x60: {  	_ =	shalt  }
0x61: {  	_ =	shalt  }
0x62: {  	_ =	shalt  }
0x63: {  	_ =	shalt  }
0x64: {  	_ =	shalt  }
0x65: {  	_ =	shalt  }
0x66: {  	_ =	shalt  }
0x67: {  	_ =	shalt  }
0x68: {  	_ =	shalt  }
0x69: {  	_ =	shalt  }
0x6a: {  	_ =	shalt  }
0x6b: {  	_ =	shalt  }
0x6c: {  	_ =	shalt  }
0x6d: {  	_ =	shalt  }
0x6e: {  	_ =	shalt  }
0x6f: {  	_ =	shalt  }
0x70: {  	_ =	shalt  }
0x71: {  	_ =	shalt  }
0x72: {  	_ =	shalt  }
0x73: {  	_ =	shalt  }
0x74: {  	_ =	shalt  }
0x75: {  	_ =	shalt  }
0x76: {  	_ =	shalt  }
0x77: {  	_ =	shalt  }
0x78: {  	_ =	shalt  }
0x79: {  	_ =	shalt  }
0x7a: {  	_ =	shalt  }
0x7b: {  	_ =	shalt  }
0x7c: {  	_ =	shalt  }
0x7d: {  	_ =	shalt  }
0x7e: {  	_ =	shalt  }
0x7f: {  	_ =	shalt  }
0x80: {  	_ =	shalt  }
0x81: {  	_ =	shalt  }
0x82: {  	_ =	shalt  }
0x83: {  	_ =	shalt  }
0x84: {  	_ =	shalt  }
0x85: {  	_ =	shalt  }
0x86: {  	_ =	shalt  }
0x87: {  	_ =	shalt  }
.Lfunc_end0:
.L_simem_size_0:
called_computation.3_lowered:
.L_overlay_start_0:
0x88: {  	s2 =	sld [smem:$0x3FD9]  }
0x89: {  	s3 =	sld [smem:$0x3FFE];
	_ =	sdelay $0x1  }
0x8a: {  	s1 =	srdreg.scid  }
0x8b: {  	s0 =	sand.u32 $0x1, s1  }
0x8c: {  	s16 =	sshll.u32 s0, $0xA;
	s2 =	sadd.s32 s3, s2  }
0x8d: {  	s2 =	sadd.s32 s2, s16  }
0x8e: {  	[smem:$0x3FBE] =	sst s2  }
0x8f: {  	_ = 	snop  }
0x90: {  	(tm) =	ssettm $0x1  }
0x91: {  	s17 =	sld [smem:$0x3FFB];
	_ =	sdelay $0x3  }
0x92: {  	_ =	strace s17  }
0x93: {  	s2 =	sld [smem:$0x3FFC];
	_ =	sdelay $0x3  }
0x94: {  	_ =	strace s2  }
0x95: {  	s2 =	sld [smem:$0x3FFD];
	_ =	sdelay $0x3  }
0x96: {  	_ =	strace s2  }
0x97: {  	_ =	strace $0x8FFFFFFF  }
0x98: {  	s18 =	sld [smem:$0x3FDB];
	_ =	sdelay $0x1  }
0x99: {  	s19 =	simm.s32 $_scs_section_size  }
0x9a: {  	s4 =	simm.s32 $_size__tile_overlayer_lowered;
	s5 =	simm.s32 $_tile_overlayer_lowered  }
0x9b: {  	s22 =	simm.s32 $0x1BFF;
	s21 =	sshll.u32 s5, $0x1;
	s2 =	sadd.s32 s19, s18  }
0x9c: {  	s6 =	simm.s32 $0x0;
	s20 =	sshll.u32 s4, $0x1;
	s4 =	sadd.s32 s21, s2  }
0x9d: {  	[timem:s6], [sflag:s22] =	dma.local [hbm:s4], s20  }
0x9e: {  	_ =	swait.ge [sflag:s22], s20  }
0x9f: {  	s3 =	ssub.s32 $0x0, s20;
	[sflag:s22] =	ssyncset.done $0x0  }
0xa0: {  	[sflag:s22] =	ssyncadd.s32 s3;
	_ =	sdelay $0x1  }
0xa1: {  	s23 =	simm.s32 $0x1B8B  }
0xa2: {  	_ =	swait.ge [sflag:s23], $0x1  }
0xa3: {  	[sflag:s23] =	ssyncset.done $0x0  }
0xa4: {  	s25 =	simm.s32 $0x1B8E;
	s24 =	sld [smem:$0x3FFE];
	[sflag:s23] =	ssyncadd.s32 $0xFFFFFFFF  }
0xa5: {  	s26 =	simm.s32 $execute0_lowered;
	[smem:$0x3FD2] =	sst s25  }
0xa6: {  	s4 =	sshll.u32 s26, $0x1;
	_ =	strace $0x8000004F;
	[dreg:$0x1] =	wrdreg $0xFFFFFFFF  }
0xa7: {  	s28 =	simm.s32 $_size_execute0_lowered;
	s2 =	sadd.s32 s2, s4;
	[dreg:$0x0] =	wrdreg $0x0  }
0xa8: {  	s4 =	sshll.u32 s28, $0x1;
	[dreg:$0x2] =	wrdreg s2  }
0xa9: {  	[dreg:$0x3] =	wrdreg s4  }
0xaa: {  	[dreg:$0x4] =	wrdreg $0xC0  }
0xab: {  	_ =	task [dreg:s6], $0x5FFFF  }
0xac: {  	[dreg:$0x1] =	wrdreg $0xFFFFFFFF  }
0xad: {  	[dreg:$0x0] =	wrdreg $0x60  }
0xae: {  	[dreg:$0x2] =	wrdreg s24  }
0xaf: {  	[dreg:$0x3] =	wrdreg $0x85000  }
0xb0: {  	[dreg:$0x4] =	wrdreg $0x9  }
0xb1: {  	_ =	task.clear_ibuf [dreg:s6], $0x5FFFF;
	_ =	strace $0x9000004F  }
0xb2: {  	s29 =	simm.s32 $0x9;
	_ =	strace $0x80000051  }
0xb3: {  	_ =	swait.ge [sflag:s29], $0x1  }
0xb4: {  	[sflag:s29] =	ssyncadd.s32 $0xFFFFFFFF  }
0xb5: {  	_ =	strace $0x90000051  }
0xb6: {  	_ =	sfence  }
0xb7: {  	s30 =	sld [smem:$0x0];
	_ =	sdelay $0x2  }
0xb8: {  	s31 =	sshll.u32 s1, $0xD;
	s1 =	sshrl.u32 s1, $0x2  }
0xb9: {  	s3 =	sand.u32 $0x4000, s31;
	s1 =	sadd.s32 s1, s30  }
0xba: {  	s0 =	sor.u32 s3, s0;
	s1 =	sshll.u32 s1, $0x11  }
0xbb: {  	s0 =	sor.u32 s1, s0  }
0xbc: {  	s0 =	sadd.s32 $0x8F2B, s0  }
0xbd: {  	[sflag:s0] =	ssyncadd.remote.s32 $0x1  }
0xbe: {  	_ =	sfence.sel $0xFFFF  }
0xbf: {  	[dreg:$0x0] =	wrdreg $0xFFFFFFFF;
	(pc) =	sbr.abs _section_cstart, $3  }
0xc0: {  	[dreg:$0x1] =	wrdreg $0xFFFFFFFF  }
0xc1: {  	_ =	task.clear_ibuf [dreg:s6], $0x2FFFF;
	_ =	strace $0x9FFFFFFF  }
0xc2: {  	(tm) =	ssettm $0x7FFFFFFF  }
0xc3: {  	_ =	shalt  }
tec
execute0_lowered:
.L_overlay_start_1:
0x0: {  	(tag) =	ssettag $0x1  }
0x1: {  	s6 =	rddreg [dreg:$0x0]  }
0x2: {  	s2 =	rddreg [dreg:$0x1]  }
0x3: {  	s1 =	stileid.u32;
	s5 =	srdreg.scid  }
0x4: {  	s3 =	simm.s32 $0x0;
	s14 =	simm.s32 $0x500;
	s15 =	simm.s32 $0x4500  }
0x5: {  	s16 =	simm.s32 $0x400;
	s17 =	simm.s32 $0x1;
	s18 =	simm.s32 $0x100  }
0x6: {  	s19 =	simm.s32 $0x480;
	s20 =	simm.s32 $0x2;
	s21 =	simm.s32 $0x180  }
0x7: {  	s22 =	simm.s32 $0x200;
	s23 =	simm.s32 $0x280;
	s24 =	simm.s32 $0x300  }
0x8: {  	s25 =	simm.s32 $0x380;
	s26 =	simm.s32 $0x0;
	s4 =	smul.u32 $0xA00, s1  }
0x9: {  	s7 =	sand.u32 $0x1, s5;
	s29 =	smul.u32 $0x2800, s1;
	[smem:$0x7FF] =	sst s3  }
0xa: {  	s11 =	smul.u32 $0x50000, s1;
	s5 =	sadd.s32 $0xEA00, s6;
	s12 =	sshll.u32 s1, $0x6  }
0xb: {  	s8 =	smul.u32 $0x28000, s7;
	_ =	strace $0x80000050;
	s10 =	ssub.s32 $0x2, s7  }
0xc: {  	s13 =	smul.u32 $0xA000, s7;
	s9 =	sadd.s32 s4, s6;
	s4 =	sadd.s32 $0x11200, s6  }
0xd: {  	s30 =	sshrl.u32 s10, $0x1;
	s11 =	sshrl.u32 s11, $0x2;
	s8 =	sadd.s32 s29, s8  }
0xe: {  	s10 =	ssub.s32 s10, s30;
	s11 =	sadd.s32 s11, s2;
	s31 =	sadd.s32 s13, s9  }
0xf: {  	s9 =	sadd.s32 $0x4A00, s9;
	s13 =	simm.s32 $0x80;
	s8 =	sadd.s32 s8, s6  }
0x10: {  	s6 =	sor.u32 $0x1C03, s12;
	s11 =	sshrl.u32 s11, $0x3;
	s12 =	simm.s32 $0x3  }
0x11: {  	s7 =	sadd.s32 $0xCD400, s8;
	s8 =	smax.u32 s10, $0x1;
	s10 =	sadd.s32 $0x6B200, s31  }
.LBB2_1:
0x12: {  	[spmem:s11], [sflag:s6] =	dma.local [hbm:s5], $0x2800  }
0x13: {  	_ =	swait.ge [sflag:s12], $0x2800  }
0x14: {  	[sflag:s12] =	ssyncset.done $0x0  }
0x15: {  	[sflag:s12] =	ssyncadd.s32 $0xFFFFD800  }
0x16: {  	s28 =	sadd.s32 $0x0, s10;
	[bflag:$0x0] =	sbarrier.arrive $0xFFFF  }
0x17: {  	[tilespmem:s3], [sflag:$0x3] =	stream.linear.gather [hbm4b:s28+s3], $0x400, $0x38;
	[tilespmem:$0x1C500] =	vst v63  }
0x18: {  	_ =	swait.ge [sflag:s12], $0x400  }
0x19: {  	[sflag:s12] =	ssyncset.done $0x0  }
0x1a: {  	[sflag:s12] =	ssyncadd.s32 $0xFFFFFC00  }
0x1b: {  	[tilespmem:s14], [sflag:$0x1] =	stream.indirect.gather [hbm4b:s4+s13], $0x80, s3, s13, $0xb8;
	[tilespmem:$0x1C500] =	vst v63  }
0x1c: {  	_ = 	snop  }
0x1d: {  	[tilespmem:s15], [sflag:$0x2] =	stream.indirect.gather [hbm4b:s4+s13], $0x80, s13, s13, $0xb8;
	[tilespmem:$0x1C500] =	vst v63  }
0x1e: {  	s28 =	sadd.s32 $0x0, s9  }
0x1f: {  	[tilespmem:s16], [sflag:$0x3] =	stream.linear.gather [hbm4b:s28+s3], $0x80, $0x38;
	[tilespmem:$0x1C500] =	vst v63  }
0x20: {  	_ =	swait.ge [sflag:s12], $0x80  }
0x21: {  	[sflag:s12] =	ssyncset.done $0x0  }
0x22: {  	[sflag:s12] =	ssyncadd.s32 $0xFFFFFF80  }
0x23: {  	_ =	swait.ge [sflag:s17], $0x4000  }
0x24: {  	[sflag:s17] =	ssyncset.done $0x0  }
0x25: {  	[sflag:s17] =	ssyncadd.s32 $0xFFFFC000  }
0x26: {  	[spmem:s2] =	stream.indirect.scatter.add.f32 [tilespmem:s14], [sflag:$0x3], $0x80, s16, s13, $0xb8;
	[tilespmem:$0x1C500] =	vst v63  }
0x27: {  	_ =	swait.ge [sflag:s12], $0x4000  }
0x28: {  	[sflag:s12] =	ssyncset.done $0x0  }
0x29: {  	[sflag:s12] =	ssyncadd.s32 $0xFFFFC000  }
0x2a: {  	[tilespmem:s14], [sflag:$0x1] =	stream.indirect.gather [hbm4b:s4+s13], $0x80, s18, s13, $0xb8;
	[tilespmem:$0x1C500] =	vst v63  }
0x2b: {  	s29 =	sadd.s32 $0x10, s28  }
0x2c: {  	[tilespmem:s19], [sflag:$0x3] =	stream.linear.gather [hbm4b:s29+s3], $0x80, $0x38;
	[tilespmem:$0x1C500] =	vst v63  }
0x2d: {  	_ =	swait.ge [sflag:s12], $0x80  }
0x2e: {  	[sflag:s12] =	ssyncset.done $0x0  }
0x2f: {  	[sflag:s12] =	ssyncadd.s32 $0xFFFFFF80  }
0x30: {  	_ =	swait.ge [sflag:s20], $0x4000  }
0x31: {  	[sflag:s20] =	ssyncset.done $0x0  }
0x32: {  	[sflag:s20] =	ssyncadd.s32 $0xFFFFC000  }
0x33: {  	[spmem:s2] =	stream.indirect.scatter.add.f32 [tilespmem:s15], [sflag:$0x3], $0x80, s19, s13, $0xb8;
	[tilespmem:$0x1C500] =	vst v63  }
0x34: {  	_ =	swait.ge [sflag:s12], $0x4000  }
0x35: {  	[sflag:s12] =	ssyncset.done $0x0  }
0x36: {  	[sflag:s12] =	ssyncadd.s32 $0xFFFFC000  }
0x37: {  	[tilespmem:s15], [sflag:$0x2] =	stream.indirect.gather [hbm4b:s4+s13], $0x80, s21, s13, $0xb8;
	[tilespmem:$0x1C500] =	vst v63  }
0x38: {  	s31 =	sadd.s32 $0x20, s28  }
0x39: {  	[tilespmem:s16], [sflag:$0x3] =	stream.linear.gather [hbm4b:s31+s3], $0x80, $0x38;
	[tilespmem:$0x1C500] =	vst v63  }
0x3a: {  	_ =	swait.ge [sflag:s12], $0x80  }
0x3b: {  	[sflag:s12] =	ssyncset.done $0x0  }
0x3c: {  	[sflag:s12] =	ssyncadd.s32 $0xFFFFFF80  }
0x3d: {  	_ =	swait.ge [sflag:s17], $0x4000  }
0x3e: {  	[sflag:s17] =	ssyncset.done $0x0  }
0x3f: {  	[sflag:s17] =	ssyncadd.s32 $0xFFFFC000  }
0x40: {  	[spmem:s2] =	stream.indirect.scatter.add.f32 [tilespmem:s14], [sflag:$0x3], $0x80, s16, s13, $0xb8;
	[tilespmem:$0x1C500] =	vst v63  }
0x41: {  	_ =	swait.ge [sflag:s12], $0x4000  }
0x42: {  	[sflag:s12] =	ssyncset.done $0x0  }
0x43: {  	[sflag:s12] =	ssyncadd.s32 $0xFFFFC000  }
0x44: {  	[tilespmem:s14], [sflag:$0x1] =	stream.indirect.gather [hbm4b:s4+s13], $0x80, s22, s13, $0xb8;
	[tilespmem:$0x1C500] =	vst v63  }
0x45: {  	s0 =	sadd.s32 $0x30, s28  }
0x46: {  	[tilespmem:s19], [sflag:$0x3] =	stream.linear.gather [hbm4b:s0+s3], $0x80, $0x38;
	[tilespmem:$0x1C500] =	vst v63  }
0x47: {  	_ =	swait.ge [sflag:s12], $0x80  }
0x48: {  	[sflag:s12] =	ssyncset.done $0x0  }
0x49: {  	[sflag:s12] =	ssyncadd.s32 $0xFFFFFF80  }
0x4a: {  	_ =	swait.ge [sflag:s20], $0x4000  }
0x4b: {  	[sflag:s20] =	ssyncset.done $0x0  }
0x4c: {  	[sflag:s20] =	ssyncadd.s32 $0xFFFFC000  }
0x4d: {  	[spmem:s2] =	stream.indirect.scatter.add.f32 [tilespmem:s15], [sflag:$0x3], $0x80, s19, s13, $0xb8;
	[tilespmem:$0x1C500] =	vst v63  }
0x4e: {  	_ =	swait.ge [sflag:s12], $0x4000  }
0x4f: {  	[sflag:s12] =	ssyncset.done $0x0  }
0x50: {  	[sflag:s12] =	ssyncadd.s32 $0xFFFFC000  }
0x51: {  	[tilespmem:s15], [sflag:$0x2] =	stream.indirect.gather [hbm4b:s4+s13], $0x80, s23, s13, $0xb8;
	[tilespmem:$0x1C500] =	vst v63  }
0x52: {  	s31 =	sadd.s32 $0x40, s28  }
0x53: {  	[tilespmem:s16], [sflag:$0x3] =	stream.linear.gather [hbm4b:s31+s3], $0x80, $0x38;
	[tilespmem:$0x1C500] =	vst v63  }
0x54: {  	_ =	swait.ge [sflag:s12], $0x80  }
0x55: {  	[sflag:s12] =	ssyncset.done $0x0  }
0x56: {  	[sflag:s12] =	ssyncadd.s32 $0xFFFFFF80  }
0x57: {  	_ =	swait.ge [sflag:s17], $0x4000  }
0x58: {  	[sflag:s17] =	ssyncset.done $0x0  }
0x59: {  	[sflag:s17] =	ssyncadd.s32 $0xFFFFC000  }
0x5a: {  	[spmem:s2] =	stream.indirect.scatter.add.f32 [tilespmem:s14], [sflag:$0x3], $0x80, s16, s13, $0xb8;
	[tilespmem:$0x1C500] =	vst v63  }
0x5b: {  	_ =	swait.ge [sflag:s12], $0x4000  }
0x5c: {  	[sflag:s12] =	ssyncset.done $0x0  }
0x5d: {  	[sflag:s12] =	ssyncadd.s32 $0xFFFFC000  }
0x5e: {  	[tilespmem:s14], [sflag:$0x1] =	stream.indirect.gather [hbm4b:s4+s13], $0x80, s24, s13, $0xb8;
	[tilespmem:$0x1C500] =	vst v63  }
0x5f: {  	s0 =	sadd.s32 $0x50, s28  }
0x60: {  	[tilespmem:s19], [sflag:$0x3] =	stream.linear.gather [hbm4b:s0+s3], $0x80, $0x38;
	[tilespmem:$0x1C500] =	vst v63  }
0x61: {  	_ =	swait.ge [sflag:s12], $0x80  }
0x62: {  	[sflag:s12] =	ssyncset.done $0x0  }
0x63: {  	[sflag:s12] =	ssyncadd.s32 $0xFFFFFF80  }
0x64: {  	_ =	swait.ge [sflag:s20], $0x4000  }
0x65: {  	[sflag:s20] =	ssyncset.done $0x0  }
0x66: {  	[sflag:s20] =	ssyncadd.s32 $0xFFFFC000  }
0x67: {  	[spmem:s2] =	stream.indirect.scatter.add.f32 [tilespmem:s15], [sflag:$0x3], $0x80, s19, s13, $0xb8;
	[tilespmem:$0x1C500] =	vst v63  }
0x68: {  	_ =	swait.ge [sflag:s12], $0x4000  }
0x69: {  	[sflag:s12] =	ssyncset.done $0x0  }
0x6a: {  	[sflag:s12] =	ssyncadd.s32 $0xFFFFC000  }
0x6b: {  	[tilespmem:s15], [sflag:$0x2] =	stream.indirect.gather [hbm4b:s4+s13], $0x80, s25, s13, $0xb8;
	[tilespmem:$0x1C500] =	vst v63  }
0x6c: {  	s31 =	sadd.s32 $0x60, s28  }
0x6d: {  	[tilespmem:s16], [sflag:$0x3] =	stream.linear.gather [hbm4b:s31+s3], $0x80, $0x38;
	[tilespmem:$0x1C500] =	vst v63  }
0x6e: {  	_ =	swait.ge [sflag:s12], $0x80  }
0x6f: {  	[sflag:s12] =	ssyncset.done $0x0  }
0x70: {  	[sflag:s12] =	ssyncadd.s32 $0xFFFFFF80  }
0x71: {  	_ =	swait.ge [sflag:s17], $0x4000  }
0x72: {  	[sflag:s17] =	ssyncset.done $0x0  }
0x73: {  	[sflag:s17] =	ssyncadd.s32 $0xFFFFC000  }
0x74: {  	[spmem:s2] =	stream.indirect.scatter.add.f32 [tilespmem:s14], [sflag:$0x3], $0x80, s16, s13, $0xb8;
	[tilespmem:$0x1C500] =	vst v63  }
0x75: {  	_ =	swait.ge [sflag:s12], $0x4000  }
0x76: {  	[sflag:s12] =	ssyncset.done $0x0  }
0x77: {  	s28 =	sadd.s32 $0x70, s28;
	[sflag:s12] =	ssyncadd.s32 $0xFFFFC000  }
0x78: {  	[tilespmem:s19], [sflag:$0x3] =	stream.linear.gather [hbm4b:s28+s3], $0x80, $0x38;
	[tilespmem:$0x1C500] =	vst v63  }
0x79: {  	_ =	swait.ge [sflag:s12], $0x80  }
0x7a: {  	[sflag:s12] =	ssyncset.done $0x0  }
0x7b: {  	[sflag:s12] =	ssyncadd.s32 $0xFFFFFF80  }
0x7c: {  	_ =	swait.ge [sflag:s20], $0x4000  }
0x7d: {  	[sflag:s20] =	ssyncset.done $0x0  }
0x7e: {  	[sflag:s20] =	ssyncadd.s32 $0xFFFFC000  }
0x7f: {  	[spmem:s2] =	stream.indirect.scatter.add.f32 [tilespmem:s15], [sflag:$0x3], $0x80, s19, s13, $0xb8;
	[tilespmem:$0x1C500] =	vst v63  }
0x80: {  	_ =	swait.ge [sflag:s12], $0x4000  }
0x81: {  	s30 =	simm.s32 $0x100;
	s28 =	simm.s32 $0x80;
	[sflag:s12] =	ssyncset.done $0x0  }
.LBB2_2:
0x82: {  	s31 =	sadd.s32 s28, s10  }
0x83: {  	[sflag:s12] =	ssyncadd.s32 $0xFFFFC000;
	s0 =	smov.u32 s30;
	s29 =	sadd.s32 $0x80, s30  }
0x84: {  	[tilespmem:s3], [sflag:$0x3] =	stream.linear.gather [hbm4b:s31+s3], $0x400, $0x38;
	[tilespmem:$0x1C500] =	vst v63  }
0x85: {  	p0 =	sne.s32 s30, $0x980;
	_ =	swait.ge [sflag:s12], $0x400  }
0x86: {  	[sflag:s12] =	ssyncset.done $0x0  }
0x87: {  	[sflag:s12] =	ssyncadd.s32 $0xFFFFFC00  }
0x88: {  	[tilespmem:s14], [sflag:$0x1] =	stream.indirect.gather [hbm4b:s4+s13], $0x80, s3, s13, $0xb8;
	[tilespmem:$0x1C500] =	vst v63  }
0x89: {  	_ = 	snop  }
0x8a: {  	[tilespmem:s15], [sflag:$0x2] =	stream.indirect.gather [hbm4b:s4+s13], $0x80, s13, s13, $0xb8;
	[tilespmem:$0x1C500] =	vst v63  }
0x8b: {  	s30 =	sadd.s32 s28, s9;
	s28 =	smov.u32 s0  }
0x8c: {  	[tilespmem:s16], [sflag:$0x3] =	stream.linear.gather [hbm4b:s30+s3], $0x80, $0x38;
	[tilespmem:$0x1C500] =	vst v63  }
0x8d: {  	_ =	swait.ge [sflag:s12], $0x80  }
0x8e: {  	[sflag:s12] =	ssyncset.done $0x0  }
0x8f: {  	[sflag:s12] =	ssyncadd.s32 $0xFFFFFF80  }
0x90: {  	_ =	swait.ge [sflag:s17], $0x4000  }
0x91: {  	[sflag:s17] =	ssyncset.done $0x0  }
0x92: {  	[sflag:s17] =	ssyncadd.s32 $0xFFFFC000  }
0x93: {  	[spmem:s2] =	stream.indirect.scatter.add.f32 [tilespmem:s14], [sflag:$0x3], $0x80, s16, s13, $0xb8;
	[tilespmem:$0x1C500] =	vst v63  }
0x94: {  	_ =	swait.ge [sflag:s12], $0x4000  }
0x95: {  	[sflag:s12] =	ssyncset.done $0x0  }
0x96: {  	[sflag:s12] =	ssyncadd.s32 $0xFFFFC000  }
0x97: {  	[tilespmem:s14], [sflag:$0x1] =	stream.indirect.gather [hbm4b:s4+s13], $0x80, s18, s13, $0xb8;
	[tilespmem:$0x1C500] =	vst v63  }
0x98: {  	s0 =	sadd.s32 $0x10, s30  }
0x99: {  	[tilespmem:s19], [sflag:$0x3] =	stream.linear.gather [hbm4b:s0+s3], $0x80, $0x38;
	[tilespmem:$0x1C500] =	vst v63  }
0x9a: {  	_ =	swait.ge [sflag:s12], $0x80  }
0x9b: {  	[sflag:s12] =	ssyncset.done $0x0  }
0x9c: {  	[sflag:s12] =	ssyncadd.s32 $0xFFFFFF80  }
0x9d: {  	_ =	swait.ge [sflag:s20], $0x4000  }
0x9e: {  	[sflag:s20] =	ssyncset.done $0x0  }
0x9f: {  	[sflag:s20] =	ssyncadd.s32 $0xFFFFC000  }
0xa0: {  	[spmem:s2] =	stream.indirect.scatter.add.f32 [tilespmem:s15], [sflag:$0x3], $0x80, s19, s13, $0xb8;
	[tilespmem:$0x1C500] =	vst v63  }
0xa1: {  	_ =	swait.ge [sflag:s12], $0x4000  }
0xa2: {  	[sflag:s12] =	ssyncset.done $0x0  }
0xa3: {  	[sflag:s12] =	ssyncadd.s32 $0xFFFFC000  }
0xa4: {  	[tilespmem:s15], [sflag:$0x2] =	stream.indirect.gather [hbm4b:s4+s13], $0x80, s21, s13, $0xb8;
	[tilespmem:$0x1C500] =	vst v63  }
0xa5: {  	s0 =	sadd.s32 $0x20, s30  }
0xa6: {  	[tilespmem:s16], [sflag:$0x3] =	stream.linear.gather [hbm4b:s0+s3], $0x80, $0x38;
	[tilespmem:$0x1C500] =	vst v63  }
0xa7: {  	_ =	swait.ge [sflag:s12], $0x80  }
0xa8: {  	[sflag:s12] =	ssyncset.done $0x0  }
0xa9: {  	[sflag:s12] =	ssyncadd.s32 $0xFFFFFF80  }
0xaa: {  	_ =	swait.ge [sflag:s17], $0x4000  }
0xab: {  	[sflag:s17] =	ssyncset.done $0x0  }
0xac: {  	[sflag:s17] =	ssyncadd.s32 $0xFFFFC000  }
0xad: {  	[spmem:s2] =	stream.indirect.scatter.add.f32 [tilespmem:s14], [sflag:$0x3], $0x80, s16, s13, $0xb8;
	[tilespmem:$0x1C500] =	vst v63  }
0xae: {  	_ =	swait.ge [sflag:s12], $0x4000  }
0xaf: {  	[sflag:s12] =	ssyncset.done $0x0  }
0xb0: {  	[sflag:s12] =	ssyncadd.s32 $0xFFFFC000  }
0xb1: {  	[tilespmem:s14], [sflag:$0x1] =	stream.indirect.gather [hbm4b:s4+s13], $0x80, s22, s13, $0xb8;
	[tilespmem:$0x1C500] =	vst v63  }
0xb2: {  	s0 =	sadd.s32 $0x30, s30  }
0xb3: {  	[tilespmem:s19], [sflag:$0x3] =	stream.linear.gather [hbm4b:s0+s3], $0x80, $0x38;
	[tilespmem:$0x1C500] =	vst v63  }
0xb4: {  	_ =	swait.ge [sflag:s12], $0x80  }
0xb5: {  	[sflag:s12] =	ssyncset.done $0x0  }
0xb6: {  	[sflag:s12] =	ssyncadd.s32 $0xFFFFFF80  }
0xb7: {  	_ =	swait.ge [sflag:s20], $0x4000  }
0xb8: {  	[sflag:s20] =	ssyncset.done $0x0  }
0xb9: {  	[sflag:s20] =	ssyncadd.s32 $0xFFFFC000  }
0xba: {  	[spmem:s2] =	stream.indirect.scatter.add.f32 [tilespmem:s15], [sflag:$0x3], $0x80, s19, s13, $0xb8;
	[tilespmem:$0x1C500] =	vst v63  }
0xbb: {  	_ =	swait.ge [sflag:s12], $0x4000  }
0xbc: {  	[sflag:s12] =	ssyncset.done $0x0  }
0xbd: {  	[sflag:s12] =	ssyncadd.s32 $0xFFFFC000  }
0xbe: {  	[tilespmem:s15], [sflag:$0x2] =	stream.indirect.gather [hbm4b:s4+s13], $0x80, s23, s13, $0xb8;
	[tilespmem:$0x1C500] =	vst v63  }
0xbf: {  	s0 =	sadd.s32 $0x40, s30  }
0xc0: {  	[tilespmem:s16], [sflag:$0x3] =	stream.linear.gather [hbm4b:s0+s3], $0x80, $0x38;
	[tilespmem:$0x1C500] =	vst v63  }
0xc1: {  	_ =	swait.ge [sflag:s12], $0x80  }
0xc2: {  	[sflag:s12] =	ssyncset.done $0x0  }
0xc3: {  	[sflag:s12] =	ssyncadd.s32 $0xFFFFFF80  }
0xc4: {  	_ =	swait.ge [sflag:s17], $0x4000  }
0xc5: {  	[sflag:s17] =	ssyncset.done $0x0  }
0xc6: {  	[sflag:s17] =	ssyncadd.s32 $0xFFFFC000  }
0xc7: {  	[spmem:s2] =	stream.indirect.scatter.add.f32 [tilespmem:s14], [sflag:$0x3], $0x80, s16, s13, $0xb8;
	[tilespmem:$0x1C500] =	vst v63  }
0xc8: {  	_ =	swait.ge [sflag:s12], $0x4000  }
0xc9: {  	[sflag:s12] =	ssyncset.done $0x0  }
0xca: {  	[sflag:s12] =	ssyncadd.s32 $0xFFFFC000  }
0xcb: {  	[tilespmem:s14], [sflag:$0x1] =	stream.indirect.gather [hbm4b:s4+s13], $0x80, s24, s13, $0xb8;
	[tilespmem:$0x1C500] =	vst v63  }
0xcc: {  	s0 =	sadd.s32 $0x50, s30  }
0xcd: {  	[tilespmem:s19], [sflag:$0x3] =	stream.linear.gather [hbm4b:s0+s3], $0x80, $0x38;
	[tilespmem:$0x1C500] =	vst v63  }
0xce: {  	_ =	swait.ge [sflag:s12], $0x80  }
0xcf: {  	[sflag:s12] =	ssyncset.done $0x0  }
0xd0: {  	[sflag:s12] =	ssyncadd.s32 $0xFFFFFF80  }
0xd1: {  	_ =	swait.ge [sflag:s20], $0x4000  }
0xd2: {  	[sflag:s20] =	ssyncset.done $0x0  }
0xd3: {  	[sflag:s20] =	ssyncadd.s32 $0xFFFFC000  }
0xd4: {  	[spmem:s2] =	stream.indirect.scatter.add.f32 [tilespmem:s15], [sflag:$0x3], $0x80, s19, s13, $0xb8;
	[tilespmem:$0x1C500] =	vst v63  }
0xd5: {  	_ =	swait.ge [sflag:s12], $0x4000  }
0xd6: {  	[sflag:s12] =	ssyncset.done $0x0  }
0xd7: {  	[sflag:s12] =	ssyncadd.s32 $0xFFFFC000  }
0xd8: {  	[tilespmem:s15], [sflag:$0x2] =	stream.indirect.gather [hbm4b:s4+s13], $0x80, s25, s13, $0xb8;
	[tilespmem:$0x1C500] =	vst v63  }
0xd9: {  	s0 =	sadd.s32 $0x60, s30  }
0xda: {  	[tilespmem:s16], [sflag:$0x3] =	stream.linear.gather [hbm4b:s0+s3], $0x80, $0x38;
	[tilespmem:$0x1C500] =	vst v63  }
0xdb: {  	_ =	swait.ge [sflag:s12], $0x80  }
0xdc: {  	[sflag:s12] =	ssyncset.done $0x0  }
0xdd: {  	[sflag:s12] =	ssyncadd.s32 $0xFFFFFF80  }
0xde: {  	_ =	swait.ge [sflag:s17], $0x4000  }
0xdf: {  	[sflag:s17] =	ssyncset.done $0x0  }
0xe0: {  	[sflag:s17] =	ssyncadd.s32 $0xFFFFC000  }
0xe1: {  	[spmem:s2] =	stream.indirect.scatter.add.f32 [tilespmem:s14], [sflag:$0x3], $0x80, s16, s13, $0xb8;
	[tilespmem:$0x1C500] =	vst v63  }
0xe2: {  	_ =	swait.ge [sflag:s12], $0x4000  }
0xe3: {  	[sflag:s12] =	ssyncset.done $0x0  }
0xe4: {  	s0 =	sadd.s32 $0x70, s30;
	[sflag:s12] =	ssyncadd.s32 $0xFFFFC000  }
0xe5: {  	[tilespmem:s19], [sflag:$0x3] =	stream.linear.gather [hbm4b:s0+s3], $0x80, $0x38;
	[tilespmem:$0x1C500] =	vst v63  }
0xe6: {  	_ =	swait.ge [sflag:s12], $0x80  }
0xe7: {  	[sflag:s12] =	ssyncset.done $0x0  }
0xe8: {  	[sflag:s12] =	ssyncadd.s32 $0xFFFFFF80  }
0xe9: {  	_ =	swait.ge [sflag:s20], $0x4000  }
.Ltmp0:
0xea: {  	[sflag:s20] =	ssyncset.done $0x0;
	(pc) =	sbr.rel @p0 .LBB2_2-.Ltmp0, $4  }
0xeb: {  	[sflag:s20] =	ssyncadd.s32 $0xFFFFC000  }
0xec: {  	[spmem:s2] =	stream.indirect.scatter.add.f32 [tilespmem:s15], [sflag:$0x3], $0x80, s19, s13, $0xb8;
	[tilespmem:$0x1C500] =	vst v63  }
0xed: {  	_ =	swait.ge [sflag:s12], $0x4000  }
0xee: {  	s30 =	smov.u32 s29;
	[sflag:s12] =	ssyncset.done $0x0  }
0xef: {  	s0 =	sadd.s32 s28, s10;
	[sflag:s12] =	ssyncadd.s32 $0xFFFFC000  }
0xf0: {  	[tilespmem:s3], [sflag:$0x3] =	stream.linear.gather [hbm4b:s0+s3], $0x400, $0x38;
	[tilespmem:$0x1C500] =	vst v63  }
0xf1: {  	_ =	swait.ge [sflag:s12], $0x400  }
0xf2: {  	[sflag:s12] =	ssyncset.done $0x0  }
0xf3: {  	[sflag:s12] =	ssyncadd.s32 $0xFFFFFC00  }
0xf4: {  	[tilespmem:s14], [sflag:$0x1] =	stream.indirect.gather [hbm4b:s4+s13], $0x80, s3, s13, $0xb8;
	[tilespmem:$0x1C500] =	vst v63  }
0xf5: {  	_ = 	snop  }
0xf6: {  	[tilespmem:s15], [sflag:$0x2] =	stream.indirect.gather [hbm4b:s4+s13], $0x80, s13, s13, $0xb8;
	[tilespmem:$0x1C500] =	vst v63  }
0xf7: {  	s28 =	sadd.s32 s28, s9  }
0xf8: {  	[tilespmem:s16], [sflag:$0x3] =	stream.linear.gather [hbm4b:s28+s3], $0x80, $0x38;
	[tilespmem:$0x1C500] =	vst v63  }
0xf9: {  	_ =	swait.ge [sflag:s12], $0x80  }
0xfa: {  	[sflag:s12] =	ssyncset.done $0x0  }
0xfb: {  	[sflag:s12] =	ssyncadd.s32 $0xFFFFFF80  }
0xfc: {  	_ =	swait.ge [sflag:s17], $0x4000  }
0xfd: {  	[sflag:s17] =	ssyncset.done $0x0  }
0xfe: {  	[sflag:s17] =	ssyncadd.s32 $0xFFFFC000  }
0xff: {  	[spmem:s2] =	stream.indirect.scatter.add.f32 [tilespmem:s14], [sflag:$0x3], $0x80, s16, s13, $0xb8;
	[tilespmem:$0x1C500] =	vst v63  }
0x100: {  	_ =	swait.ge [sflag:s12], $0x4000  }
0x101: {  	[sflag:s12] =	ssyncset.done $0x0  }
0x102: {  	[sflag:s12] =	ssyncadd.s32 $0xFFFFC000  }
0x103: {  	[tilespmem:s14], [sflag:$0x1] =	stream.indirect.gather [hbm4b:s4+s13], $0x80, s18, s13, $0xb8;
	[tilespmem:$0x1C500] =	vst v63  }
0x104: {  	s31 =	sadd.s32 $0x10, s28  }
0x105: {  	[tilespmem:s19], [sflag:$0x3] =	stream.linear.gather [hbm4b:s31+s3], $0x80, $0x38;
	[tilespmem:$0x1C500] =	vst v63  }
0x106: {  	_ =	swait.ge [sflag:s12], $0x80  }
0x107: {  	[sflag:s12] =	ssyncset.done $0x0  }
0x108: {  	[sflag:s12] =	ssyncadd.s32 $0xFFFFFF80  }
0x109: {  	_ =	swait.ge [sflag:s20], $0x4000  }
0x10a: {  	[sflag:s20] =	ssyncset.done $0x0  }
0x10b: {  	[sflag:s20] =	ssyncadd.s32 $0xFFFFC000  }
0x10c: {  	[spmem:s2] =	stream.indirect.scatter.add.f32 [tilespmem:s15], [sflag:$0x3], $0x80, s19, s13, $0xb8;
	[tilespmem:$0x1C500] =	vst v63  }
0x10d: {  	_ =	swait.ge [sflag:s12], $0x4000  }
0x10e: {  	[sflag:s12] =	ssyncset.done $0x0  }
0x10f: {  	[sflag:s12] =	ssyncadd.s32 $0xFFFFC000  }
0x110: {  	[tilespmem:s15], [sflag:$0x2] =	stream.indirect.gather [hbm4b:s4+s13], $0x80, s21, s13, $0xb8;
	[tilespmem:$0x1C500] =	vst v63  }
0x111: {  	s29 =	sadd.s32 $0x20, s28  }
0x112: {  	[tilespmem:s16], [sflag:$0x3] =	stream.linear.gather [hbm4b:s29+s3], $0x80, $0x38;
	[tilespmem:$0x1C500] =	vst v63  }
0x113: {  	_ =	swait.ge [sflag:s12], $0x80  }
0x114: {  	[sflag:s12] =	ssyncset.done $0x0  }
0x115: {  	[sflag:s12] =	ssyncadd.s32 $0xFFFFFF80  }
0x116: {  	_ =	swait.ge [sflag:s17], $0x4000  }
0x117: {  	[sflag:s17] =	ssyncset.done $0x0  }
0x118: {  	[sflag:s17] =	ssyncadd.s32 $0xFFFFC000  }
0x119: {  	[spmem:s2] =	stream.indirect.scatter.add.f32 [tilespmem:s14], [sflag:$0x3], $0x80, s16, s13, $0xb8;
	[tilespmem:$0x1C500] =	vst v63  }
0x11a: {  	_ =	swait.ge [sflag:s12], $0x4000  }
0x11b: {  	[sflag:s12] =	ssyncset.done $0x0  }
0x11c: {  	[sflag:s12] =	ssyncadd.s32 $0xFFFFC000  }
0x11d: {  	[tilespmem:s14], [sflag:$0x1] =	stream.indirect.gather [hbm4b:s4+s13], $0x80, s22, s13, $0xb8;
	[tilespmem:$0x1C500] =	vst v63  }
0x11e: {  	s30 =	sadd.s32 $0x30, s28  }
0x11f: {  	[tilespmem:s19], [sflag:$0x3] =	stream.linear.gather [hbm4b:s30+s3], $0x80, $0x38;
	[tilespmem:$0x1C500] =	vst v63  }
0x120: {  	_ =	swait.ge [sflag:s12], $0x80  }
0x121: {  	[sflag:s12] =	ssyncset.done $0x0  }
0x122: {  	[sflag:s12] =	ssyncadd.s32 $0xFFFFFF80  }
0x123: {  	_ =	swait.ge [sflag:s20], $0x4000  }
0x124: {  	[sflag:s20] =	ssyncset.done $0x0  }
0x125: {  	[sflag:s20] =	ssyncadd.s32 $0xFFFFC000  }
0x126: {  	[spmem:s2] =	stream.indirect.scatter.add.f32 [tilespmem:s15], [sflag:$0x3], $0x80, s19, s13, $0xb8;
	[tilespmem:$0x1C500] =	vst v63  }
0x127: {  	_ =	swait.ge [sflag:s12], $0x4000  }
0x128: {  	[sflag:s12] =	ssyncset.done $0x0  }
0x129: {  	[sflag:s12] =	ssyncadd.s32 $0xFFFFC000  }
0x12a: {  	[tilespmem:s15], [sflag:$0x2] =	stream.indirect.gather [hbm4b:s4+s13], $0x80, s23, s13, $0xb8;
	[tilespmem:$0x1C500] =	vst v63  }
0x12b: {  	s31 =	sadd.s32 $0x40, s28  }
0x12c: {  	[tilespmem:s16], [sflag:$0x3] =	stream.linear.gather [hbm4b:s31+s3], $0x80, $0x38;
	[tilespmem:$0x1C500] =	vst v63  }
0x12d: {  	_ =	swait.ge [sflag:s12], $0x80  }
0x12e: {  	[sflag:s12] =	ssyncset.done $0x0  }
0x12f: {  	[sflag:s12] =	ssyncadd.s32 $0xFFFFFF80  }
0x130: {  	_ =	swait.ge [sflag:s17], $0x4000  }
0x131: {  	[sflag:s17] =	ssyncset.done $0x0  }
0x132: {  	[sflag:s17] =	ssyncadd.s32 $0xFFFFC000  }
0x133: {  	[spmem:s2] =	stream.indirect.scatter.add.f32 [tilespmem:s14], [sflag:$0x3], $0x80, s16, s13, $0xb8;
	[tilespmem:$0x1C500] =	vst v63  }
0x134: {  	_ =	swait.ge [sflag:s12], $0x4000  }
0x135: {  	[sflag:s12] =	ssyncset.done $0x0  }
0x136: {  	[sflag:s12] =	ssyncadd.s32 $0xFFFFC000  }
0x137: {  	[tilespmem:s14], [sflag:$0x1] =	stream.indirect.gather [hbm4b:s4+s13], $0x80, s24, s13, $0xb8;
	[tilespmem:$0x1C500] =	vst v63  }
0x138: {  	s29 =	sadd.s32 $0x50, s28  }
0x139: {  	[tilespmem:s19], [sflag:$0x3] =	stream.linear.gather [hbm4b:s29+s3], $0x80, $0x38;
	[tilespmem:$0x1C500] =	vst v63  }
0x13a: {  	_ =	swait.ge [sflag:s12], $0x80  }
0x13b: {  	[sflag:s12] =	ssyncset.done $0x0  }
0x13c: {  	[sflag:s12] =	ssyncadd.s32 $0xFFFFFF80  }
0x13d: {  	_ =	swait.ge [sflag:s20], $0x4000  }
0x13e: {  	[sflag:s20] =	ssyncset.done $0x0  }
0x13f: {  	[sflag:s20] =	ssyncadd.s32 $0xFFFFC000  }
0x140: {  	[spmem:s2] =	stream.indirect.scatter.add.f32 [tilespmem:s15], [sflag:$0x3], $0x80, s19, s13, $0xb8;
	[tilespmem:$0x1C500] =	vst v63  }
0x141: {  	_ =	swait.ge [sflag:s12], $0x4000  }
0x142: {  	[sflag:s12] =	ssyncset.done $0x0  }
0x143: {  	[sflag:s12] =	ssyncadd.s32 $0xFFFFC000  }
0x144: {  	[tilespmem:s15], [sflag:$0x2] =	stream.indirect.gather [hbm4b:s4+s13], $0x80, s25, s13, $0xb8;
	[tilespmem:$0x1C500] =	vst v63  }
0x145: {  	s30 =	sadd.s32 $0x60, s28  }
0x146: {  	[tilespmem:s16], [sflag:$0x3] =	stream.linear.gather [hbm4b:s30+s3], $0x80, $0x38;
	[tilespmem:$0x1C500] =	vst v63  }
0x147: {  	_ =	swait.ge [sflag:s12], $0x80  }
0x148: {  	[sflag:s12] =	ssyncset.done $0x0  }
0x149: {  	[sflag:s12] =	ssyncadd.s32 $0xFFFFFF80  }
0x14a: {  	_ =	swait.ge [sflag:s17], $0x4000  }
0x14b: {  	[sflag:s17] =	ssyncset.done $0x0  }
0x14c: {  	[sflag:s17] =	ssyncadd.s32 $0xFFFFC000  }
0x14d: {  	[spmem:s2] =	stream.indirect.scatter.add.f32 [tilespmem:s14], [sflag:$0x3], $0x80, s16, s13, $0xb8;
	[tilespmem:$0x1C500] =	vst v63  }
0x14e: {  	_ =	swait.ge [sflag:s12], $0x4000  }
0x14f: {  	[sflag:s12] =	ssyncset.done $0x0  }
0x150: {  	s31 =	sadd.s32 $0x70, s28;
	[sflag:s12] =	ssyncadd.s32 $0xFFFFC000  }
0x151: {  	[tilespmem:s19], [sflag:$0x3] =	stream.linear.gather [hbm4b:s31+s3], $0x80, $0x38;
	[tilespmem:$0x1C500] =	vst v63  }
0x152: {  	_ =	swait.ge [sflag:s12], $0x80  }
0x153: {  	[sflag:s12] =	ssyncset.done $0x0  }
0x154: {  	[sflag:s12] =	ssyncadd.s32 $0xFFFFFF80  }
0x155: {  	_ =	swait.ge [sflag:s20], $0x4000  }
0x156: {  	[sflag:s20] =	ssyncset.done $0x0  }
0x157: {  	[sflag:s20] =	ssyncadd.s32 $0xFFFFC000  }
0x158: {  	[spmem:s2] =	stream.indirect.scatter.add.f32 [tilespmem:s15], [sflag:$0x3], $0x80, s19, s13, $0xb8;
	[tilespmem:$0x1C500] =	vst v63  }
0x159: {  	_ =	swait.ge [sflag:s12], $0x4000  }
0x15a: {  	s26 =	sadd.s32 $0x1, s26;
	[sflag:s12] =	ssyncset.done $0x0  }
0x15b: {  	p0 =	sne.s32 s26, s8;
	[sflag:s12] =	ssyncadd.s32 $0xFFFFC000  }
.Ltmp1:
0x15c: {  	[bflag:$0x0] =	sbarrier.arrive $0xFFFF;
	(pc) =	sbr.rel @p0 .LBB2_1-.Ltmp1, $4  }
0x15d: {  	[hbm:s7], [sflag:s6] =	dma.local [spmem:s11], $0x2800  }
0x15e: {  	_ =	swait.ge [sflag:s12], $0x2800  }
0x15f: {  	[sflag:s12] =	ssyncset.done $0x0  }
0x160: {  	[sflag:s12] =	ssyncadd.s32 $0xFFFFD800  }
0x161: {  	_ =	sfence.sel $0x180000  }
0x162: {  	[bflag:$0x0] =	sbarrier.arrive $0xFFFF  }
0x163: {  	_ =	strace $0x90000050  }
0x164: {  	[bflag:$0x2] =	sbarrier.arrive $0xFFFF  }
0x165: {  	p0 =	sne.s32 s1, $0x0;
	s0 =	rddreg [dreg:$0x2]  }
0x166: {  	s0 =	sadd.s32 @!p0 $0x100000, s0  }
0x167: {  	[sflag:s0] =	ssyncadd.tile.s32 @!p0 $0x1;
	_ =	shalt  }
.Lfunc_end2:
_tile_overlayer_lowered:
.L_overlay_start_2:
0x168: {  	(tag) =	ssettag $0x2  }
0x169: {  	s0 =	rddreg [dreg:$0x0];
	s2 =	stileid.u32  }
0x16a: {  	s1 =	rddreg [dreg:$0x1];
	p0 =	sne.s32 s2, $0x0  }
0x16b: {  	s3 =	rddreg [dreg:$0x2];
	[bflag:$0x3] =	sbarrier.arrive $0xFFFF;
	s2 =	simm.s32 @!p0 $0x1C03  }
0x16c: {  	[timem:s3], [sflag:s2] =	dma.local @!p0 [hbm:s0], s1  }
0x16d: {  	s0 =	simm.s32 @!p0 $0x3  }
0x16e: {  	_ =	swait.ge @!p0 [sflag:s0], s1  }
0x16f: {  	s1 =	ssub.s32 @!p0 $0x0, s1;
	[sflag:s0] =	ssyncset.done @!p0 $0x0  }
0x170: {  	[sflag:s0] =	ssyncadd.s32 @!p0 s1  }
0x171: {  	[bflag:$0x3] =	sbarrier.arrive $0xFFFF  }
0x172: {  	_ =	shalt  }

// kernel: kernel.24.cloned.1.call-start
scs
__scs_entry_jumppad:
0x0: {  	(pc) =	sbr.rel $0x88, $3  }
0x1: {  	(tag) =	ssettag $0x0;
	lr =	simm.s32 $0x1  }
0x2: {  	[smem:$0x3F97] =	sst lr;
	_ =	strace $0xD0000000  }
0x3: {  	_ = 	snop  }
0x4: {  	_ = 	snop  }
0x5: {  	_ = 	snop  }
0x6: {  	_ = 	snop  }
0x7: {  	_ = 	snop  }
__scs_overlays_trampoline_lowered:
0x8: {  	[smem:$0x3FA6] =	sst s0  }
0x9: {  	[smem:$0x3FA7] =	sst s1  }
0xa: {  	[smem:$0x3FA8] =	sst s2  }
0xb: {  	[smem:$0x3FA9] =	sst s3  }
0xc: {  	[smem:$0x3FAA] =	sst s4  }
0xd: {  	[smem:$0x3FAB] =	sst s5  }
0xe: {  	[smem:$0x3FAC] =	sst s6  }
0xf: {  	[smem:$0x3FAD] =	sst s7  }
0x10: {  	[smem:$0x3FAE] =	sst s8  }
0x11: {  	[smem:$0x3FAF] =	sst s9;
	s0 =	simm.s32 @!p0 $0x0  }
0x12: {  	s1 =	sld [smem:$0x3F95];
	s0 =	simm.s32 @p0 $0x1  }
0x13: {  	[smem:$0x3FB0] =	sst s0;
	s0 =	simm.s32 @!p1 $0x0  }
0x14: {  	s2 =	sld [smem:$0x3F94];
	s0 =	simm.s32 @p1 $0x1  }
0x15: {  	[smem:$0x3FB1] =	sst s0;
	s0 =	simm.s32 @!p2 $0x0  }
0x16: {  	s3 =	sld [smem:$0x3FDB];
	s0 =	simm.s32 @p2 $0x1  }
0x17: {  	s4 =	simm.s32 $0x1BF5;
	[smem:$0x3FB3] =	sst s0  }
0x18: {  	s0 =	sld [smem:$0x3F96];
	_ =	swait.ge [sflag:s4], $0x0  }
0x19: {  	s7 =	sld [smem:$0x3F97]  }
0x1a: {  	s8 =	sadd.s32 $0xFFFFE003, lr  }
0x1b: {  	s9 =	sadd.s32 $0xFFFFFEF7, lr;
	s5 =	simm.s32 $0xFFFFFFFF;
	p2 =	slt.u32 s8, $0xFFFFF086  }
0x1c: {  	p1 =	slt.u32 s9, $0xF7A;
	s5 =	simm.s32 @!p2 $0x0  }
0x1d: {  	s5 =	simm.s32 @p1 $0x1;
	p0 =	seq.s32 s7, s2  }
0x1e: {  	s7 =	smul.u32 @!p0 $0xF7A, s2;
	p2 =	seq.s32 @!p0 s5, $0x0  }
0x1f: {  	s9 =	smul.u32 $0xF7A, s1;
	s8 =	simm.s32 @!p0 $0x1BF5;
	p2 =	por !p2, p0  }
0x20: {  	[sflag:s8] =	ssyncset.s32 @!p0 $0xFFFFF086;
	s6 =	sadd.s32 @!p0 s3, s7;
	s7 =	simm.s32 @!p0 $0x108  }
0x21: {  	s3 =	sadd.s32 s3, s9;
	s6 =	sadd.s32 @!p0 $0x88, s6;
	s7 =	simm.s32 @p2 $0x1082  }
0x22: {  	[simem:s7], [sflag:s8] =	dma.local @!p0 [hbm:s6], $0xF7A  }
0x23: {  	s9 =	sor.u32 $0xD0000000, s2;
	s6 =	simm.s32 $0x108;
	_ =	swait.ge @!p0 [sflag:s8], $0x0  }
0x24: {  	s3 =	sadd.s32 $0x88, s3;
	s6 =	simm.s32 @!p1 $0x1082;
	[sflag:s4] =	ssyncset.s32 $0xFFFFF086  }
0x25: {  	[simem:s6], [sflag:s4] =	dma.local [hbm:s3], $0xF7A  }
0x26: {  	[smem:$0x3F97] =	sst s1;
	(tag) =	ssettag s2;
	_ =	strace s9  }
0x27: {  	s1 =	sld [smem:$0x3FA7]  }
0x28: {  	s2 =	sld [smem:$0x3FA8]  }
0x29: {  	s4 =	sld [smem:$0x3FAA]  }
0x2a: {  	p0 =	seq.s32 s5, $0x0;
	s5 =	sld [smem:$0x3FAB]  }
0x2b: {  	s6 =	sld [smem:$0x3FAC]  }
0x2c: {  	s7 =	sld [smem:$0x3FAD]  }
0x2d: {  	s3 =	simm.s32 $0x108;
	s8 =	sld [smem:$0x3FAE]  }
0x2e: {  	s3 =	simm.s32 @!p0 $0x1082;
	s9 =	sld [smem:$0x3FAF]  }
0x2f: {  	lr =	sadd.s32 s0, s3;
	s0 =	sld [smem:$0x3FA6]  }
0x30: {  	s3 =	sld [smem:$0x3FA9]  }
0x31: {  	[smem:$0x3FB2] =	sst s10  }
0x32: {  	s10 =	sld [smem:$0x3FB0];
	_ =	sdelay $0x3  }
0x33: {  	p0 =	seq.s32 s10, $0x1;
	s10 =	sld [smem:$0x3FB2];
	_ =	sdelay $0x3  }
0x34: {  	[smem:$0x3FB2] =	sst s10  }
0x35: {  	s10 =	sld [smem:$0x3FB1];
	_ =	sdelay $0x3  }
0x36: {  	p1 =	seq.s32 s10, $0x1;
	s10 =	sld [smem:$0x3FB2];
	_ =	sdelay $0x3  }
0x37: {  	[smem:$0x3FB2] =	sst s10  }
0x38: {  	s10 =	sld [smem:$0x3FB3]  }
0x39: {  	_ = 	snop;
	(pc) =	sbr.ind lr, $3  }
0x3a: {  	_ = 	snop  }
0x3b: {  	_ = 	snop  }
0x3c: {  	p2 =	seq.s32 s10, $0x1;
	s10 =	sld [smem:$0x3FB2]  }
0x3d: {  	_ =	shalt  }
0x3e: {  	_ =	shalt  }
0x3f: {  	_ =	shalt  }
0x40: {  	_ =	shalt  }
0x41: {  	_ =	shalt  }
0x42: {  	_ =	shalt  }
0x43: {  	_ =	shalt  }
0x44: {  	_ =	shalt  }
0x45: {  	_ =	shalt  }
0x46: {  	_ =	shalt  }
0x47: {  	_ =	shalt  }
0x48: {  	_ =	shalt  }
0x49: {  	_ =	shalt  }
0x4a: {  	_ =	shalt  }
0x4b: {  	_ =	shalt  }
0x4c: {  	_ =	shalt  }
0x4d: {  	_ =	shalt  }
0x4e: {  	_ =	shalt  }
0x4f: {  	_ =	shalt  }
0x50: {  	_ =	shalt  }
0x51: {  	_ =	shalt  }
0x52: {  	_ =	shalt  }
0x53: {  	_ =	shalt  }
0x54: {  	_ =	shalt  }
0x55: {  	_ =	shalt  }
0x56: {  	_ =	shalt  }
0x57: {  	_ =	shalt  }
0x58: {  	_ =	shalt  }
0x59: {  	_ =	shalt  }
0x5a: {  	_ =	shalt  }
0x5b: {  	_ =	shalt  }
0x5c: {  	_ =	shalt  }
0x5d: {  	_ =	shalt  }
0x5e: {  	_ =	shalt  }
0x5f: {  	_ =	shalt  }
0x60: {  	_ =	shalt  }
0x61: {  	_ =	shalt  }
0x62: {  	_ =	shalt  }
0x63: {  	_ =	shalt  }
0x64: {  	_ =	shalt  }
0x65: {  	_ =	shalt  }
0x66: {  	_ =	shalt  }
0x67: {  	_ =	shalt  }
0x68: {  	_ =	shalt  }
0x69: {  	_ =	shalt  }
0x6a: {  	_ =	shalt  }
0x6b: {  	_ =	shalt  }
0x6c: {  	_ =	shalt  }
0x6d: {  	_ =	shalt  }
0x6e: {  	_ =	shalt  }
0x6f: {  	_ =	shalt  }
0x70: {  	_ =	shalt  }
0x71: {  	_ =	shalt  }
0x72: {  	_ =	shalt  }
0x73: {  	_ =	shalt  }
0x74: {  	_ =	shalt  }
0x75: {  	_ =	shalt  }
0x76: {  	_ =	shalt  }
0x77: {  	_ =	shalt  }
0x78: {  	_ =	shalt  }
0x79: {  	_ =	shalt  }
0x7a: {  	_ =	shalt  }
0x7b: {  	_ =	shalt  }
0x7c: {  	_ =	shalt  }
0x7d: {  	_ =	shalt  }
0x7e: {  	_ =	shalt  }
0x7f: {  	_ =	shalt  }
0x80: {  	_ =	shalt  }
0x81: {  	_ =	shalt  }
0x82: {  	_ =	shalt  }
0x83: {  	_ =	shalt  }
0x84: {  	_ =	shalt  }
0x85: {  	_ =	shalt  }
0x86: {  	_ =	shalt  }
0x87: {  	_ =	shalt  }
.Lfunc_end0:
.L_simem_size_0:
called_computation.4_lowered:
.L_overlay_start_0:
0x88: {  	s2 =	sld [smem:$0x3FD9]  }
0x89: {  	s3 =	sld [smem:$0x3FFE];
	_ =	sdelay $0x1  }
0x8a: {  	s1 =	srdreg.scid  }
0x8b: {  	s0 =	sand.u32 $0x1, s1  }
0x8c: {  	s16 =	sshll.u32 s0, $0xA;
	s2 =	sadd.s32 s3, s2  }
0x8d: {  	s2 =	sadd.s32 s2, s16  }
0x8e: {  	[smem:$0x3FBE] =	sst s2  }
0x8f: {  	_ = 	snop  }
0x90: {  	(tm) =	ssettm $0x1  }
0x91: {  	s17 =	sld [smem:$0x3FFB];
	_ =	sdelay $0x3  }
0x92: {  	_ =	strace s17  }
0x93: {  	s2 =	sld [smem:$0x3FFC];
	_ =	sdelay $0x3  }
0x94: {  	_ =	strace s2  }
0x95: {  	s2 =	sld [smem:$0x3FFD];
	_ =	sdelay $0x3  }
0x96: {  	_ =	strace s2  }
0x97: {  	_ =	strace $0x8FFFFFFF  }
0x98: {  	s18 =	sld [smem:$0x3FDB];
	_ =	sdelay $0x1  }
0x99: {  	s19 =	simm.s32 $_scs_section_size  }
0x9a: {  	s4 =	simm.s32 $_size__tile_overlayer_lowered;
	s5 =	simm.s32 $_tile_overlayer_lowered  }
0x9b: {  	s22 =	simm.s32 $0x1BFF;
	s21 =	sshll.u32 s5, $0x1;
	s2 =	sadd.s32 s19, s18  }
0x9c: {  	s6 =	simm.s32 $0x0;
	s20 =	sshll.u32 s4, $0x1;
	s4 =	sadd.s32 s21, s2  }
0x9d: {  	[timem:s6], [sflag:s22] =	dma.local [hbm:s4], s20  }
0x9e: {  	_ =	swait.ge [sflag:s22], s20  }
0x9f: {  	s3 =	ssub.s32 $0x0, s20;
	[sflag:s22] =	ssyncset.done $0x0  }
0xa0: {  	[sflag:s22] =	ssyncadd.s32 s3;
	_ =	sdelay $0x1  }
0xa1: {  	s23 =	simm.s32 $0x1B8B  }
0xa2: {  	_ =	swait.ge [sflag:s23], $0x1  }
0xa3: {  	[sflag:s23] =	ssyncset.done $0x0  }
0xa4: {  	s25 =	simm.s32 $0x1B8E;
	s24 =	sld [smem:$0x3FFE];
	[sflag:s23] =	ssyncadd.s32 $0xFFFFFFFF  }
0xa5: {  	s26 =	simm.s32 $execute0_lowered;
	[smem:$0x3FD2] =	sst s25  }
0xa6: {  	s4 =	sshll.u32 s26, $0x1;
	_ =	strace $0x80000052;
	[dreg:$0x1] =	wrdreg $0xFFFFFFFF  }
0xa7: {  	s28 =	simm.s32 $_size_execute0_lowered;
	s2 =	sadd.s32 s2, s4;
	[dreg:$0x0] =	wrdreg $0x0  }
0xa8: {  	s4 =	sshll.u32 s28, $0x1;
	[dreg:$0x2] =	wrdreg s2  }
0xa9: {  	[dreg:$0x3] =	wrdreg s4  }
0xaa: {  	[dreg:$0x4] =	wrdreg $0xC0  }
0xab: {  	_ =	task [dreg:s6], $0x5FFFF  }
0xac: {  	[dreg:$0x1] =	wrdreg $0xFFFFFFFF  }
0xad: {  	[dreg:$0x0] =	wrdreg $0x60  }
0xae: {  	[dreg:$0x2] =	wrdreg s24  }
0xaf: {  	[dreg:$0x3] =	wrdreg $0x85000  }
0xb0: {  	[dreg:$0x4] =	wrdreg $0x9  }
0xb1: {  	_ =	task.clear_ibuf [dreg:s6], $0x5FFFF;
	_ =	strace $0x90000052  }
0xb2: {  	s29 =	simm.s32 $0x9;
	_ =	strace $0x80000054  }
0xb3: {  	_ =	swait.ge [sflag:s29], $0x1  }
0xb4: {  	[sflag:s29] =	ssyncadd.s32 $0xFFFFFFFF  }
0xb5: {  	_ =	strace $0x90000054  }
0xb6: {  	_ =	sfence  }
0xb7: {  	s30 =	sld [smem:$0x0];
	_ =	sdelay $0x2  }
0xb8: {  	s31 =	sshll.u32 s1, $0xD;
	s1 =	sshrl.u32 s1, $0x2  }
0xb9: {  	s3 =	sand.u32 $0x4000, s31;
	s1 =	sadd.s32 s1, s30  }
0xba: {  	s0 =	sor.u32 s3, s0;
	s1 =	sshll.u32 s1, $0x11  }
0xbb: {  	s0 =	sor.u32 s1, s0  }
0xbc: {  	s0 =	sadd.s32 $0x8F2B, s0  }
0xbd: {  	[sflag:s0] =	ssyncadd.remote.s32 $0x1  }
0xbe: {  	_ =	sfence.sel $0xFFFF  }
0xbf: {  	[dreg:$0x0] =	wrdreg $0xFFFFFFFF;
	(pc) =	sbr.abs _section_cstart, $3  }
0xc0: {  	[dreg:$0x1] =	wrdreg $0xFFFFFFFF  }
0xc1: {  	_ =	task.clear_ibuf [dreg:s6], $0x2FFFF;
	_ =	strace $0x9FFFFFFF  }
0xc2: {  	(tm) =	ssettm $0x7FFFFFFF  }
0xc3: {  	_ =	shalt  }
tec
execute0_lowered:
.L_overlay_start_1:
0x0: {  	(tag) =	ssettag $0x1  }
0x1: {  	s6 =	rddreg [dreg:$0x0]  }
0x2: {  	s2 =	rddreg [dreg:$0x1]  }
0x3: {  	s1 =	stileid.u32;
	s5 =	srdreg.scid  }
0x4: {  	s3 =	simm.s32 $0x0;
	s14 =	simm.s32 $0x500;
	s15 =	simm.s32 $0x4500  }
0x5: {  	s16 =	simm.s32 $0x400;
	s17 =	simm.s32 $0x1;
	s18 =	simm.s32 $0x100  }
0x6: {  	s19 =	simm.s32 $0x480;
	s20 =	simm.s32 $0x2;
	s21 =	simm.s32 $0x180  }
0x7: {  	s22 =	simm.s32 $0x200;
	s23 =	simm.s32 $0x280;
	s24 =	simm.s32 $0x300  }
0x8: {  	s25 =	simm.s32 $0x380;
	s26 =	simm.s32 $0x0;
	s4 =	smul.u32 $0xA00, s1  }
0x9: {  	s7 =	sand.u32 $0x1, s5;
	s29 =	smul.u32 $0x2800, s1;
	[smem:$0x7FF] =	sst s3  }
0xa: {  	s11 =	smul.u32 $0x50000, s1;
	s5 =	sadd.s32 $0xEA00, s6;
	s12 =	sshll.u32 s1, $0x6  }
0xb: {  	s8 =	smul.u32 $0x28000, s7;
	_ =	strace $0x80000053;
	s10 =	ssub.s32 $0x2, s7  }
0xc: {  	s13 =	smul.u32 $0xA000, s7;
	s9 =	sadd.s32 s4, s6;
	s4 =	sadd.s32 $0x11200, s6  }
0xd: {  	s30 =	sshrl.u32 s10, $0x1;
	s11 =	sshrl.u32 s11, $0x2;
	s8 =	sadd.s32 s29, s8  }
0xe: {  	s10 =	ssub.s32 s10, s30;
	s11 =	sadd.s32 s11, s2;
	s31 =	sadd.s32 s13, s9  }
0xf: {  	s9 =	sadd.s32 $0x4A00, s9;
	s13 =	simm.s32 $0x80;
	s8 =	sadd.s32 s8, s6  }
0x10: {  	s6 =	sor.u32 $0x1C03, s12;
	s11 =	sshrl.u32 s11, $0x3;
	s12 =	simm.s32 $0x3  }
0x11: {  	s7 =	sadd.s32 $0x11B600, s8;
	s8 =	smax.u32 s10, $0x1;
	s10 =	sadd.s32 $0x6B200, s31  }
.LBB2_1:
0x12: {  	[spmem:s11], [sflag:s6] =	dma.local [hbm:s5], $0x2800  }
0x13: {  	_ =	swait.ge [sflag:s12], $0x2800  }
0x14: {  	[sflag:s12] =	ssyncset.done $0x0  }
0x15: {  	[sflag:s12] =	ssyncadd.s32 $0xFFFFD800  }
0x16: {  	s28 =	sadd.s32 $0x0, s10;
	[bflag:$0x0] =	sbarrier.arrive $0xFFFF  }
0x17: {  	[tilespmem:s3], [sflag:$0x3] =	stream.linear.gather [hbm4b:s28+s3], $0x400, $0x38;
	[tilespmem:$0x1C500] =	vst v63  }
0x18: {  	_ =	swait.ge [sflag:s12], $0x400  }
0x19: {  	[sflag:s12] =	ssyncset.done $0x0  }
0x1a: {  	[sflag:s12] =	ssyncadd.s32 $0xFFFFFC00  }
0x1b: {  	[tilespmem:s14], [sflag:$0x1] =	stream.indirect.gather [hbm4b:s4+s13], $0x80, s3, s13, $0xb8;
	[tilespmem:$0x1C500] =	vst v63  }
0x1c: {  	_ = 	snop  }
0x1d: {  	[tilespmem:s15], [sflag:$0x2] =	stream.indirect.gather [hbm4b:s4+s13], $0x80, s13, s13, $0xb8;
	[tilespmem:$0x1C500] =	vst v63  }
0x1e: {  	s28 =	sadd.s32 $0x0, s9  }
0x1f: {  	[tilespmem:s16], [sflag:$0x3] =	stream.linear.gather [hbm4b:s28+s3], $0x80, $0x38;
	[tilespmem:$0x1C500] =	vst v63  }
0x20: {  	_ =	swait.ge [sflag:s12], $0x80  }
0x21: {  	[sflag:s12] =	ssyncset.done $0x0  }
0x22: {  	[sflag:s12] =	ssyncadd.s32 $0xFFFFFF80  }
0x23: {  	_ =	swait.ge [sflag:s17], $0x4000  }
0x24: {  	[sflag:s17] =	ssyncset.done $0x0  }
0x25: {  	[sflag:s17] =	ssyncadd.s32 $0xFFFFC000  }
0x26: {  	[spmem:s2] =	stream.indirect.scatter.add.f32 [tilespmem:s14], [sflag:$0x3], $0x80, s16, s13, $0xb8;
	[tilespmem:$0x1C500] =	vst v63  }
0x27: {  	_ =	swait.ge [sflag:s12], $0x4000  }
0x28: {  	[sflag:s12] =	ssyncset.done $0x0  }
0x29: {  	[sflag:s12] =	ssyncadd.s32 $0xFFFFC000  }
0x2a: {  	[tilespmem:s14], [sflag:$0x1] =	stream.indirect.gather [hbm4b:s4+s13], $0x80, s18, s13, $0xb8;
	[tilespmem:$0x1C500] =	vst v63  }
0x2b: {  	s29 =	sadd.s32 $0x10, s28  }
0x2c: {  	[tilespmem:s19], [sflag:$0x3] =	stream.linear.gather [hbm4b:s29+s3], $0x80, $0x38;
	[tilespmem:$0x1C500] =	vst v63  }
0x2d: {  	_ =	swait.ge [sflag:s12], $0x80  }
0x2e: {  	[sflag:s12] =	ssyncset.done $0x0  }
0x2f: {  	[sflag:s12] =	ssyncadd.s32 $0xFFFFFF80  }
0x30: {  	_ =	swait.ge [sflag:s20], $0x4000  }
0x31: {  	[sflag:s20] =	ssyncset.done $0x0  }
0x32: {  	[sflag:s20] =	ssyncadd.s32 $0xFFFFC000  }
0x33: {  	[spmem:s2] =	stream.indirect.scatter.add.f32 [tilespmem:s15], [sflag:$0x3], $0x80, s19, s13, $0xb8;
	[tilespmem:$0x1C500] =	vst v63  }
0x34: {  	_ =	swait.ge [sflag:s12], $0x4000  }
0x35: {  	[sflag:s12] =	ssyncset.done $0x0  }
0x36: {  	[sflag:s12] =	ssyncadd.s32 $0xFFFFC000  }
0x37: {  	[tilespmem:s15], [sflag:$0x2] =	stream.indirect.gather [hbm4b:s4+s13], $0x80, s21, s13, $0xb8;
	[tilespmem:$0x1C500] =	vst v63  }
0x38: {  	s31 =	sadd.s32 $0x20, s28  }
0x39: {  	[tilespmem:s16], [sflag:$0x3] =	stream.linear.gather [hbm4b:s31+s3], $0x80, $0x38;
	[tilespmem:$0x1C500] =	vst v63  }
0x3a: {  	_ =	swait.ge [sflag:s12], $0x80  }
0x3b: {  	[sflag:s12] =	ssyncset.done $0x0  }
0x3c: {  	[sflag:s12] =	ssyncadd.s32 $0xFFFFFF80  }
0x3d: {  	_ =	swait.ge [sflag:s17], $0x4000  }
0x3e: {  	[sflag:s17] =	ssyncset.done $0x0  }
0x3f: {  	[sflag:s17] =	ssyncadd.s32 $0xFFFFC000  }
0x40: {  	[spmem:s2] =	stream.indirect.scatter.add.f32 [tilespmem:s14], [sflag:$0x3], $0x80, s16, s13, $0xb8;
	[tilespmem:$0x1C500] =	vst v63  }
0x41: {  	_ =	swait.ge [sflag:s12], $0x4000  }
0x42: {  	[sflag:s12] =	ssyncset.done $0x0  }
0x43: {  	[sflag:s12] =	ssyncadd.s32 $0xFFFFC000  }
0x44: {  	[tilespmem:s14], [sflag:$0x1] =	stream.indirect.gather [hbm4b:s4+s13], $0x80, s22, s13, $0xb8;
	[tilespmem:$0x1C500] =	vst v63  }
0x45: {  	s0 =	sadd.s32 $0x30, s28  }
0x46: {  	[tilespmem:s19], [sflag:$0x3] =	stream.linear.gather [hbm4b:s0+s3], $0x80, $0x38;
	[tilespmem:$0x1C500] =	vst v63  }
0x47: {  	_ =	swait.ge [sflag:s12], $0x80  }
0x48: {  	[sflag:s12] =	ssyncset.done $0x0  }
0x49: {  	[sflag:s12] =	ssyncadd.s32 $0xFFFFFF80  }
0x4a: {  	_ =	swait.ge [sflag:s20], $0x4000  }
0x4b: {  	[sflag:s20] =	ssyncset.done $0x0  }
0x4c: {  	[sflag:s20] =	ssyncadd.s32 $0xFFFFC000  }
0x4d: {  	[spmem:s2] =	stream.indirect.scatter.add.f32 [tilespmem:s15], [sflag:$0x3], $0x80, s19, s13, $0xb8;
	[tilespmem:$0x1C500] =	vst v63  }
0x4e: {  	_ =	swait.ge [sflag:s12], $0x4000  }
0x4f: {  	[sflag:s12] =	ssyncset.done $0x0  }
0x50: {  	[sflag:s12] =	ssyncadd.s32 $0xFFFFC000  }
0x51: {  	[tilespmem:s15], [sflag:$0x2] =	stream.indirect.gather [hbm4b:s4+s13], $0x80, s23, s13, $0xb8;
	[tilespmem:$0x1C500] =	vst v63  }
0x52: {  	s31 =	sadd.s32 $0x40, s28  }
0x53: {  	[tilespmem:s16], [sflag:$0x3] =	stream.linear.gather [hbm4b:s31+s3], $0x80, $0x38;
	[tilespmem:$0x1C500] =	vst v63  }
0x54: {  	_ =	swait.ge [sflag:s12], $0x80  }
0x55: {  	[sflag:s12] =	ssyncset.done $0x0  }
0x56: {  	[sflag:s12] =	ssyncadd.s32 $0xFFFFFF80  }
0x57: {  	_ =	swait.ge [sflag:s17], $0x4000  }
0x58: {  	[sflag:s17] =	ssyncset.done $0x0  }
0x59: {  	[sflag:s17] =	ssyncadd.s32 $0xFFFFC000  }
0x5a: {  	[spmem:s2] =	stream.indirect.scatter.add.f32 [tilespmem:s14], [sflag:$0x3], $0x80, s16, s13, $0xb8;
	[tilespmem:$0x1C500] =	vst v63  }
0x5b: {  	_ =	swait.ge [sflag:s12], $0x4000  }
0x5c: {  	[sflag:s12] =	ssyncset.done $0x0  }
0x5d: {  	[sflag:s12] =	ssyncadd.s32 $0xFFFFC000  }
0x5e: {  	[tilespmem:s14], [sflag:$0x1] =	stream.indirect.gather [hbm4b:s4+s13], $0x80, s24, s13, $0xb8;
	[tilespmem:$0x1C500] =	vst v63  }
0x5f: {  	s0 =	sadd.s32 $0x50, s28  }
0x60: {  	[tilespmem:s19], [sflag:$0x3] =	stream.linear.gather [hbm4b:s0+s3], $0x80, $0x38;
	[tilespmem:$0x1C500] =	vst v63  }
0x61: {  	_ =	swait.ge [sflag:s12], $0x80  }
0x62: {  	[sflag:s12] =	ssyncset.done $0x0  }
0x63: {  	[sflag:s12] =	ssyncadd.s32 $0xFFFFFF80  }
0x64: {  	_ =	swait.ge [sflag:s20], $0x4000  }
0x65: {  	[sflag:s20] =	ssyncset.done $0x0  }
0x66: {  	[sflag:s20] =	ssyncadd.s32 $0xFFFFC000  }
0x67: {  	[spmem:s2] =	stream.indirect.scatter.add.f32 [tilespmem:s15], [sflag:$0x3], $0x80, s19, s13, $0xb8;
	[tilespmem:$0x1C500] =	vst v63  }
0x68: {  	_ =	swait.ge [sflag:s12], $0x4000  }
0x69: {  	[sflag:s12] =	ssyncset.done $0x0  }
0x6a: {  	[sflag:s12] =	ssyncadd.s32 $0xFFFFC000  }
0x6b: {  	[tilespmem:s15], [sflag:$0x2] =	stream.indirect.gather [hbm4b:s4+s13], $0x80, s25, s13, $0xb8;
	[tilespmem:$0x1C500] =	vst v63  }
0x6c: {  	s31 =	sadd.s32 $0x60, s28  }
0x6d: {  	[tilespmem:s16], [sflag:$0x3] =	stream.linear.gather [hbm4b:s31+s3], $0x80, $0x38;
	[tilespmem:$0x1C500] =	vst v63  }
0x6e: {  	_ =	swait.ge [sflag:s12], $0x80  }
0x6f: {  	[sflag:s12] =	ssyncset.done $0x0  }
0x70: {  	[sflag:s12] =	ssyncadd.s32 $0xFFFFFF80  }
0x71: {  	_ =	swait.ge [sflag:s17], $0x4000  }
0x72: {  	[sflag:s17] =	ssyncset.done $0x0  }
0x73: {  	[sflag:s17] =	ssyncadd.s32 $0xFFFFC000  }
0x74: {  	[spmem:s2] =	stream.indirect.scatter.add.f32 [tilespmem:s14], [sflag:$0x3], $0x80, s16, s13, $0xb8;
	[tilespmem:$0x1C500] =	vst v63  }
0x75: {  	_ =	swait.ge [sflag:s12], $0x4000  }
0x76: {  	[sflag:s12] =	ssyncset.done $0x0  }
0x77: {  	s28 =	sadd.s32 $0x70, s28;
	[sflag:s12] =	ssyncadd.s32 $0xFFFFC000  }
0x78: {  	[tilespmem:s19], [sflag:$0x3] =	stream.linear.gather [hbm4b:s28+s3], $0x80, $0x38;
	[tilespmem:$0x1C500] =	vst v63  }
0x79: {  	_ =	swait.ge [sflag:s12], $0x80  }
0x7a: {  	[sflag:s12] =	ssyncset.done $0x0  }
0x7b: {  	[sflag:s12] =	ssyncadd.s32 $0xFFFFFF80  }
0x7c: {  	_ =	swait.ge [sflag:s20], $0x4000  }
0x7d: {  	[sflag:s20] =	ssyncset.done $0x0  }
0x7e: {  	[sflag:s20] =	ssyncadd.s32 $0xFFFFC000  }
0x7f: {  	[spmem:s2] =	stream.indirect.scatter.add.f32 [tilespmem:s15], [sflag:$0x3], $0x80, s19, s13, $0xb8;
	[tilespmem:$0x1C500] =	vst v63  }
0x80: {  	_ =	swait.ge [sflag:s12], $0x4000  }
0x81: {  	s30 =	simm.s32 $0x100;
	s28 =	simm.s32 $0x80;
	[sflag:s12] =	ssyncset.done $0x0  }
.LBB2_2:
0x82: {  	s31 =	sadd.s32 s28, s10  }
0x83: {  	[sflag:s12] =	ssyncadd.s32 $0xFFFFC000;
	s0 =	smov.u32 s30;
	s29 =	sadd.s32 $0x80, s30  }
0x84: {  	[tilespmem:s3], [sflag:$0x3] =	stream.linear.gather [hbm4b:s31+s3], $0x400, $0x38;
	[tilespmem:$0x1C500] =	vst v63  }
0x85: {  	p0 =	sne.s32 s30, $0x980;
	_ =	swait.ge [sflag:s12], $0x400  }
0x86: {  	[sflag:s12] =	ssyncset.done $0x0  }
0x87: {  	[sflag:s12] =	ssyncadd.s32 $0xFFFFFC00  }
0x88: {  	[tilespmem:s14], [sflag:$0x1] =	stream.indirect.gather [hbm4b:s4+s13], $0x80, s3, s13, $0xb8;
	[tilespmem:$0x1C500] =	vst v63  }
0x89: {  	_ = 	snop  }
0x8a: {  	[tilespmem:s15], [sflag:$0x2] =	stream.indirect.gather [hbm4b:s4+s13], $0x80, s13, s13, $0xb8;
	[tilespmem:$0x1C500] =	vst v63  }
0x8b: {  	s30 =	sadd.s32 s28, s9;
	s28 =	smov.u32 s0  }
0x8c: {  	[tilespmem:s16], [sflag:$0x3] =	stream.linear.gather [hbm4b:s30+s3], $0x80, $0x38;
	[tilespmem:$0x1C500] =	vst v63  }
0x8d: {  	_ =	swait.ge [sflag:s12], $0x80  }
0x8e: {  	[sflag:s12] =	ssyncset.done $0x0  }
0x8f: {  	[sflag:s12] =	ssyncadd.s32 $0xFFFFFF80  }
0x90: {  	_ =	swait.ge [sflag:s17], $0x4000  }
0x91: {  	[sflag:s17] =	ssyncset.done $0x0  }
0x92: {  	[sflag:s17] =	ssyncadd.s32 $0xFFFFC000  }
0x93: {  	[spmem:s2] =	stream.indirect.scatter.add.f32 [tilespmem:s14], [sflag:$0x3], $0x80, s16, s13, $0xb8;
	[tilespmem:$0x1C500] =	vst v63  }
0x94: {  	_ =	swait.ge [sflag:s12], $0x4000  }
0x95: {  	[sflag:s12] =	ssyncset.done $0x0  }
0x96: {  	[sflag:s12] =	ssyncadd.s32 $0xFFFFC000  }
0x97: {  	[tilespmem:s14], [sflag:$0x1] =	stream.indirect.gather [hbm4b:s4+s13], $0x80, s18, s13, $0xb8;
	[tilespmem:$0x1C500] =	vst v63  }
0x98: {  	s0 =	sadd.s32 $0x10, s30  }
0x99: {  	[tilespmem:s19], [sflag:$0x3] =	stream.linear.gather [hbm4b:s0+s3], $0x80, $0x38;
	[tilespmem:$0x1C500] =	vst v63  }
0x9a: {  	_ =	swait.ge [sflag:s12], $0x80  }
0x9b: {  	[sflag:s12] =	ssyncset.done $0x0  }
0x9c: {  	[sflag:s12] =	ssyncadd.s32 $0xFFFFFF80  }
0x9d: {  	_ =	swait.ge [sflag:s20], $0x4000  }
0x9e: {  	[sflag:s20] =	ssyncset.done $0x0  }
0x9f: {  	[sflag:s20] =	ssyncadd.s32 $0xFFFFC000  }
0xa0: {  	[spmem:s2] =	stream.indirect.scatter.add.f32 [tilespmem:s15], [sflag:$0x3], $0x80, s19, s13, $0xb8;
	[tilespmem:$0x1C500] =	vst v63  }
0xa1: {  	_ =	swait.ge [sflag:s12], $0x4000  }
0xa2: {  	[sflag:s12] =	ssyncset.done $0x0  }
0xa3: {  	[sflag:s12] =	ssyncadd.s32 $0xFFFFC000  }
0xa4: {  	[tilespmem:s15], [sflag:$0x2] =	stream.indirect.gather [hbm4b:s4+s13], $0x80, s21, s13, $0xb8;
	[tilespmem:$0x1C500] =	vst v63  }
0xa5: {  	s0 =	sadd.s32 $0x20, s30  }
0xa6: {  	[tilespmem:s16], [sflag:$0x3] =	stream.linear.gather [hbm4b:s0+s3], $0x80, $0x38;
	[tilespmem:$0x1C500] =	vst v63  }
0xa7: {  	_ =	swait.ge [sflag:s12], $0x80  }
0xa8: {  	[sflag:s12] =	ssyncset.done $0x0  }
0xa9: {  	[sflag:s12] =	ssyncadd.s32 $0xFFFFFF80  }
0xaa: {  	_ =	swait.ge [sflag:s17], $0x4000  }
0xab: {  	[sflag:s17] =	ssyncset.done $0x0  }
0xac: {  	[sflag:s17] =	ssyncadd.s32 $0xFFFFC000  }
0xad: {  	[spmem:s2] =	stream.indirect.scatter.add.f32 [tilespmem:s14], [sflag:$0x3], $0x80, s16, s13, $0xb8;
	[tilespmem:$0x1C500] =	vst v63  }
0xae: {  	_ =	swait.ge [sflag:s12], $0x4000  }
0xaf: {  	[sflag:s12] =	ssyncset.done $0x0  }
0xb0: {  	[sflag:s12] =	ssyncadd.s32 $0xFFFFC000  }
0xb1: {  	[tilespmem:s14], [sflag:$0x1] =	stream.indirect.gather [hbm4b:s4+s13], $0x80, s22, s13, $0xb8;
	[tilespmem:$0x1C500] =	vst v63  }
0xb2: {  	s0 =	sadd.s32 $0x30, s30  }
0xb3: {  	[tilespmem:s19], [sflag:$0x3] =	stream.linear.gather [hbm4b:s0+s3], $0x80, $0x38;
	[tilespmem:$0x1C500] =	vst v63  }
0xb4: {  	_ =	swait.ge [sflag:s12], $0x80  }
0xb5: {  	[sflag:s12] =	ssyncset.done $0x0  }
0xb6: {  	[sflag:s12] =	ssyncadd.s32 $0xFFFFFF80  }
0xb7: {  	_ =	swait.ge [sflag:s20], $0x4000  }
0xb8: {  	[sflag:s20] =	ssyncset.done $0x0  }
0xb9: {  	[sflag:s20] =	ssyncadd.s32 $0xFFFFC000  }
0xba: {  	[spmem:s2] =	stream.indirect.scatter.add.f32 [tilespmem:s15], [sflag:$0x3], $0x80, s19, s13, $0xb8;
	[tilespmem:$0x1C500] =	vst v63  }
0xbb: {  	_ =	swait.ge [sflag:s12], $0x4000  }
0xbc: {  	[sflag:s12] =	ssyncset.done $0x0  }
0xbd: {  	[sflag:s12] =	ssyncadd.s32 $0xFFFFC000  }
0xbe: {  	[tilespmem:s15], [sflag:$0x2] =	stream.indirect.gather [hbm4b:s4+s13], $0x80, s23, s13, $0xb8;
	[tilespmem:$0x1C500] =	vst v63  }
0xbf: {  	s0 =	sadd.s32 $0x40, s30  }
0xc0: {  	[tilespmem:s16], [sflag:$0x3] =	stream.linear.gather [hbm4b:s0+s3], $0x80, $0x38;
	[tilespmem:$0x1C500] =	vst v63  }
0xc1: {  	_ =	swait.ge [sflag:s12], $0x80  }
0xc2: {  	[sflag:s12] =	ssyncset.done $0x0  }
0xc3: {  	[sflag:s12] =	ssyncadd.s32 $0xFFFFFF80  }
0xc4: {  	_ =	swait.ge [sflag:s17], $0x4000  }
0xc5: {  	[sflag:s17] =	ssyncset.done $0x0  }
0xc6: {  	[sflag:s17] =	ssyncadd.s32 $0xFFFFC000  }
0xc7: {  	[spmem:s2] =	stream.indirect.scatter.add.f32 [tilespmem:s14], [sflag:$0x3], $0x80, s16, s13, $0xb8;
	[tilespmem:$0x1C500] =	vst v63  }
0xc8: {  	_ =	swait.ge [sflag:s12], $0x4000  }
0xc9: {  	[sflag:s12] =	ssyncset.done $0x0  }
0xca: {  	[sflag:s12] =	ssyncadd.s32 $0xFFFFC000  }
0xcb: {  	[tilespmem:s14], [sflag:$0x1] =	stream.indirect.gather [hbm4b:s4+s13], $0x80, s24, s13, $0xb8;
	[tilespmem:$0x1C500] =	vst v63  }
0xcc: {  	s0 =	sadd.s32 $0x50, s30  }
0xcd: {  	[tilespmem:s19], [sflag:$0x3] =	stream.linear.gather [hbm4b:s0+s3], $0x80, $0x38;
	[tilespmem:$0x1C500] =	vst v63  }
0xce: {  	_ =	swait.ge [sflag:s12], $0x80  }
0xcf: {  	[sflag:s12] =	ssyncset.done $0x0  }
0xd0: {  	[sflag:s12] =	ssyncadd.s32 $0xFFFFFF80  }
0xd1: {  	_ =	swait.ge [sflag:s20], $0x4000  }
0xd2: {  	[sflag:s20] =	ssyncset.done $0x0  }
0xd3: {  	[sflag:s20] =	ssyncadd.s32 $0xFFFFC000  }
0xd4: {  	[spmem:s2] =	stream.indirect.scatter.add.f32 [tilespmem:s15], [sflag:$0x3], $0x80, s19, s13, $0xb8;
	[tilespmem:$0x1C500] =	vst v63  }
0xd5: {  	_ =	swait.ge [sflag:s12], $0x4000  }
0xd6: {  	[sflag:s12] =	ssyncset.done $0x0  }
0xd7: {  	[sflag:s12] =	ssyncadd.s32 $0xFFFFC000  }
0xd8: {  	[tilespmem:s15], [sflag:$0x2] =	stream.indirect.gather [hbm4b:s4+s13], $0x80, s25, s13, $0xb8;
	[tilespmem:$0x1C500] =	vst v63  }
0xd9: {  	s0 =	sadd.s32 $0x60, s30  }
0xda: {  	[tilespmem:s16], [sflag:$0x3] =	stream.linear.gather [hbm4b:s0+s3], $0x80, $0x38;
	[tilespmem:$0x1C500] =	vst v63  }
0xdb: {  	_ =	swait.ge [sflag:s12], $0x80  }
0xdc: {  	[sflag:s12] =	ssyncset.done $0x0  }
0xdd: {  	[sflag:s12] =	ssyncadd.s32 $0xFFFFFF80  }
0xde: {  	_ =	swait.ge [sflag:s17], $0x4000  }
0xdf: {  	[sflag:s17] =	ssyncset.done $0x0  }
0xe0: {  	[sflag:s17] =	ssyncadd.s32 $0xFFFFC000  }
0xe1: {  	[spmem:s2] =	stream.indirect.scatter.add.f32 [tilespmem:s14], [sflag:$0x3], $0x80, s16, s13, $0xb8;
	[tilespmem:$0x1C500] =	vst v63  }
0xe2: {  	_ =	swait.ge [sflag:s12], $0x4000  }
0xe3: {  	[sflag:s12] =	ssyncset.done $0x0  }
0xe4: {  	s0 =	sadd.s32 $0x70, s30;
	[sflag:s12] =	ssyncadd.s32 $0xFFFFC000  }
0xe5: {  	[tilespmem:s19], [sflag:$0x3] =	stream.linear.gather [hbm4b:s0+s3], $0x80, $0x38;
	[tilespmem:$0x1C500] =	vst v63  }
0xe6: {  	_ =	swait.ge [sflag:s12], $0x80  }
0xe7: {  	[sflag:s12] =	ssyncset.done $0x0  }
0xe8: {  	[sflag:s12] =	ssyncadd.s32 $0xFFFFFF80  }
0xe9: {  	_ =	swait.ge [sflag:s20], $0x4000  }
.Ltmp0:
0xea: {  	[sflag:s20] =	ssyncset.done $0x0;
	(pc) =	sbr.rel @p0 .LBB2_2-.Ltmp0, $4  }
0xeb: {  	[sflag:s20] =	ssyncadd.s32 $0xFFFFC000  }
0xec: {  	[spmem:s2] =	stream.indirect.scatter.add.f32 [tilespmem:s15], [sflag:$0x3], $0x80, s19, s13, $0xb8;
	[tilespmem:$0x1C500] =	vst v63  }
0xed: {  	_ =	swait.ge [sflag:s12], $0x4000  }
0xee: {  	s30 =	smov.u32 s29;
	[sflag:s12] =	ssyncset.done $0x0  }
0xef: {  	s0 =	sadd.s32 s28, s10;
	[sflag:s12] =	ssyncadd.s32 $0xFFFFC000  }
0xf0: {  	[tilespmem:s3], [sflag:$0x3] =	stream.linear.gather [hbm4b:s0+s3], $0x400, $0x38;
	[tilespmem:$0x1C500] =	vst v63  }
0xf1: {  	_ =	swait.ge [sflag:s12], $0x400  }
0xf2: {  	[sflag:s12] =	ssyncset.done $0x0  }
0xf3: {  	[sflag:s12] =	ssyncadd.s32 $0xFFFFFC00  }
0xf4: {  	[tilespmem:s14], [sflag:$0x1] =	stream.indirect.gather [hbm4b:s4+s13], $0x80, s3, s13, $0xb8;
	[tilespmem:$0x1C500] =	vst v63  }
0xf5: {  	_ = 	snop  }
0xf6: {  	[tilespmem:s15], [sflag:$0x2] =	stream.indirect.gather [hbm4b:s4+s13], $0x80, s13, s13, $0xb8;
	[tilespmem:$0x1C500] =	vst v63  }
0xf7: {  	s28 =	sadd.s32 s28, s9  }
0xf8: {  	[tilespmem:s16], [sflag:$0x3] =	stream.linear.gather [hbm4b:s28+s3], $0x80, $0x38;
	[tilespmem:$0x1C500] =	vst v63  }
0xf9: {  	_ =	swait.ge [sflag:s12], $0x80  }
0xfa: {  	[sflag:s12] =	ssyncset.done $0x0  }
0xfb: {  	[sflag:s12] =	ssyncadd.s32 $0xFFFFFF80  }
0xfc: {  	_ =	swait.ge [sflag:s17], $0x4000  }
0xfd: {  	[sflag:s17] =	ssyncset.done $0x0  }
0xfe: {  	[sflag:s17] =	ssyncadd.s32 $0xFFFFC000  }
0xff: {  	[spmem:s2] =	stream.indirect.scatter.add.f32 [tilespmem:s14], [sflag:$0x3], $0x80, s16, s13, $0xb8;
	[tilespmem:$0x1C500] =	vst v63  }
0x100: {  	_ =	swait.ge [sflag:s12], $0x4000  }
0x101: {  	[sflag:s12] =	ssyncset.done $0x0  }
0x102: {  	[sflag:s12] =	ssyncadd.s32 $0xFFFFC000  }
0x103: {  	[tilespmem:s14], [sflag:$0x1] =	stream.indirect.gather [hbm4b:s4+s13], $0x80, s18, s13, $0xb8;
	[tilespmem:$0x1C500] =	vst v63  }
0x104: {  	s31 =	sadd.s32 $0x10, s28  }
0x105: {  	[tilespmem:s19], [sflag:$0x3] =	stream.linear.gather [hbm4b:s31+s3], $0x80, $0x38;
	[tilespmem:$0x1C500] =	vst v63  }
0x106: {  	_ =	swait.ge [sflag:s12], $0x80  }
0x107: {  	[sflag:s12] =	ssyncset.done $0x0  }
0x108: {  	[sflag:s12] =	ssyncadd.s32 $0xFFFFFF80  }
0x109: {  	_ =	swait.ge [sflag:s20], $0x4000  }
0x10a: {  	[sflag:s20] =	ssyncset.done $0x0  }
0x10b: {  	[sflag:s20] =	ssyncadd.s32 $0xFFFFC000  }
0x10c: {  	[spmem:s2] =	stream.indirect.scatter.add.f32 [tilespmem:s15], [sflag:$0x3], $0x80, s19, s13, $0xb8;
	[tilespmem:$0x1C500] =	vst v63  }
0x10d: {  	_ =	swait.ge [sflag:s12], $0x4000  }
0x10e: {  	[sflag:s12] =	ssyncset.done $0x0  }
0x10f: {  	[sflag:s12] =	ssyncadd.s32 $0xFFFFC000  }
0x110: {  	[tilespmem:s15], [sflag:$0x2] =	stream.indirect.gather [hbm4b:s4+s13], $0x80, s21, s13, $0xb8;
	[tilespmem:$0x1C500] =	vst v63  }
0x111: {  	s29 =	sadd.s32 $0x20, s28  }
0x112: {  	[tilespmem:s16], [sflag:$0x3] =	stream.linear.gather [hbm4b:s29+s3], $0x80, $0x38;
	[tilespmem:$0x1C500] =	vst v63  }
0x113: {  	_ =	swait.ge [sflag:s12], $0x80  }
0x114: {  	[sflag:s12] =	ssyncset.done $0x0  }
0x115: {  	[sflag:s12] =	ssyncadd.s32 $0xFFFFFF80  }
0x116: {  	_ =	swait.ge [sflag:s17], $0x4000  }
0x117: {  	[sflag:s17] =	ssyncset.done $0x0  }
0x118: {  	[sflag:s17] =	ssyncadd.s32 $0xFFFFC000  }
0x119: {  	[spmem:s2] =	stream.indirect.scatter.add.f32 [tilespmem:s14], [sflag:$0x3], $0x80, s16, s13, $0xb8;
	[tilespmem:$0x1C500] =	vst v63  }
0x11a: {  	_ =	swait.ge [sflag:s12], $0x4000  }
0x11b: {  	[sflag:s12] =	ssyncset.done $0x0  }
0x11c: {  	[sflag:s12] =	ssyncadd.s32 $0xFFFFC000  }
0x11d: {  	[tilespmem:s14], [sflag:$0x1] =	stream.indirect.gather [hbm4b:s4+s13], $0x80, s22, s13, $0xb8;
	[tilespmem:$0x1C500] =	vst v63  }
0x11e: {  	s30 =	sadd.s32 $0x30, s28  }
0x11f: {  	[tilespmem:s19], [sflag:$0x3] =	stream.linear.gather [hbm4b:s30+s3], $0x80, $0x38;
	[tilespmem:$0x1C500] =	vst v63  }
0x120: {  	_ =	swait.ge [sflag:s12], $0x80  }
0x121: {  	[sflag:s12] =	ssyncset.done $0x0  }
0x122: {  	[sflag:s12] =	ssyncadd.s32 $0xFFFFFF80  }
0x123: {  	_ =	swait.ge [sflag:s20], $0x4000  }
0x124: {  	[sflag:s20] =	ssyncset.done $0x0  }
0x125: {  	[sflag:s20] =	ssyncadd.s32 $0xFFFFC000  }
0x126: {  	[spmem:s2] =	stream.indirect.scatter.add.f32 [tilespmem:s15], [sflag:$0x3], $0x80, s19, s13, $0xb8;
	[tilespmem:$0x1C500] =	vst v63  }
0x127: {  	_ =	swait.ge [sflag:s12], $0x4000  }
0x128: {  	[sflag:s12] =	ssyncset.done $0x0  }
0x129: {  	[sflag:s12] =	ssyncadd.s32 $0xFFFFC000  }
0x12a: {  	[tilespmem:s15], [sflag:$0x2] =	stream.indirect.gather [hbm4b:s4+s13], $0x80, s23, s13, $0xb8;
	[tilespmem:$0x1C500] =	vst v63  }
0x12b: {  	s31 =	sadd.s32 $0x40, s28  }
0x12c: {  	[tilespmem:s16], [sflag:$0x3] =	stream.linear.gather [hbm4b:s31+s3], $0x80, $0x38;
	[tilespmem:$0x1C500] =	vst v63  }
0x12d: {  	_ =	swait.ge [sflag:s12], $0x80  }
0x12e: {  	[sflag:s12] =	ssyncset.done $0x0  }
0x12f: {  	[sflag:s12] =	ssyncadd.s32 $0xFFFFFF80  }
0x130: {  	_ =	swait.ge [sflag:s17], $0x4000  }
0x131: {  	[sflag:s17] =	ssyncset.done $0x0  }
0x132: {  	[sflag:s17] =	ssyncadd.s32 $0xFFFFC000  }
0x133: {  	[spmem:s2] =	stream.indirect.scatter.add.f32 [tilespmem:s14], [sflag:$0x3], $0x80, s16, s13, $0xb8;
	[tilespmem:$0x1C500] =	vst v63  }
0x134: {  	_ =	swait.ge [sflag:s12], $0x4000  }
0x135: {  	[sflag:s12] =	ssyncset.done $0x0  }
0x136: {  	[sflag:s12] =	ssyncadd.s32 $0xFFFFC000  }
0x137: {  	[tilespmem:s14], [sflag:$0x1] =	stream.indirect.gather [hbm4b:s4+s13], $0x80, s24, s13, $0xb8;
	[tilespmem:$0x1C500] =	vst v63  }
0x138: {  	s29 =	sadd.s32 $0x50, s28  }
0x139: {  	[tilespmem:s19], [sflag:$0x3] =	stream.linear.gather [hbm4b:s29+s3], $0x80, $0x38;
	[tilespmem:$0x1C500] =	vst v63  }
0x13a: {  	_ =	swait.ge [sflag:s12], $0x80  }
0x13b: {  	[sflag:s12] =	ssyncset.done $0x0  }
0x13c: {  	[sflag:s12] =	ssyncadd.s32 $0xFFFFFF80  }
0x13d: {  	_ =	swait.ge [sflag:s20], $0x4000  }
0x13e: {  	[sflag:s20] =	ssyncset.done $0x0  }
0x13f: {  	[sflag:s20] =	ssyncadd.s32 $0xFFFFC000  }
0x140: {  	[spmem:s2] =	stream.indirect.scatter.add.f32 [tilespmem:s15], [sflag:$0x3], $0x80, s19, s13, $0xb8;
	[tilespmem:$0x1C500] =	vst v63  }
0x141: {  	_ =	swait.ge [sflag:s12], $0x4000  }
0x142: {  	[sflag:s12] =	ssyncset.done $0x0  }
0x143: {  	[sflag:s12] =	ssyncadd.s32 $0xFFFFC000  }
0x144: {  	[tilespmem:s15], [sflag:$0x2] =	stream.indirect.gather [hbm4b:s4+s13], $0x80, s25, s13, $0xb8;
	[tilespmem:$0x1C500] =	vst v63  }
0x145: {  	s30 =	sadd.s32 $0x60, s28  }
0x146: {  	[tilespmem:s16], [sflag:$0x3] =	stream.linear.gather [hbm4b:s30+s3], $0x80, $0x38;
	[tilespmem:$0x1C500] =	vst v63  }
0x147: {  	_ =	swait.ge [sflag:s12], $0x80  }
0x148: {  	[sflag:s12] =	ssyncset.done $0x0  }
0x149: {  	[sflag:s12] =	ssyncadd.s32 $0xFFFFFF80  }
0x14a: {  	_ =	swait.ge [sflag:s17], $0x4000  }
0x14b: {  	[sflag:s17] =	ssyncset.done $0x0  }
0x14c: {  	[sflag:s17] =	ssyncadd.s32 $0xFFFFC000  }
0x14d: {  	[spmem:s2] =	stream.indirect.scatter.add.f32 [tilespmem:s14], [sflag:$0x3], $0x80, s16, s13, $0xb8;
	[tilespmem:$0x1C500] =	vst v63  }
0x14e: {  	_ =	swait.ge [sflag:s12], $0x4000  }
0x14f: {  	[sflag:s12] =	ssyncset.done $0x0  }
0x150: {  	s31 =	sadd.s32 $0x70, s28;
	[sflag:s12] =	ssyncadd.s32 $0xFFFFC000  }
0x151: {  	[tilespmem:s19], [sflag:$0x3] =	stream.linear.gather [hbm4b:s31+s3], $0x80, $0x38;
	[tilespmem:$0x1C500] =	vst v63  }
0x152: {  	_ =	swait.ge [sflag:s12], $0x80  }
0x153: {  	[sflag:s12] =	ssyncset.done $0x0  }
0x154: {  	[sflag:s12] =	ssyncadd.s32 $0xFFFFFF80  }
0x155: {  	_ =	swait.ge [sflag:s20], $0x4000  }
0x156: {  	[sflag:s20] =	ssyncset.done $0x0  }
0x157: {  	[sflag:s20] =	ssyncadd.s32 $0xFFFFC000  }
0x158: {  	[spmem:s2] =	stream.indirect.scatter.add.f32 [tilespmem:s15], [sflag:$0x3], $0x80, s19, s13, $0xb8;
	[tilespmem:$0x1C500] =	vst v63  }
0x159: {  	_ =	swait.ge [sflag:s12], $0x4000  }
0x15a: {  	s26 =	sadd.s32 $0x1, s26;
	[sflag:s12] =	ssyncset.done $0x0  }
0x15b: {  	p0 =	sne.s32 s26, s8;
	[sflag:s12] =	ssyncadd.s32 $0xFFFFC000  }
.Ltmp1:
0x15c: {  	[bflag:$0x0] =	sbarrier.arrive $0xFFFF;
	(pc) =	sbr.rel @p0 .LBB2_1-.Ltmp1, $4  }
0x15d: {  	[hbm:s7], [sflag:s6] =	dma.local [spmem:s11], $0x2800  }
0x15e: {  	_ =	swait.ge [sflag:s12], $0x2800  }
0x15f: {  	[sflag:s12] =	ssyncset.done $0x0  }
0x160: {  	[sflag:s12] =	ssyncadd.s32 $0xFFFFD800  }
0x161: {  	_ =	sfence.sel $0x180000  }
0x162: {  	[bflag:$0x0] =	sbarrier.arrive $0xFFFF  }
0x163: {  	_ =	strace $0x90000053  }
0x164: {  	[bflag:$0x2] =	sbarrier.arrive $0xFFFF  }
0x165: {  	p0 =	sne.s32 s1, $0x0;
	s0 =	rddreg [dreg:$0x2]  }
0x166: {  	s0 =	sadd.s32 @!p0 $0x100000, s0  }
0x167: {  	[sflag:s0] =	ssyncadd.tile.s32 @!p0 $0x1;
	_ =	shalt  }
.Lfunc_end2:
_tile_overlayer_lowered:
.L_overlay_start_2:
0x168: {  	(tag) =	ssettag $0x2  }
0x169: {  	s0 =	rddreg [dreg:$0x0];
	s2 =	stileid.u32  }
0x16a: {  	s1 =	rddreg [dreg:$0x1];
	p0 =	sne.s32 s2, $0x0  }
0x16b: {  	s3 =	rddreg [dreg:$0x2];
	[bflag:$0x3] =	sbarrier.arrive $0xFFFF;
	s2 =	simm.s32 @!p0 $0x1C03  }
0x16c: {  	[timem:s3], [sflag:s2] =	dma.local @!p0 [hbm:s0], s1  }
0x16d: {  	s0 =	simm.s32 @!p0 $0x3  }
0x16e: {  	_ =	swait.ge @!p0 [sflag:s0], s1  }
0x16f: {  	s1 =	ssub.s32 @!p0 $0x0, s1;
	[sflag:s0] =	ssyncset.done @!p0 $0x0  }
0x170: {  	[sflag:s0] =	ssyncadd.s32 @!p0 s1  }
0x171: {  	[bflag:$0x3] =	sbarrier.arrive $0xFFFF  }
0x172: {  	_ =	shalt  }

</sc_bundles>
